<compile_context>
chip_gen: v7x
topology: tpu7x:2x2x1
jax: 0.10.2.dev20260603
libtpu: 0.0.44.dev20260713+nightly
codegen_flags: <defaults>
</compile_context>

<pallas_src>
import functools

import jax
import jax.numpy as jnp
from jax import lax
from jax.experimental import pallas as pl
from jax.experimental.pallas import tpu as pltpu
from jax.experimental.pallas import tpu_sc as plsc

_OHEM_RATE = 0.9
_EPS = 0.1

_N_ROWS = 16384
_N_CLS = 1000
_N_TC = 12288
_F = _N_ROWS - _N_TC
_NW = 32
_RW = _F // _NW
_CR = 32
_TC_BLOCK = 1024

_GDN = lax.GatherDimensionNumbers(
    offset_dims=(), collapsed_slice_dims=(0,), start_index_map=(0,))


def _reg_gather(x, idx):
    return lax.gather(x, idx[:, None], _GDN, (1,),
                      mode=lax.GatherScatterMode.PROMISE_IN_BOUNDS)


def _butterfly_sum(x, lane):
    for k in (8, 4, 2, 1):
        x = x + _reg_gather(x, lane ^ k)
    return x


def _sc_rowstats_body(preds_hbm, targets_hbm, s_out, se_out, v_out,
                      buf, tbuf, s_st, se_st, v_st):
    c = lax.axis_index("c")
    sub = lax.axis_index("s")
    wid = sub * 2 + c
    base = wid * _RW
    lane = lax.iota(jnp.int32, 16)
    zf = jnp.zeros((16,), jnp.float32)
    zi = jnp.zeros((16,), jnp.int32)
    tmask = lane >= 8

    def chunk(ci, _):
        g0 = base + ci * _CR
        pltpu.sync_copy(preds_hbm.at[pl.ds(g0 * _N_CLS, _CR * _N_CLS)], buf)
        pltpu.sync_copy(targets_hbm.at[pl.ds(_N_TC + g0, _CR)], tbuf)

        def group(g, _):
            t16 = tbuf[pl.ds(g * 16, 16)]
            s_acc, se_acc, v_acc = zf, zf, zf
            for r in range(16):
                off = (g * 16 + r) * _N_CLS
                t_splat = _reg_gather(t16, lane * 0 + r)
                u16 = t_splat - lane

                def jbody(j, carry):
                    s16, se16, v16, jv = carry
                    x16 = buf[pl.ds(off + j * 16, 16)]
                    hit = u16 == jv
                    return (s16 + x16, se16 + jnp.exp(x16),
                            v16 + jnp.where(hit, x16, jnp.float32(0.0)),
                            jv + 16)

                s16, se16, v16, _unused = lax.fori_loop(
                    0, 62, jbody, (zf, zf, zf, zi))
                xt = buf[pl.ds(off + 984, 16)]
                s16 = s16 + jnp.where(tmask, xt, jnp.float32(0.0))
                se16 = se16 + jnp.where(tmask, jnp.exp(xt), jnp.float32(0.0))
                hit_t = tmask & (t_splat == (lane + 984))
                v16 = v16 + jnp.where(hit_t, xt, jnp.float32(0.0))
                here = lane == r
                s_acc = jnp.where(here, _butterfly_sum(s16, lane), s_acc)
                se_acc = jnp.where(here, _butterfly_sum(se16, lane), se_acc)
                v_acc = jnp.where(here, _butterfly_sum(v16, lane), v_acc)
            out16 = pl.ds(ci * _CR + g * 16, 16)
            s_st[out16] = s_acc
            se_st[out16] = se_acc
            v_st[out16] = v_acc
            return 0

        lax.fori_loop(0, _CR // 16, group, 0)
        return 0

    lax.fori_loop(0, _RW // _CR, chunk, 0)
    pltpu.sync_copy(s_st, s_out.at[pl.ds(base, _RW)])
    pltpu.sync_copy(se_st, se_out.at[pl.ds(base, _RW)])
    pltpu.sync_copy(v_st, v_out.at[pl.ds(base, _RW)])


def _sc_rowstats(preds_flat, targets):
    f32 = jnp.float32
    return pl.kernel(
        _sc_rowstats_body,
        out_type=[jax.ShapeDtypeStruct((_F,), f32) for _ in range(3)],
        mesh=plsc.VectorSubcoreMesh(core_axis_name="c", subcore_axis_name="s"),
        scratch_types=[
            pltpu.VMEM((_CR * _N_CLS,), f32),
            pltpu.VMEM((_CR,), jnp.int32),
            pltpu.VMEM((_RW,), f32),
            pltpu.VMEM((_RW,), f32),
            pltpu.VMEM((_RW,), f32),
        ],
    )(preds_flat, targets)


def _tc_rowstats_kernel(p1_ref, p2_ref, t1_ref, t2_ref,
                        ce1_ref, a1_ref, ce2_ref, a2_ref):
    for x, t, ce_ref, a_ref in ((p1_ref[...], t1_ref[...], ce1_ref, a1_ref),
                                (p2_ref[...], t2_ref[...], ce2_ref, a2_ref)):
        m = jnp.max(x, axis=1)
        e = jnp.exp(x - m[:, None])
        lse = m + jnp.log(jnp.sum(e, axis=1))
        s = jnp.sum(x, axis=1)
        col = jax.lax.broadcasted_iota(jnp.int32, x.shape, 1)
        v = jnp.sum(jnp.where(col == t[:, None], x, 0.0), axis=1)
        ce_ref[...] = lse - v
        a_ref[...] = lse - s * (1.0 / _N_CLS)


def _select_kernel(ce1_ref, a1_ref, ce2_ref, a2_ref, s_ref, se_ref, v_ref,
                   out_ref, *, keep_num):
    lse_sc = jnp.log(se_ref[...])
    ce = jnp.concatenate([ce1_ref[...], ce2_ref[...], lse_sc - v_ref[...]])
    a = jnp.concatenate([a1_ref[...], a2_ref[...],
                         lse_sc - s_ref[...] * (1.0 / _N_CLS)])
    key = jax.lax.bitcast_convert_type(ce, jnp.int32)

    def count_ge(t):
        return jnp.sum(jnp.where(key >= t, jnp.int32(1), jnp.int32(0)))

    def body(_, lohi):
        lo, hi = lohi
        mid = lo + (hi - lo + 1) // 2
        ge = count_ge(mid) >= keep_num
        return (jnp.where(ge, mid, lo), jnp.where(ge, hi, mid - 1))

    t_key, _unused = jax.lax.fori_loop(
        0, 31, body, (jnp.int32(0), jnp.int32(2147483646)))
    thresh = jax.lax.bitcast_convert_type(t_key, jnp.float32)

    gt = key > t_key
    eq = key == t_key
    c_gt = jnp.sum(jnp.where(gt, jnp.int32(1), jnp.int32(0)))
    c_eq = jnp.sum(jnp.where(eq, jnp.int32(1), jnp.int32(0)))
    need = (keep_num - c_gt).astype(jnp.float32)
    sum_ce = jnp.sum(jnp.where(gt, ce, 0.0)) + need * thresh
    sum_a = (jnp.sum(jnp.where(gt, a, 0.0))
             + (need / c_eq.astype(jnp.float32)) * jnp.sum(jnp.where(eq, a, 0.0)))
    inv_k = 1.0 / keep_num
    res = _EPS * (sum_a * inv_k) + (1.0 - _EPS) * (sum_ce * inv_k)
    out_ref[...] = jnp.reshape(res, (1, 1))


def kernel(preds, targets):
    n_rows, n_cls = preds.shape
    keep_num = min(n_rows, int(n_rows * _OHEM_RATE))

    half = _N_TC // 2
    hb = half // _TC_BLOCK
    ce1, a1, ce2, a2 = pl.pallas_call(
        _tc_rowstats_kernel,
        grid=(hb,),
        in_specs=[
            pl.BlockSpec((_TC_BLOCK, n_cls), lambda i: (i, 0)),
            pl.BlockSpec((_TC_BLOCK, n_cls), lambda i: (i + hb, 0)),
            pl.BlockSpec((_TC_BLOCK,), lambda i: (i,)),
            pl.BlockSpec((_TC_BLOCK,), lambda i: (i + hb,)),
        ],
        out_specs=[pl.BlockSpec((_TC_BLOCK,), lambda i: (i,))
                   for _ in range(4)],
        out_shape=[jax.ShapeDtypeStruct((half,), jnp.float32)
                   for _ in range(4)],
    )(preds, preds, targets, targets)

    s_sc, se_sc, v_sc = _sc_rowstats(
        jnp.reshape(preds[_N_TC:], (-1,)), targets)

    out = pl.pallas_call(
        functools.partial(_select_kernel, keep_num=keep_num),
        out_shape=jax.ShapeDtypeStruct((1, 1), jnp.float32),
    )(ce1, a1, ce2, a2, s_sc, se_sc, v_sc)
    return out[0, 0]

# --- scband reference (transcript-rebuilt; emitter-appended) ---
"""Pipeline reference for scband-ohemcross-entropy-43233140801548 (READ-ONLY COPY).

The authoritative reference and input builder live on the scoring server;
editing this copy changes nothing except your own understanding.
"""

import jax, jax.numpy as jnp
import numpy as np

OHEM_RATE = 0.9
EPS = 0.1


def setup_inputs(seed: int = 0) -> dict:
    key = jax.random.key(seed)
    k1, k2 = jax.random.split(key)
    preds = jax.random.normal(k1, (16384, 1000), dtype=jnp.float32)
    targets = jax.random.randint(k2, (16384,), 0, 1000, dtype=jnp.int32)
    return {"preds": preds, "targets": targets}


def reference(preds, targets):
    n = preds.shape[-1]
    # elementwise cross entropy (reduction='none', ignore_index=-1; targets are always valid here)
    logp = jax.nn.log_softmax(preds, axis=-1)
    elementwise_losses = -jnp.take_along_axis(logp, targets[:, None], axis=1)[:, 0]
    # sort descending, keep hardest ohem_rate fraction
    idx = jnp.argsort(-elementwise_losses)
    keep_num = min(elementwise_losses.shape[0], int(preds.shape[0] * OHEM_RATE))
    keep_ids = idx[:keep_num]
    p = jnp.take(preds, keep_ids, axis=0)
    t = jnp.take(targets, keep_ids, axis=0)
    # label smoothing branch (epsilon > 0)
    log_preds = jax.nn.log_softmax(p, axis=-1)
    loss = jnp.mean(-jnp.sum(log_preds, axis=-1))
    nll = jnp.mean(-jnp.take_along_axis(log_preds, t[:, None], axis=1)[:, 0])
    return EPS * (loss / n) + (1.0 - EPS) * nll

if __name__ == "__main__":
    import jax
    _d = setup_inputs()
    print(jax.jit(kernel)(*tuple(_d.values())))

</pallas_src>

<mosaic_0001>
#map = affine_map<(d0, d1) -> (0)>
module attributes {stable_mosaic.version = 14 : i64} {
  func.func @_sc_rowstats_body(%arg0: i32, %arg1: i32, %arg2: memref<4096000xf32, #tpu.memory_space<hbm>>, %arg3: memref<16384xi32, #tpu.memory_space<hbm>>, %arg4: memref<4096xf32, #tpu.memory_space<hbm>>, %arg5: memref<4096xf32, #tpu.memory_space<hbm>>, %arg6: memref<4096xf32, #tpu.memory_space<hbm>>, %arg7: memref<32000xf32, #tpu.memory_space<vmem>>, %arg8: memref<32xi32, #tpu.memory_space<vmem>>, %arg9: memref<128xf32, #tpu.memory_space<vmem>>, %arg10: memref<128xf32, #tpu.memory_space<vmem>>, %arg11: memref<128xf32, #tpu.memory_space<vmem>>) attributes {dimension_semantics = [#tpu.dimension_semantics<core_parallel>, #tpu.dimension_semantics<subcore_parallel>], iteration_bounds = array<i64: 2, 16>, scalar_prefetch = 0 : i64, scratch_operands = 5 : i64, tpu.core_type = #tpu.core_type<sc_vector_subcore>, window_params = [{transform_indices = #map}, {transform_indices = #map}, {transform_indices = #map}, {transform_indices = #map}, {transform_indices = #map}]} {
    %mul3A = arith.constant 2 : i32
    %mul3A_0 = arith.muli %arg1, %mul3A : i32
    %add3A = arith.addi %mul3A_0, %arg0 : i32
    %mul3A_1 = arith.constant 128 : i32
    %mul3A_2 = arith.muli %add3A, %mul3A_1 : i32
    %iota3A = tpu.iota {dimensions = array<i32: 0>} : vector<16xi32>
    %broadcast_in_dim3A = arith.constant 0.000000e+00 : f32
    %broadcast_in_dim3A_3 = vector.broadcast %broadcast_in_dim3A : f32 to vector<16xf32>
    %broadcast_in_dim3A_4 = arith.constant 0 : i32
    %broadcast_in_dim3A_5 = vector.broadcast %broadcast_in_dim3A_4 : i32 to vector<16xi32>
    %ge3A = arith.constant 8 : i32
    %ge3A_6 = vector.broadcast %ge3A : i32 to vector<16xi32>
    %ge3A_7 = arith.cmpi sge, %iota3A, %ge3A_6 : vector<16xi32>
    %scan3A = arith.constant 0 : i32
    %scan3A_8 = arith.constant 0 : i32
    %scan3A_9 = arith.constant 4 : i32
    %scan3A_10 = arith.addi %scan3A_8, %scan3A_9 : i32
    %scan3A_11 = arith.constant 1 : i32
    %scan3A_12 = scf.for %scan3A_14 = %scan3A_8 to %scan3A_10 step %scan3A_11 iter_args(%scan3A_15 = %scan3A) -> (i32)  : i32 {
      %mul3A_16 = arith.constant 32 : i32
      %mul3A_17 = arith.muli %scan3A_14, %mul3A_16 : i32
      %add3A_18 = arith.addi %mul3A_2, %mul3A_17 : i32
      %mul3A_19 = arith.constant 1000 : i32
      %mul3A_20 = arith.muli %add3A_18, %mul3A_19 : i32
      "tpu.region"() ({
        %run_scoped3A = tpu.sem_alloc : memref<!tpu.dma_semaphore, #tpu.memory_space<semaphore_mem>>
        %dma_start3A = tpu.memref_slice %arg2[%mul3A_20] : memref<4096000xf32, #tpu.memory_space<hbm>> -> memref<32000xf32, #tpu.memory_space<hbm>>
        %dma_start3A_31 = tpu.memref_slice %arg2[%mul3A_20] : memref<4096000xf32, #tpu.memory_space<hbm>> -> memref<32000xf32, #tpu.memory_space<hbm>>
        tpu.enqueue_dma source(%dma_start3A_31 : memref<32000xf32, #tpu.memory_space<hbm>>) target(%arg7 : memref<32000xf32, #tpu.memory_space<vmem>>) target_semaphore(%run_scoped3A : memref<!tpu.dma_semaphore, #tpu.memory_space<semaphore_mem>>)
        %dma_wait3A = tpu.memref_slice %arg2[%mul3A_20] : memref<4096000xf32, #tpu.memory_space<hbm>> -> memref<32000xf32, #tpu.memory_space<hbm>>
        %dma_wait3A_32 = tpu.memref_slice %arg2[%mul3A_20] : memref<4096000xf32, #tpu.memory_space<hbm>> -> memref<32000xf32, #tpu.memory_space<hbm>>
        tpu.wait_dma2 semaphore(%run_scoped3A : memref<!tpu.dma_semaphore, #tpu.memory_space<semaphore_mem>>) src(%dma_wait3A_32 : memref<32000xf32, #tpu.memory_space<hbm>>) dst(%arg7 : memref<32000xf32, #tpu.memory_space<vmem>>)
        tpu.yield
      }) : () -> ()
      %add3A_21 = arith.constant 12288 : i32
      %add3A_22 = arith.addi %add3A_21, %add3A_18 : i32
      "tpu.region"() ({
        %run_scoped3A = tpu.sem_alloc : memref<!tpu.dma_semaphore, #tpu.memory_space<semaphore_mem>>
        %dma_start3A = tpu.memref_slice %arg3[%add3A_22] : memref<16384xi32, #tpu.memory_space<hbm>> -> memref<32xi32, #tpu.memory_space<hbm>>
        %dma_start3A_31 = tpu.memref_slice %arg3[%add3A_22] : memref<16384xi32, #tpu.memory_space<hbm>> -> memref<32xi32, #tpu.memory_space<hbm>>
        tpu.enqueue_dma source(%dma_start3A_31 : memref<32xi32, #tpu.memory_space<hbm>>) target(%arg8 : memref<32xi32, #tpu.memory_space<vmem>>) target_semaphore(%run_scoped3A : memref<!tpu.dma_semaphore, #tpu.memory_space<semaphore_mem>>)
        %dma_wait3A = tpu.memref_slice %arg3[%add3A_22] : memref<16384xi32, #tpu.memory_space<hbm>> -> memref<32xi32, #tpu.memory_space<hbm>>
        %dma_wait3A_32 = tpu.memref_slice %arg3[%add3A_22] : memref<16384xi32, #tpu.memory_space<hbm>> -> memref<32xi32, #tpu.memory_space<hbm>>
        tpu.wait_dma2 semaphore(%run_scoped3A : memref<!tpu.dma_semaphore, #tpu.memory_space<semaphore_mem>>) src(%dma_wait3A_32 : memref<32xi32, #tpu.memory_space<hbm>>) dst(%arg8 : memref<32xi32, #tpu.memory_space<vmem>>)
        tpu.yield
      }) : () -> ()
      %scan3A_23 = arith.constant 0 : i32
      %scan3A_24 = arith.constant 0 : i32
      %scan3A_25 = arith.constant 2 : i32
      %scan3A_26 = arith.addi %scan3A_24, %scan3A_25 : i32
      %scan3A_27 = arith.constant 1 : i32
      %scan3A_28 = scf.for %scan3A_31 = %scan3A_24 to %scan3A_26 step %scan3A_27 iter_args(%scan3A_32 = %scan3A_23) -> (i32)  : i32 {
        %mul3A_33 = arith.constant 16 : i32
        %mul3A_34 = arith.muli %scan3A_31, %mul3A_33 : i32
        %get3A = arith.index_cast %mul3A_34 : i32 to index
        %get3A_35 = tpu.vector_load %arg8[%get3A] {strides = array<i32>} : memref<32xi32, #tpu.memory_space<vmem>>, vector<16xi32>,
        %get3A_36 = vector.shape_cast %get3A_35 : vector<16xi32> to vector<16xi32>
        %mul3A_37 = arith.constant 16 : i32
        %mul3A_38 = arith.muli %scan3A_31, %mul3A_37 : i32
        %add3A_39 = arith.constant 0 : i32
        %add3A_40 = arith.addi %mul3A_38, %add3A_39 : i32
        %mul3A_41 = arith.constant 1000 : i32
        %mul3A_42 = arith.muli %add3A_40, %mul3A_41 : i32
        %mul3A_43 = arith.constant 0 : i32
        %mul3A_44 = vector.broadcast %mul3A_43 : i32 to vector<16xi32>
        %mul3A_45 = arith.muli %iota3A, %mul3A_44 : vector<16xi32>
        %add3A_46 = arith.constant 0 : i32
        %add3A_47 = vector.broadcast %add3A_46 : i32 to vector<16xi32>
        %add3A_48 = arith.addi %mul3A_45, %add3A_47 : vector<16xi32>
        %broadcast_in_dim3A_49 = vector.shape_cast %add3A_48 : vector<16xi32> to vector<16x1xi32>
        %gather3A = vector.shape_cast %broadcast_in_dim3A_49 : vector<16x1xi32> to vector<16xi32>
        %gather3A_50 = tpu.dynamic_gather %get3A_36[%gather3A] in [0] : vector<16xi32>, vector<16xi32> -> vector<16xi32>
        %sub3A = arith.subi %gather3A_50, %iota3A : vector<16xi32>
        %scan3A_51 = arith.constant 0 : i32
        %scan3A_52 = arith.constant 62 : i32
        %scan3A_53 = arith.addi %scan3A_51, %scan3A_52 : i32
        %scan3A_54 = arith.constant 1 : i32
        %scan3A_55:4 = scf.for %scan3A_2206 = %scan3A_51 to %scan3A_53 step %scan3A_54 iter_args(%scan3A_2207 = %broadcast_in_dim3A_3, %scan3A_2208 = %broadcast_in_dim3A_3, %scan3A_2209 = %broadcast_in_dim3A_3, %scan3A_2210 = %broadcast_in_dim3A_5) -> (vector<16xf32>, vector<16xf32>, vector<16xf32>, vector<16xi32>)  : i32 {
          %mul3A_2211 = arith.constant 16 : i32
          %mul3A_2212 = arith.muli %scan3A_2206, %mul3A_2211 : i32
          %add3A_2213 = arith.addi %mul3A_42, %mul3A_2212 : i32
          %get3A_2214 = arith.index_cast %add3A_2213 : i32 to index
          %get3A_2215 = tpu.vector_load %arg7[%get3A_2214] {strides = array<i32>} : memref<32000xf32, #tpu.memory_space<vmem>>, vector<16xf32>,
          %get3A_2216 = vector.shape_cast %get3A_2215 : vector<16xf32> to vector<16xf32>
          %eq3A_2217 = arith.cmpi eq, %sub3A, %scan3A_2210 : vector<16xi32>
          %add3A_2218 = arith.addf %scan3A_2207, %get3A_2216 : vector<16xf32>
          %exp3A_2219 = math.exp %get3A_2216 : vector<16xf32>
          %add3A_2220 = arith.addf %scan3A_2208, %exp3A_2219 : vector<16xf32>
          %jit3A_2221 = arith.constant 0.000000e+00 : f32
          %broadcast_in_dim3A_2222 = vector.broadcast %jit3A_2221 : f32 to vector<16xf32>
          %select_n3A_2223 = arith.select %eq3A_2217, %get3A_2216, %broadcast_in_dim3A_2222 : vector<16xi1>, vector<16xf32>
          %add3A_2224 = arith.addf %scan3A_2209, %select_n3A_2223 : vector<16xf32>
          %add3A_2225 = arith.constant 16 : i32
          %add3A_2226 = vector.broadcast %add3A_2225 : i32 to vector<16xi32>
          %add3A_2227 = arith.addi %scan3A_2210, %add3A_2226 : vector<16xi32>
          scf.yield %add3A_2218, %add3A_2220, %add3A_2224, %add3A_2227 : vector<16xf32>, vector<16xf32>, vector<16xf32>, vector<16xi32>
        }
        %scan3A_56 = arith.constant 62 : i32
        %add3A_57 = arith.constant 984 : i32
        %add3A_58 = arith.addi %mul3A_42, %add3A_57 : i32
        %get3A_59 = arith.index_cast %add3A_58 : i32 to index
        %get3A_60 = tpu.vector_load %arg7[%get3A_59] {strides = array<i32>} : memref<32000xf32, #tpu.memory_space<vmem>>, vector<16xf32>,
        %get3A_61 = vector.shape_cast %get3A_60 : vector<16xf32> to vector<16xf32>
        %jit3A = arith.constant 0.000000e+00 : f32
        %broadcast_in_dim3A_62 = vector.broadcast %jit3A : f32 to vector<16xf32>
        %select_n3A = arith.select %ge3A_7, %get3A_61, %broadcast_in_dim3A_62 : vector<16xi1>, vector<16xf32>
        %add3A_63 = arith.addf %scan3A_55#0, %select_n3A : vector<16xf32>
        %exp3A = math.exp %get3A_61 : vector<16xf32>
        %jit3A_64 = arith.constant 0.000000e+00 : f32
        %broadcast_in_dim3A_65 = vector.broadcast %jit3A_64 : f32 to vector<16xf32>
        %select_n3A_66 = arith.select %ge3A_7, %exp3A, %broadcast_in_dim3A_65 : vector<16xi1>, vector<16xf32>
        %add3A_67 = arith.addf %scan3A_55#1, %select_n3A_66 : vector<16xf32>
        %add3A_68 = arith.constant 984 : i32
        %add3A_69 = vector.broadcast %add3A_68 : i32 to vector<16xi32>
        %add3A_70 = arith.addi %iota3A, %add3A_69 : vector<16xi32>
        %eq3A = arith.cmpi eq, %gather3A_50, %add3A_70 : vector<16xi32>
        %and3A = arith.andi %ge3A_7, %eq3A : vector<16xi1>
        %jit3A_71 = arith.constant 0.000000e+00 : f32
        %broadcast_in_dim3A_72 = vector.broadcast %jit3A_71 : f32 to vector<16xf32>
        %select_n3A_73 = arith.select %and3A, %get3A_61, %broadcast_in_dim3A_72 : vector<16xi1>, vector<16xf32>
        %add3A_74 = arith.addf %scan3A_55#2, %select_n3A_73 : vector<16xf32>
        %eq3A_75 = arith.constant 0 : i32
        %eq3A_76 = vector.broadcast %eq3A_75 : i32 to vector<16xi32>
        %eq3A_77 = arith.cmpi eq, %iota3A, %eq3A_76 : vector<16xi32>
        %xor3A = arith.constant 8 : i32
        %xor3A_78 = vector.broadcast %xor3A : i32 to vector<16xi32>
        %xor3A_79 = arith.xori %iota3A, %xor3A_78 : vector<16xi32>
        %broadcast_in_dim3A_80 = vector.shape_cast %xor3A_79 : vector<16xi32> to vector<16x1xi32>
        %gather3A_81 = vector.shape_cast %broadcast_in_dim3A_80 : vector<16x1xi32> to vector<16xi32>
        %gather3A_82 = tpu.dynamic_gather %add3A_63[%gather3A_81] in [0] : vector<16xf32>, vector<16xi32> -> vector<16xf32>
        %add3A_83 = arith.addf %add3A_63, %gather3A_82 : vector<16xf32>
        %xor3A_84 = arith.constant 4 : i32
        %xor3A_85 = vector.broadcast %xor3A_84 : i32 to vector<16xi32>
        %xor3A_86 = arith.xori %iota3A, %xor3A_85 : vector<16xi32>
        %broadcast_in_dim3A_87 = vector.shape_cast %xor3A_86 : vector<16xi32> to vector<16x1xi32>
        %gather3A_88 = vector.shape_cast %broadcast_in_dim3A_87 : vector<16x1xi32> to vector<16xi32>
        %gather3A_89 = tpu.dynamic_gather %add3A_83[%gather3A_88] in [0] : vector<16xf32>, vector<16xi32> -> vector<16xf32>
        %add3A_90 = arith.addf %add3A_83, %gather3A_89 : vector<16xf32>
        %xor3A_91 = arith.constant 2 : i32
        %xor3A_92 = vector.broadcast %xor3A_91 : i32 to vector<16xi32>
        %xor3A_93 = arith.xori %iota3A, %xor3A_92 : vector<16xi32>
        %broadcast_in_dim3A_94 = vector.shape_cast %xor3A_93 : vector<16xi32> to vector<16x1xi32>
        %gather3A_95 = vector.shape_cast %broadcast_in_dim3A_94 : vector<16x1xi32> to vector<16xi32>
        %gather3A_96 = tpu.dynamic_gather %add3A_90[%gather3A_95] in [0] : vector<16xf32>, vector<16xi32> -> vector<16xf32>
        %add3A_97 = arith.addf %add3A_90, %gather3A_96 : vector<16xf32>
        %xor3A_98 = arith.constant 1 : i32
        %xor3A_99 = vector.broadcast %xor3A_98 : i32 to vector<16xi32>
        %xor3A_100 = arith.xori %iota3A, %xor3A_99 : vector<16xi32>
        %broadcast_in_dim3A_101 = vector.shape_cast %xor3A_100 : vector<16xi32> to vector<16x1xi32>
        %gather3A_102 = vector.shape_cast %broadcast_in_dim3A_101 : vector<16x1xi32> to vector<16xi32>
        %gather3A_103 = tpu.dynamic_gather %add3A_97[%gather3A_102] in [0] : vector<16xf32>, vector<16xi32> -> vector<16xf32>
        %add3A_104 = arith.addf %add3A_97, %gather3A_103 : vector<16xf32>
        %select_n3A_105 = arith.select %eq3A_77, %add3A_104, %broadcast_in_dim3A_3 : vector<16xi1>, vector<16xf32>
        %xor3A_106 = arith.constant 8 : i32
        %xor3A_107 = vector.broadcast %xor3A_106 : i32 to vector<16xi32>
        %xor3A_108 = arith.xori %iota3A, %xor3A_107 : vector<16xi32>
        %broadcast_in_dim3A_109 = vector.shape_cast %xor3A_108 : vector<16xi32> to vector<16x1xi32>
        %gather3A_110 = vector.shape_cast %broadcast_in_dim3A_109 : vector<16x1xi32> to vector<16xi32>
        %gather3A_111 = tpu.dynamic_gather %add3A_67[%gather3A_110] in [0] : vector<16xf32>, vector<16xi32> -> vector<16xf32>
        %add3A_112 = arith.addf %add3A_67, %gather3A_111 : vector<16xf32>
        %xor3A_113 = arith.constant 4 : i32
        %xor3A_114 = vector.broadcast %xor3A_113 : i32 to vector<16xi32>
        %xor3A_115 = arith.xori %iota3A, %xor3A_114 : vector<16xi32>
        %broadcast_in_dim3A_116 = vector.shape_cast %xor3A_115 : vector<16xi32> to vector<16x1xi32>
        %gather3A_117 = vector.shape_cast %broadcast_in_dim3A_116 : vector<16x1xi32> to vector<16xi32>
        %gather3A_118 = tpu.dynamic_gather %add3A_112[%gather3A_117] in [0] : vector<16xf32>, vector<16xi32> -> vector<16xf32>
        %add3A_119 = arith.addf %add3A_112, %gather3A_118 : vector<16xf32>
        %xor3A_120 = arith.constant 2 : i32
        %xor3A_121 = vector.broadcast %xor3A_120 : i32 to vector<16xi32>
        %xor3A_122 = arith.xori %iota3A, %xor3A_121 : vector<16xi32>
        %broadcast_in_dim3A_123 = vector.shape_cast %xor3A_122 : vector<16xi32> to vector<16x1xi32>
        %gather3A_124 = vector.shape_cast %broadcast_in_dim3A_123 : vector<16x1xi32> to vector<16xi32>
        %gather3A_125 = tpu.dynamic_gather %add3A_119[%gather3A_124] in [0] : vector<16xf32>, vector<16xi32> -> vector<16xf32>
        %add3A_126 = arith.addf %add3A_119, %gather3A_125 : vector<16xf32>
        %xor3A_127 = arith.constant 1 : i32
        %xor3A_128 = vector.broadcast %xor3A_127 : i32 to vector<16xi32>
        %xor3A_129 = arith.xori %iota3A, %xor3A_128 : vector<16xi32>
        %broadcast_in_dim3A_130 = vector.shape_cast %xor3A_129 : vector<16xi32> to vector<16x1xi32>
        %gather3A_131 = vector.shape_cast %broadcast_in_dim3A_130 : vector<16x1xi32> to vector<16xi32>
        %gather3A_132 = tpu.dynamic_gather %add3A_126[%gather3A_131] in [0] : vector<16xf32>, vector<16xi32> -> vector<16xf32>
        %add3A_133 = arith.addf %add3A_126, %gather3A_132 : vector<16xf32>
        %select_n3A_134 = arith.select %eq3A_77, %add3A_133, %broadcast_in_dim3A_3 : vector<16xi1>, vector<16xf32>
        %xor3A_135 = arith.constant 8 : i32
        %xor3A_136 = vector.broadcast %xor3A_135 : i32 to vector<16xi32>
        %xor3A_137 = arith.xori %iota3A, %xor3A_136 : vector<16xi32>
        %broadcast_in_dim3A_138 = vector.shape_cast %xor3A_137 : vector<16xi32> to vector<16x1xi32>
        %gather3A_139 = vector.shape_cast %broadcast_in_dim3A_138 : vector<16x1xi32> to vector<16xi32>
        %gather3A_140 = tpu.dynamic_gather %add3A_74[%gather3A_139] in [0] : vector<16xf32>, vector<16xi32> -> vector<16xf32>
        %add3A_141 = arith.addf %add3A_74, %gather3A_140 : vector<16xf32>
        %xor3A_142 = arith.constant 4 : i32
        %xor3A_143 = vector.broadcast %xor3A_142 : i32 to vector<16xi32>
        %xor3A_144 = arith.xori %iota3A, %xor3A_143 : vector<16xi32>
        %broadcast_in_dim3A_145 = vector.shape_cast %xor3A_144 : vector<16xi32> to vector<16x1xi32>
        %gather3A_146 = vector.shape_cast %broadcast_in_dim3A_145 : vector<16x1xi32> to vector<16xi32>
        %gather3A_147 = tpu.dynamic_gather %add3A_141[%gather3A_146] in [0] : vector<16xf32>, vector<16xi32> -> vector<16xf32>
        %add3A_148 = arith.addf %add3A_141, %gather3A_147 : vector<16xf32>
        %xor3A_149 = arith.constant 2 : i32
        %xor3A_150 = vector.broadcast %xor3A_149 : i32 to vector<16xi32>
        %xor3A_151 = arith.xori %iota3A, %xor3A_150 : vector<16xi32>
        %broadcast_in_dim3A_152 = vector.shape_cast %xor3A_151 : vector<16xi32> to vector<16x1xi32>
        %gather3A_153 = vector.shape_cast %broadcast_in_dim3A_152 : vector<16x1xi32> to vector<16xi32>
        %gather3A_154 = tpu.dynamic_gather %add3A_148[%gather3A_153] in [0] : vector<16xf32>, vector<16xi32> -> vector<16xf32>
        %add3A_155 = arith.addf %add3A_148, %gather3A_154 : vector<16xf32>
        %xor3A_156 = arith.constant 1 : i32
        %xor3A_157 = vector.broadcast %xor3A_156 : i32 to vector<16xi32>
        %xor3A_158 = arith.xori %iota3A, %xor3A_157 : vector<16xi32>
        %broadcast_in_dim3A_159 = vector.shape_cast %xor3A_158 : vector<16xi32> to vector<16x1xi32>
        %gather3A_160 = vector.shape_cast %broadcast_in_dim3A_159 : vector<16x1xi32> to vector<16xi32>
        %gather3A_161 = tpu.dynamic_gather %add3A_155[%gather3A_160] in [0] : vector<16xf32>, vector<16xi32> -> vector<16xf32>
        %add3A_162 = arith.addf %add3A_155, %gather3A_161 : vector<16xf32>
        %select_n3A_163 = arith.select %eq3A_77, %add3A_162, %broadcast_in_dim3A_3 : vector<16xi1>, vector<16xf32>
        %mul3A_164 = arith.constant 16 : i32
        %mul3A_165 = arith.muli %scan3A_31, %mul3A_164 : i32
        %add3A_166 = arith.constant 1 : i32
        %add3A_167 = arith.addi %mul3A_165, %add3A_166 : i32
        %mul3A_168 = arith.constant 1000 : i32
        %mul3A_169 = arith.muli %add3A_167, %mul3A_168 : i32
        %mul3A_170 = arith.constant 0 : i32
        %mul3A_171 = vector.broadcast %mul3A_170 : i32 to vector<16xi32>
        %mul3A_172 = arith.muli %iota3A, %mul3A_171 : vector<16xi32>
        %add3A_173 = arith.constant 1 : i32
        %add3A_174 = vector.broadcast %add3A_173 : i32 to vector<16xi32>
        %add3A_175 = arith.addi %mul3A_172, %add3A_174 : vector<16xi32>
        %broadcast_in_dim3A_176 = vector.shape_cast %add3A_175 : vector<16xi32> to vector<16x1xi32>
        %gather3A_177 = vector.shape_cast %broadcast_in_dim3A_176 : vector<16x1xi32> to vector<16xi32>
        %gather3A_178 = tpu.dynamic_gather %get3A_36[%gather3A_177] in [0] : vector<16xi32>, vector<16xi32> -> vector<16xi32>
        %sub3A_179 = arith.subi %gather3A_178, %iota3A : vector<16xi32>
        %scan3A_180 = arith.constant 0 : i32
        %scan3A_181 = arith.constant 62 : i32
        %scan3A_182 = arith.addi %scan3A_180, %scan3A_181 : i32
        %scan3A_183 = arith.constant 1 : i32
        %scan3A_184:4 = scf.for %scan3A_2206 = %scan3A_180 to %scan3A_182 step %scan3A_183 iter_args(%scan3A_2207 = %broadcast_in_dim3A_3, %scan3A_2208 = %broadcast_in_dim3A_3, %scan3A_2209 = %broadcast_in_dim3A_3, %scan3A_2210 = %broadcast_in_dim3A_5) -> (vector<16xf32>, vector<16xf32>, vector<16xf32>, vector<16xi32>)  : i32 {
          %mul3A_2211 = arith.constant 16 : i32
          %mul3A_2212 = arith.muli %scan3A_2206, %mul3A_2211 : i32
          %add3A_2213 = arith.addi %mul3A_169, %mul3A_2212 : i32
          %get3A_2214 = arith.index_cast %add3A_2213 : i32 to index
          %get3A_2215 = tpu.vector_load %arg7[%get3A_2214] {strides = array<i32>} : memref<32000xf32, #tpu.memory_space<vmem>>, vector<16xf32>,
          %get3A_2216 = vector.shape_cast %get3A_2215 : vector<16xf32> to vector<16xf32>
          %eq3A_2217 = arith.cmpi eq, %sub3A_179, %scan3A_2210 : vector<16xi32>
          %add3A_2218 = arith.addf %scan3A_2207, %get3A_2216 : vector<16xf32>
          %exp3A_2219 = math.exp %get3A_2216 : vector<16xf32>
          %add3A_2220 = arith.addf %scan3A_2208, %exp3A_2219 : vector<16xf32>
          %jit3A_2221 = arith.constant 0.000000e+00 : f32
          %broadcast_in_dim3A_2222 = vector.broadcast %jit3A_2221 : f32 to vector<16xf32>
          %select_n3A_2223 = arith.select %eq3A_2217, %get3A_2216, %broadcast_in_dim3A_2222 : vector<16xi1>, vector<16xf32>
          %add3A_2224 = arith.addf %scan3A_2209, %select_n3A_2223 : vector<16xf32>
          %add3A_2225 = arith.constant 16 : i32
          %add3A_2226 = vector.broadcast %add3A_2225 : i32 to vector<16xi32>
          %add3A_2227 = arith.addi %scan3A_2210, %add3A_2226 : vector<16xi32>
          scf.yield %add3A_2218, %add3A_2220, %add3A_2224, %add3A_2227 : vector<16xf32>, vector<16xf32>, vector<16xf32>, vector<16xi32>
        }
        %scan3A_185 = arith.constant 62 : i32
        %add3A_186 = arith.constant 984 : i32
        %add3A_187 = arith.addi %mul3A_169, %add3A_186 : i32
        %get3A_188 = arith.index_cast %add3A_187 : i32 to index
        %get3A_189 = tpu.vector_load %arg7[%get3A_188] {strides = array<i32>} : memref<32000xf32, #tpu.memory_space<vmem>>, vector<16xf32>,
        %get3A_190 = vector.shape_cast %get3A_189 : vector<16xf32> to vector<16xf32>
        %jit3A_191 = arith.constant 0.000000e+00 : f32
        %broadcast_in_dim3A_192 = vector.broadcast %jit3A_191 : f32 to vector<16xf32>
        %select_n3A_193 = arith.select %ge3A_7, %get3A_190, %broadcast_in_dim3A_192 : vector<16xi1>, vector<16xf32>
        %add3A_194 = arith.addf %scan3A_184#0, %select_n3A_193 : vector<16xf32>
        %exp3A_195 = math.exp %get3A_190 : vector<16xf32>
        %jit3A_196 = arith.constant 0.000000e+00 : f32
        %broadcast_in_dim3A_197 = vector.broadcast %jit3A_196 : f32 to vector<16xf32>
        %select_n3A_198 = arith.select %ge3A_7, %exp3A_195, %broadcast_in_dim3A_197 : vector<16xi1>, vector<16xf32>
        %add3A_199 = arith.addf %scan3A_184#1, %select_n3A_198 : vector<16xf32>
        %add3A_200 = arith.constant 984 : i32
        %add3A_201 = vector.broadcast %add3A_200 : i32 to vector<16xi32>
        %add3A_202 = arith.addi %iota3A, %add3A_201 : vector<16xi32>
        %eq3A_203 = arith.cmpi eq, %gather3A_178, %add3A_202 : vector<16xi32>
        %and3A_204 = arith.andi %ge3A_7, %eq3A_203 : vector<16xi1>
        %jit3A_205 = arith.constant 0.000000e+00 : f32
        %broadcast_in_dim3A_206 = vector.broadcast %jit3A_205 : f32 to vector<16xf32>
        %select_n3A_207 = arith.select %and3A_204, %get3A_190, %broadcast_in_dim3A_206 : vector<16xi1>, vector<16xf32>
        %add3A_208 = arith.addf %scan3A_184#2, %select_n3A_207 : vector<16xf32>
        %eq3A_209 = arith.constant 1 : i32
        %eq3A_210 = vector.broadcast %eq3A_209 : i32 to vector<16xi32>
        %eq3A_211 = arith.cmpi eq, %iota3A, %eq3A_210 : vector<16xi32>
        %xor3A_212 = arith.constant 8 : i32
        %xor3A_213 = vector.broadcast %xor3A_212 : i32 to vector<16xi32>
        %xor3A_214 = arith.xori %iota3A, %xor3A_213 : vector<16xi32>
        %broadcast_in_dim3A_215 = vector.shape_cast %xor3A_214 : vector<16xi32> to vector<16x1xi32>
        %gather3A_216 = vector.shape_cast %broadcast_in_dim3A_215 : vector<16x1xi32> to vector<16xi32>
        %gather3A_217 = tpu.dynamic_gather %add3A_194[%gather3A_216] in [0] : vector<16xf32>, vector<16xi32> -> vector<16xf32>
        %add3A_218 = arith.addf %add3A_194, %gather3A_217 : vector<16xf32>
        %xor3A_219 = arith.constant 4 : i32
        %xor3A_220 = vector.broadcast %xor3A_219 : i32 to vector<16xi32>
        %xor3A_221 = arith.xori %iota3A, %xor3A_220 : vector<16xi32>
        %broadcast_in_dim3A_222 = vector.shape_cast %xor3A_221 : vector<16xi32> to vector<16x1xi32>
        %gather3A_223 = vector.shape_cast %broadcast_in_dim3A_222 : vector<16x1xi32> to vector<16xi32>
        %gather3A_224 = tpu.dynamic_gather %add3A_218[%gather3A_223] in [0] : vector<16xf32>, vector<16xi32> -> vector<16xf32>
        %add3A_225 = arith.addf %add3A_218, %gather3A_224 : vector<16xf32>
        %xor3A_226 = arith.constant 2 : i32
        %xor3A_227 = vector.broadcast %xor3A_226 : i32 to vector<16xi32>
        %xor3A_228 = arith.xori %iota3A, %xor3A_227 : vector<16xi32>
        %broadcast_in_dim3A_229 = vector.shape_cast %xor3A_228 : vector<16xi32> to vector<16x1xi32>
        %gather3A_230 = vector.shape_cast %broadcast_in_dim3A_229 : vector<16x1xi32> to vector<16xi32>
        %gather3A_231 = tpu.dynamic_gather %add3A_225[%gather3A_230] in [0] : vector<16xf32>, vector<16xi32> -> vector<16xf32>
        %add3A_232 = arith.addf %add3A_225, %gather3A_231 : vector<16xf32>
        %xor3A_233 = arith.constant 1 : i32
        %xor3A_234 = vector.broadcast %xor3A_233 : i32 to vector<16xi32>
        %xor3A_235 = arith.xori %iota3A, %xor3A_234 : vector<16xi32>
        %broadcast_in_dim3A_236 = vector.shape_cast %xor3A_235 : vector<16xi32> to vector<16x1xi32>
        %gather3A_237 = vector.shape_cast %broadcast_in_dim3A_236 : vector<16x1xi32> to vector<16xi32>
        %gather3A_238 = tpu.dynamic_gather %add3A_232[%gather3A_237] in [0] : vector<16xf32>, vector<16xi32> -> vector<16xf32>
        %add3A_239 = arith.addf %add3A_232, %gather3A_238 : vector<16xf32>
        %select_n3A_240 = arith.select %eq3A_211, %add3A_239, %select_n3A_105 : vector<16xi1>, vector<16xf32>
        %xor3A_241 = arith.constant 8 : i32
        %xor3A_242 = vector.broadcast %xor3A_241 : i32 to vector<16xi32>
        %xor3A_243 = arith.xori %iota3A, %xor3A_242 : vector<16xi32>
        %broadcast_in_dim3A_244 = vector.shape_cast %xor3A_243 : vector<16xi32> to vector<16x1xi32>
        %gather3A_245 = vector.shape_cast %broadcast_in_dim3A_244 : vector<16x1xi32> to vector<16xi32>
        %gather3A_246 = tpu.dynamic_gather %add3A_199[%gather3A_245] in [0] : vector<16xf32>, vector<16xi32> -> vector<16xf32>
        %add3A_247 = arith.addf %add3A_199, %gather3A_246 : vector<16xf32>
        %xor3A_248 = arith.constant 4 : i32
        %xor3A_249 = vector.broadcast %xor3A_248 : i32 to vector<16xi32>
        %xor3A_250 = arith.xori %iota3A, %xor3A_249 : vector<16xi32>
        %broadcast_in_dim3A_251 = vector.shape_cast %xor3A_250 : vector<16xi32> to vector<16x1xi32>
        %gather3A_252 = vector.shape_cast %broadcast_in_dim3A_251 : vector<16x1xi32> to vector<16xi32>
        %gather3A_253 = tpu.dynamic_gather %add3A_247[%gather3A_252] in [0] : vector<16xf32>, vector<16xi32> -> vector<16xf32>
        %add3A_254 = arith.addf %add3A_247, %gather3A_253 : vector<16xf32>
        %xor3A_255 = arith.constant 2 : i32
        %xor3A_256 = vector.broadcast %xor3A_255 : i32 to vector<16xi32>
        %xor3A_257 = arith.xori %iota3A, %xor3A_256 : vector<16xi32>
        %broadcast_in_dim3A_258 = vector.shape_cast %xor3A_257 : vector<16xi32> to vector<16x1xi32>
        %gather3A_259 = vector.shape_cast %broadcast_in_dim3A_258 : vector<16x1xi32> to vector<16xi32>
        %gather3A_260 = tpu.dynamic_gather %add3A_254[%gather3A_259] in [0] : vector<16xf32>, vector<16xi32> -> vector<16xf32>
        %add3A_261 = arith.addf %add3A_254, %gather3A_260 : vector<16xf32>
        %xor3A_262 = arith.constant 1 : i32
        %xor3A_263 = vector.broadcast %xor3A_262 : i32 to vector<16xi32>
        %xor3A_264 = arith.xori %iota3A, %xor3A_263 : vector<16xi32>
        %broadcast_in_dim3A_265 = vector.shape_cast %xor3A_264 : vector<16xi32> to vector<16x1xi32>
        %gather3A_266 = vector.shape_cast %broadcast_in_dim3A_265 : vector<16x1xi32> to vector<16xi32>
        %gather3A_267 = tpu.dynamic_gather %add3A_261[%gather3A_266] in [0] : vector<16xf32>, vector<16xi32> -> vector<16xf32>
        %add3A_268 = arith.addf %add3A_261, %gather3A_267 : vector<16xf32>
        %select_n3A_269 = arith.select %eq3A_211, %add3A_268, %select_n3A_134 : vector<16xi1>, vector<16xf32>
        %xor3A_270 = arith.constant 8 : i32
        %xor3A_271 = vector.broadcast %xor3A_270 : i32 to vector<16xi32>
        %xor3A_272 = arith.xori %iota3A, %xor3A_271 : vector<16xi32>
        %broadcast_in_dim3A_273 = vector.shape_cast %xor3A_272 : vector<16xi32> to vector<16x1xi32>
        %gather3A_274 = vector.shape_cast %broadcast_in_dim3A_273 : vector<16x1xi32> to vector<16xi32>
        %gather3A_275 = tpu.dynamic_gather %add3A_208[%gather3A_274] in [0] : vector<16xf32>, vector<16xi32> -> vector<16xf32>
        %add3A_276 = arith.addf %add3A_208, %gather3A_275 : vector<16xf32>
        %xor3A_277 = arith.constant 4 : i32
        %xor3A_278 = vector.broadcast %xor3A_277 : i32 to vector<16xi32>
        %xor3A_279 = arith.xori %iota3A, %xor3A_278 : vector<16xi32>
        %broadcast_in_dim3A_280 = vector.shape_cast %xor3A_279 : vector<16xi32> to vector<16x1xi32>
        %gather3A_281 = vector.shape_cast %broadcast_in_dim3A_280 : vector<16x1xi32> to vector<16xi32>
        %gather3A_282 = tpu.dynamic_gather %add3A_276[%gather3A_281] in [0] : vector<16xf32>, vector<16xi32> -> vector<16xf32>
        %add3A_283 = arith.addf %add3A_276, %gather3A_282 : vector<16xf32>
        %xor3A_284 = arith.constant 2 : i32
        %xor3A_285 = vector.broadcast %xor3A_284 : i32 to vector<16xi32>
        %xor3A_286 = arith.xori %iota3A, %xor3A_285 : vector<16xi32>
        %broadcast_in_dim3A_287 = vector.shape_cast %xor3A_286 : vector<16xi32> to vector<16x1xi32>
        %gather3A_288 = vector.shape_cast %broadcast_in_dim3A_287 : vector<16x1xi32> to vector<16xi32>
        %gather3A_289 = tpu.dynamic_gather %add3A_283[%gather3A_288] in [0] : vector<16xf32>, vector<16xi32> -> vector<16xf32>
        %add3A_290 = arith.addf %add3A_283, %gather3A_289 : vector<16xf32>
        %xor3A_291 = arith.constant 1 : i32
        %xor3A_292 = vector.broadcast %xor3A_291 : i32 to vector<16xi32>
        %xor3A_293 = arith.xori %iota3A, %xor3A_292 : vector<16xi32>
        %broadcast_in_dim3A_294 = vector.shape_cast %xor3A_293 : vector<16xi32> to vector<16x1xi32>
        %gather3A_295 = vector.shape_cast %broadcast_in_dim3A_294 : vector<16x1xi32> to vector<16xi32>
        %gather3A_296 = tpu.dynamic_gather %add3A_290[%gather3A_295] in [0] : vector<16xf32>, vector<16xi32> -> vector<16xf32>
        %add3A_297 = arith.addf %add3A_290, %gather3A_296 : vector<16xf32>
        %select_n3A_298 = arith.select %eq3A_211, %add3A_297, %select_n3A_163 : vector<16xi1>, vector<16xf32>
        %mul3A_299 = arith.constant 16 : i32
        %mul3A_300 = arith.muli %scan3A_31, %mul3A_299 : i32
        %add3A_301 = arith.constant 2 : i32
        %add3A_302 = arith.addi %mul3A_300, %add3A_301 : i32
        %mul3A_303 = arith.constant 1000 : i32
        %mul3A_304 = arith.muli %add3A_302, %mul3A_303 : i32
        %mul3A_305 = arith.constant 0 : i32
        %mul3A_306 = vector.broadcast %mul3A_305 : i32 to vector<16xi32>
        %mul3A_307 = arith.muli %iota3A, %mul3A_306 : vector<16xi32>
        %add3A_308 = arith.constant 2 : i32
        %add3A_309 = vector.broadcast %add3A_308 : i32 to vector<16xi32>
        %add3A_310 = arith.addi %mul3A_307, %add3A_309 : vector<16xi32>
        %broadcast_in_dim3A_311 = vector.shape_cast %add3A_310 : vector<16xi32> to vector<16x1xi32>
        %gather3A_312 = vector.shape_cast %broadcast_in_dim3A_311 : vector<16x1xi32> to vector<16xi32>
        %gather3A_313 = tpu.dynamic_gather %get3A_36[%gather3A_312] in [0] : vector<16xi32>, vector<16xi32> -> vector<16xi32>
        %sub3A_314 = arith.subi %gather3A_313, %iota3A : vector<16xi32>
        %scan3A_315 = arith.constant 0 : i32
        %scan3A_316 = arith.constant 62 : i32
        %scan3A_317 = arith.addi %scan3A_315, %scan3A_316 : i32
        %scan3A_318 = arith.constant 1 : i32
        %scan3A_319:4 = scf.for %scan3A_2206 = %scan3A_315 to %scan3A_317 step %scan3A_318 iter_args(%scan3A_2207 = %broadcast_in_dim3A_3, %scan3A_2208 = %broadcast_in_dim3A_3, %scan3A_2209 = %broadcast_in_dim3A_3, %scan3A_2210 = %broadcast_in_dim3A_5) -> (vector<16xf32>, vector<16xf32>, vector<16xf32>, vector<16xi32>)  : i32 {
          %mul3A_2211 = arith.constant 16 : i32
          %mul3A_2212 = arith.muli %scan3A_2206, %mul3A_2211 : i32
          %add3A_2213 = arith.addi %mul3A_304, %mul3A_2212 : i32
          %get3A_2214 = arith.index_cast %add3A_2213 : i32 to index
          %get3A_2215 = tpu.vector_load %arg7[%get3A_2214] {strides = array<i32>} : memref<32000xf32, #tpu.memory_space<vmem>>, vector<16xf32>,
          %get3A_2216 = vector.shape_cast %get3A_2215 : vector<16xf32> to vector<16xf32>
          %eq3A_2217 = arith.cmpi eq, %sub3A_314, %scan3A_2210 : vector<16xi32>
          %add3A_2218 = arith.addf %scan3A_2207, %get3A_2216 : vector<16xf32>
          %exp3A_2219 = math.exp %get3A_2216 : vector<16xf32>
          %add3A_2220 = arith.addf %scan3A_2208, %exp3A_2219 : vector<16xf32>
          %jit3A_2221 = arith.constant 0.000000e+00 : f32
          %broadcast_in_dim3A_2222 = vector.broadcast %jit3A_2221 : f32 to vector<16xf32>
          %select_n3A_2223 = arith.select %eq3A_2217, %get3A_2216, %broadcast_in_dim3A_2222 : vector<16xi1>, vector<16xf32>
          %add3A_2224 = arith.addf %scan3A_2209, %select_n3A_2223 : vector<16xf32>
          %add3A_2225 = arith.constant 16 : i32
          %add3A_2226 = vector.broadcast %add3A_2225 : i32 to vector<16xi32>
          %add3A_2227 = arith.addi %scan3A_2210, %add3A_2226 : vector<16xi32>
          scf.yield %add3A_2218, %add3A_2220, %add3A_2224, %add3A_2227 : vector<16xf32>, vector<16xf32>, vector<16xf32>, vector<16xi32>
        }
        %scan3A_320 = arith.constant 62 : i32
        %add3A_321 = arith.constant 984 : i32
        %add3A_322 = arith.addi %mul3A_304, %add3A_321 : i32
        %get3A_323 = arith.index_cast %add3A_322 : i32 to index
        %get3A_324 = tpu.vector_load %arg7[%get3A_323] {strides = array<i32>} : memref<32000xf32, #tpu.memory_space<vmem>>, vector<16xf32>,
        %get3A_325 = vector.shape_cast %get3A_324 : vector<16xf32> to vector<16xf32>
        %jit3A_326 = arith.constant 0.000000e+00 : f32
        %broadcast_in_dim3A_327 = vector.broadcast %jit3A_326 : f32 to vector<16xf32>
        %select_n3A_328 = arith.select %ge3A_7, %get3A_325, %broadcast_in_dim3A_327 : vector<16xi1>, vector<16xf32>
        %add3A_329 = arith.addf %scan3A_319#0, %select_n3A_328 : vector<16xf32>
        %exp3A_330 = math.exp %get3A_325 : vector<16xf32>
        %jit3A_331 = arith.constant 0.000000e+00 : f32
        %broadcast_in_dim3A_332 = vector.broadcast %jit3A_331 : f32 to vector<16xf32>
        %select_n3A_333 = arith.select %ge3A_7, %exp3A_330, %broadcast_in_dim3A_332 : vector<16xi1>, vector<16xf32>
        %add3A_334 = arith.addf %scan3A_319#1, %select_n3A_333 : vector<16xf32>
        %add3A_335 = arith.constant 984 : i32
        %add3A_336 = vector.broadcast %add3A_335 : i32 to vector<16xi32>
        %add3A_337 = arith.addi %iota3A, %add3A_336 : vector<16xi32>
        %eq3A_338 = arith.cmpi eq, %gather3A_313, %add3A_337 : vector<16xi32>
        %and3A_339 = arith.andi %ge3A_7, %eq3A_338 : vector<16xi1>
        %jit3A_340 = arith.constant 0.000000e+00 : f32
        %broadcast_in_dim3A_341 = vector.broadcast %jit3A_340 : f32 to vector<16xf32>
        %select_n3A_342 = arith.select %and3A_339, %get3A_325, %broadcast_in_dim3A_341 : vector<16xi1>, vector<16xf32>
        %add3A_343 = arith.addf %scan3A_319#2, %select_n3A_342 : vector<16xf32>
        %eq3A_344 = arith.constant 2 : i32
        %eq3A_345 = vector.broadcast %eq3A_344 : i32 to vector<16xi32>
        %eq3A_346 = arith.cmpi eq, %iota3A, %eq3A_345 : vector<16xi32>
        %xor3A_347 = arith.constant 8 : i32
        %xor3A_348 = vector.broadcast %xor3A_347 : i32 to vector<16xi32>
        %xor3A_349 = arith.xori %iota3A, %xor3A_348 : vector<16xi32>
        %broadcast_in_dim3A_350 = vector.shape_cast %xor3A_349 : vector<16xi32> to vector<16x1xi32>
        %gather3A_351 = vector.shape_cast %broadcast_in_dim3A_350 : vector<16x1xi32> to vector<16xi32>
        %gather3A_352 = tpu.dynamic_gather %add3A_329[%gather3A_351] in [0] : vector<16xf32>, vector<16xi32> -> vector<16xf32>
        %add3A_353 = arith.addf %add3A_329, %gather3A_352 : vector<16xf32>
        %xor3A_354 = arith.constant 4 : i32
        %xor3A_355 = vector.broadcast %xor3A_354 : i32 to vector<16xi32>
        %xor3A_356 = arith.xori %iota3A, %xor3A_355 : vector<16xi32>
        %broadcast_in_dim3A_357 = vector.shape_cast %xor3A_356 : vector<16xi32> to vector<16x1xi32>
        %gather3A_358 = vector.shape_cast %broadcast_in_dim3A_357 : vector<16x1xi32> to vector<16xi32>
        %gather3A_359 = tpu.dynamic_gather %add3A_353[%gather3A_358] in [0] : vector<16xf32>, vector<16xi32> -> vector<16xf32>
        %add3A_360 = arith.addf %add3A_353, %gather3A_359 : vector<16xf32>
        %xor3A_361 = arith.constant 2 : i32
        %xor3A_362 = vector.broadcast %xor3A_361 : i32 to vector<16xi32>
        %xor3A_363 = arith.xori %iota3A, %xor3A_362 : vector<16xi32>
        %broadcast_in_dim3A_364 = vector.shape_cast %xor3A_363 : vector<16xi32> to vector<16x1xi32>
        %gather3A_365 = vector.shape_cast %broadcast_in_dim3A_364 : vector<16x1xi32> to vector<16xi32>
        %gather3A_366 = tpu.dynamic_gather %add3A_360[%gather3A_365] in [0] : vector<16xf32>, vector<16xi32> -> vector<16xf32>
        %add3A_367 = arith.addf %add3A_360, %gather3A_366 : vector<16xf32>
        %xor3A_368 = arith.constant 1 : i32
        %xor3A_369 = vector.broadcast %xor3A_368 : i32 to vector<16xi32>
        %xor3A_370 = arith.xori %iota3A, %xor3A_369 : vector<16xi32>
        %broadcast_in_dim3A_371 = vector.shape_cast %xor3A_370 : vector<16xi32> to vector<16x1xi32>
        %gather3A_372 = vector.shape_cast %broadcast_in_dim3A_371 : vector<16x1xi32> to vector<16xi32>
        %gather3A_373 = tpu.dynamic_gather %add3A_367[%gather3A_372] in [0] : vector<16xf32>, vector<16xi32> -> vector<16xf32>
        %add3A_374 = arith.addf %add3A_367, %gather3A_373 : vector<16xf32>
        %select_n3A_375 = arith.select %eq3A_346, %add3A_374, %select_n3A_240 : vector<16xi1>, vector<16xf32>
        %xor3A_376 = arith.constant 8 : i32
        %xor3A_377 = vector.broadcast %xor3A_376 : i32 to vector<16xi32>
        %xor3A_378 = arith.xori %iota3A, %xor3A_377 : vector<16xi32>
        %broadcast_in_dim3A_379 = vector.shape_cast %xor3A_378 : vector<16xi32> to vector<16x1xi32>
        %gather3A_380 = vector.shape_cast %broadcast_in_dim3A_379 : vector<16x1xi32> to vector<16xi32>
        %gather3A_381 = tpu.dynamic_gather %add3A_334[%gather3A_380] in [0] : vector<16xf32>, vector<16xi32> -> vector<16xf32>
        %add3A_382 = arith.addf %add3A_334, %gather3A_381 : vector<16xf32>
        %xor3A_383 = arith.constant 4 : i32
        %xor3A_384 = vector.broadcast %xor3A_383 : i32 to vector<16xi32>
        %xor3A_385 = arith.xori %iota3A, %xor3A_384 : vector<16xi32>
        %broadcast_in_dim3A_386 = vector.shape_cast %xor3A_385 : vector<16xi32> to vector<16x1xi32>
        %gather3A_387 = vector.shape_cast %broadcast_in_dim3A_386 : vector<16x1xi32> to vector<16xi32>
        %gather3A_388 = tpu.dynamic_gather %add3A_382[%gather3A_387] in [0] : vector<16xf32>, vector<16xi32> -> vector<16xf32>
        %add3A_389 = arith.addf %add3A_382, %gather3A_388 : vector<16xf32>
        %xor3A_390 = arith.constant 2 : i32
        %xor3A_391 = vector.broadcast %xor3A_390 : i32 to vector<16xi32>
        %xor3A_392 = arith.xori %iota3A, %xor3A_391 : vector<16xi32>
        %broadcast_in_dim3A_393 = vector.shape_cast %xor3A_392 : vector<16xi32> to vector<16x1xi32>
        %gather3A_394 = vector.shape_cast %broadcast_in_dim3A_393 : vector<16x1xi32> to vector<16xi32>
        %gather3A_395 = tpu.dynamic_gather %add3A_389[%gather3A_394] in [0] : vector<16xf32>, vector<16xi32> -> vector<16xf32>
        %add3A_396 = arith.addf %add3A_389, %gather3A_395 : vector<16xf32>
        %xor3A_397 = arith.constant 1 : i32
        %xor3A_398 = vector.broadcast %xor3A_397 : i32 to vector<16xi32>
        %xor3A_399 = arith.xori %iota3A, %xor3A_398 : vector<16xi32>
        %broadcast_in_dim3A_400 = vector.shape_cast %xor3A_399 : vector<16xi32> to vector<16x1xi32>
        %gather3A_401 = vector.shape_cast %broadcast_in_dim3A_400 : vector<16x1xi32> to vector<16xi32>
        %gather3A_402 = tpu.dynamic_gather %add3A_396[%gather3A_401] in [0] : vector<16xf32>, vector<16xi32> -> vector<16xf32>
        %add3A_403 = arith.addf %add3A_396, %gather3A_402 : vector<16xf32>
        %select_n3A_404 = arith.select %eq3A_346, %add3A_403, %select_n3A_269 : vector<16xi1>, vector<16xf32>
        %xor3A_405 = arith.constant 8 : i32
        %xor3A_406 = vector.broadcast %xor3A_405 : i32 to vector<16xi32>
        %xor3A_407 = arith.xori %iota3A, %xor3A_406 : vector<16xi32>
        %broadcast_in_dim3A_408 = vector.shape_cast %xor3A_407 : vector<16xi32> to vector<16x1xi32>
        %gather3A_409 = vector.shape_cast %broadcast_in_dim3A_408 : vector<16x1xi32> to vector<16xi32>
        %gather3A_410 = tpu.dynamic_gather %add3A_343[%gather3A_409] in [0] : vector<16xf32>, vector<16xi32> -> vector<16xf32>
        %add3A_411 = arith.addf %add3A_343, %gather3A_410 : vector<16xf32>
        %xor3A_412 = arith.constant 4 : i32
        %xor3A_413 = vector.broadcast %xor3A_412 : i32 to vector<16xi32>
        %xor3A_414 = arith.xori %iota3A, %xor3A_413 : vector<16xi32>
        %broadcast_in_dim3A_415 = vector.shape_cast %xor3A_414 : vector<16xi32> to vector<16x1xi32>
        %gather3A_416 = vector.shape_cast %broadcast_in_dim3A_415 : vector<16x1xi32> to vector<16xi32>
        %gather3A_417 = tpu.dynamic_gather %add3A_411[%gather3A_416] in [0] : vector<16xf32>, vector<16xi32> -> vector<16xf32>
        %add3A_418 = arith.addf %add3A_411, %gather3A_417 : vector<16xf32>
        %xor3A_419 = arith.constant 2 : i32
        %xor3A_420 = vector.broadcast %xor3A_419 : i32 to vector<16xi32>
        %xor3A_421 = arith.xori %iota3A, %xor3A_420 : vector<16xi32>
        %broadcast_in_dim3A_422 = vector.shape_cast %xor3A_421 : vector<16xi32> to vector<16x1xi32>
        %gather3A_423 = vector.shape_cast %broadcast_in_dim3A_422 : vector<16x1xi32> to vector<16xi32>
        %gather3A_424 = tpu.dynamic_gather %add3A_418[%gather3A_423] in [0] : vector<16xf32>, vector<16xi32> -> vector<16xf32>
        %add3A_425 = arith.addf %add3A_418, %gather3A_424 : vector<16xf32>
        %xor3A_426 = arith.constant 1 : i32
        %xor3A_427 = vector.broadcast %xor3A_426 : i32 to vector<16xi32>
        %xor3A_428 = arith.xori %iota3A, %xor3A_427 : vector<16xi32>
        %broadcast_in_dim3A_429 = vector.shape_cast %xor3A_428 : vector<16xi32> to vector<16x1xi32>
        %gather3A_430 = vector.shape_cast %broadcast_in_dim3A_429 : vector<16x1xi32> to vector<16xi32>
        %gather3A_431 = tpu.dynamic_gather %add3A_425[%gather3A_430] in [0] : vector<16xf32>, vector<16xi32> -> vector<16xf32>
        %add3A_432 = arith.addf %add3A_425, %gather3A_431 : vector<16xf32>
        %select_n3A_433 = arith.select %eq3A_346, %add3A_432, %select_n3A_298 : vector<16xi1>, vector<16xf32>
        %mul3A_434 = arith.constant 16 : i32
        %mul3A_435 = arith.muli %scan3A_31, %mul3A_434 : i32
        %add3A_436 = arith.constant 3 : i32
        %add3A_437 = arith.addi %mul3A_435, %add3A_436 : i32
        %mul3A_438 = arith.constant 1000 : i32
        %mul3A_439 = arith.muli %add3A_437, %mul3A_438 : i32
        %mul3A_440 = arith.constant 0 : i32
        %mul3A_441 = vector.broadcast %mul3A_440 : i32 to vector<16xi32>
        %mul3A_442 = arith.muli %iota3A, %mul3A_441 : vector<16xi32>
        %add3A_443 = arith.constant 3 : i32
        %add3A_444 = vector.broadcast %add3A_443 : i32 to vector<16xi32>
        %add3A_445 = arith.addi %mul3A_442, %add3A_444 : vector<16xi32>
        %broadcast_in_dim3A_446 = vector.shape_cast %add3A_445 : vector<16xi32> to vector<16x1xi32>
        %gather3A_447 = vector.shape_cast %broadcast_in_dim3A_446 : vector<16x1xi32> to vector<16xi32>
        %gather3A_448 = tpu.dynamic_gather %get3A_36[%gather3A_447] in [0] : vector<16xi32>, vector<16xi32> -> vector<16xi32>
        %sub3A_449 = arith.subi %gather3A_448, %iota3A : vector<16xi32>
        %scan3A_450 = arith.constant 0 : i32
        %scan3A_451 = arith.constant 62 : i32
        %scan3A_452 = arith.addi %scan3A_450, %scan3A_451 : i32
        %scan3A_453 = arith.constant 1 : i32
        %scan3A_454:4 = scf.for %scan3A_2206 = %scan3A_450 to %scan3A_452 step %scan3A_453 iter_args(%scan3A_2207 = %broadcast_in_dim3A_3, %scan3A_2208 = %broadcast_in_dim3A_3, %scan3A_2209 = %broadcast_in_dim3A_3, %scan3A_2210 = %broadcast_in_dim3A_5) -> (vector<16xf32>, vector<16xf32>, vector<16xf32>, vector<16xi32>)  : i32 {
          %mul3A_2211 = arith.constant 16 : i32
          %mul3A_2212 = arith.muli %scan3A_2206, %mul3A_2211 : i32
          %add3A_2213 = arith.addi %mul3A_439, %mul3A_2212 : i32
          %get3A_2214 = arith.index_cast %add3A_2213 : i32 to index
          %get3A_2215 = tpu.vector_load %arg7[%get3A_2214] {strides = array<i32>} : memref<32000xf32, #tpu.memory_space<vmem>>, vector<16xf32>,
          %get3A_2216 = vector.shape_cast %get3A_2215 : vector<16xf32> to vector<16xf32>
          %eq3A_2217 = arith.cmpi eq, %sub3A_449, %scan3A_2210 : vector<16xi32>
          %add3A_2218 = arith.addf %scan3A_2207, %get3A_2216 : vector<16xf32>
          %exp3A_2219 = math.exp %get3A_2216 : vector<16xf32>
          %add3A_2220 = arith.addf %scan3A_2208, %exp3A_2219 : vector<16xf32>
          %jit3A_2221 = arith.constant 0.000000e+00 : f32
          %broadcast_in_dim3A_2222 = vector.broadcast %jit3A_2221 : f32 to vector<16xf32>
          %select_n3A_2223 = arith.select %eq3A_2217, %get3A_2216, %broadcast_in_dim3A_2222 : vector<16xi1>, vector<16xf32>
          %add3A_2224 = arith.addf %scan3A_2209, %select_n3A_2223 : vector<16xf32>
          %add3A_2225 = arith.constant 16 : i32
          %add3A_2226 = vector.broadcast %add3A_2225 : i32 to vector<16xi32>
          %add3A_2227 = arith.addi %scan3A_2210, %add3A_2226 : vector<16xi32>
          scf.yield %add3A_2218, %add3A_2220, %add3A_2224, %add3A_2227 : vector<16xf32>, vector<16xf32>, vector<16xf32>, vector<16xi32>
        }
        %scan3A_455 = arith.constant 62 : i32
        %add3A_456 = arith.constant 984 : i32
        %add3A_457 = arith.addi %mul3A_439, %add3A_456 : i32
        %get3A_458 = arith.index_cast %add3A_457 : i32 to index
        %get3A_459 = tpu.vector_load %arg7[%get3A_458] {strides = array<i32>} : memref<32000xf32, #tpu.memory_space<vmem>>, vector<16xf32>,
        %get3A_460 = vector.shape_cast %get3A_459 : vector<16xf32> to vector<16xf32>
        %jit3A_461 = arith.constant 0.000000e+00 : f32
        %broadcast_in_dim3A_462 = vector.broadcast %jit3A_461 : f32 to vector<16xf32>
        %select_n3A_463 = arith.select %ge3A_7, %get3A_460, %broadcast_in_dim3A_462 : vector<16xi1>, vector<16xf32>
        %add3A_464 = arith.addf %scan3A_454#0, %select_n3A_463 : vector<16xf32>
        %exp3A_465 = math.exp %get3A_460 : vector<16xf32>
        %jit3A_466 = arith.constant 0.000000e+00 : f32
        %broadcast_in_dim3A_467 = vector.broadcast %jit3A_466 : f32 to vector<16xf32>
        %select_n3A_468 = arith.select %ge3A_7, %exp3A_465, %broadcast_in_dim3A_467 : vector<16xi1>, vector<16xf32>
        %add3A_469 = arith.addf %scan3A_454#1, %select_n3A_468 : vector<16xf32>
        %add3A_470 = arith.constant 984 : i32
        %add3A_471 = vector.broadcast %add3A_470 : i32 to vector<16xi32>
        %add3A_472 = arith.addi %iota3A, %add3A_471 : vector<16xi32>
        %eq3A_473 = arith.cmpi eq, %gather3A_448, %add3A_472 : vector<16xi32>
        %and3A_474 = arith.andi %ge3A_7, %eq3A_473 : vector<16xi1>
        %jit3A_475 = arith.constant 0.000000e+00 : f32
        %broadcast_in_dim3A_476 = vector.broadcast %jit3A_475 : f32 to vector<16xf32>
        %select_n3A_477 = arith.select %and3A_474, %get3A_460, %broadcast_in_dim3A_476 : vector<16xi1>, vector<16xf32>
        %add3A_478 = arith.addf %scan3A_454#2, %select_n3A_477 : vector<16xf32>
        %eq3A_479 = arith.constant 3 : i32
        %eq3A_480 = vector.broadcast %eq3A_479 : i32 to vector<16xi32>
        %eq3A_481 = arith.cmpi eq, %iota3A, %eq3A_480 : vector<16xi32>
        %xor3A_482 = arith.constant 8 : i32
        %xor3A_483 = vector.broadcast %xor3A_482 : i32 to vector<16xi32>
        %xor3A_484 = arith.xori %iota3A, %xor3A_483 : vector<16xi32>
        %broadcast_in_dim3A_485 = vector.shape_cast %xor3A_484 : vector<16xi32> to vector<16x1xi32>
        %gather3A_486 = vector.shape_cast %broadcast_in_dim3A_485 : vector<16x1xi32> to vector<16xi32>
        %gather3A_487 = tpu.dynamic_gather %add3A_464[%gather3A_486] in [0] : vector<16xf32>, vector<16xi32> -> vector<16xf32>
        %add3A_488 = arith.addf %add3A_464, %gather3A_487 : vector<16xf32>
        %xor3A_489 = arith.constant 4 : i32
        %xor3A_490 = vector.broadcast %xor3A_489 : i32 to vector<16xi32>
        %xor3A_491 = arith.xori %iota3A, %xor3A_490 : vector<16xi32>
        %broadcast_in_dim3A_492 = vector.shape_cast %xor3A_491 : vector<16xi32> to vector<16x1xi32>
        %gather3A_493 = vector.shape_cast %broadcast_in_dim3A_492 : vector<16x1xi32> to vector<16xi32>
        %gather3A_494 = tpu.dynamic_gather %add3A_488[%gather3A_493] in [0] : vector<16xf32>, vector<16xi32> -> vector<16xf32>
        %add3A_495 = arith.addf %add3A_488, %gather3A_494 : vector<16xf32>
        %xor3A_496 = arith.constant 2 : i32
        %xor3A_497 = vector.broadcast %xor3A_496 : i32 to vector<16xi32>
        %xor3A_498 = arith.xori %iota3A, %xor3A_497 : vector<16xi32>
        %broadcast_in_dim3A_499 = vector.shape_cast %xor3A_498 : vector<16xi32> to vector<16x1xi32>
        %gather3A_500 = vector.shape_cast %broadcast_in_dim3A_499 : vector<16x1xi32> to vector<16xi32>
        %gather3A_501 = tpu.dynamic_gather %add3A_495[%gather3A_500] in [0] : vector<16xf32>, vector<16xi32> -> vector<16xf32>
        %add3A_502 = arith.addf %add3A_495, %gather3A_501 : vector<16xf32>
        %xor3A_503 = arith.constant 1 : i32
        %xor3A_504 = vector.broadcast %xor3A_503 : i32 to vector<16xi32>
        %xor3A_505 = arith.xori %iota3A, %xor3A_504 : vector<16xi32>
        %broadcast_in_dim3A_506 = vector.shape_cast %xor3A_505 : vector<16xi32> to vector<16x1xi32>
        %gather3A_507 = vector.shape_cast %broadcast_in_dim3A_506 : vector<16x1xi32> to vector<16xi32>
        %gather3A_508 = tpu.dynamic_gather %add3A_502[%gather3A_507] in [0] : vector<16xf32>, vector<16xi32> -> vector<16xf32>
        %add3A_509 = arith.addf %add3A_502, %gather3A_508 : vector<16xf32>
        %select_n3A_510 = arith.select %eq3A_481, %add3A_509, %select_n3A_375 : vector<16xi1>, vector<16xf32>
        %xor3A_511 = arith.constant 8 : i32
        %xor3A_512 = vector.broadcast %xor3A_511 : i32 to vector<16xi32>
        %xor3A_513 = arith.xori %iota3A, %xor3A_512 : vector<16xi32>
        %broadcast_in_dim3A_514 = vector.shape_cast %xor3A_513 : vector<16xi32> to vector<16x1xi32>
        %gather3A_515 = vector.shape_cast %broadcast_in_dim3A_514 : vector<16x1xi32> to vector<16xi32>
        %gather3A_516 = tpu.dynamic_gather %add3A_469[%gather3A_515] in [0] : vector<16xf32>, vector<16xi32> -> vector<16xf32>
        %add3A_517 = arith.addf %add3A_469, %gather3A_516 : vector<16xf32>
        %xor3A_518 = arith.constant 4 : i32
        %xor3A_519 = vector.broadcast %xor3A_518 : i32 to vector<16xi32>
        %xor3A_520 = arith.xori %iota3A, %xor3A_519 : vector<16xi32>
        %broadcast_in_dim3A_521 = vector.shape_cast %xor3A_520 : vector<16xi32> to vector<16x1xi32>
        %gather3A_522 = vector.shape_cast %broadcast_in_dim3A_521 : vector<16x1xi32> to vector<16xi32>
        %gather3A_523 = tpu.dynamic_gather %add3A_517[%gather3A_522] in [0] : vector<16xf32>, vector<16xi32> -> vector<16xf32>
        %add3A_524 = arith.addf %add3A_517, %gather3A_523 : vector<16xf32>
        %xor3A_525 = arith.constant 2 : i32
        %xor3A_526 = vector.broadcast %xor3A_525 : i32 to vector<16xi32>
        %xor3A_527 = arith.xori %iota3A, %xor3A_526 : vector<16xi32>
        %broadcast_in_dim3A_528 = vector.shape_cast %xor3A_527 : vector<16xi32> to vector<16x1xi32>
        %gather3A_529 = vector.shape_cast %broadcast_in_dim3A_528 : vector<16x1xi32> to vector<16xi32>
        %gather3A_530 = tpu.dynamic_gather %add3A_524[%gather3A_529] in [0] : vector<16xf32>, vector<16xi32> -> vector<16xf32>
        %add3A_531 = arith.addf %add3A_524, %gather3A_530 : vector<16xf32>
        %xor3A_532 = arith.constant 1 : i32
        %xor3A_533 = vector.broadcast %xor3A_532 : i32 to vector<16xi32>
        %xor3A_534 = arith.xori %iota3A, %xor3A_533 : vector<16xi32>
        %broadcast_in_dim3A_535 = vector.shape_cast %xor3A_534 : vector<16xi32> to vector<16x1xi32>
        %gather3A_536 = vector.shape_cast %broadcast_in_dim3A_535 : vector<16x1xi32> to vector<16xi32>
        %gather3A_537 = tpu.dynamic_gather %add3A_531[%gather3A_536] in [0] : vector<16xf32>, vector<16xi32> -> vector<16xf32>
        %add3A_538 = arith.addf %add3A_531, %gather3A_537 : vector<16xf32>
        %select_n3A_539 = arith.select %eq3A_481, %add3A_538, %select_n3A_404 : vector<16xi1>, vector<16xf32>
        %xor3A_540 = arith.constant 8 : i32
        %xor3A_541 = vector.broadcast %xor3A_540 : i32 to vector<16xi32>
        %xor3A_542 = arith.xori %iota3A, %xor3A_541 : vector<16xi32>
        %broadcast_in_dim3A_543 = vector.shape_cast %xor3A_542 : vector<16xi32> to vector<16x1xi32>
        %gather3A_544 = vector.shape_cast %broadcast_in_dim3A_543 : vector<16x1xi32> to vector<16xi32>
        %gather3A_545 = tpu.dynamic_gather %add3A_478[%gather3A_544] in [0] : vector<16xf32>, vector<16xi32> -> vector<16xf32>
        %add3A_546 = arith.addf %add3A_478, %gather3A_545 : vector<16xf32>
        %xor3A_547 = arith.constant 4 : i32
        %xor3A_548 = vector.broadcast %xor3A_547 : i32 to vector<16xi32>
        %xor3A_549 = arith.xori %iota3A, %xor3A_548 : vector<16xi32>
        %broadcast_in_dim3A_550 = vector.shape_cast %xor3A_549 : vector<16xi32> to vector<16x1xi32>
        %gather3A_551 = vector.shape_cast %broadcast_in_dim3A_550 : vector<16x1xi32> to vector<16xi32>
        %gather3A_552 = tpu.dynamic_gather %add3A_546[%gather3A_551] in [0] : vector<16xf32>, vector<16xi32> -> vector<16xf32>
        %add3A_553 = arith.addf %add3A_546, %gather3A_552 : vector<16xf32>
        %xor3A_554 = arith.constant 2 : i32
        %xor3A_555 = vector.broadcast %xor3A_554 : i32 to vector<16xi32>
        %xor3A_556 = arith.xori %iota3A, %xor3A_555 : vector<16xi32>
        %broadcast_in_dim3A_557 = vector.shape_cast %xor3A_556 : vector<16xi32> to vector<16x1xi32>
        %gather3A_558 = vector.shape_cast %broadcast_in_dim3A_557 : vector<16x1xi32> to vector<16xi32>
        %gather3A_559 = tpu.dynamic_gather %add3A_553[%gather3A_558] in [0] : vector<16xf32>, vector<16xi32> -> vector<16xf32>
        %add3A_560 = arith.addf %add3A_553, %gather3A_559 : vector<16xf32>
        %xor3A_561 = arith.constant 1 : i32
        %xor3A_562 = vector.broadcast %xor3A_561 : i32 to vector<16xi32>
        %xor3A_563 = arith.xori %iota3A, %xor3A_562 : vector<16xi32>
        %broadcast_in_dim3A_564 = vector.shape_cast %xor3A_563 : vector<16xi32> to vector<16x1xi32>
        %gather3A_565 = vector.shape_cast %broadcast_in_dim3A_564 : vector<16x1xi32> to vector<16xi32>
        %gather3A_566 = tpu.dynamic_gather %add3A_560[%gather3A_565] in [0] : vector<16xf32>, vector<16xi32> -> vector<16xf32>
        %add3A_567 = arith.addf %add3A_560, %gather3A_566 : vector<16xf32>
        %select_n3A_568 = arith.select %eq3A_481, %add3A_567, %select_n3A_433 : vector<16xi1>, vector<16xf32>
        %mul3A_569 = arith.constant 16 : i32
        %mul3A_570 = arith.muli %scan3A_31, %mul3A_569 : i32
        %add3A_571 = arith.constant 4 : i32
        %add3A_572 = arith.addi %mul3A_570, %add3A_571 : i32
        %mul3A_573 = arith.constant 1000 : i32
        %mul3A_574 = arith.muli %add3A_572, %mul3A_573 : i32
        %mul3A_575 = arith.constant 0 : i32
        %mul3A_576 = vector.broadcast %mul3A_575 : i32 to vector<16xi32>
        %mul3A_577 = arith.muli %iota3A, %mul3A_576 : vector<16xi32>
        %add3A_578 = arith.constant 4 : i32
        %add3A_579 = vector.broadcast %add3A_578 : i32 to vector<16xi32>
        %add3A_580 = arith.addi %mul3A_577, %add3A_579 : vector<16xi32>
        %broadcast_in_dim3A_581 = vector.shape_cast %add3A_580 : vector<16xi32> to vector<16x1xi32>
        %gather3A_582 = vector.shape_cast %broadcast_in_dim3A_581 : vector<16x1xi32> to vector<16xi32>
        %gather3A_583 = tpu.dynamic_gather %get3A_36[%gather3A_582] in [0] : vector<16xi32>, vector<16xi32> -> vector<16xi32>
        %sub3A_584 = arith.subi %gather3A_583, %iota3A : vector<16xi32>
        %scan3A_585 = arith.constant 0 : i32
        %scan3A_586 = arith.constant 62 : i32
        %scan3A_587 = arith.addi %scan3A_585, %scan3A_586 : i32
        %scan3A_588 = arith.constant 1 : i32
        %scan3A_589:4 = scf.for %scan3A_2206 = %scan3A_585 to %scan3A_587 step %scan3A_588 iter_args(%scan3A_2207 = %broadcast_in_dim3A_3, %scan3A_2208 = %broadcast_in_dim3A_3, %scan3A_2209 = %broadcast_in_dim3A_3, %scan3A_2210 = %broadcast_in_dim3A_5) -> (vector<16xf32>, vector<16xf32>, vector<16xf32>, vector<16xi32>)  : i32 {
          %mul3A_2211 = arith.constant 16 : i32
          %mul3A_2212 = arith.muli %scan3A_2206, %mul3A_2211 : i32
          %add3A_2213 = arith.addi %mul3A_574, %mul3A_2212 : i32
          %get3A_2214 = arith.index_cast %add3A_2213 : i32 to index
          %get3A_2215 = tpu.vector_load %arg7[%get3A_2214] {strides = array<i32>} : memref<32000xf32, #tpu.memory_space<vmem>>, vector<16xf32>,
          %get3A_2216 = vector.shape_cast %get3A_2215 : vector<16xf32> to vector<16xf32>
          %eq3A_2217 = arith.cmpi eq, %sub3A_584, %scan3A_2210 : vector<16xi32>
          %add3A_2218 = arith.addf %scan3A_2207, %get3A_2216 : vector<16xf32>
          %exp3A_2219 = math.exp %get3A_2216 : vector<16xf32>
          %add3A_2220 = arith.addf %scan3A_2208, %exp3A_2219 : vector<16xf32>
          %jit3A_2221 = arith.constant 0.000000e+00 : f32
          %broadcast_in_dim3A_2222 = vector.broadcast %jit3A_2221 : f32 to vector<16xf32>
          %select_n3A_2223 = arith.select %eq3A_2217, %get3A_2216, %broadcast_in_dim3A_2222 : vector<16xi1>, vector<16xf32>
          %add3A_2224 = arith.addf %scan3A_2209, %select_n3A_2223 : vector<16xf32>
          %add3A_2225 = arith.constant 16 : i32
          %add3A_2226 = vector.broadcast %add3A_2225 : i32 to vector<16xi32>
          %add3A_2227 = arith.addi %scan3A_2210, %add3A_2226 : vector<16xi32>
          scf.yield %add3A_2218, %add3A_2220, %add3A_2224, %add3A_2227 : vector<16xf32>, vector<16xf32>, vector<16xf32>, vector<16xi32>
        }
        %scan3A_590 = arith.constant 62 : i32
        %add3A_591 = arith.constant 984 : i32
        %add3A_592 = arith.addi %mul3A_574, %add3A_591 : i32
        %get3A_593 = arith.index_cast %add3A_592 : i32 to index
        %get3A_594 = tpu.vector_load %arg7[%get3A_593] {strides = array<i32>} : memref<32000xf32, #tpu.memory_space<vmem>>, vector<16xf32>,
        %get3A_595 = vector.shape_cast %get3A_594 : vector<16xf32> to vector<16xf32>
        %jit3A_596 = arith.constant 0.000000e+00 : f32
        %broadcast_in_dim3A_597 = vector.broadcast %jit3A_596 : f32 to vector<16xf32>
        %select_n3A_598 = arith.select %ge3A_7, %get3A_595, %broadcast_in_dim3A_597 : vector<16xi1>, vector<16xf32>
        %add3A_599 = arith.addf %scan3A_589#0, %select_n3A_598 : vector<16xf32>
        %exp3A_600 = math.exp %get3A_595 : vector<16xf32>
        %jit3A_601 = arith.constant 0.000000e+00 : f32
        %broadcast_in_dim3A_602 = vector.broadcast %jit3A_601 : f32 to vector<16xf32>
        %select_n3A_603 = arith.select %ge3A_7, %exp3A_600, %broadcast_in_dim3A_602 : vector<16xi1>, vector<16xf32>
        %add3A_604 = arith.addf %scan3A_589#1, %select_n3A_603 : vector<16xf32>
        %add3A_605 = arith.constant 984 : i32
        %add3A_606 = vector.broadcast %add3A_605 : i32 to vector<16xi32>
        %add3A_607 = arith.addi %iota3A, %add3A_606 : vector<16xi32>
        %eq3A_608 = arith.cmpi eq, %gather3A_583, %add3A_607 : vector<16xi32>
        %and3A_609 = arith.andi %ge3A_7, %eq3A_608 : vector<16xi1>
        %jit3A_610 = arith.constant 0.000000e+00 : f32
        %broadcast_in_dim3A_611 = vector.broadcast %jit3A_610 : f32 to vector<16xf32>
        %select_n3A_612 = arith.select %and3A_609, %get3A_595, %broadcast_in_dim3A_611 : vector<16xi1>, vector<16xf32>
        %add3A_613 = arith.addf %scan3A_589#2, %select_n3A_612 : vector<16xf32>
        %eq3A_614 = arith.constant 4 : i32
        %eq3A_615 = vector.broadcast %eq3A_614 : i32 to vector<16xi32>
        %eq3A_616 = arith.cmpi eq, %iota3A, %eq3A_615 : vector<16xi32>
        %xor3A_617 = arith.constant 8 : i32
        %xor3A_618 = vector.broadcast %xor3A_617 : i32 to vector<16xi32>
        %xor3A_619 = arith.xori %iota3A, %xor3A_618 : vector<16xi32>
        %broadcast_in_dim3A_620 = vector.shape_cast %xor3A_619 : vector<16xi32> to vector<16x1xi32>
        %gather3A_621 = vector.shape_cast %broadcast_in_dim3A_620 : vector<16x1xi32> to vector<16xi32>
        %gather3A_622 = tpu.dynamic_gather %add3A_599[%gather3A_621] in [0] : vector<16xf32>, vector<16xi32> -> vector<16xf32>
        %add3A_623 = arith.addf %add3A_599, %gather3A_622 : vector<16xf32>
        %xor3A_624 = arith.constant 4 : i32
        %xor3A_625 = vector.broadcast %xor3A_624 : i32 to vector<16xi32>
        %xor3A_626 = arith.xori %iota3A, %xor3A_625 : vector<16xi32>
        %broadcast_in_dim3A_627 = vector.shape_cast %xor3A_626 : vector<16xi32> to vector<16x1xi32>
        %gather3A_628 = vector.shape_cast %broadcast_in_dim3A_627 : vector<16x1xi32> to vector<16xi32>
        %gather3A_629 = tpu.dynamic_gather %add3A_623[%gather3A_628] in [0] : vector<16xf32>, vector<16xi32> -> vector<16xf32>
        %add3A_630 = arith.addf %add3A_623, %gather3A_629 : vector<16xf32>
        %xor3A_631 = arith.constant 2 : i32
        %xor3A_632 = vector.broadcast %xor3A_631 : i32 to vector<16xi32>
        %xor3A_633 = arith.xori %iota3A, %xor3A_632 : vector<16xi32>
        %broadcast_in_dim3A_634 = vector.shape_cast %xor3A_633 : vector<16xi32> to vector<16x1xi32>
        %gather3A_635 = vector.shape_cast %broadcast_in_dim3A_634 : vector<16x1xi32> to vector<16xi32>
        %gather3A_636 = tpu.dynamic_gather %add3A_630[%gather3A_635] in [0] : vector<16xf32>, vector<16xi32> -> vector<16xf32>
        %add3A_637 = arith.addf %add3A_630, %gather3A_636 : vector<16xf32>
        %xor3A_638 = arith.constant 1 : i32
        %xor3A_639 = vector.broadcast %xor3A_638 : i32 to vector<16xi32>
        %xor3A_640 = arith.xori %iota3A, %xor3A_639 : vector<16xi32>
        %broadcast_in_dim3A_641 = vector.shape_cast %xor3A_640 : vector<16xi32> to vector<16x1xi32>
        %gather3A_642 = vector.shape_cast %broadcast_in_dim3A_641 : vector<16x1xi32> to vector<16xi32>
        %gather3A_643 = tpu.dynamic_gather %add3A_637[%gather3A_642] in [0] : vector<16xf32>, vector<16xi32> -> vector<16xf32>
        %add3A_644 = arith.addf %add3A_637, %gather3A_643 : vector<16xf32>
        %select_n3A_645 = arith.select %eq3A_616, %add3A_644, %select_n3A_510 : vector<16xi1>, vector<16xf32>
        %xor3A_646 = arith.constant 8 : i32
        %xor3A_647 = vector.broadcast %xor3A_646 : i32 to vector<16xi32>
        %xor3A_648 = arith.xori %iota3A, %xor3A_647 : vector<16xi32>
        %broadcast_in_dim3A_649 = vector.shape_cast %xor3A_648 : vector<16xi32> to vector<16x1xi32>
        %gather3A_650 = vector.shape_cast %broadcast_in_dim3A_649 : vector<16x1xi32> to vector<16xi32>
        %gather3A_651 = tpu.dynamic_gather %add3A_604[%gather3A_650] in [0] : vector<16xf32>, vector<16xi32> -> vector<16xf32>
        %add3A_652 = arith.addf %add3A_604, %gather3A_651 : vector<16xf32>
        %xor3A_653 = arith.constant 4 : i32
        %xor3A_654 = vector.broadcast %xor3A_653 : i32 to vector<16xi32>
        %xor3A_655 = arith.xori %iota3A, %xor3A_654 : vector<16xi32>
        %broadcast_in_dim3A_656 = vector.shape_cast %xor3A_655 : vector<16xi32> to vector<16x1xi32>
        %gather3A_657 = vector.shape_cast %broadcast_in_dim3A_656 : vector<16x1xi32> to vector<16xi32>
        %gather3A_658 = tpu.dynamic_gather %add3A_652[%gather3A_657] in [0] : vector<16xf32>, vector<16xi32> -> vector<16xf32>
        %add3A_659 = arith.addf %add3A_652, %gather3A_658 : vector<16xf32>
        %xor3A_660 = arith.constant 2 : i32
        %xor3A_661 = vector.broadcast %xor3A_660 : i32 to vector<16xi32>
        %xor3A_662 = arith.xori %iota3A, %xor3A_661 : vector<16xi32>
        %broadcast_in_dim3A_663 = vector.shape_cast %xor3A_662 : vector<16xi32> to vector<16x1xi32>
        %gather3A_664 = vector.shape_cast %broadcast_in_dim3A_663 : vector<16x1xi32> to vector<16xi32>
        %gather3A_665 = tpu.dynamic_gather %add3A_659[%gather3A_664] in [0] : vector<16xf32>, vector<16xi32> -> vector<16xf32>
        %add3A_666 = arith.addf %add3A_659, %gather3A_665 : vector<16xf32>
        %xor3A_667 = arith.constant 1 : i32
        %xor3A_668 = vector.broadcast %xor3A_667 : i32 to vector<16xi32>
        %xor3A_669 = arith.xori %iota3A, %xor3A_668 : vector<16xi32>
        %broadcast_in_dim3A_670 = vector.shape_cast %xor3A_669 : vector<16xi32> to vector<16x1xi32>
        %gather3A_671 = vector.shape_cast %broadcast_in_dim3A_670 : vector<16x1xi32> to vector<16xi32>
        %gather3A_672 = tpu.dynamic_gather %add3A_666[%gather3A_671] in [0] : vector<16xf32>, vector<16xi32> -> vector<16xf32>
        %add3A_673 = arith.addf %add3A_666, %gather3A_672 : vector<16xf32>
        %select_n3A_674 = arith.select %eq3A_616, %add3A_673, %select_n3A_539 : vector<16xi1>, vector<16xf32>
        %xor3A_675 = arith.constant 8 : i32
        %xor3A_676 = vector.broadcast %xor3A_675 : i32 to vector<16xi32>
        %xor3A_677 = arith.xori %iota3A, %xor3A_676 : vector<16xi32>
        %broadcast_in_dim3A_678 = vector.shape_cast %xor3A_677 : vector<16xi32> to vector<16x1xi32>
        %gather3A_679 = vector.shape_cast %broadcast_in_dim3A_678 : vector<16x1xi32> to vector<16xi32>
        %gather3A_680 = tpu.dynamic_gather %add3A_613[%gather3A_679] in [0] : vector<16xf32>, vector<16xi32> -> vector<16xf32>
        %add3A_681 = arith.addf %add3A_613, %gather3A_680 : vector<16xf32>
        %xor3A_682 = arith.constant 4 : i32
        %xor3A_683 = vector.broadcast %xor3A_682 : i32 to vector<16xi32>
        %xor3A_684 = arith.xori %iota3A, %xor3A_683 : vector<16xi32>
        %broadcast_in_dim3A_685 = vector.shape_cast %xor3A_684 : vector<16xi32> to vector<16x1xi32>
        %gather3A_686 = vector.shape_cast %broadcast_in_dim3A_685 : vector<16x1xi32> to vector<16xi32>
        %gather3A_687 = tpu.dynamic_gather %add3A_681[%gather3A_686] in [0] : vector<16xf32>, vector<16xi32> -> vector<16xf32>
        %add3A_688 = arith.addf %add3A_681, %gather3A_687 : vector<16xf32>
        %xor3A_689 = arith.constant 2 : i32
        %xor3A_690 = vector.broadcast %xor3A_689 : i32 to vector<16xi32>
        %xor3A_691 = arith.xori %iota3A, %xor3A_690 : vector<16xi32>
        %broadcast_in_dim3A_692 = vector.shape_cast %xor3A_691 : vector<16xi32> to vector<16x1xi32>
        %gather3A_693 = vector.shape_cast %broadcast_in_dim3A_692 : vector<16x1xi32> to vector<16xi32>
        %gather3A_694 = tpu.dynamic_gather %add3A_688[%gather3A_693] in [0] : vector<16xf32>, vector<16xi32> -> vector<16xf32>
        %add3A_695 = arith.addf %add3A_688, %gather3A_694 : vector<16xf32>
        %xor3A_696 = arith.constant 1 : i32
        %xor3A_697 = vector.broadcast %xor3A_696 : i32 to vector<16xi32>
        %xor3A_698 = arith.xori %iota3A, %xor3A_697 : vector<16xi32>
        %broadcast_in_dim3A_699 = vector.shape_cast %xor3A_698 : vector<16xi32> to vector<16x1xi32>
        %gather3A_700 = vector.shape_cast %broadcast_in_dim3A_699 : vector<16x1xi32> to vector<16xi32>
        %gather3A_701 = tpu.dynamic_gather %add3A_695[%gather3A_700] in [0] : vector<16xf32>, vector<16xi32> -> vector<16xf32>
        %add3A_702 = arith.addf %add3A_695, %gather3A_701 : vector<16xf32>
        %select_n3A_703 = arith.select %eq3A_616, %add3A_702, %select_n3A_568 : vector<16xi1>, vector<16xf32>
        %mul3A_704 = arith.constant 16 : i32
        %mul3A_705 = arith.muli %scan3A_31, %mul3A_704 : i32
        %add3A_706 = arith.constant 5 : i32
        %add3A_707 = arith.addi %mul3A_705, %add3A_706 : i32
        %mul3A_708 = arith.constant 1000 : i32
        %mul3A_709 = arith.muli %add3A_707, %mul3A_708 : i32
        %mul3A_710 = arith.constant 0 : i32
        %mul3A_711 = vector.broadcast %mul3A_710 : i32 to vector<16xi32>
        %mul3A_712 = arith.muli %iota3A, %mul3A_711 : vector<16xi32>
        %add3A_713 = arith.constant 5 : i32
        %add3A_714 = vector.broadcast %add3A_713 : i32 to vector<16xi32>
        %add3A_715 = arith.addi %mul3A_712, %add3A_714 : vector<16xi32>
        %broadcast_in_dim3A_716 = vector.shape_cast %add3A_715 : vector<16xi32> to vector<16x1xi32>
        %gather3A_717 = vector.shape_cast %broadcast_in_dim3A_716 : vector<16x1xi32> to vector<16xi32>
        %gather3A_718 = tpu.dynamic_gather %get3A_36[%gather3A_717] in [0] : vector<16xi32>, vector<16xi32> -> vector<16xi32>
        %sub3A_719 = arith.subi %gather3A_718, %iota3A : vector<16xi32>
        %scan3A_720 = arith.constant 0 : i32
        %scan3A_721 = arith.constant 62 : i32
        %scan3A_722 = arith.addi %scan3A_720, %scan3A_721 : i32
        %scan3A_723 = arith.constant 1 : i32
        %scan3A_724:4 = scf.for %scan3A_2206 = %scan3A_720 to %scan3A_722 step %scan3A_723 iter_args(%scan3A_2207 = %broadcast_in_dim3A_3, %scan3A_2208 = %broadcast_in_dim3A_3, %scan3A_2209 = %broadcast_in_dim3A_3, %scan3A_2210 = %broadcast_in_dim3A_5) -> (vector<16xf32>, vector<16xf32>, vector<16xf32>, vector<16xi32>)  : i32 {
          %mul3A_2211 = arith.constant 16 : i32
          %mul3A_2212 = arith.muli %scan3A_2206, %mul3A_2211 : i32
          %add3A_2213 = arith.addi %mul3A_709, %mul3A_2212 : i32
          %get3A_2214 = arith.index_cast %add3A_2213 : i32 to index
          %get3A_2215 = tpu.vector_load %arg7[%get3A_2214] {strides = array<i32>} : memref<32000xf32, #tpu.memory_space<vmem>>, vector<16xf32>,
          %get3A_2216 = vector.shape_cast %get3A_2215 : vector<16xf32> to vector<16xf32>
          %eq3A_2217 = arith.cmpi eq, %sub3A_719, %scan3A_2210 : vector<16xi32>
          %add3A_2218 = arith.addf %scan3A_2207, %get3A_2216 : vector<16xf32>
          %exp3A_2219 = math.exp %get3A_2216 : vector<16xf32>
          %add3A_2220 = arith.addf %scan3A_2208, %exp3A_2219 : vector<16xf32>
          %jit3A_2221 = arith.constant 0.000000e+00 : f32
          %broadcast_in_dim3A_2222 = vector.broadcast %jit3A_2221 : f32 to vector<16xf32>
          %select_n3A_2223 = arith.select %eq3A_2217, %get3A_2216, %broadcast_in_dim3A_2222 : vector<16xi1>, vector<16xf32>
          %add3A_2224 = arith.addf %scan3A_2209, %select_n3A_2223 : vector<16xf32>
          %add3A_2225 = arith.constant 16 : i32
          %add3A_2226 = vector.broadcast %add3A_2225 : i32 to vector<16xi32>
          %add3A_2227 = arith.addi %scan3A_2210, %add3A_2226 : vector<16xi32>
          scf.yield %add3A_2218, %add3A_2220, %add3A_2224, %add3A_2227 : vector<16xf32>, vector<16xf32>, vector<16xf32>, vector<16xi32>
        }
        %scan3A_725 = arith.constant 62 : i32
        %add3A_726 = arith.constant 984 : i32
        %add3A_727 = arith.addi %mul3A_709, %add3A_726 : i32
        %get3A_728 = arith.index_cast %add3A_727 : i32 to index
        %get3A_729 = tpu.vector_load %arg7[%get3A_728] {strides = array<i32>} : memref<32000xf32, #tpu.memory_space<vmem>>, vector<16xf32>,
        %get3A_730 = vector.shape_cast %get3A_729 : vector<16xf32> to vector<16xf32>
        %jit3A_731 = arith.constant 0.000000e+00 : f32
        %broadcast_in_dim3A_732 = vector.broadcast %jit3A_731 : f32 to vector<16xf32>
        %select_n3A_733 = arith.select %ge3A_7, %get3A_730, %broadcast_in_dim3A_732 : vector<16xi1>, vector<16xf32>
        %add3A_734 = arith.addf %scan3A_724#0, %select_n3A_733 : vector<16xf32>
        %exp3A_735 = math.exp %get3A_730 : vector<16xf32>
        %jit3A_736 = arith.constant 0.000000e+00 : f32
        %broadcast_in_dim3A_737 = vector.broadcast %jit3A_736 : f32 to vector<16xf32>
        %select_n3A_738 = arith.select %ge3A_7, %exp3A_735, %broadcast_in_dim3A_737 : vector<16xi1>, vector<16xf32>
        %add3A_739 = arith.addf %scan3A_724#1, %select_n3A_738 : vector<16xf32>
        %add3A_740 = arith.constant 984 : i32
        %add3A_741 = vector.broadcast %add3A_740 : i32 to vector<16xi32>
        %add3A_742 = arith.addi %iota3A, %add3A_741 : vector<16xi32>
        %eq3A_743 = arith.cmpi eq, %gather3A_718, %add3A_742 : vector<16xi32>
        %and3A_744 = arith.andi %ge3A_7, %eq3A_743 : vector<16xi1>
        %jit3A_745 = arith.constant 0.000000e+00 : f32
        %broadcast_in_dim3A_746 = vector.broadcast %jit3A_745 : f32 to vector<16xf32>
        %select_n3A_747 = arith.select %and3A_744, %get3A_730, %broadcast_in_dim3A_746 : vector<16xi1>, vector<16xf32>
        %add3A_748 = arith.addf %scan3A_724#2, %select_n3A_747 : vector<16xf32>
        %eq3A_749 = arith.constant 5 : i32
        %eq3A_750 = vector.broadcast %eq3A_749 : i32 to vector<16xi32>
        %eq3A_751 = arith.cmpi eq, %iota3A, %eq3A_750 : vector<16xi32>
        %xor3A_752 = arith.constant 8 : i32
        %xor3A_753 = vector.broadcast %xor3A_752 : i32 to vector<16xi32>
        %xor3A_754 = arith.xori %iota3A, %xor3A_753 : vector<16xi32>
        %broadcast_in_dim3A_755 = vector.shape_cast %xor3A_754 : vector<16xi32> to vector<16x1xi32>
        %gather3A_756 = vector.shape_cast %broadcast_in_dim3A_755 : vector<16x1xi32> to vector<16xi32>
        %gather3A_757 = tpu.dynamic_gather %add3A_734[%gather3A_756] in [0] : vector<16xf32>, vector<16xi32> -> vector<16xf32>
        %add3A_758 = arith.addf %add3A_734, %gather3A_757 : vector<16xf32>
        %xor3A_759 = arith.constant 4 : i32
        %xor3A_760 = vector.broadcast %xor3A_759 : i32 to vector<16xi32>
        %xor3A_761 = arith.xori %iota3A, %xor3A_760 : vector<16xi32>
        %broadcast_in_dim3A_762 = vector.shape_cast %xor3A_761 : vector<16xi32> to vector<16x1xi32>
        %gather3A_763 = vector.shape_cast %broadcast_in_dim3A_762 : vector<16x1xi32> to vector<16xi32>
        %gather3A_764 = tpu.dynamic_gather %add3A_758[%gather3A_763] in [0] : vector<16xf32>, vector<16xi32> -> vector<16xf32>
        %add3A_765 = arith.addf %add3A_758, %gather3A_764 : vector<16xf32>
        %xor3A_766 = arith.constant 2 : i32
        %xor3A_767 = vector.broadcast %xor3A_766 : i32 to vector<16xi32>
        %xor3A_768 = arith.xori %iota3A, %xor3A_767 : vector<16xi32>
        %broadcast_in_dim3A_769 = vector.shape_cast %xor3A_768 : vector<16xi32> to vector<16x1xi32>
        %gather3A_770 = vector.shape_cast %broadcast_in_dim3A_769 : vector<16x1xi32> to vector<16xi32>
        %gather3A_771 = tpu.dynamic_gather %add3A_765[%gather3A_770] in [0] : vector<16xf32>, vector<16xi32> -> vector<16xf32>
        %add3A_772 = arith.addf %add3A_765, %gather3A_771 : vector<16xf32>
        %xor3A_773 = arith.constant 1 : i32
        %xor3A_774 = vector.broadcast %xor3A_773 : i32 to vector<16xi32>
        %xor3A_775 = arith.xori %iota3A, %xor3A_774 : vector<16xi32>
        %broadcast_in_dim3A_776 = vector.shape_cast %xor3A_775 : vector<16xi32> to vector<16x1xi32>
        %gather3A_777 = vector.shape_cast %broadcast_in_dim3A_776 : vector<16x1xi32> to vector<16xi32>
        %gather3A_778 = tpu.dynamic_gather %add3A_772[%gather3A_777] in [0] : vector<16xf32>, vector<16xi32> -> vector<16xf32>
        %add3A_779 = arith.addf %add3A_772, %gather3A_778 : vector<16xf32>
        %select_n3A_780 = arith.select %eq3A_751, %add3A_779, %select_n3A_645 : vector<16xi1>, vector<16xf32>
        %xor3A_781 = arith.constant 8 : i32
        %xor3A_782 = vector.broadcast %xor3A_781 : i32 to vector<16xi32>
        %xor3A_783 = arith.xori %iota3A, %xor3A_782 : vector<16xi32>
        %broadcast_in_dim3A_784 = vector.shape_cast %xor3A_783 : vector<16xi32> to vector<16x1xi32>
        %gather3A_785 = vector.shape_cast %broadcast_in_dim3A_784 : vector<16x1xi32> to vector<16xi32>
        %gather3A_786 = tpu.dynamic_gather %add3A_739[%gather3A_785] in [0] : vector<16xf32>, vector<16xi32> -> vector<16xf32>
        %add3A_787 = arith.addf %add3A_739, %gather3A_786 : vector<16xf32>
        %xor3A_788 = arith.constant 4 : i32
        %xor3A_789 = vector.broadcast %xor3A_788 : i32 to vector<16xi32>
        %xor3A_790 = arith.xori %iota3A, %xor3A_789 : vector<16xi32>
        %broadcast_in_dim3A_791 = vector.shape_cast %xor3A_790 : vector<16xi32> to vector<16x1xi32>
        %gather3A_792 = vector.shape_cast %broadcast_in_dim3A_791 : vector<16x1xi32> to vector<16xi32>
        %gather3A_793 = tpu.dynamic_gather %add3A_787[%gather3A_792] in [0] : vector<16xf32>, vector<16xi32> -> vector<16xf32>
        %add3A_794 = arith.addf %add3A_787, %gather3A_793 : vector<16xf32>
        %xor3A_795 = arith.constant 2 : i32
        %xor3A_796 = vector.broadcast %xor3A_795 : i32 to vector<16xi32>
        %xor3A_797 = arith.xori %iota3A, %xor3A_796 : vector<16xi32>
        %broadcast_in_dim3A_798 = vector.shape_cast %xor3A_797 : vector<16xi32> to vector<16x1xi32>
        %gather3A_799 = vector.shape_cast %broadcast_in_dim3A_798 : vector<16x1xi32> to vector<16xi32>
        %gather3A_800 = tpu.dynamic_gather %add3A_794[%gather3A_799] in [0] : vector<16xf32>, vector<16xi32> -> vector<16xf32>
        %add3A_801 = arith.addf %add3A_794, %gather3A_800 : vector<16xf32>
        %xor3A_802 = arith.constant 1 : i32
        %xor3A_803 = vector.broadcast %xor3A_802 : i32 to vector<16xi32>
        %xor3A_804 = arith.xori %iota3A, %xor3A_803 : vector<16xi32>
        %broadcast_in_dim3A_805 = vector.shape_cast %xor3A_804 : vector<16xi32> to vector<16x1xi32>
        %gather3A_806 = vector.shape_cast %broadcast_in_dim3A_805 : vector<16x1xi32> to vector<16xi32>
        %gather3A_807 = tpu.dynamic_gather %add3A_801[%gather3A_806] in [0] : vector<16xf32>, vector<16xi32> -> vector<16xf32>
        %add3A_808 = arith.addf %add3A_801, %gather3A_807 : vector<16xf32>
        %select_n3A_809 = arith.select %eq3A_751, %add3A_808, %select_n3A_674 : vector<16xi1>, vector<16xf32>
        %xor3A_810 = arith.constant 8 : i32
        %xor3A_811 = vector.broadcast %xor3A_810 : i32 to vector<16xi32>
        %xor3A_812 = arith.xori %iota3A, %xor3A_811 : vector<16xi32>
        %broadcast_in_dim3A_813 = vector.shape_cast %xor3A_812 : vector<16xi32> to vector<16x1xi32>
        %gather3A_814 = vector.shape_cast %broadcast_in_dim3A_813 : vector<16x1xi32> to vector<16xi32>
        %gather3A_815 = tpu.dynamic_gather %add3A_748[%gather3A_814] in [0] : vector<16xf32>, vector<16xi32> -> vector<16xf32>
        %add3A_816 = arith.addf %add3A_748, %gather3A_815 : vector<16xf32>
        %xor3A_817 = arith.constant 4 : i32
        %xor3A_818 = vector.broadcast %xor3A_817 : i32 to vector<16xi32>
        %xor3A_819 = arith.xori %iota3A, %xor3A_818 : vector<16xi32>
        %broadcast_in_dim3A_820 = vector.shape_cast %xor3A_819 : vector<16xi32> to vector<16x1xi32>
        %gather3A_821 = vector.shape_cast %broadcast_in_dim3A_820 : vector<16x1xi32> to vector<16xi32>
        %gather3A_822 = tpu.dynamic_gather %add3A_816[%gather3A_821] in [0] : vector<16xf32>, vector<16xi32> -> vector<16xf32>
        %add3A_823 = arith.addf %add3A_816, %gather3A_822 : vector<16xf32>
        %xor3A_824 = arith.constant 2 : i32
        %xor3A_825 = vector.broadcast %xor3A_824 : i32 to vector<16xi32>
        %xor3A_826 = arith.xori %iota3A, %xor3A_825 : vector<16xi32>
        %broadcast_in_dim3A_827 = vector.shape_cast %xor3A_826 : vector<16xi32> to vector<16x1xi32>
        %gather3A_828 = vector.shape_cast %broadcast_in_dim3A_827 : vector<16x1xi32> to vector<16xi32>
        %gather3A_829 = tpu.dynamic_gather %add3A_823[%gather3A_828] in [0] : vector<16xf32>, vector<16xi32> -> vector<16xf32>
        %add3A_830 = arith.addf %add3A_823, %gather3A_829 : vector<16xf32>
        %xor3A_831 = arith.constant 1 : i32
        %xor3A_832 = vector.broadcast %xor3A_831 : i32 to vector<16xi32>
        %xor3A_833 = arith.xori %iota3A, %xor3A_832 : vector<16xi32>
        %broadcast_in_dim3A_834 = vector.shape_cast %xor3A_833 : vector<16xi32> to vector<16x1xi32>
        %gather3A_835 = vector.shape_cast %broadcast_in_dim3A_834 : vector<16x1xi32> to vector<16xi32>
        %gather3A_836 = tpu.dynamic_gather %add3A_830[%gather3A_835] in [0] : vector<16xf32>, vector<16xi32> -> vector<16xf32>
        %add3A_837 = arith.addf %add3A_830, %gather3A_836 : vector<16xf32>
        %select_n3A_838 = arith.select %eq3A_751, %add3A_837, %select_n3A_703 : vector<16xi1>, vector<16xf32>
        %mul3A_839 = arith.constant 16 : i32
        %mul3A_840 = arith.muli %scan3A_31, %mul3A_839 : i32
        %add3A_841 = arith.constant 6 : i32
        %add3A_842 = arith.addi %mul3A_840, %add3A_841 : i32
        %mul3A_843 = arith.constant 1000 : i32
        %mul3A_844 = arith.muli %add3A_842, %mul3A_843 : i32
        %mul3A_845 = arith.constant 0 : i32
        %mul3A_846 = vector.broadcast %mul3A_845 : i32 to vector<16xi32>
        %mul3A_847 = arith.muli %iota3A, %mul3A_846 : vector<16xi32>
        %add3A_848 = arith.constant 6 : i32
        %add3A_849 = vector.broadcast %add3A_848 : i32 to vector<16xi32>
        %add3A_850 = arith.addi %mul3A_847, %add3A_849 : vector<16xi32>
        %broadcast_in_dim3A_851 = vector.shape_cast %add3A_850 : vector<16xi32> to vector<16x1xi32>
        %gather3A_852 = vector.shape_cast %broadcast_in_dim3A_851 : vector<16x1xi32> to vector<16xi32>
        %gather3A_853 = tpu.dynamic_gather %get3A_36[%gather3A_852] in [0] : vector<16xi32>, vector<16xi32> -> vector<16xi32>
        %sub3A_854 = arith.subi %gather3A_853, %iota3A : vector<16xi32>
        %scan3A_855 = arith.constant 0 : i32
        %scan3A_856 = arith.constant 62 : i32
        %scan3A_857 = arith.addi %scan3A_855, %scan3A_856 : i32
        %scan3A_858 = arith.constant 1 : i32
        %scan3A_859:4 = scf.for %scan3A_2206 = %scan3A_855 to %scan3A_857 step %scan3A_858 iter_args(%scan3A_2207 = %broadcast_in_dim3A_3, %scan3A_2208 = %broadcast_in_dim3A_3, %scan3A_2209 = %broadcast_in_dim3A_3, %scan3A_2210 = %broadcast_in_dim3A_5) -> (vector<16xf32>, vector<16xf32>, vector<16xf32>, vector<16xi32>)  : i32 {
          %mul3A_2211 = arith.constant 16 : i32
          %mul3A_2212 = arith.muli %scan3A_2206, %mul3A_2211 : i32
          %add3A_2213 = arith.addi %mul3A_844, %mul3A_2212 : i32
          %get3A_2214 = arith.index_cast %add3A_2213 : i32 to index
          %get3A_2215 = tpu.vector_load %arg7[%get3A_2214] {strides = array<i32>} : memref<32000xf32, #tpu.memory_space<vmem>>, vector<16xf32>,
          %get3A_2216 = vector.shape_cast %get3A_2215 : vector<16xf32> to vector<16xf32>
          %eq3A_2217 = arith.cmpi eq, %sub3A_854, %scan3A_2210 : vector<16xi32>
          %add3A_2218 = arith.addf %scan3A_2207, %get3A_2216 : vector<16xf32>
          %exp3A_2219 = math.exp %get3A_2216 : vector<16xf32>
          %add3A_2220 = arith.addf %scan3A_2208, %exp3A_2219 : vector<16xf32>
          %jit3A_2221 = arith.constant 0.000000e+00 : f32
          %broadcast_in_dim3A_2222 = vector.broadcast %jit3A_2221 : f32 to vector<16xf32>
          %select_n3A_2223 = arith.select %eq3A_2217, %get3A_2216, %broadcast_in_dim3A_2222 : vector<16xi1>, vector<16xf32>
          %add3A_2224 = arith.addf %scan3A_2209, %select_n3A_2223 : vector<16xf32>
          %add3A_2225 = arith.constant 16 : i32
          %add3A_2226 = vector.broadcast %add3A_2225 : i32 to vector<16xi32>
          %add3A_2227 = arith.addi %scan3A_2210, %add3A_2226 : vector<16xi32>
          scf.yield %add3A_2218, %add3A_2220, %add3A_2224, %add3A_2227 : vector<16xf32>, vector<16xf32>, vector<16xf32>, vector<16xi32>
        }
        %scan3A_860 = arith.constant 62 : i32
        %add3A_861 = arith.constant 984 : i32
        %add3A_862 = arith.addi %mul3A_844, %add3A_861 : i32
        %get3A_863 = arith.index_cast %add3A_862 : i32 to index
        %get3A_864 = tpu.vector_load %arg7[%get3A_863] {strides = array<i32>} : memref<32000xf32, #tpu.memory_space<vmem>>, vector<16xf32>,
        %get3A_865 = vector.shape_cast %get3A_864 : vector<16xf32> to vector<16xf32>
        %jit3A_866 = arith.constant 0.000000e+00 : f32
        %broadcast_in_dim3A_867 = vector.broadcast %jit3A_866 : f32 to vector<16xf32>
        %select_n3A_868 = arith.select %ge3A_7, %get3A_865, %broadcast_in_dim3A_867 : vector<16xi1>, vector<16xf32>
        %add3A_869 = arith.addf %scan3A_859#0, %select_n3A_868 : vector<16xf32>
        %exp3A_870 = math.exp %get3A_865 : vector<16xf32>
        %jit3A_871 = arith.constant 0.000000e+00 : f32
        %broadcast_in_dim3A_872 = vector.broadcast %jit3A_871 : f32 to vector<16xf32>
        %select_n3A_873 = arith.select %ge3A_7, %exp3A_870, %broadcast_in_dim3A_872 : vector<16xi1>, vector<16xf32>
        %add3A_874 = arith.addf %scan3A_859#1, %select_n3A_873 : vector<16xf32>
        %add3A_875 = arith.constant 984 : i32
        %add3A_876 = vector.broadcast %add3A_875 : i32 to vector<16xi32>
        %add3A_877 = arith.addi %iota3A, %add3A_876 : vector<16xi32>
        %eq3A_878 = arith.cmpi eq, %gather3A_853, %add3A_877 : vector<16xi32>
        %and3A_879 = arith.andi %ge3A_7, %eq3A_878 : vector<16xi1>
        %jit3A_880 = arith.constant 0.000000e+00 : f32
        %broadcast_in_dim3A_881 = vector.broadcast %jit3A_880 : f32 to vector<16xf32>
        %select_n3A_882 = arith.select %and3A_879, %get3A_865, %broadcast_in_dim3A_881 : vector<16xi1>, vector<16xf32>
        %add3A_883 = arith.addf %scan3A_859#2, %select_n3A_882 : vector<16xf32>
        %eq3A_884 = arith.constant 6 : i32
        %eq3A_885 = vector.broadcast %eq3A_884 : i32 to vector<16xi32>
        %eq3A_886 = arith.cmpi eq, %iota3A, %eq3A_885 : vector<16xi32>
        %xor3A_887 = arith.constant 8 : i32
        %xor3A_888 = vector.broadcast %xor3A_887 : i32 to vector<16xi32>
        %xor3A_889 = arith.xori %iota3A, %xor3A_888 : vector<16xi32>
        %broadcast_in_dim3A_890 = vector.shape_cast %xor3A_889 : vector<16xi32> to vector<16x1xi32>
        %gather3A_891 = vector.shape_cast %broadcast_in_dim3A_890 : vector<16x1xi32> to vector<16xi32>
        %gather3A_892 = tpu.dynamic_gather %add3A_869[%gather3A_891] in [0] : vector<16xf32>, vector<16xi32> -> vector<16xf32>
        %add3A_893 = arith.addf %add3A_869, %gather3A_892 : vector<16xf32>
        %xor3A_894 = arith.constant 4 : i32
        %xor3A_895 = vector.broadcast %xor3A_894 : i32 to vector<16xi32>
        %xor3A_896 = arith.xori %iota3A, %xor3A_895 : vector<16xi32>
        %broadcast_in_dim3A_897 = vector.shape_cast %xor3A_896 : vector<16xi32> to vector<16x1xi32>
        %gather3A_898 = vector.shape_cast %broadcast_in_dim3A_897 : vector<16x1xi32> to vector<16xi32>
        %gather3A_899 = tpu.dynamic_gather %add3A_893[%gather3A_898] in [0] : vector<16xf32>, vector<16xi32> -> vector<16xf32>
        %add3A_900 = arith.addf %add3A_893, %gather3A_899 : vector<16xf32>
        %xor3A_901 = arith.constant 2 : i32
        %xor3A_902 = vector.broadcast %xor3A_901 : i32 to vector<16xi32>
        %xor3A_903 = arith.xori %iota3A, %xor3A_902 : vector<16xi32>
        %broadcast_in_dim3A_904 = vector.shape_cast %xor3A_903 : vector<16xi32> to vector<16x1xi32>
        %gather3A_905 = vector.shape_cast %broadcast_in_dim3A_904 : vector<16x1xi32> to vector<16xi32>
        %gather3A_906 = tpu.dynamic_gather %add3A_900[%gather3A_905] in [0] : vector<16xf32>, vector<16xi32> -> vector<16xf32>
        %add3A_907 = arith.addf %add3A_900, %gather3A_906 : vector<16xf32>
        %xor3A_908 = arith.constant 1 : i32
        %xor3A_909 = vector.broadcast %xor3A_908 : i32 to vector<16xi32>
        %xor3A_910 = arith.xori %iota3A, %xor3A_909 : vector<16xi32>
        %broadcast_in_dim3A_911 = vector.shape_cast %xor3A_910 : vector<16xi32> to vector<16x1xi32>
        %gather3A_912 = vector.shape_cast %broadcast_in_dim3A_911 : vector<16x1xi32> to vector<16xi32>
        %gather3A_913 = tpu.dynamic_gather %add3A_907[%gather3A_912] in [0] : vector<16xf32>, vector<16xi32> -> vector<16xf32>
        %add3A_914 = arith.addf %add3A_907, %gather3A_913 : vector<16xf32>
        %select_n3A_915 = arith.select %eq3A_886, %add3A_914, %select_n3A_780 : vector<16xi1>, vector<16xf32>
        %xor3A_916 = arith.constant 8 : i32
        %xor3A_917 = vector.broadcast %xor3A_916 : i32 to vector<16xi32>
        %xor3A_918 = arith.xori %iota3A, %xor3A_917 : vector<16xi32>
        %broadcast_in_dim3A_919 = vector.shape_cast %xor3A_918 : vector<16xi32> to vector<16x1xi32>
        %gather3A_920 = vector.shape_cast %broadcast_in_dim3A_919 : vector<16x1xi32> to vector<16xi32>
        %gather3A_921 = tpu.dynamic_gather %add3A_874[%gather3A_920] in [0] : vector<16xf32>, vector<16xi32> -> vector<16xf32>
        %add3A_922 = arith.addf %add3A_874, %gather3A_921 : vector<16xf32>
        %xor3A_923 = arith.constant 4 : i32
        %xor3A_924 = vector.broadcast %xor3A_923 : i32 to vector<16xi32>
        %xor3A_925 = arith.xori %iota3A, %xor3A_924 : vector<16xi32>
        %broadcast_in_dim3A_926 = vector.shape_cast %xor3A_925 : vector<16xi32> to vector<16x1xi32>
        %gather3A_927 = vector.shape_cast %broadcast_in_dim3A_926 : vector<16x1xi32> to vector<16xi32>
        %gather3A_928 = tpu.dynamic_gather %add3A_922[%gather3A_927] in [0] : vector<16xf32>, vector<16xi32> -> vector<16xf32>
        %add3A_929 = arith.addf %add3A_922, %gather3A_928 : vector<16xf32>
        %xor3A_930 = arith.constant 2 : i32
        %xor3A_931 = vector.broadcast %xor3A_930 : i32 to vector<16xi32>
        %xor3A_932 = arith.xori %iota3A, %xor3A_931 : vector<16xi32>
        %broadcast_in_dim3A_933 = vector.shape_cast %xor3A_932 : vector<16xi32> to vector<16x1xi32>
        %gather3A_934 = vector.shape_cast %broadcast_in_dim3A_933 : vector<16x1xi32> to vector<16xi32>
        %gather3A_935 = tpu.dynamic_gather %add3A_929[%gather3A_934] in [0] : vector<16xf32>, vector<16xi32> -> vector<16xf32>
        %add3A_936 = arith.addf %add3A_929, %gather3A_935 : vector<16xf32>
        %xor3A_937 = arith.constant 1 : i32
        %xor3A_938 = vector.broadcast %xor3A_937 : i32 to vector<16xi32>
        %xor3A_939 = arith.xori %iota3A, %xor3A_938 : vector<16xi32>
        %broadcast_in_dim3A_940 = vector.shape_cast %xor3A_939 : vector<16xi32> to vector<16x1xi32>
        %gather3A_941 = vector.shape_cast %broadcast_in_dim3A_940 : vector<16x1xi32> to vector<16xi32>
        %gather3A_942 = tpu.dynamic_gather %add3A_936[%gather3A_941] in [0] : vector<16xf32>, vector<16xi32> -> vector<16xf32>
        %add3A_943 = arith.addf %add3A_936, %gather3A_942 : vector<16xf32>
        %select_n3A_944 = arith.select %eq3A_886, %add3A_943, %select_n3A_809 : vector<16xi1>, vector<16xf32>
        %xor3A_945 = arith.constant 8 : i32
        %xor3A_946 = vector.broadcast %xor3A_945 : i32 to vector<16xi32>
        %xor3A_947 = arith.xori %iota3A, %xor3A_946 : vector<16xi32>
        %broadcast_in_dim3A_948 = vector.shape_cast %xor3A_947 : vector<16xi32> to vector<16x1xi32>
        %gather3A_949 = vector.shape_cast %broadcast_in_dim3A_948 : vector<16x1xi32> to vector<16xi32>
        %gather3A_950 = tpu.dynamic_gather %add3A_883[%gather3A_949] in [0] : vector<16xf32>, vector<16xi32> -> vector<16xf32>
        %add3A_951 = arith.addf %add3A_883, %gather3A_950 : vector<16xf32>
        %xor3A_952 = arith.constant 4 : i32
        %xor3A_953 = vector.broadcast %xor3A_952 : i32 to vector<16xi32>
        %xor3A_954 = arith.xori %iota3A, %xor3A_953 : vector<16xi32>
        %broadcast_in_dim3A_955 = vector.shape_cast %xor3A_954 : vector<16xi32> to vector<16x1xi32>
        %gather3A_956 = vector.shape_cast %broadcast_in_dim3A_955 : vector<16x1xi32> to vector<16xi32>
        %gather3A_957 = tpu.dynamic_gather %add3A_951[%gather3A_956] in [0] : vector<16xf32>, vector<16xi32> -> vector<16xf32>
        %add3A_958 = arith.addf %add3A_951, %gather3A_957 : vector<16xf32>
        %xor3A_959 = arith.constant 2 : i32
        %xor3A_960 = vector.broadcast %xor3A_959 : i32 to vector<16xi32>
        %xor3A_961 = arith.xori %iota3A, %xor3A_960 : vector<16xi32>
        %broadcast_in_dim3A_962 = vector.shape_cast %xor3A_961 : vector<16xi32> to vector<16x1xi32>
        %gather3A_963 = vector.shape_cast %broadcast_in_dim3A_962 : vector<16x1xi32> to vector<16xi32>
        %gather3A_964 = tpu.dynamic_gather %add3A_958[%gather3A_963] in [0] : vector<16xf32>, vector<16xi32> -> vector<16xf32>
        %add3A_965 = arith.addf %add3A_958, %gather3A_964 : vector<16xf32>
        %xor3A_966 = arith.constant 1 : i32
        %xor3A_967 = vector.broadcast %xor3A_966 : i32 to vector<16xi32>
        %xor3A_968 = arith.xori %iota3A, %xor3A_967 : vector<16xi32>
        %broadcast_in_dim3A_969 = vector.shape_cast %xor3A_968 : vector<16xi32> to vector<16x1xi32>
        %gather3A_970 = vector.shape_cast %broadcast_in_dim3A_969 : vector<16x1xi32> to vector<16xi32>
        %gather3A_971 = tpu.dynamic_gather %add3A_965[%gather3A_970] in [0] : vector<16xf32>, vector<16xi32> -> vector<16xf32>
        %add3A_972 = arith.addf %add3A_965, %gather3A_971 : vector<16xf32>
        %select_n3A_973 = arith.select %eq3A_886, %add3A_972, %select_n3A_838 : vector<16xi1>, vector<16xf32>
        %mul3A_974 = arith.constant 16 : i32
        %mul3A_975 = arith.muli %scan3A_31, %mul3A_974 : i32
        %add3A_976 = arith.constant 7 : i32
        %add3A_977 = arith.addi %mul3A_975, %add3A_976 : i32
        %mul3A_978 = arith.constant 1000 : i32
        %mul3A_979 = arith.muli %add3A_977, %mul3A_978 : i32
        %mul3A_980 = arith.constant 0 : i32
        %mul3A_981 = vector.broadcast %mul3A_980 : i32 to vector<16xi32>
        %mul3A_982 = arith.muli %iota3A, %mul3A_981 : vector<16xi32>
        %add3A_983 = arith.constant 7 : i32
        %add3A_984 = vector.broadcast %add3A_983 : i32 to vector<16xi32>
        %add3A_985 = arith.addi %mul3A_982, %add3A_984 : vector<16xi32>
        %broadcast_in_dim3A_986 = vector.shape_cast %add3A_985 : vector<16xi32> to vector<16x1xi32>
        %gather3A_987 = vector.shape_cast %broadcast_in_dim3A_986 : vector<16x1xi32> to vector<16xi32>
        %gather3A_988 = tpu.dynamic_gather %get3A_36[%gather3A_987] in [0] : vector<16xi32>, vector<16xi32> -> vector<16xi32>
        %sub3A_989 = arith.subi %gather3A_988, %iota3A : vector<16xi32>
        %scan3A_990 = arith.constant 0 : i32
        %scan3A_991 = arith.constant 62 : i32
        %scan3A_992 = arith.addi %scan3A_990, %scan3A_991 : i32
        %scan3A_993 = arith.constant 1 : i32
        %scan3A_994:4 = scf.for %scan3A_2206 = %scan3A_990 to %scan3A_992 step %scan3A_993 iter_args(%scan3A_2207 = %broadcast_in_dim3A_3, %scan3A_2208 = %broadcast_in_dim3A_3, %scan3A_2209 = %broadcast_in_dim3A_3, %scan3A_2210 = %broadcast_in_dim3A_5) -> (vector<16xf32>, vector<16xf32>, vector<16xf32>, vector<16xi32>)  : i32 {
          %mul3A_2211 = arith.constant 16 : i32
          %mul3A_2212 = arith.muli %scan3A_2206, %mul3A_2211 : i32
          %add3A_2213 = arith.addi %mul3A_979, %mul3A_2212 : i32
          %get3A_2214 = arith.index_cast %add3A_2213 : i32 to index
          %get3A_2215 = tpu.vector_load %arg7[%get3A_2214] {strides = array<i32>} : memref<32000xf32, #tpu.memory_space<vmem>>, vector<16xf32>,
          %get3A_2216 = vector.shape_cast %get3A_2215 : vector<16xf32> to vector<16xf32>
          %eq3A_2217 = arith.cmpi eq, %sub3A_989, %scan3A_2210 : vector<16xi32>
          %add3A_2218 = arith.addf %scan3A_2207, %get3A_2216 : vector<16xf32>
          %exp3A_2219 = math.exp %get3A_2216 : vector<16xf32>
          %add3A_2220 = arith.addf %scan3A_2208, %exp3A_2219 : vector<16xf32>
          %jit3A_2221 = arith.constant 0.000000e+00 : f32
          %broadcast_in_dim3A_2222 = vector.broadcast %jit3A_2221 : f32 to vector<16xf32>
          %select_n3A_2223 = arith.select %eq3A_2217, %get3A_2216, %broadcast_in_dim3A_2222 : vector<16xi1>, vector<16xf32>
          %add3A_2224 = arith.addf %scan3A_2209, %select_n3A_2223 : vector<16xf32>
          %add3A_2225 = arith.constant 16 : i32
          %add3A_2226 = vector.broadcast %add3A_2225 : i32 to vector<16xi32>
          %add3A_2227 = arith.addi %scan3A_2210, %add3A_2226 : vector<16xi32>
          scf.yield %add3A_2218, %add3A_2220, %add3A_2224, %add3A_2227 : vector<16xf32>, vector<16xf32>, vector<16xf32>, vector<16xi32>
        }
        %scan3A_995 = arith.constant 62 : i32
        %add3A_996 = arith.constant 984 : i32
        %add3A_997 = arith.addi %mul3A_979, %add3A_996 : i32
        %get3A_998 = arith.index_cast %add3A_997 : i32 to index
        %get3A_999 = tpu.vector_load %arg7[%get3A_998] {strides = array<i32>} : memref<32000xf32, #tpu.memory_space<vmem>>, vector<16xf32>,
        %get3A_1000 = vector.shape_cast %get3A_999 : vector<16xf32> to vector<16xf32>
        %jit3A_1001 = arith.constant 0.000000e+00 : f32
        %broadcast_in_dim3A_1002 = vector.broadcast %jit3A_1001 : f32 to vector<16xf32>
        %select_n3A_1003 = arith.select %ge3A_7, %get3A_1000, %broadcast_in_dim3A_1002 : vector<16xi1>, vector<16xf32>
        %add3A_1004 = arith.addf %scan3A_994#0, %select_n3A_1003 : vector<16xf32>
        %exp3A_1005 = math.exp %get3A_1000 : vector<16xf32>
        %jit3A_1006 = arith.constant 0.000000e+00 : f32
        %broadcast_in_dim3A_1007 = vector.broadcast %jit3A_1006 : f32 to vector<16xf32>
        %select_n3A_1008 = arith.select %ge3A_7, %exp3A_1005, %broadcast_in_dim3A_1007 : vector<16xi1>, vector<16xf32>
        %add3A_1009 = arith.addf %scan3A_994#1, %select_n3A_1008 : vector<16xf32>
        %add3A_1010 = arith.constant 984 : i32
        %add3A_1011 = vector.broadcast %add3A_1010 : i32 to vector<16xi32>
        %add3A_1012 = arith.addi %iota3A, %add3A_1011 : vector<16xi32>
        %eq3A_1013 = arith.cmpi eq, %gather3A_988, %add3A_1012 : vector<16xi32>
        %and3A_1014 = arith.andi %ge3A_7, %eq3A_1013 : vector<16xi1>
        %jit3A_1015 = arith.constant 0.000000e+00 : f32
        %broadcast_in_dim3A_1016 = vector.broadcast %jit3A_1015 : f32 to vector<16xf32>
        %select_n3A_1017 = arith.select %and3A_1014, %get3A_1000, %broadcast_in_dim3A_1016 : vector<16xi1>, vector<16xf32>
        %add3A_1018 = arith.addf %scan3A_994#2, %select_n3A_1017 : vector<16xf32>
        %eq3A_1019 = arith.constant 7 : i32
        %eq3A_1020 = vector.broadcast %eq3A_1019 : i32 to vector<16xi32>
        %eq3A_1021 = arith.cmpi eq, %iota3A, %eq3A_1020 : vector<16xi32>
        %xor3A_1022 = arith.constant 8 : i32
        %xor3A_1023 = vector.broadcast %xor3A_1022 : i32 to vector<16xi32>
        %xor3A_1024 = arith.xori %iota3A, %xor3A_1023 : vector<16xi32>
        %broadcast_in_dim3A_1025 = vector.shape_cast %xor3A_1024 : vector<16xi32> to vector<16x1xi32>
        %gather3A_1026 = vector.shape_cast %broadcast_in_dim3A_1025 : vector<16x1xi32> to vector<16xi32>
        %gather3A_1027 = tpu.dynamic_gather %add3A_1004[%gather3A_1026] in [0] : vector<16xf32>, vector<16xi32> -> vector<16xf32>
        %add3A_1028 = arith.addf %add3A_1004, %gather3A_1027 : vector<16xf32>
        %xor3A_1029 = arith.constant 4 : i32
        %xor3A_1030 = vector.broadcast %xor3A_1029 : i32 to vector<16xi32>
        %xor3A_1031 = arith.xori %iota3A, %xor3A_1030 : vector<16xi32>
        %broadcast_in_dim3A_1032 = vector.shape_cast %xor3A_1031 : vector<16xi32> to vector<16x1xi32>
        %gather3A_1033 = vector.shape_cast %broadcast_in_dim3A_1032 : vector<16x1xi32> to vector<16xi32>
        %gather3A_1034 = tpu.dynamic_gather %add3A_1028[%gather3A_1033] in [0] : vector<16xf32>, vector<16xi32> -> vector<16xf32>
        %add3A_1035 = arith.addf %add3A_1028, %gather3A_1034 : vector<16xf32>
        %xor3A_1036 = arith.constant 2 : i32
        %xor3A_1037 = vector.broadcast %xor3A_1036 : i32 to vector<16xi32>
        %xor3A_1038 = arith.xori %iota3A, %xor3A_1037 : vector<16xi32>
        %broadcast_in_dim3A_1039 = vector.shape_cast %xor3A_1038 : vector<16xi32> to vector<16x1xi32>
        %gather3A_1040 = vector.shape_cast %broadcast_in_dim3A_1039 : vector<16x1xi32> to vector<16xi32>
        %gather3A_1041 = tpu.dynamic_gather %add3A_1035[%gather3A_1040] in [0] : vector<16xf32>, vector<16xi32> -> vector<16xf32>
        %add3A_1042 = arith.addf %add3A_1035, %gather3A_1041 : vector<16xf32>
        %xor3A_1043 = arith.constant 1 : i32
        %xor3A_1044 = vector.broadcast %xor3A_1043 : i32 to vector<16xi32>
        %xor3A_1045 = arith.xori %iota3A, %xor3A_1044 : vector<16xi32>
        %broadcast_in_dim3A_1046 = vector.shape_cast %xor3A_1045 : vector<16xi32> to vector<16x1xi32>
        %gather3A_1047 = vector.shape_cast %broadcast_in_dim3A_1046 : vector<16x1xi32> to vector<16xi32>
        %gather3A_1048 = tpu.dynamic_gather %add3A_1042[%gather3A_1047] in [0] : vector<16xf32>, vector<16xi32> -> vector<16xf32>
        %add3A_1049 = arith.addf %add3A_1042, %gather3A_1048 : vector<16xf32>
        %select_n3A_1050 = arith.select %eq3A_1021, %add3A_1049, %select_n3A_915 : vector<16xi1>, vector<16xf32>
        %xor3A_1051 = arith.constant 8 : i32
        %xor3A_1052 = vector.broadcast %xor3A_1051 : i32 to vector<16xi32>
        %xor3A_1053 = arith.xori %iota3A, %xor3A_1052 : vector<16xi32>
        %broadcast_in_dim3A_1054 = vector.shape_cast %xor3A_1053 : vector<16xi32> to vector<16x1xi32>
        %gather3A_1055 = vector.shape_cast %broadcast_in_dim3A_1054 : vector<16x1xi32> to vector<16xi32>
        %gather3A_1056 = tpu.dynamic_gather %add3A_1009[%gather3A_1055] in [0] : vector<16xf32>, vector<16xi32> -> vector<16xf32>
        %add3A_1057 = arith.addf %add3A_1009, %gather3A_1056 : vector<16xf32>
        %xor3A_1058 = arith.constant 4 : i32
        %xor3A_1059 = vector.broadcast %xor3A_1058 : i32 to vector<16xi32>
        %xor3A_1060 = arith.xori %iota3A, %xor3A_1059 : vector<16xi32>
        %broadcast_in_dim3A_1061 = vector.shape_cast %xor3A_1060 : vector<16xi32> to vector<16x1xi32>
        %gather3A_1062 = vector.shape_cast %broadcast_in_dim3A_1061 : vector<16x1xi32> to vector<16xi32>
        %gather3A_1063 = tpu.dynamic_gather %add3A_1057[%gather3A_1062] in [0] : vector<16xf32>, vector<16xi32> -> vector<16xf32>
        %add3A_1064 = arith.addf %add3A_1057, %gather3A_1063 : vector<16xf32>
        %xor3A_1065 = arith.constant 2 : i32
        %xor3A_1066 = vector.broadcast %xor3A_1065 : i32 to vector<16xi32>
        %xor3A_1067 = arith.xori %iota3A, %xor3A_1066 : vector<16xi32>
        %broadcast_in_dim3A_1068 = vector.shape_cast %xor3A_1067 : vector<16xi32> to vector<16x1xi32>
        %gather3A_1069 = vector.shape_cast %broadcast_in_dim3A_1068 : vector<16x1xi32> to vector<16xi32>
        %gather3A_1070 = tpu.dynamic_gather %add3A_1064[%gather3A_1069] in [0] : vector<16xf32>, vector<16xi32> -> vector<16xf32>
        %add3A_1071 = arith.addf %add3A_1064, %gather3A_1070 : vector<16xf32>
        %xor3A_1072 = arith.constant 1 : i32
        %xor3A_1073 = vector.broadcast %xor3A_1072 : i32 to vector<16xi32>
        %xor3A_1074 = arith.xori %iota3A, %xor3A_1073 : vector<16xi32>
        %broadcast_in_dim3A_1075 = vector.shape_cast %xor3A_1074 : vector<16xi32> to vector<16x1xi32>
        %gather3A_1076 = vector.shape_cast %broadcast_in_dim3A_1075 : vector<16x1xi32> to vector<16xi32>
        %gather3A_1077 = tpu.dynamic_gather %add3A_1071[%gather3A_1076] in [0] : vector<16xf32>, vector<16xi32> -> vector<16xf32>
        %add3A_1078 = arith.addf %add3A_1071, %gather3A_1077 : vector<16xf32>
        %select_n3A_1079 = arith.select %eq3A_1021, %add3A_1078, %select_n3A_944 : vector<16xi1>, vector<16xf32>
        %xor3A_1080 = arith.constant 8 : i32
        %xor3A_1081 = vector.broadcast %xor3A_1080 : i32 to vector<16xi32>
        %xor3A_1082 = arith.xori %iota3A, %xor3A_1081 : vector<16xi32>
        %broadcast_in_dim3A_1083 = vector.shape_cast %xor3A_1082 : vector<16xi32> to vector<16x1xi32>
        %gather3A_1084 = vector.shape_cast %broadcast_in_dim3A_1083 : vector<16x1xi32> to vector<16xi32>
        %gather3A_1085 = tpu.dynamic_gather %add3A_1018[%gather3A_1084] in [0] : vector<16xf32>, vector<16xi32> -> vector<16xf32>
        %add3A_1086 = arith.addf %add3A_1018, %gather3A_1085 : vector<16xf32>
        %xor3A_1087 = arith.constant 4 : i32
        %xor3A_1088 = vector.broadcast %xor3A_1087 : i32 to vector<16xi32>
        %xor3A_1089 = arith.xori %iota3A, %xor3A_1088 : vector<16xi32>
        %broadcast_in_dim3A_1090 = vector.shape_cast %xor3A_1089 : vector<16xi32> to vector<16x1xi32>
        %gather3A_1091 = vector.shape_cast %broadcast_in_dim3A_1090 : vector<16x1xi32> to vector<16xi32>
        %gather3A_1092 = tpu.dynamic_gather %add3A_1086[%gather3A_1091] in [0] : vector<16xf32>, vector<16xi32> -> vector<16xf32>
        %add3A_1093 = arith.addf %add3A_1086, %gather3A_1092 : vector<16xf32>
        %xor3A_1094 = arith.constant 2 : i32
        %xor3A_1095 = vector.broadcast %xor3A_1094 : i32 to vector<16xi32>
        %xor3A_1096 = arith.xori %iota3A, %xor3A_1095 : vector<16xi32>
        %broadcast_in_dim3A_1097 = vector.shape_cast %xor3A_1096 : vector<16xi32> to vector<16x1xi32>
        %gather3A_1098 = vector.shape_cast %broadcast_in_dim3A_1097 : vector<16x1xi32> to vector<16xi32>
        %gather3A_1099 = tpu.dynamic_gather %add3A_1093[%gather3A_1098] in [0] : vector<16xf32>, vector<16xi32> -> vector<16xf32>
        %add3A_1100 = arith.addf %add3A_1093, %gather3A_1099 : vector<16xf32>
        %xor3A_1101 = arith.constant 1 : i32
        %xor3A_1102 = vector.broadcast %xor3A_1101 : i32 to vector<16xi32>
        %xor3A_1103 = arith.xori %iota3A, %xor3A_1102 : vector<16xi32>
        %broadcast_in_dim3A_1104 = vector.shape_cast %xor3A_1103 : vector<16xi32> to vector<16x1xi32>
        %gather3A_1105 = vector.shape_cast %broadcast_in_dim3A_1104 : vector<16x1xi32> to vector<16xi32>
        %gather3A_1106 = tpu.dynamic_gather %add3A_1100[%gather3A_1105] in [0] : vector<16xf32>, vector<16xi32> -> vector<16xf32>
        %add3A_1107 = arith.addf %add3A_1100, %gather3A_1106 : vector<16xf32>
        %select_n3A_1108 = arith.select %eq3A_1021, %add3A_1107, %select_n3A_973 : vector<16xi1>, vector<16xf32>
        %mul3A_1109 = arith.constant 16 : i32
        %mul3A_1110 = arith.muli %scan3A_31, %mul3A_1109 : i32
        %add3A_1111 = arith.constant 8 : i32
        %add3A_1112 = arith.addi %mul3A_1110, %add3A_1111 : i32
        %mul3A_1113 = arith.constant 1000 : i32
        %mul3A_1114 = arith.muli %add3A_1112, %mul3A_1113 : i32
        %mul3A_1115 = arith.constant 0 : i32
        %mul3A_1116 = vector.broadcast %mul3A_1115 : i32 to vector<16xi32>
        %mul3A_1117 = arith.muli %iota3A, %mul3A_1116 : vector<16xi32>
        %add3A_1118 = arith.constant 8 : i32
        %add3A_1119 = vector.broadcast %add3A_1118 : i32 to vector<16xi32>
        %add3A_1120 = arith.addi %mul3A_1117, %add3A_1119 : vector<16xi32>
        %broadcast_in_dim3A_1121 = vector.shape_cast %add3A_1120 : vector<16xi32> to vector<16x1xi32>
        %gather3A_1122 = vector.shape_cast %broadcast_in_dim3A_1121 : vector<16x1xi32> to vector<16xi32>
        %gather3A_1123 = tpu.dynamic_gather %get3A_36[%gather3A_1122] in [0] : vector<16xi32>, vector<16xi32> -> vector<16xi32>
        %sub3A_1124 = arith.subi %gather3A_1123, %iota3A : vector<16xi32>
        %scan3A_1125 = arith.constant 0 : i32
        %scan3A_1126 = arith.constant 62 : i32
        %scan3A_1127 = arith.addi %scan3A_1125, %scan3A_1126 : i32
        %scan3A_1128 = arith.constant 1 : i32
        %scan3A_1129:4 = scf.for %scan3A_2206 = %scan3A_1125 to %scan3A_1127 step %scan3A_1128 iter_args(%scan3A_2207 = %broadcast_in_dim3A_3, %scan3A_2208 = %broadcast_in_dim3A_3, %scan3A_2209 = %broadcast_in_dim3A_3, %scan3A_2210 = %broadcast_in_dim3A_5) -> (vector<16xf32>, vector<16xf32>, vector<16xf32>, vector<16xi32>)  : i32 {
          %mul3A_2211 = arith.constant 16 : i32
          %mul3A_2212 = arith.muli %scan3A_2206, %mul3A_2211 : i32
          %add3A_2213 = arith.addi %mul3A_1114, %mul3A_2212 : i32
          %get3A_2214 = arith.index_cast %add3A_2213 : i32 to index
          %get3A_2215 = tpu.vector_load %arg7[%get3A_2214] {strides = array<i32>} : memref<32000xf32, #tpu.memory_space<vmem>>, vector<16xf32>,
          %get3A_2216 = vector.shape_cast %get3A_2215 : vector<16xf32> to vector<16xf32>
          %eq3A_2217 = arith.cmpi eq, %sub3A_1124, %scan3A_2210 : vector<16xi32>
          %add3A_2218 = arith.addf %scan3A_2207, %get3A_2216 : vector<16xf32>
          %exp3A_2219 = math.exp %get3A_2216 : vector<16xf32>
          %add3A_2220 = arith.addf %scan3A_2208, %exp3A_2219 : vector<16xf32>
          %jit3A_2221 = arith.constant 0.000000e+00 : f32
          %broadcast_in_dim3A_2222 = vector.broadcast %jit3A_2221 : f32 to vector<16xf32>
          %select_n3A_2223 = arith.select %eq3A_2217, %get3A_2216, %broadcast_in_dim3A_2222 : vector<16xi1>, vector<16xf32>
          %add3A_2224 = arith.addf %scan3A_2209, %select_n3A_2223 : vector<16xf32>
          %add3A_2225 = arith.constant 16 : i32
          %add3A_2226 = vector.broadcast %add3A_2225 : i32 to vector<16xi32>
          %add3A_2227 = arith.addi %scan3A_2210, %add3A_2226 : vector<16xi32>
          scf.yield %add3A_2218, %add3A_2220, %add3A_2224, %add3A_2227 : vector<16xf32>, vector<16xf32>, vector<16xf32>, vector<16xi32>
        }
        %scan3A_1130 = arith.constant 62 : i32
        %add3A_1131 = arith.constant 984 : i32
        %add3A_1132 = arith.addi %mul3A_1114, %add3A_1131 : i32
        %get3A_1133 = arith.index_cast %add3A_1132 : i32 to index
        %get3A_1134 = tpu.vector_load %arg7[%get3A_1133] {strides = array<i32>} : memref<32000xf32, #tpu.memory_space<vmem>>, vector<16xf32>,
        %get3A_1135 = vector.shape_cast %get3A_1134 : vector<16xf32> to vector<16xf32>
        %jit3A_1136 = arith.constant 0.000000e+00 : f32
        %broadcast_in_dim3A_1137 = vector.broadcast %jit3A_1136 : f32 to vector<16xf32>
        %select_n3A_1138 = arith.select %ge3A_7, %get3A_1135, %broadcast_in_dim3A_1137 : vector<16xi1>, vector<16xf32>
        %add3A_1139 = arith.addf %scan3A_1129#0, %select_n3A_1138 : vector<16xf32>
        %exp3A_1140 = math.exp %get3A_1135 : vector<16xf32>
        %jit3A_1141 = arith.constant 0.000000e+00 : f32
        %broadcast_in_dim3A_1142 = vector.broadcast %jit3A_1141 : f32 to vector<16xf32>
        %select_n3A_1143 = arith.select %ge3A_7, %exp3A_1140, %broadcast_in_dim3A_1142 : vector<16xi1>, vector<16xf32>
        %add3A_1144 = arith.addf %scan3A_1129#1, %select_n3A_1143 : vector<16xf32>
        %add3A_1145 = arith.constant 984 : i32
        %add3A_1146 = vector.broadcast %add3A_1145 : i32 to vector<16xi32>
        %add3A_1147 = arith.addi %iota3A, %add3A_1146 : vector<16xi32>
        %eq3A_1148 = arith.cmpi eq, %gather3A_1123, %add3A_1147 : vector<16xi32>
        %and3A_1149 = arith.andi %ge3A_7, %eq3A_1148 : vector<16xi1>
        %jit3A_1150 = arith.constant 0.000000e+00 : f32
        %broadcast_in_dim3A_1151 = vector.broadcast %jit3A_1150 : f32 to vector<16xf32>
        %select_n3A_1152 = arith.select %and3A_1149, %get3A_1135, %broadcast_in_dim3A_1151 : vector<16xi1>, vector<16xf32>
        %add3A_1153 = arith.addf %scan3A_1129#2, %select_n3A_1152 : vector<16xf32>
        %eq3A_1154 = arith.constant 8 : i32
        %eq3A_1155 = vector.broadcast %eq3A_1154 : i32 to vector<16xi32>
        %eq3A_1156 = arith.cmpi eq, %iota3A, %eq3A_1155 : vector<16xi32>
        %xor3A_1157 = arith.constant 8 : i32
        %xor3A_1158 = vector.broadcast %xor3A_1157 : i32 to vector<16xi32>
        %xor3A_1159 = arith.xori %iota3A, %xor3A_1158 : vector<16xi32>
        %broadcast_in_dim3A_1160 = vector.shape_cast %xor3A_1159 : vector<16xi32> to vector<16x1xi32>
        %gather3A_1161 = vector.shape_cast %broadcast_in_dim3A_1160 : vector<16x1xi32> to vector<16xi32>
        %gather3A_1162 = tpu.dynamic_gather %add3A_1139[%gather3A_1161] in [0] : vector<16xf32>, vector<16xi32> -> vector<16xf32>
        %add3A_1163 = arith.addf %add3A_1139, %gather3A_1162 : vector<16xf32>
        %xor3A_1164 = arith.constant 4 : i32
        %xor3A_1165 = vector.broadcast %xor3A_1164 : i32 to vector<16xi32>
        %xor3A_1166 = arith.xori %iota3A, %xor3A_1165 : vector<16xi32>
        %broadcast_in_dim3A_1167 = vector.shape_cast %xor3A_1166 : vector<16xi32> to vector<16x1xi32>
        %gather3A_1168 = vector.shape_cast %broadcast_in_dim3A_1167 : vector<16x1xi32> to vector<16xi32>
        %gather3A_1169 = tpu.dynamic_gather %add3A_1163[%gather3A_1168] in [0] : vector<16xf32>, vector<16xi32> -> vector<16xf32>
        %add3A_1170 = arith.addf %add3A_1163, %gather3A_1169 : vector<16xf32>
        %xor3A_1171 = arith.constant 2 : i32
        %xor3A_1172 = vector.broadcast %xor3A_1171 : i32 to vector<16xi32>
        %xor3A_1173 = arith.xori %iota3A, %xor3A_1172 : vector<16xi32>
        %broadcast_in_dim3A_1174 = vector.shape_cast %xor3A_1173 : vector<16xi32> to vector<16x1xi32>
        %gather3A_1175 = vector.shape_cast %broadcast_in_dim3A_1174 : vector<16x1xi32> to vector<16xi32>
        %gather3A_1176 = tpu.dynamic_gather %add3A_1170[%gather3A_1175] in [0] : vector<16xf32>, vector<16xi32> -> vector<16xf32>
        %add3A_1177 = arith.addf %add3A_1170, %gather3A_1176 : vector<16xf32>
        %xor3A_1178 = arith.constant 1 : i32
        %xor3A_1179 = vector.broadcast %xor3A_1178 : i32 to vector<16xi32>
        %xor3A_1180 = arith.xori %iota3A, %xor3A_1179 : vector<16xi32>
        %broadcast_in_dim3A_1181 = vector.shape_cast %xor3A_1180 : vector<16xi32> to vector<16x1xi32>
        %gather3A_1182 = vector.shape_cast %broadcast_in_dim3A_1181 : vector<16x1xi32> to vector<16xi32>
        %gather3A_1183 = tpu.dynamic_gather %add3A_1177[%gather3A_1182] in [0] : vector<16xf32>, vector<16xi32> -> vector<16xf32>
        %add3A_1184 = arith.addf %add3A_1177, %gather3A_1183 : vector<16xf32>
        %select_n3A_1185 = arith.select %eq3A_1156, %add3A_1184, %select_n3A_1050 : vector<16xi1>, vector<16xf32>
        %xor3A_1186 = arith.constant 8 : i32
        %xor3A_1187 = vector.broadcast %xor3A_1186 : i32 to vector<16xi32>
        %xor3A_1188 = arith.xori %iota3A, %xor3A_1187 : vector<16xi32>
        %broadcast_in_dim3A_1189 = vector.shape_cast %xor3A_1188 : vector<16xi32> to vector<16x1xi32>
        %gather3A_1190 = vector.shape_cast %broadcast_in_dim3A_1189 : vector<16x1xi32> to vector<16xi32>
        %gather3A_1191 = tpu.dynamic_gather %add3A_1144[%gather3A_1190] in [0] : vector<16xf32>, vector<16xi32> -> vector<16xf32>
        %add3A_1192 = arith.addf %add3A_1144, %gather3A_1191 : vector<16xf32>
        %xor3A_1193 = arith.constant 4 : i32
        %xor3A_1194 = vector.broadcast %xor3A_1193 : i32 to vector<16xi32>
        %xor3A_1195 = arith.xori %iota3A, %xor3A_1194 : vector<16xi32>
        %broadcast_in_dim3A_1196 = vector.shape_cast %xor3A_1195 : vector<16xi32> to vector<16x1xi32>
        %gather3A_1197 = vector.shape_cast %broadcast_in_dim3A_1196 : vector<16x1xi32> to vector<16xi32>
        %gather3A_1198 = tpu.dynamic_gather %add3A_1192[%gather3A_1197] in [0] : vector<16xf32>, vector<16xi32> -> vector<16xf32>
        %add3A_1199 = arith.addf %add3A_1192, %gather3A_1198 : vector<16xf32>
        %xor3A_1200 = arith.constant 2 : i32
        %xor3A_1201 = vector.broadcast %xor3A_1200 : i32 to vector<16xi32>
        %xor3A_1202 = arith.xori %iota3A, %xor3A_1201 : vector<16xi32>
        %broadcast_in_dim3A_1203 = vector.shape_cast %xor3A_1202 : vector<16xi32> to vector<16x1xi32>
        %gather3A_1204 = vector.shape_cast %broadcast_in_dim3A_1203 : vector<16x1xi32> to vector<16xi32>
        %gather3A_1205 = tpu.dynamic_gather %add3A_1199[%gather3A_1204] in [0] : vector<16xf32>, vector<16xi32> -> vector<16xf32>
        %add3A_1206 = arith.addf %add3A_1199, %gather3A_1205 : vector<16xf32>
        %xor3A_1207 = arith.constant 1 : i32
        %xor3A_1208 = vector.broadcast %xor3A_1207 : i32 to vector<16xi32>
        %xor3A_1209 = arith.xori %iota3A, %xor3A_1208 : vector<16xi32>
        %broadcast_in_dim3A_1210 = vector.shape_cast %xor3A_1209 : vector<16xi32> to vector<16x1xi32>
        %gather3A_1211 = vector.shape_cast %broadcast_in_dim3A_1210 : vector<16x1xi32> to vector<16xi32>
        %gather3A_1212 = tpu.dynamic_gather %add3A_1206[%gather3A_1211] in [0] : vector<16xf32>, vector<16xi32> -> vector<16xf32>
        %add3A_1213 = arith.addf %add3A_1206, %gather3A_1212 : vector<16xf32>
        %select_n3A_1214 = arith.select %eq3A_1156, %add3A_1213, %select_n3A_1079 : vector<16xi1>, vector<16xf32>
        %xor3A_1215 = arith.constant 8 : i32
        %xor3A_1216 = vector.broadcast %xor3A_1215 : i32 to vector<16xi32>
        %xor3A_1217 = arith.xori %iota3A, %xor3A_1216 : vector<16xi32>
        %broadcast_in_dim3A_1218 = vector.shape_cast %xor3A_1217 : vector<16xi32> to vector<16x1xi32>
        %gather3A_1219 = vector.shape_cast %broadcast_in_dim3A_1218 : vector<16x1xi32> to vector<16xi32>
        %gather3A_1220 = tpu.dynamic_gather %add3A_1153[%gather3A_1219] in [0] : vector<16xf32>, vector<16xi32> -> vector<16xf32>
        %add3A_1221 = arith.addf %add3A_1153, %gather3A_1220 : vector<16xf32>
        %xor3A_1222 = arith.constant 4 : i32
        %xor3A_1223 = vector.broadcast %xor3A_1222 : i32 to vector<16xi32>
        %xor3A_1224 = arith.xori %iota3A, %xor3A_1223 : vector<16xi32>
        %broadcast_in_dim3A_1225 = vector.shape_cast %xor3A_1224 : vector<16xi32> to vector<16x1xi32>
        %gather3A_1226 = vector.shape_cast %broadcast_in_dim3A_1225 : vector<16x1xi32> to vector<16xi32>
        %gather3A_1227 = tpu.dynamic_gather %add3A_1221[%gather3A_1226] in [0] : vector<16xf32>, vector<16xi32> -> vector<16xf32>
        %add3A_1228 = arith.addf %add3A_1221, %gather3A_1227 : vector<16xf32>
        %xor3A_1229 = arith.constant 2 : i32
        %xor3A_1230 = vector.broadcast %xor3A_1229 : i32 to vector<16xi32>
        %xor3A_1231 = arith.xori %iota3A, %xor3A_1230 : vector<16xi32>
        %broadcast_in_dim3A_1232 = vector.shape_cast %xor3A_1231 : vector<16xi32> to vector<16x1xi32>
        %gather3A_1233 = vector.shape_cast %broadcast_in_dim3A_1232 : vector<16x1xi32> to vector<16xi32>
        %gather3A_1234 = tpu.dynamic_gather %add3A_1228[%gather3A_1233] in [0] : vector<16xf32>, vector<16xi32> -> vector<16xf32>
        %add3A_1235 = arith.addf %add3A_1228, %gather3A_1234 : vector<16xf32>
        %xor3A_1236 = arith.constant 1 : i32
        %xor3A_1237 = vector.broadcast %xor3A_1236 : i32 to vector<16xi32>
        %xor3A_1238 = arith.xori %iota3A, %xor3A_1237 : vector<16xi32>
        %broadcast_in_dim3A_1239 = vector.shape_cast %xor3A_1238 : vector<16xi32> to vector<16x1xi32>
        %gather3A_1240 = vector.shape_cast %broadcast_in_dim3A_1239 : vector<16x1xi32> to vector<16xi32>
        %gather3A_1241 = tpu.dynamic_gather %add3A_1235[%gather3A_1240] in [0] : vector<16xf32>, vector<16xi32> -> vector<16xf32>
        %add3A_1242 = arith.addf %add3A_1235, %gather3A_1241 : vector<16xf32>
        %select_n3A_1243 = arith.select %eq3A_1156, %add3A_1242, %select_n3A_1108 : vector<16xi1>, vector<16xf32>
        %mul3A_1244 = arith.constant 16 : i32
        %mul3A_1245 = arith.muli %scan3A_31, %mul3A_1244 : i32
        %add3A_1246 = arith.constant 9 : i32
        %add3A_1247 = arith.addi %mul3A_1245, %add3A_1246 : i32
        %mul3A_1248 = arith.constant 1000 : i32
        %mul3A_1249 = arith.muli %add3A_1247, %mul3A_1248 : i32
        %mul3A_1250 = arith.constant 0 : i32
        %mul3A_1251 = vector.broadcast %mul3A_1250 : i32 to vector<16xi32>
        %mul3A_1252 = arith.muli %iota3A, %mul3A_1251 : vector<16xi32>
        %add3A_1253 = arith.constant 9 : i32
        %add3A_1254 = vector.broadcast %add3A_1253 : i32 to vector<16xi32>
        %add3A_1255 = arith.addi %mul3A_1252, %add3A_1254 : vector<16xi32>
        %broadcast_in_dim3A_1256 = vector.shape_cast %add3A_1255 : vector<16xi32> to vector<16x1xi32>
        %gather3A_1257 = vector.shape_cast %broadcast_in_dim3A_1256 : vector<16x1xi32> to vector<16xi32>
        %gather3A_1258 = tpu.dynamic_gather %get3A_36[%gather3A_1257] in [0] : vector<16xi32>, vector<16xi32> -> vector<16xi32>
        %sub3A_1259 = arith.subi %gather3A_1258, %iota3A : vector<16xi32>
        %scan3A_1260 = arith.constant 0 : i32
        %scan3A_1261 = arith.constant 62 : i32
        %scan3A_1262 = arith.addi %scan3A_1260, %scan3A_1261 : i32
        %scan3A_1263 = arith.constant 1 : i32
        %scan3A_1264:4 = scf.for %scan3A_2206 = %scan3A_1260 to %scan3A_1262 step %scan3A_1263 iter_args(%scan3A_2207 = %broadcast_in_dim3A_3, %scan3A_2208 = %broadcast_in_dim3A_3, %scan3A_2209 = %broadcast_in_dim3A_3, %scan3A_2210 = %broadcast_in_dim3A_5) -> (vector<16xf32>, vector<16xf32>, vector<16xf32>, vector<16xi32>)  : i32 {
          %mul3A_2211 = arith.constant 16 : i32
          %mul3A_2212 = arith.muli %scan3A_2206, %mul3A_2211 : i32
          %add3A_2213 = arith.addi %mul3A_1249, %mul3A_2212 : i32
          %get3A_2214 = arith.index_cast %add3A_2213 : i32 to index
          %get3A_2215 = tpu.vector_load %arg7[%get3A_2214] {strides = array<i32>} : memref<32000xf32, #tpu.memory_space<vmem>>, vector<16xf32>,
          %get3A_2216 = vector.shape_cast %get3A_2215 : vector<16xf32> to vector<16xf32>
          %eq3A_2217 = arith.cmpi eq, %sub3A_1259, %scan3A_2210 : vector<16xi32>
          %add3A_2218 = arith.addf %scan3A_2207, %get3A_2216 : vector<16xf32>
          %exp3A_2219 = math.exp %get3A_2216 : vector<16xf32>
          %add3A_2220 = arith.addf %scan3A_2208, %exp3A_2219 : vector<16xf32>
          %jit3A_2221 = arith.constant 0.000000e+00 : f32
          %broadcast_in_dim3A_2222 = vector.broadcast %jit3A_2221 : f32 to vector<16xf32>
          %select_n3A_2223 = arith.select %eq3A_2217, %get3A_2216, %broadcast_in_dim3A_2222 : vector<16xi1>, vector<16xf32>
          %add3A_2224 = arith.addf %scan3A_2209, %select_n3A_2223 : vector<16xf32>
          %add3A_2225 = arith.constant 16 : i32
          %add3A_2226 = vector.broadcast %add3A_2225 : i32 to vector<16xi32>
          %add3A_2227 = arith.addi %scan3A_2210, %add3A_2226 : vector<16xi32>
          scf.yield %add3A_2218, %add3A_2220, %add3A_2224, %add3A_2227 : vector<16xf32>, vector<16xf32>, vector<16xf32>, vector<16xi32>
        }
        %scan3A_1265 = arith.constant 62 : i32
        %add3A_1266 = arith.constant 984 : i32
        %add3A_1267 = arith.addi %mul3A_1249, %add3A_1266 : i32
        %get3A_1268 = arith.index_cast %add3A_1267 : i32 to index
        %get3A_1269 = tpu.vector_load %arg7[%get3A_1268] {strides = array<i32>} : memref<32000xf32, #tpu.memory_space<vmem>>, vector<16xf32>,
        %get3A_1270 = vector.shape_cast %get3A_1269 : vector<16xf32> to vector<16xf32>
        %jit3A_1271 = arith.constant 0.000000e+00 : f32
        %broadcast_in_dim3A_1272 = vector.broadcast %jit3A_1271 : f32 to vector<16xf32>
        %select_n3A_1273 = arith.select %ge3A_7, %get3A_1270, %broadcast_in_dim3A_1272 : vector<16xi1>, vector<16xf32>
        %add3A_1274 = arith.addf %scan3A_1264#0, %select_n3A_1273 : vector<16xf32>
        %exp3A_1275 = math.exp %get3A_1270 : vector<16xf32>
        %jit3A_1276 = arith.constant 0.000000e+00 : f32
        %broadcast_in_dim3A_1277 = vector.broadcast %jit3A_1276 : f32 to vector<16xf32>
        %select_n3A_1278 = arith.select %ge3A_7, %exp3A_1275, %broadcast_in_dim3A_1277 : vector<16xi1>, vector<16xf32>
        %add3A_1279 = arith.addf %scan3A_1264#1, %select_n3A_1278 : vector<16xf32>
        %add3A_1280 = arith.constant 984 : i32
        %add3A_1281 = vector.broadcast %add3A_1280 : i32 to vector<16xi32>
        %add3A_1282 = arith.addi %iota3A, %add3A_1281 : vector<16xi32>
        %eq3A_1283 = arith.cmpi eq, %gather3A_1258, %add3A_1282 : vector<16xi32>
        %and3A_1284 = arith.andi %ge3A_7, %eq3A_1283 : vector<16xi1>
        %jit3A_1285 = arith.constant 0.000000e+00 : f32
        %broadcast_in_dim3A_1286 = vector.broadcast %jit3A_1285 : f32 to vector<16xf32>
        %select_n3A_1287 = arith.select %and3A_1284, %get3A_1270, %broadcast_in_dim3A_1286 : vector<16xi1>, vector<16xf32>
        %add3A_1288 = arith.addf %scan3A_1264#2, %select_n3A_1287 : vector<16xf32>
        %eq3A_1289 = arith.constant 9 : i32
        %eq3A_1290 = vector.broadcast %eq3A_1289 : i32 to vector<16xi32>
        %eq3A_1291 = arith.cmpi eq, %iota3A, %eq3A_1290 : vector<16xi32>
        %xor3A_1292 = arith.constant 8 : i32
        %xor3A_1293 = vector.broadcast %xor3A_1292 : i32 to vector<16xi32>
        %xor3A_1294 = arith.xori %iota3A, %xor3A_1293 : vector<16xi32>
        %broadcast_in_dim3A_1295 = vector.shape_cast %xor3A_1294 : vector<16xi32> to vector<16x1xi32>
        %gather3A_1296 = vector.shape_cast %broadcast_in_dim3A_1295 : vector<16x1xi32> to vector<16xi32>
        %gather3A_1297 = tpu.dynamic_gather %add3A_1274[%gather3A_1296] in [0] : vector<16xf32>, vector<16xi32> -> vector<16xf32>
        %add3A_1298 = arith.addf %add3A_1274, %gather3A_1297 : vector<16xf32>
        %xor3A_1299 = arith.constant 4 : i32
        %xor3A_1300 = vector.broadcast %xor3A_1299 : i32 to vector<16xi32>
        %xor3A_1301 = arith.xori %iota3A, %xor3A_1300 : vector<16xi32>
        %broadcast_in_dim3A_1302 = vector.shape_cast %xor3A_1301 : vector<16xi32> to vector<16x1xi32>
        %gather3A_1303 = vector.shape_cast %broadcast_in_dim3A_1302 : vector<16x1xi32> to vector<16xi32>
        %gather3A_1304 = tpu.dynamic_gather %add3A_1298[%gather3A_1303] in [0] : vector<16xf32>, vector<16xi32> -> vector<16xf32>
        %add3A_1305 = arith.addf %add3A_1298, %gather3A_1304 : vector<16xf32>
        %xor3A_1306 = arith.constant 2 : i32
        %xor3A_1307 = vector.broadcast %xor3A_1306 : i32 to vector<16xi32>
        %xor3A_1308 = arith.xori %iota3A, %xor3A_1307 : vector<16xi32>
        %broadcast_in_dim3A_1309 = vector.shape_cast %xor3A_1308 : vector<16xi32> to vector<16x1xi32>
        %gather3A_1310 = vector.shape_cast %broadcast_in_dim3A_1309 : vector<16x1xi32> to vector<16xi32>
        %gather3A_1311 = tpu.dynamic_gather %add3A_1305[%gather3A_1310] in [0] : vector<16xf32>, vector<16xi32> -> vector<16xf32>
        %add3A_1312 = arith.addf %add3A_1305, %gather3A_1311 : vector<16xf32>
        %xor3A_1313 = arith.constant 1 : i32
        %xor3A_1314 = vector.broadcast %xor3A_1313 : i32 to vector<16xi32>
        %xor3A_1315 = arith.xori %iota3A, %xor3A_1314 : vector<16xi32>
        %broadcast_in_dim3A_1316 = vector.shape_cast %xor3A_1315 : vector<16xi32> to vector<16x1xi32>
        %gather3A_1317 = vector.shape_cast %broadcast_in_dim3A_1316 : vector<16x1xi32> to vector<16xi32>
        %gather3A_1318 = tpu.dynamic_gather %add3A_1312[%gather3A_1317] in [0] : vector<16xf32>, vector<16xi32> -> vector<16xf32>
        %add3A_1319 = arith.addf %add3A_1312, %gather3A_1318 : vector<16xf32>
        %select_n3A_1320 = arith.select %eq3A_1291, %add3A_1319, %select_n3A_1185 : vector<16xi1>, vector<16xf32>
        %xor3A_1321 = arith.constant 8 : i32
        %xor3A_1322 = vector.broadcast %xor3A_1321 : i32 to vector<16xi32>
        %xor3A_1323 = arith.xori %iota3A, %xor3A_1322 : vector<16xi32>
        %broadcast_in_dim3A_1324 = vector.shape_cast %xor3A_1323 : vector<16xi32> to vector<16x1xi32>
        %gather3A_1325 = vector.shape_cast %broadcast_in_dim3A_1324 : vector<16x1xi32> to vector<16xi32>
        %gather3A_1326 = tpu.dynamic_gather %add3A_1279[%gather3A_1325] in [0] : vector<16xf32>, vector<16xi32> -> vector<16xf32>
        %add3A_1327 = arith.addf %add3A_1279, %gather3A_1326 : vector<16xf32>
        %xor3A_1328 = arith.constant 4 : i32
        %xor3A_1329 = vector.broadcast %xor3A_1328 : i32 to vector<16xi32>
        %xor3A_1330 = arith.xori %iota3A, %xor3A_1329 : vector<16xi32>
        %broadcast_in_dim3A_1331 = vector.shape_cast %xor3A_1330 : vector<16xi32> to vector<16x1xi32>
        %gather3A_1332 = vector.shape_cast %broadcast_in_dim3A_1331 : vector<16x1xi32> to vector<16xi32>
        %gather3A_1333 = tpu.dynamic_gather %add3A_1327[%gather3A_1332] in [0] : vector<16xf32>, vector<16xi32> -> vector<16xf32>
        %add3A_1334 = arith.addf %add3A_1327, %gather3A_1333 : vector<16xf32>
        %xor3A_1335 = arith.constant 2 : i32
        %xor3A_1336 = vector.broadcast %xor3A_1335 : i32 to vector<16xi32>
        %xor3A_1337 = arith.xori %iota3A, %xor3A_1336 : vector<16xi32>
        %broadcast_in_dim3A_1338 = vector.shape_cast %xor3A_1337 : vector<16xi32> to vector<16x1xi32>
        %gather3A_1339 = vector.shape_cast %broadcast_in_dim3A_1338 : vector<16x1xi32> to vector<16xi32>
        %gather3A_1340 = tpu.dynamic_gather %add3A_1334[%gather3A_1339] in [0] : vector<16xf32>, vector<16xi32> -> vector<16xf32>
        %add3A_1341 = arith.addf %add3A_1334, %gather3A_1340 : vector<16xf32>
        %xor3A_1342 = arith.constant 1 : i32
        %xor3A_1343 = vector.broadcast %xor3A_1342 : i32 to vector<16xi32>
        %xor3A_1344 = arith.xori %iota3A, %xor3A_1343 : vector<16xi32>
        %broadcast_in_dim3A_1345 = vector.shape_cast %xor3A_1344 : vector<16xi32> to vector<16x1xi32>
        %gather3A_1346 = vector.shape_cast %broadcast_in_dim3A_1345 : vector<16x1xi32> to vector<16xi32>
        %gather3A_1347 = tpu.dynamic_gather %add3A_1341[%gather3A_1346] in [0] : vector<16xf32>, vector<16xi32> -> vector<16xf32>
        %add3A_1348 = arith.addf %add3A_1341, %gather3A_1347 : vector<16xf32>
        %select_n3A_1349 = arith.select %eq3A_1291, %add3A_1348, %select_n3A_1214 : vector<16xi1>, vector<16xf32>
        %xor3A_1350 = arith.constant 8 : i32
        %xor3A_1351 = vector.broadcast %xor3A_1350 : i32 to vector<16xi32>
        %xor3A_1352 = arith.xori %iota3A, %xor3A_1351 : vector<16xi32>
        %broadcast_in_dim3A_1353 = vector.shape_cast %xor3A_1352 : vector<16xi32> to vector<16x1xi32>
        %gather3A_1354 = vector.shape_cast %broadcast_in_dim3A_1353 : vector<16x1xi32> to vector<16xi32>
        %gather3A_1355 = tpu.dynamic_gather %add3A_1288[%gather3A_1354] in [0] : vector<16xf32>, vector<16xi32> -> vector<16xf32>
        %add3A_1356 = arith.addf %add3A_1288, %gather3A_1355 : vector<16xf32>
        %xor3A_1357 = arith.constant 4 : i32
        %xor3A_1358 = vector.broadcast %xor3A_1357 : i32 to vector<16xi32>
        %xor3A_1359 = arith.xori %iota3A, %xor3A_1358 : vector<16xi32>
        %broadcast_in_dim3A_1360 = vector.shape_cast %xor3A_1359 : vector<16xi32> to vector<16x1xi32>
        %gather3A_1361 = vector.shape_cast %broadcast_in_dim3A_1360 : vector<16x1xi32> to vector<16xi32>
        %gather3A_1362 = tpu.dynamic_gather %add3A_1356[%gather3A_1361] in [0] : vector<16xf32>, vector<16xi32> -> vector<16xf32>
        %add3A_1363 = arith.addf %add3A_1356, %gather3A_1362 : vector<16xf32>
        %xor3A_1364 = arith.constant 2 : i32
        %xor3A_1365 = vector.broadcast %xor3A_1364 : i32 to vector<16xi32>
        %xor3A_1366 = arith.xori %iota3A, %xor3A_1365 : vector<16xi32>
        %broadcast_in_dim3A_1367 = vector.shape_cast %xor3A_1366 : vector<16xi32> to vector<16x1xi32>
        %gather3A_1368 = vector.shape_cast %broadcast_in_dim3A_1367 : vector<16x1xi32> to vector<16xi32>
        %gather3A_1369 = tpu.dynamic_gather %add3A_1363[%gather3A_1368] in [0] : vector<16xf32>, vector<16xi32> -> vector<16xf32>
        %add3A_1370 = arith.addf %add3A_1363, %gather3A_1369 : vector<16xf32>
        %xor3A_1371 = arith.constant 1 : i32
        %xor3A_1372 = vector.broadcast %xor3A_1371 : i32 to vector<16xi32>
        %xor3A_1373 = arith.xori %iota3A, %xor3A_1372 : vector<16xi32>
        %broadcast_in_dim3A_1374 = vector.shape_cast %xor3A_1373 : vector<16xi32> to vector<16x1xi32>
        %gather3A_1375 = vector.shape_cast %broadcast_in_dim3A_1374 : vector<16x1xi32> to vector<16xi32>
        %gather3A_1376 = tpu.dynamic_gather %add3A_1370[%gather3A_1375] in [0] : vector<16xf32>, vector<16xi32> -> vector<16xf32>
        %add3A_1377 = arith.addf %add3A_1370, %gather3A_1376 : vector<16xf32>
        %select_n3A_1378 = arith.select %eq3A_1291, %add3A_1377, %select_n3A_1243 : vector<16xi1>, vector<16xf32>
        %mul3A_1379 = arith.constant 16 : i32
        %mul3A_1380 = arith.muli %scan3A_31, %mul3A_1379 : i32
        %add3A_1381 = arith.constant 10 : i32
        %add3A_1382 = arith.addi %mul3A_1380, %add3A_1381 : i32
        %mul3A_1383 = arith.constant 1000 : i32
        %mul3A_1384 = arith.muli %add3A_1382, %mul3A_1383 : i32
        %mul3A_1385 = arith.constant 0 : i32
        %mul3A_1386 = vector.broadcast %mul3A_1385 : i32 to vector<16xi32>
        %mul3A_1387 = arith.muli %iota3A, %mul3A_1386 : vector<16xi32>
        %add3A_1388 = arith.constant 10 : i32
        %add3A_1389 = vector.broadcast %add3A_1388 : i32 to vector<16xi32>
        %add3A_1390 = arith.addi %mul3A_1387, %add3A_1389 : vector<16xi32>
        %broadcast_in_dim3A_1391 = vector.shape_cast %add3A_1390 : vector<16xi32> to vector<16x1xi32>
        %gather3A_1392 = vector.shape_cast %broadcast_in_dim3A_1391 : vector<16x1xi32> to vector<16xi32>
        %gather3A_1393 = tpu.dynamic_gather %get3A_36[%gather3A_1392] in [0] : vector<16xi32>, vector<16xi32> -> vector<16xi32>
        %sub3A_1394 = arith.subi %gather3A_1393, %iota3A : vector<16xi32>
        %scan3A_1395 = arith.constant 0 : i32
        %scan3A_1396 = arith.constant 62 : i32
        %scan3A_1397 = arith.addi %scan3A_1395, %scan3A_1396 : i32
        %scan3A_1398 = arith.constant 1 : i32
        %scan3A_1399:4 = scf.for %scan3A_2206 = %scan3A_1395 to %scan3A_1397 step %scan3A_1398 iter_args(%scan3A_2207 = %broadcast_in_dim3A_3, %scan3A_2208 = %broadcast_in_dim3A_3, %scan3A_2209 = %broadcast_in_dim3A_3, %scan3A_2210 = %broadcast_in_dim3A_5) -> (vector<16xf32>, vector<16xf32>, vector<16xf32>, vector<16xi32>)  : i32 {
          %mul3A_2211 = arith.constant 16 : i32
          %mul3A_2212 = arith.muli %scan3A_2206, %mul3A_2211 : i32
          %add3A_2213 = arith.addi %mul3A_1384, %mul3A_2212 : i32
          %get3A_2214 = arith.index_cast %add3A_2213 : i32 to index
          %get3A_2215 = tpu.vector_load %arg7[%get3A_2214] {strides = array<i32>} : memref<32000xf32, #tpu.memory_space<vmem>>, vector<16xf32>,
          %get3A_2216 = vector.shape_cast %get3A_2215 : vector<16xf32> to vector<16xf32>
          %eq3A_2217 = arith.cmpi eq, %sub3A_1394, %scan3A_2210 : vector<16xi32>
          %add3A_2218 = arith.addf %scan3A_2207, %get3A_2216 : vector<16xf32>
          %exp3A_2219 = math.exp %get3A_2216 : vector<16xf32>
          %add3A_2220 = arith.addf %scan3A_2208, %exp3A_2219 : vector<16xf32>
          %jit3A_2221 = arith.constant 0.000000e+00 : f32
          %broadcast_in_dim3A_2222 = vector.broadcast %jit3A_2221 : f32 to vector<16xf32>
          %select_n3A_2223 = arith.select %eq3A_2217, %get3A_2216, %broadcast_in_dim3A_2222 : vector<16xi1>, vector<16xf32>
          %add3A_2224 = arith.addf %scan3A_2209, %select_n3A_2223 : vector<16xf32>
          %add3A_2225 = arith.constant 16 : i32
          %add3A_2226 = vector.broadcast %add3A_2225 : i32 to vector<16xi32>
          %add3A_2227 = arith.addi %scan3A_2210, %add3A_2226 : vector<16xi32>
          scf.yield %add3A_2218, %add3A_2220, %add3A_2224, %add3A_2227 : vector<16xf32>, vector<16xf32>, vector<16xf32>, vector<16xi32>
        }
        %scan3A_1400 = arith.constant 62 : i32
        %add3A_1401 = arith.constant 984 : i32
        %add3A_1402 = arith.addi %mul3A_1384, %add3A_1401 : i32
        %get3A_1403 = arith.index_cast %add3A_1402 : i32 to index
        %get3A_1404 = tpu.vector_load %arg7[%get3A_1403] {strides = array<i32>} : memref<32000xf32, #tpu.memory_space<vmem>>, vector<16xf32>,
        %get3A_1405 = vector.shape_cast %get3A_1404 : vector<16xf32> to vector<16xf32>
        %jit3A_1406 = arith.constant 0.000000e+00 : f32
        %broadcast_in_dim3A_1407 = vector.broadcast %jit3A_1406 : f32 to vector<16xf32>
        %select_n3A_1408 = arith.select %ge3A_7, %get3A_1405, %broadcast_in_dim3A_1407 : vector<16xi1>, vector<16xf32>
        %add3A_1409 = arith.addf %scan3A_1399#0, %select_n3A_1408 : vector<16xf32>
        %exp3A_1410 = math.exp %get3A_1405 : vector<16xf32>
        %jit3A_1411 = arith.constant 0.000000e+00 : f32
        %broadcast_in_dim3A_1412 = vector.broadcast %jit3A_1411 : f32 to vector<16xf32>
        %select_n3A_1413 = arith.select %ge3A_7, %exp3A_1410, %broadcast_in_dim3A_1412 : vector<16xi1>, vector<16xf32>
        %add3A_1414 = arith.addf %scan3A_1399#1, %select_n3A_1413 : vector<16xf32>
        %add3A_1415 = arith.constant 984 : i32
        %add3A_1416 = vector.broadcast %add3A_1415 : i32 to vector<16xi32>
        %add3A_1417 = arith.addi %iota3A, %add3A_1416 : vector<16xi32>
        %eq3A_1418 = arith.cmpi eq, %gather3A_1393, %add3A_1417 : vector<16xi32>
        %and3A_1419 = arith.andi %ge3A_7, %eq3A_1418 : vector<16xi1>
        %jit3A_1420 = arith.constant 0.000000e+00 : f32
        %broadcast_in_dim3A_1421 = vector.broadcast %jit3A_1420 : f32 to vector<16xf32>
        %select_n3A_1422 = arith.select %and3A_1419, %get3A_1405, %broadcast_in_dim3A_1421 : vector<16xi1>, vector<16xf32>
        %add3A_1423 = arith.addf %scan3A_1399#2, %select_n3A_1422 : vector<16xf32>
        %eq3A_1424 = arith.constant 10 : i32
        %eq3A_1425 = vector.broadcast %eq3A_1424 : i32 to vector<16xi32>
        %eq3A_1426 = arith.cmpi eq, %iota3A, %eq3A_1425 : vector<16xi32>
        %xor3A_1427 = arith.constant 8 : i32
        %xor3A_1428 = vector.broadcast %xor3A_1427 : i32 to vector<16xi32>
        %xor3A_1429 = arith.xori %iota3A, %xor3A_1428 : vector<16xi32>
        %broadcast_in_dim3A_1430 = vector.shape_cast %xor3A_1429 : vector<16xi32> to vector<16x1xi32>
        %gather3A_1431 = vector.shape_cast %broadcast_in_dim3A_1430 : vector<16x1xi32> to vector<16xi32>
        %gather3A_1432 = tpu.dynamic_gather %add3A_1409[%gather3A_1431] in [0] : vector<16xf32>, vector<16xi32> -> vector<16xf32>
        %add3A_1433 = arith.addf %add3A_1409, %gather3A_1432 : vector<16xf32>
        %xor3A_1434 = arith.constant 4 : i32
        %xor3A_1435 = vector.broadcast %xor3A_1434 : i32 to vector<16xi32>
        %xor3A_1436 = arith.xori %iota3A, %xor3A_1435 : vector<16xi32>
        %broadcast_in_dim3A_1437 = vector.shape_cast %xor3A_1436 : vector<16xi32> to vector<16x1xi32>
        %gather3A_1438 = vector.shape_cast %broadcast_in_dim3A_1437 : vector<16x1xi32> to vector<16xi32>
        %gather3A_1439 = tpu.dynamic_gather %add3A_1433[%gather3A_1438] in [0] : vector<16xf32>, vector<16xi32> -> vector<16xf32>
        %add3A_1440 = arith.addf %add3A_1433, %gather3A_1439 : vector<16xf32>
        %xor3A_1441 = arith.constant 2 : i32
        %xor3A_1442 = vector.broadcast %xor3A_1441 : i32 to vector<16xi32>
        %xor3A_1443 = arith.xori %iota3A, %xor3A_1442 : vector<16xi32>
        %broadcast_in_dim3A_1444 = vector.shape_cast %xor3A_1443 : vector<16xi32> to vector<16x1xi32>
        %gather3A_1445 = vector.shape_cast %broadcast_in_dim3A_1444 : vector<16x1xi32> to vector<16xi32>
        %gather3A_1446 = tpu.dynamic_gather %add3A_1440[%gather3A_1445] in [0] : vector<16xf32>, vector<16xi32> -> vector<16xf32>
        %add3A_1447 = arith.addf %add3A_1440, %gather3A_1446 : vector<16xf32>
        %xor3A_1448 = arith.constant 1 : i32
        %xor3A_1449 = vector.broadcast %xor3A_1448 : i32 to vector<16xi32>
        %xor3A_1450 = arith.xori %iota3A, %xor3A_1449 : vector<16xi32>
        %broadcast_in_dim3A_1451 = vector.shape_cast %xor3A_1450 : vector<16xi32> to vector<16x1xi32>
        %gather3A_1452 = vector.shape_cast %broadcast_in_dim3A_1451 : vector<16x1xi32> to vector<16xi32>
        %gather3A_1453 = tpu.dynamic_gather %add3A_1447[%gather3A_1452] in [0] : vector<16xf32>, vector<16xi32> -> vector<16xf32>
        %add3A_1454 = arith.addf %add3A_1447, %gather3A_1453 : vector<16xf32>
        %select_n3A_1455 = arith.select %eq3A_1426, %add3A_1454, %select_n3A_1320 : vector<16xi1>, vector<16xf32>
        %xor3A_1456 = arith.constant 8 : i32
        %xor3A_1457 = vector.broadcast %xor3A_1456 : i32 to vector<16xi32>
        %xor3A_1458 = arith.xori %iota3A, %xor3A_1457 : vector<16xi32>
        %broadcast_in_dim3A_1459 = vector.shape_cast %xor3A_1458 : vector<16xi32> to vector<16x1xi32>
        %gather3A_1460 = vector.shape_cast %broadcast_in_dim3A_1459 : vector<16x1xi32> to vector<16xi32>
        %gather3A_1461 = tpu.dynamic_gather %add3A_1414[%gather3A_1460] in [0] : vector<16xf32>, vector<16xi32> -> vector<16xf32>
        %add3A_1462 = arith.addf %add3A_1414, %gather3A_1461 : vector<16xf32>
        %xor3A_1463 = arith.constant 4 : i32
        %xor3A_1464 = vector.broadcast %xor3A_1463 : i32 to vector<16xi32>
        %xor3A_1465 = arith.xori %iota3A, %xor3A_1464 : vector<16xi32>
        %broadcast_in_dim3A_1466 = vector.shape_cast %xor3A_1465 : vector<16xi32> to vector<16x1xi32>
        %gather3A_1467 = vector.shape_cast %broadcast_in_dim3A_1466 : vector<16x1xi32> to vector<16xi32>
        %gather3A_1468 = tpu.dynamic_gather %add3A_1462[%gather3A_1467] in [0] : vector<16xf32>, vector<16xi32> -> vector<16xf32>
        %add3A_1469 = arith.addf %add3A_1462, %gather3A_1468 : vector<16xf32>
        %xor3A_1470 = arith.constant 2 : i32
        %xor3A_1471 = vector.broadcast %xor3A_1470 : i32 to vector<16xi32>
        %xor3A_1472 = arith.xori %iota3A, %xor3A_1471 : vector<16xi32>
        %broadcast_in_dim3A_1473 = vector.shape_cast %xor3A_1472 : vector<16xi32> to vector<16x1xi32>
        %gather3A_1474 = vector.shape_cast %broadcast_in_dim3A_1473 : vector<16x1xi32> to vector<16xi32>
        %gather3A_1475 = tpu.dynamic_gather %add3A_1469[%gather3A_1474] in [0] : vector<16xf32>, vector<16xi32> -> vector<16xf32>
        %add3A_1476 = arith.addf %add3A_1469, %gather3A_1475 : vector<16xf32>
        %xor3A_1477 = arith.constant 1 : i32
        %xor3A_1478 = vector.broadcast %xor3A_1477 : i32 to vector<16xi32>
        %xor3A_1479 = arith.xori %iota3A, %xor3A_1478 : vector<16xi32>
        %broadcast_in_dim3A_1480 = vector.shape_cast %xor3A_1479 : vector<16xi32> to vector<16x1xi32>
        %gather3A_1481 = vector.shape_cast %broadcast_in_dim3A_1480 : vector<16x1xi32> to vector<16xi32>
        %gather3A_1482 = tpu.dynamic_gather %add3A_1476[%gather3A_1481] in [0] : vector<16xf32>, vector<16xi32> -> vector<16xf32>
        %add3A_1483 = arith.addf %add3A_1476, %gather3A_1482 : vector<16xf32>
        %select_n3A_1484 = arith.select %eq3A_1426, %add3A_1483, %select_n3A_1349 : vector<16xi1>, vector<16xf32>
        %xor3A_1485 = arith.constant 8 : i32
        %xor3A_1486 = vector.broadcast %xor3A_1485 : i32 to vector<16xi32>
        %xor3A_1487 = arith.xori %iota3A, %xor3A_1486 : vector<16xi32>
        %broadcast_in_dim3A_1488 = vector.shape_cast %xor3A_1487 : vector<16xi32> to vector<16x1xi32>
        %gather3A_1489 = vector.shape_cast %broadcast_in_dim3A_1488 : vector<16x1xi32> to vector<16xi32>
        %gather3A_1490 = tpu.dynamic_gather %add3A_1423[%gather3A_1489] in [0] : vector<16xf32>, vector<16xi32> -> vector<16xf32>
        %add3A_1491 = arith.addf %add3A_1423, %gather3A_1490 : vector<16xf32>
        %xor3A_1492 = arith.constant 4 : i32
        %xor3A_1493 = vector.broadcast %xor3A_1492 : i32 to vector<16xi32>
        %xor3A_1494 = arith.xori %iota3A, %xor3A_1493 : vector<16xi32>
        %broadcast_in_dim3A_1495 = vector.shape_cast %xor3A_1494 : vector<16xi32> to vector<16x1xi32>
        %gather3A_1496 = vector.shape_cast %broadcast_in_dim3A_1495 : vector<16x1xi32> to vector<16xi32>
        %gather3A_1497 = tpu.dynamic_gather %add3A_1491[%gather3A_1496] in [0] : vector<16xf32>, vector<16xi32> -> vector<16xf32>
        %add3A_1498 = arith.addf %add3A_1491, %gather3A_1497 : vector<16xf32>
        %xor3A_1499 = arith.constant 2 : i32
        %xor3A_1500 = vector.broadcast %xor3A_1499 : i32 to vector<16xi32>
        %xor3A_1501 = arith.xori %iota3A, %xor3A_1500 : vector<16xi32>
        %broadcast_in_dim3A_1502 = vector.shape_cast %xor3A_1501 : vector<16xi32> to vector<16x1xi32>
        %gather3A_1503 = vector.shape_cast %broadcast_in_dim3A_1502 : vector<16x1xi32> to vector<16xi32>
        %gather3A_1504 = tpu.dynamic_gather %add3A_1498[%gather3A_1503] in [0] : vector<16xf32>, vector<16xi32> -> vector<16xf32>
        %add3A_1505 = arith.addf %add3A_1498, %gather3A_1504 : vector<16xf32>
        %xor3A_1506 = arith.constant 1 : i32
        %xor3A_1507 = vector.broadcast %xor3A_1506 : i32 to vector<16xi32>
        %xor3A_1508 = arith.xori %iota3A, %xor3A_1507 : vector<16xi32>
        %broadcast_in_dim3A_1509 = vector.shape_cast %xor3A_1508 : vector<16xi32> to vector<16x1xi32>
        %gather3A_1510 = vector.shape_cast %broadcast_in_dim3A_1509 : vector<16x1xi32> to vector<16xi32>
        %gather3A_1511 = tpu.dynamic_gather %add3A_1505[%gather3A_1510] in [0] : vector<16xf32>, vector<16xi32> -> vector<16xf32>
        %add3A_1512 = arith.addf %add3A_1505, %gather3A_1511 : vector<16xf32>
        %select_n3A_1513 = arith.select %eq3A_1426, %add3A_1512, %select_n3A_1378 : vector<16xi1>, vector<16xf32>
        %mul3A_1514 = arith.constant 16 : i32
        %mul3A_1515 = arith.muli %scan3A_31, %mul3A_1514 : i32
        %add3A_1516 = arith.constant 11 : i32
        %add3A_1517 = arith.addi %mul3A_1515, %add3A_1516 : i32
        %mul3A_1518 = arith.constant 1000 : i32
        %mul3A_1519 = arith.muli %add3A_1517, %mul3A_1518 : i32
        %mul3A_1520 = arith.constant 0 : i32
        %mul3A_1521 = vector.broadcast %mul3A_1520 : i32 to vector<16xi32>
        %mul3A_1522 = arith.muli %iota3A, %mul3A_1521 : vector<16xi32>
        %add3A_1523 = arith.constant 11 : i32
        %add3A_1524 = vector.broadcast %add3A_1523 : i32 to vector<16xi32>
        %add3A_1525 = arith.addi %mul3A_1522, %add3A_1524 : vector<16xi32>
        %broadcast_in_dim3A_1526 = vector.shape_cast %add3A_1525 : vector<16xi32> to vector<16x1xi32>
        %gather3A_1527 = vector.shape_cast %broadcast_in_dim3A_1526 : vector<16x1xi32> to vector<16xi32>
        %gather3A_1528 = tpu.dynamic_gather %get3A_36[%gather3A_1527] in [0] : vector<16xi32>, vector<16xi32> -> vector<16xi32>
        %sub3A_1529 = arith.subi %gather3A_1528, %iota3A : vector<16xi32>
        %scan3A_1530 = arith.constant 0 : i32
        %scan3A_1531 = arith.constant 62 : i32
        %scan3A_1532 = arith.addi %scan3A_1530, %scan3A_1531 : i32
        %scan3A_1533 = arith.constant 1 : i32
        %scan3A_1534:4 = scf.for %scan3A_2206 = %scan3A_1530 to %scan3A_1532 step %scan3A_1533 iter_args(%scan3A_2207 = %broadcast_in_dim3A_3, %scan3A_2208 = %broadcast_in_dim3A_3, %scan3A_2209 = %broadcast_in_dim3A_3, %scan3A_2210 = %broadcast_in_dim3A_5) -> (vector<16xf32>, vector<16xf32>, vector<16xf32>, vector<16xi32>)  : i32 {
          %mul3A_2211 = arith.constant 16 : i32
          %mul3A_2212 = arith.muli %scan3A_2206, %mul3A_2211 : i32
          %add3A_2213 = arith.addi %mul3A_1519, %mul3A_2212 : i32
          %get3A_2214 = arith.index_cast %add3A_2213 : i32 to index
          %get3A_2215 = tpu.vector_load %arg7[%get3A_2214] {strides = array<i32>} : memref<32000xf32, #tpu.memory_space<vmem>>, vector<16xf32>,
          %get3A_2216 = vector.shape_cast %get3A_2215 : vector<16xf32> to vector<16xf32>
          %eq3A_2217 = arith.cmpi eq, %sub3A_1529, %scan3A_2210 : vector<16xi32>
          %add3A_2218 = arith.addf %scan3A_2207, %get3A_2216 : vector<16xf32>
          %exp3A_2219 = math.exp %get3A_2216 : vector<16xf32>
          %add3A_2220 = arith.addf %scan3A_2208, %exp3A_2219 : vector<16xf32>
          %jit3A_2221 = arith.constant 0.000000e+00 : f32
          %broadcast_in_dim3A_2222 = vector.broadcast %jit3A_2221 : f32 to vector<16xf32>
          %select_n3A_2223 = arith.select %eq3A_2217, %get3A_2216, %broadcast_in_dim3A_2222 : vector<16xi1>, vector<16xf32>
          %add3A_2224 = arith.addf %scan3A_2209, %select_n3A_2223 : vector<16xf32>
          %add3A_2225 = arith.constant 16 : i32
          %add3A_2226 = vector.broadcast %add3A_2225 : i32 to vector<16xi32>
          %add3A_2227 = arith.addi %scan3A_2210, %add3A_2226 : vector<16xi32>
          scf.yield %add3A_2218, %add3A_2220, %add3A_2224, %add3A_2227 : vector<16xf32>, vector<16xf32>, vector<16xf32>, vector<16xi32>
        }
        %scan3A_1535 = arith.constant 62 : i32
        %add3A_1536 = arith.constant 984 : i32
        %add3A_1537 = arith.addi %mul3A_1519, %add3A_1536 : i32
        %get3A_1538 = arith.index_cast %add3A_1537 : i32 to index
        %get3A_1539 = tpu.vector_load %arg7[%get3A_1538] {strides = array<i32>} : memref<32000xf32, #tpu.memory_space<vmem>>, vector<16xf32>,
        %get3A_1540 = vector.shape_cast %get3A_1539 : vector<16xf32> to vector<16xf32>
        %jit3A_1541 = arith.constant 0.000000e+00 : f32
        %broadcast_in_dim3A_1542 = vector.broadcast %jit3A_1541 : f32 to vector<16xf32>
        %select_n3A_1543 = arith.select %ge3A_7, %get3A_1540, %broadcast_in_dim3A_1542 : vector<16xi1>, vector<16xf32>
        %add3A_1544 = arith.addf %scan3A_1534#0, %select_n3A_1543 : vector<16xf32>
        %exp3A_1545 = math.exp %get3A_1540 : vector<16xf32>
        %jit3A_1546 = arith.constant 0.000000e+00 : f32
        %broadcast_in_dim3A_1547 = vector.broadcast %jit3A_1546 : f32 to vector<16xf32>
        %select_n3A_1548 = arith.select %ge3A_7, %exp3A_1545, %broadcast_in_dim3A_1547 : vector<16xi1>, vector<16xf32>
        %add3A_1549 = arith.addf %scan3A_1534#1, %select_n3A_1548 : vector<16xf32>
        %add3A_1550 = arith.constant 984 : i32
        %add3A_1551 = vector.broadcast %add3A_1550 : i32 to vector<16xi32>
        %add3A_1552 = arith.addi %iota3A, %add3A_1551 : vector<16xi32>
        %eq3A_1553 = arith.cmpi eq, %gather3A_1528, %add3A_1552 : vector<16xi32>
        %and3A_1554 = arith.andi %ge3A_7, %eq3A_1553 : vector<16xi1>
        %jit3A_1555 = arith.constant 0.000000e+00 : f32
        %broadcast_in_dim3A_1556 = vector.broadcast %jit3A_1555 : f32 to vector<16xf32>
        %select_n3A_1557 = arith.select %and3A_1554, %get3A_1540, %broadcast_in_dim3A_1556 : vector<16xi1>, vector<16xf32>
        %add3A_1558 = arith.addf %scan3A_1534#2, %select_n3A_1557 : vector<16xf32>
        %eq3A_1559 = arith.constant 11 : i32
        %eq3A_1560 = vector.broadcast %eq3A_1559 : i32 to vector<16xi32>
        %eq3A_1561 = arith.cmpi eq, %iota3A, %eq3A_1560 : vector<16xi32>
        %xor3A_1562 = arith.constant 8 : i32
        %xor3A_1563 = vector.broadcast %xor3A_1562 : i32 to vector<16xi32>
        %xor3A_1564 = arith.xori %iota3A, %xor3A_1563 : vector<16xi32>
        %broadcast_in_dim3A_1565 = vector.shape_cast %xor3A_1564 : vector<16xi32> to vector<16x1xi32>
        %gather3A_1566 = vector.shape_cast %broadcast_in_dim3A_1565 : vector<16x1xi32> to vector<16xi32>
        %gather3A_1567 = tpu.dynamic_gather %add3A_1544[%gather3A_1566] in [0] : vector<16xf32>, vector<16xi32> -> vector<16xf32>
        %add3A_1568 = arith.addf %add3A_1544, %gather3A_1567 : vector<16xf32>
        %xor3A_1569 = arith.constant 4 : i32
        %xor3A_1570 = vector.broadcast %xor3A_1569 : i32 to vector<16xi32>
        %xor3A_1571 = arith.xori %iota3A, %xor3A_1570 : vector<16xi32>
        %broadcast_in_dim3A_1572 = vector.shape_cast %xor3A_1571 : vector<16xi32> to vector<16x1xi32>
        %gather3A_1573 = vector.shape_cast %broadcast_in_dim3A_1572 : vector<16x1xi32> to vector<16xi32>
        %gather3A_1574 = tpu.dynamic_gather %add3A_1568[%gather3A_1573] in [0] : vector<16xf32>, vector<16xi32> -> vector<16xf32>
        %add3A_1575 = arith.addf %add3A_1568, %gather3A_1574 : vector<16xf32>
        %xor3A_1576 = arith.constant 2 : i32
        %xor3A_1577 = vector.broadcast %xor3A_1576 : i32 to vector<16xi32>
        %xor3A_1578 = arith.xori %iota3A, %xor3A_1577 : vector<16xi32>
        %broadcast_in_dim3A_1579 = vector.shape_cast %xor3A_1578 : vector<16xi32> to vector<16x1xi32>
        %gather3A_1580 = vector.shape_cast %broadcast_in_dim3A_1579 : vector<16x1xi32> to vector<16xi32>
        %gather3A_1581 = tpu.dynamic_gather %add3A_1575[%gather3A_1580] in [0] : vector<16xf32>, vector<16xi32> -> vector<16xf32>
        %add3A_1582 = arith.addf %add3A_1575, %gather3A_1581 : vector<16xf32>
        %xor3A_1583 = arith.constant 1 : i32
        %xor3A_1584 = vector.broadcast %xor3A_1583 : i32 to vector<16xi32>
        %xor3A_1585 = arith.xori %iota3A, %xor3A_1584 : vector<16xi32>
        %broadcast_in_dim3A_1586 = vector.shape_cast %xor3A_1585 : vector<16xi32> to vector<16x1xi32>
        %gather3A_1587 = vector.shape_cast %broadcast_in_dim3A_1586 : vector<16x1xi32> to vector<16xi32>
        %gather3A_1588 = tpu.dynamic_gather %add3A_1582[%gather3A_1587] in [0] : vector<16xf32>, vector<16xi32> -> vector<16xf32>
        %add3A_1589 = arith.addf %add3A_1582, %gather3A_1588 : vector<16xf32>
        %select_n3A_1590 = arith.select %eq3A_1561, %add3A_1589, %select_n3A_1455 : vector<16xi1>, vector<16xf32>
        %xor3A_1591 = arith.constant 8 : i32
        %xor3A_1592 = vector.broadcast %xor3A_1591 : i32 to vector<16xi32>
        %xor3A_1593 = arith.xori %iota3A, %xor3A_1592 : vector<16xi32>
        %broadcast_in_dim3A_1594 = vector.shape_cast %xor3A_1593 : vector<16xi32> to vector<16x1xi32>
        %gather3A_1595 = vector.shape_cast %broadcast_in_dim3A_1594 : vector<16x1xi32> to vector<16xi32>
        %gather3A_1596 = tpu.dynamic_gather %add3A_1549[%gather3A_1595] in [0] : vector<16xf32>, vector<16xi32> -> vector<16xf32>
        %add3A_1597 = arith.addf %add3A_1549, %gather3A_1596 : vector<16xf32>
        %xor3A_1598 = arith.constant 4 : i32
        %xor3A_1599 = vector.broadcast %xor3A_1598 : i32 to vector<16xi32>
        %xor3A_1600 = arith.xori %iota3A, %xor3A_1599 : vector<16xi32>
        %broadcast_in_dim3A_1601 = vector.shape_cast %xor3A_1600 : vector<16xi32> to vector<16x1xi32>
        %gather3A_1602 = vector.shape_cast %broadcast_in_dim3A_1601 : vector<16x1xi32> to vector<16xi32>
        %gather3A_1603 = tpu.dynamic_gather %add3A_1597[%gather3A_1602] in [0] : vector<16xf32>, vector<16xi32> -> vector<16xf32>
        %add3A_1604 = arith.addf %add3A_1597, %gather3A_1603 : vector<16xf32>
        %xor3A_1605 = arith.constant 2 : i32
        %xor3A_1606 = vector.broadcast %xor3A_1605 : i32 to vector<16xi32>
        %xor3A_1607 = arith.xori %iota3A, %xor3A_1606 : vector<16xi32>
        %broadcast_in_dim3A_1608 = vector.shape_cast %xor3A_1607 : vector<16xi32> to vector<16x1xi32>
        %gather3A_1609 = vector.shape_cast %broadcast_in_dim3A_1608 : vector<16x1xi32> to vector<16xi32>
        %gather3A_1610 = tpu.dynamic_gather %add3A_1604[%gather3A_1609] in [0] : vector<16xf32>, vector<16xi32> -> vector<16xf32>
        %add3A_1611 = arith.addf %add3A_1604, %gather3A_1610 : vector<16xf32>
        %xor3A_1612 = arith.constant 1 : i32
        %xor3A_1613 = vector.broadcast %xor3A_1612 : i32 to vector<16xi32>
        %xor3A_1614 = arith.xori %iota3A, %xor3A_1613 : vector<16xi32>
        %broadcast_in_dim3A_1615 = vector.shape_cast %xor3A_1614 : vector<16xi32> to vector<16x1xi32>
        %gather3A_1616 = vector.shape_cast %broadcast_in_dim3A_1615 : vector<16x1xi32> to vector<16xi32>
        %gather3A_1617 = tpu.dynamic_gather %add3A_1611[%gather3A_1616] in [0] : vector<16xf32>, vector<16xi32> -> vector<16xf32>
        %add3A_1618 = arith.addf %add3A_1611, %gather3A_1617 : vector<16xf32>
        %select_n3A_1619 = arith.select %eq3A_1561, %add3A_1618, %select_n3A_1484 : vector<16xi1>, vector<16xf32>
        %xor3A_1620 = arith.constant 8 : i32
        %xor3A_1621 = vector.broadcast %xor3A_1620 : i32 to vector<16xi32>
        %xor3A_1622 = arith.xori %iota3A, %xor3A_1621 : vector<16xi32>
        %broadcast_in_dim3A_1623 = vector.shape_cast %xor3A_1622 : vector<16xi32> to vector<16x1xi32>
        %gather3A_1624 = vector.shape_cast %broadcast_in_dim3A_1623 : vector<16x1xi32> to vector<16xi32>
        %gather3A_1625 = tpu.dynamic_gather %add3A_1558[%gather3A_1624] in [0] : vector<16xf32>, vector<16xi32> -> vector<16xf32>
        %add3A_1626 = arith.addf %add3A_1558, %gather3A_1625 : vector<16xf32>
        %xor3A_1627 = arith.constant 4 : i32
        %xor3A_1628 = vector.broadcast %xor3A_1627 : i32 to vector<16xi32>
        %xor3A_1629 = arith.xori %iota3A, %xor3A_1628 : vector<16xi32>
        %broadcast_in_dim3A_1630 = vector.shape_cast %xor3A_1629 : vector<16xi32> to vector<16x1xi32>
        %gather3A_1631 = vector.shape_cast %broadcast_in_dim3A_1630 : vector<16x1xi32> to vector<16xi32>
        %gather3A_1632 = tpu.dynamic_gather %add3A_1626[%gather3A_1631] in [0] : vector<16xf32>, vector<16xi32> -> vector<16xf32>
        %add3A_1633 = arith.addf %add3A_1626, %gather3A_1632 : vector<16xf32>
        %xor3A_1634 = arith.constant 2 : i32
        %xor3A_1635 = vector.broadcast %xor3A_1634 : i32 to vector<16xi32>
        %xor3A_1636 = arith.xori %iota3A, %xor3A_1635 : vector<16xi32>
        %broadcast_in_dim3A_1637 = vector.shape_cast %xor3A_1636 : vector<16xi32> to vector<16x1xi32>
        %gather3A_1638 = vector.shape_cast %broadcast_in_dim3A_1637 : vector<16x1xi32> to vector<16xi32>
        %gather3A_1639 = tpu.dynamic_gather %add3A_1633[%gather3A_1638] in [0] : vector<16xf32>, vector<16xi32> -> vector<16xf32>
        %add3A_1640 = arith.addf %add3A_1633, %gather3A_1639 : vector<16xf32>
        %xor3A_1641 = arith.constant 1 : i32
        %xor3A_1642 = vector.broadcast %xor3A_1641 : i32 to vector<16xi32>
        %xor3A_1643 = arith.xori %iota3A, %xor3A_1642 : vector<16xi32>
        %broadcast_in_dim3A_1644 = vector.shape_cast %xor3A_1643 : vector<16xi32> to vector<16x1xi32>
        %gather3A_1645 = vector.shape_cast %broadcast_in_dim3A_1644 : vector<16x1xi32> to vector<16xi32>
        %gather3A_1646 = tpu.dynamic_gather %add3A_1640[%gather3A_1645] in [0] : vector<16xf32>, vector<16xi32> -> vector<16xf32>
        %add3A_1647 = arith.addf %add3A_1640, %gather3A_1646 : vector<16xf32>
        %select_n3A_1648 = arith.select %eq3A_1561, %add3A_1647, %select_n3A_1513 : vector<16xi1>, vector<16xf32>
        %mul3A_1649 = arith.constant 16 : i32
        %mul3A_1650 = arith.muli %scan3A_31, %mul3A_1649 : i32
        %add3A_1651 = arith.constant 12 : i32
        %add3A_1652 = arith.addi %mul3A_1650, %add3A_1651 : i32
        %mul3A_1653 = arith.constant 1000 : i32
        %mul3A_1654 = arith.muli %add3A_1652, %mul3A_1653 : i32
        %mul3A_1655 = arith.constant 0 : i32
        %mul3A_1656 = vector.broadcast %mul3A_1655 : i32 to vector<16xi32>
        %mul3A_1657 = arith.muli %iota3A, %mul3A_1656 : vector<16xi32>
        %add3A_1658 = arith.constant 12 : i32
        %add3A_1659 = vector.broadcast %add3A_1658 : i32 to vector<16xi32>
        %add3A_1660 = arith.addi %mul3A_1657, %add3A_1659 : vector<16xi32>
        %broadcast_in_dim3A_1661 = vector.shape_cast %add3A_1660 : vector<16xi32> to vector<16x1xi32>
        %gather3A_1662 = vector.shape_cast %broadcast_in_dim3A_1661 : vector<16x1xi32> to vector<16xi32>
        %gather3A_1663 = tpu.dynamic_gather %get3A_36[%gather3A_1662] in [0] : vector<16xi32>, vector<16xi32> -> vector<16xi32>
        %sub3A_1664 = arith.subi %gather3A_1663, %iota3A : vector<16xi32>
        %scan3A_1665 = arith.constant 0 : i32
        %scan3A_1666 = arith.constant 62 : i32
        %scan3A_1667 = arith.addi %scan3A_1665, %scan3A_1666 : i32
        %scan3A_1668 = arith.constant 1 : i32
        %scan3A_1669:4 = scf.for %scan3A_2206 = %scan3A_1665 to %scan3A_1667 step %scan3A_1668 iter_args(%scan3A_2207 = %broadcast_in_dim3A_3, %scan3A_2208 = %broadcast_in_dim3A_3, %scan3A_2209 = %broadcast_in_dim3A_3, %scan3A_2210 = %broadcast_in_dim3A_5) -> (vector<16xf32>, vector<16xf32>, vector<16xf32>, vector<16xi32>)  : i32 {
          %mul3A_2211 = arith.constant 16 : i32
          %mul3A_2212 = arith.muli %scan3A_2206, %mul3A_2211 : i32
          %add3A_2213 = arith.addi %mul3A_1654, %mul3A_2212 : i32
          %get3A_2214 = arith.index_cast %add3A_2213 : i32 to index
          %get3A_2215 = tpu.vector_load %arg7[%get3A_2214] {strides = array<i32>} : memref<32000xf32, #tpu.memory_space<vmem>>, vector<16xf32>,
          %get3A_2216 = vector.shape_cast %get3A_2215 : vector<16xf32> to vector<16xf32>
          %eq3A_2217 = arith.cmpi eq, %sub3A_1664, %scan3A_2210 : vector<16xi32>
          %add3A_2218 = arith.addf %scan3A_2207, %get3A_2216 : vector<16xf32>
          %exp3A_2219 = math.exp %get3A_2216 : vector<16xf32>
          %add3A_2220 = arith.addf %scan3A_2208, %exp3A_2219 : vector<16xf32>
          %jit3A_2221 = arith.constant 0.000000e+00 : f32
          %broadcast_in_dim3A_2222 = vector.broadcast %jit3A_2221 : f32 to vector<16xf32>
          %select_n3A_2223 = arith.select %eq3A_2217, %get3A_2216, %broadcast_in_dim3A_2222 : vector<16xi1>, vector<16xf32>
          %add3A_2224 = arith.addf %scan3A_2209, %select_n3A_2223 : vector<16xf32>
          %add3A_2225 = arith.constant 16 : i32
          %add3A_2226 = vector.broadcast %add3A_2225 : i32 to vector<16xi32>
          %add3A_2227 = arith.addi %scan3A_2210, %add3A_2226 : vector<16xi32>
          scf.yield %add3A_2218, %add3A_2220, %add3A_2224, %add3A_2227 : vector<16xf32>, vector<16xf32>, vector<16xf32>, vector<16xi32>
        }
        %scan3A_1670 = arith.constant 62 : i32
        %add3A_1671 = arith.constant 984 : i32
        %add3A_1672 = arith.addi %mul3A_1654, %add3A_1671 : i32
        %get3A_1673 = arith.index_cast %add3A_1672 : i32 to index
        %get3A_1674 = tpu.vector_load %arg7[%get3A_1673] {strides = array<i32>} : memref<32000xf32, #tpu.memory_space<vmem>>, vector<16xf32>,
        %get3A_1675 = vector.shape_cast %get3A_1674 : vector<16xf32> to vector<16xf32>
        %jit3A_1676 = arith.constant 0.000000e+00 : f32
        %broadcast_in_dim3A_1677 = vector.broadcast %jit3A_1676 : f32 to vector<16xf32>
        %select_n3A_1678 = arith.select %ge3A_7, %get3A_1675, %broadcast_in_dim3A_1677 : vector<16xi1>, vector<16xf32>
        %add3A_1679 = arith.addf %scan3A_1669#0, %select_n3A_1678 : vector<16xf32>
        %exp3A_1680 = math.exp %get3A_1675 : vector<16xf32>
        %jit3A_1681 = arith.constant 0.000000e+00 : f32
        %broadcast_in_dim3A_1682 = vector.broadcast %jit3A_1681 : f32 to vector<16xf32>
        %select_n3A_1683 = arith.select %ge3A_7, %exp3A_1680, %broadcast_in_dim3A_1682 : vector<16xi1>, vector<16xf32>
        %add3A_1684 = arith.addf %scan3A_1669#1, %select_n3A_1683 : vector<16xf32>
        %add3A_1685 = arith.constant 984 : i32
        %add3A_1686 = vector.broadcast %add3A_1685 : i32 to vector<16xi32>
        %add3A_1687 = arith.addi %iota3A, %add3A_1686 : vector<16xi32>
        %eq3A_1688 = arith.cmpi eq, %gather3A_1663, %add3A_1687 : vector<16xi32>
        %and3A_1689 = arith.andi %ge3A_7, %eq3A_1688 : vector<16xi1>
        %jit3A_1690 = arith.constant 0.000000e+00 : f32
        %broadcast_in_dim3A_1691 = vector.broadcast %jit3A_1690 : f32 to vector<16xf32>
        %select_n3A_1692 = arith.select %and3A_1689, %get3A_1675, %broadcast_in_dim3A_1691 : vector<16xi1>, vector<16xf32>
        %add3A_1693 = arith.addf %scan3A_1669#2, %select_n3A_1692 : vector<16xf32>
        %eq3A_1694 = arith.constant 12 : i32
        %eq3A_1695 = vector.broadcast %eq3A_1694 : i32 to vector<16xi32>
        %eq3A_1696 = arith.cmpi eq, %iota3A, %eq3A_1695 : vector<16xi32>
        %xor3A_1697 = arith.constant 8 : i32
        %xor3A_1698 = vector.broadcast %xor3A_1697 : i32 to vector<16xi32>
        %xor3A_1699 = arith.xori %iota3A, %xor3A_1698 : vector<16xi32>
        %broadcast_in_dim3A_1700 = vector.shape_cast %xor3A_1699 : vector<16xi32> to vector<16x1xi32>
        %gather3A_1701 = vector.shape_cast %broadcast_in_dim3A_1700 : vector<16x1xi32> to vector<16xi32>
        %gather3A_1702 = tpu.dynamic_gather %add3A_1679[%gather3A_1701] in [0] : vector<16xf32>, vector<16xi32> -> vector<16xf32>
        %add3A_1703 = arith.addf %add3A_1679, %gather3A_1702 : vector<16xf32>
        %xor3A_1704 = arith.constant 4 : i32
        %xor3A_1705 = vector.broadcast %xor3A_1704 : i32 to vector<16xi32>
        %xor3A_1706 = arith.xori %iota3A, %xor3A_1705 : vector<16xi32>
        %broadcast_in_dim3A_1707 = vector.shape_cast %xor3A_1706 : vector<16xi32> to vector<16x1xi32>
        %gather3A_1708 = vector.shape_cast %broadcast_in_dim3A_1707 : vector<16x1xi32> to vector<16xi32>
        %gather3A_1709 = tpu.dynamic_gather %add3A_1703[%gather3A_1708] in [0] : vector<16xf32>, vector<16xi32> -> vector<16xf32>
        %add3A_1710 = arith.addf %add3A_1703, %gather3A_1709 : vector<16xf32>
        %xor3A_1711 = arith.constant 2 : i32
        %xor3A_1712 = vector.broadcast %xor3A_1711 : i32 to vector<16xi32>
        %xor3A_1713 = arith.xori %iota3A, %xor3A_1712 : vector<16xi32>
        %broadcast_in_dim3A_1714 = vector.shape_cast %xor3A_1713 : vector<16xi32> to vector<16x1xi32>
        %gather3A_1715 = vector.shape_cast %broadcast_in_dim3A_1714 : vector<16x1xi32> to vector<16xi32>
        %gather3A_1716 = tpu.dynamic_gather %add3A_1710[%gather3A_1715] in [0] : vector<16xf32>, vector<16xi32> -> vector<16xf32>
        %add3A_1717 = arith.addf %add3A_1710, %gather3A_1716 : vector<16xf32>
        %xor3A_1718 = arith.constant 1 : i32
        %xor3A_1719 = vector.broadcast %xor3A_1718 : i32 to vector<16xi32>
        %xor3A_1720 = arith.xori %iota3A, %xor3A_1719 : vector<16xi32>
        %broadcast_in_dim3A_1721 = vector.shape_cast %xor3A_1720 : vector<16xi32> to vector<16x1xi32>
        %gather3A_1722 = vector.shape_cast %broadcast_in_dim3A_1721 : vector<16x1xi32> to vector<16xi32>
        %gather3A_1723 = tpu.dynamic_gather %add3A_1717[%gather3A_1722] in [0] : vector<16xf32>, vector<16xi32> -> vector<16xf32>
        %add3A_1724 = arith.addf %add3A_1717, %gather3A_1723 : vector<16xf32>
        %select_n3A_1725 = arith.select %eq3A_1696, %add3A_1724, %select_n3A_1590 : vector<16xi1>, vector<16xf32>
        %xor3A_1726 = arith.constant 8 : i32
        %xor3A_1727 = vector.broadcast %xor3A_1726 : i32 to vector<16xi32>
        %xor3A_1728 = arith.xori %iota3A, %xor3A_1727 : vector<16xi32>
        %broadcast_in_dim3A_1729 = vector.shape_cast %xor3A_1728 : vector<16xi32> to vector<16x1xi32>
        %gather3A_1730 = vector.shape_cast %broadcast_in_dim3A_1729 : vector<16x1xi32> to vector<16xi32>
        %gather3A_1731 = tpu.dynamic_gather %add3A_1684[%gather3A_1730] in [0] : vector<16xf32>, vector<16xi32> -> vector<16xf32>
        %add3A_1732 = arith.addf %add3A_1684, %gather3A_1731 : vector<16xf32>
        %xor3A_1733 = arith.constant 4 : i32
        %xor3A_1734 = vector.broadcast %xor3A_1733 : i32 to vector<16xi32>
        %xor3A_1735 = arith.xori %iota3A, %xor3A_1734 : vector<16xi32>
        %broadcast_in_dim3A_1736 = vector.shape_cast %xor3A_1735 : vector<16xi32> to vector<16x1xi32>
        %gather3A_1737 = vector.shape_cast %broadcast_in_dim3A_1736 : vector<16x1xi32> to vector<16xi32>
        %gather3A_1738 = tpu.dynamic_gather %add3A_1732[%gather3A_1737] in [0] : vector<16xf32>, vector<16xi32> -> vector<16xf32>
        %add3A_1739 = arith.addf %add3A_1732, %gather3A_1738 : vector<16xf32>
        %xor3A_1740 = arith.constant 2 : i32
        %xor3A_1741 = vector.broadcast %xor3A_1740 : i32 to vector<16xi32>
        %xor3A_1742 = arith.xori %iota3A, %xor3A_1741 : vector<16xi32>
        %broadcast_in_dim3A_1743 = vector.shape_cast %xor3A_1742 : vector<16xi32> to vector<16x1xi32>
        %gather3A_1744 = vector.shape_cast %broadcast_in_dim3A_1743 : vector<16x1xi32> to vector<16xi32>
        %gather3A_1745 = tpu.dynamic_gather %add3A_1739[%gather3A_1744] in [0] : vector<16xf32>, vector<16xi32> -> vector<16xf32>
        %add3A_1746 = arith.addf %add3A_1739, %gather3A_1745 : vector<16xf32>
        %xor3A_1747 = arith.constant 1 : i32
        %xor3A_1748 = vector.broadcast %xor3A_1747 : i32 to vector<16xi32>
        %xor3A_1749 = arith.xori %iota3A, %xor3A_1748 : vector<16xi32>
        %broadcast_in_dim3A_1750 = vector.shape_cast %xor3A_1749 : vector<16xi32> to vector<16x1xi32>
        %gather3A_1751 = vector.shape_cast %broadcast_in_dim3A_1750 : vector<16x1xi32> to vector<16xi32>
        %gather3A_1752 = tpu.dynamic_gather %add3A_1746[%gather3A_1751] in [0] : vector<16xf32>, vector<16xi32> -> vector<16xf32>
        %add3A_1753 = arith.addf %add3A_1746, %gather3A_1752 : vector<16xf32>
        %select_n3A_1754 = arith.select %eq3A_1696, %add3A_1753, %select_n3A_1619 : vector<16xi1>, vector<16xf32>
        %xor3A_1755 = arith.constant 8 : i32
        %xor3A_1756 = vector.broadcast %xor3A_1755 : i32 to vector<16xi32>
        %xor3A_1757 = arith.xori %iota3A, %xor3A_1756 : vector<16xi32>
        %broadcast_in_dim3A_1758 = vector.shape_cast %xor3A_1757 : vector<16xi32> to vector<16x1xi32>
        %gather3A_1759 = vector.shape_cast %broadcast_in_dim3A_1758 : vector<16x1xi32> to vector<16xi32>
        %gather3A_1760 = tpu.dynamic_gather %add3A_1693[%gather3A_1759] in [0] : vector<16xf32>, vector<16xi32> -> vector<16xf32>
        %add3A_1761 = arith.addf %add3A_1693, %gather3A_1760 : vector<16xf32>
        %xor3A_1762 = arith.constant 4 : i32
        %xor3A_1763 = vector.broadcast %xor3A_1762 : i32 to vector<16xi32>
        %xor3A_1764 = arith.xori %iota3A, %xor3A_1763 : vector<16xi32>
        %broadcast_in_dim3A_1765 = vector.shape_cast %xor3A_1764 : vector<16xi32> to vector<16x1xi32>
        %gather3A_1766 = vector.shape_cast %broadcast_in_dim3A_1765 : vector<16x1xi32> to vector<16xi32>
        %gather3A_1767 = tpu.dynamic_gather %add3A_1761[%gather3A_1766] in [0] : vector<16xf32>, vector<16xi32> -> vector<16xf32>
        %add3A_1768 = arith.addf %add3A_1761, %gather3A_1767 : vector<16xf32>
        %xor3A_1769 = arith.constant 2 : i32
        %xor3A_1770 = vector.broadcast %xor3A_1769 : i32 to vector<16xi32>
        %xor3A_1771 = arith.xori %iota3A, %xor3A_1770 : vector<16xi32>
        %broadcast_in_dim3A_1772 = vector.shape_cast %xor3A_1771 : vector<16xi32> to vector<16x1xi32>
        %gather3A_1773 = vector.shape_cast %broadcast_in_dim3A_1772 : vector<16x1xi32> to vector<16xi32>
        %gather3A_1774 = tpu.dynamic_gather %add3A_1768[%gather3A_1773] in [0] : vector<16xf32>, vector<16xi32> -> vector<16xf32>
        %add3A_1775 = arith.addf %add3A_1768, %gather3A_1774 : vector<16xf32>
        %xor3A_1776 = arith.constant 1 : i32
        %xor3A_1777 = vector.broadcast %xor3A_1776 : i32 to vector<16xi32>
        %xor3A_1778 = arith.xori %iota3A, %xor3A_1777 : vector<16xi32>
        %broadcast_in_dim3A_1779 = vector.shape_cast %xor3A_1778 : vector<16xi32> to vector<16x1xi32>
        %gather3A_1780 = vector.shape_cast %broadcast_in_dim3A_1779 : vector<16x1xi32> to vector<16xi32>
        %gather3A_1781 = tpu.dynamic_gather %add3A_1775[%gather3A_1780] in [0] : vector<16xf32>, vector<16xi32> -> vector<16xf32>
        %add3A_1782 = arith.addf %add3A_1775, %gather3A_1781 : vector<16xf32>
        %select_n3A_1783 = arith.select %eq3A_1696, %add3A_1782, %select_n3A_1648 : vector<16xi1>, vector<16xf32>
        %mul3A_1784 = arith.constant 16 : i32
        %mul3A_1785 = arith.muli %scan3A_31, %mul3A_1784 : i32
        %add3A_1786 = arith.constant 13 : i32
        %add3A_1787 = arith.addi %mul3A_1785, %add3A_1786 : i32
        %mul3A_1788 = arith.constant 1000 : i32
        %mul3A_1789 = arith.muli %add3A_1787, %mul3A_1788 : i32
        %mul3A_1790 = arith.constant 0 : i32
        %mul3A_1791 = vector.broadcast %mul3A_1790 : i32 to vector<16xi32>
        %mul3A_1792 = arith.muli %iota3A, %mul3A_1791 : vector<16xi32>
        %add3A_1793 = arith.constant 13 : i32
        %add3A_1794 = vector.broadcast %add3A_1793 : i32 to vector<16xi32>
        %add3A_1795 = arith.addi %mul3A_1792, %add3A_1794 : vector<16xi32>
        %broadcast_in_dim3A_1796 = vector.shape_cast %add3A_1795 : vector<16xi32> to vector<16x1xi32>
        %gather3A_1797 = vector.shape_cast %broadcast_in_dim3A_1796 : vector<16x1xi32> to vector<16xi32>
        %gather3A_1798 = tpu.dynamic_gather %get3A_36[%gather3A_1797] in [0] : vector<16xi32>, vector<16xi32> -> vector<16xi32>
        %sub3A_1799 = arith.subi %gather3A_1798, %iota3A : vector<16xi32>
        %scan3A_1800 = arith.constant 0 : i32
        %scan3A_1801 = arith.constant 62 : i32
        %scan3A_1802 = arith.addi %scan3A_1800, %scan3A_1801 : i32
        %scan3A_1803 = arith.constant 1 : i32
        %scan3A_1804:4 = scf.for %scan3A_2206 = %scan3A_1800 to %scan3A_1802 step %scan3A_1803 iter_args(%scan3A_2207 = %broadcast_in_dim3A_3, %scan3A_2208 = %broadcast_in_dim3A_3, %scan3A_2209 = %broadcast_in_dim3A_3, %scan3A_2210 = %broadcast_in_dim3A_5) -> (vector<16xf32>, vector<16xf32>, vector<16xf32>, vector<16xi32>)  : i32 {
          %mul3A_2211 = arith.constant 16 : i32
          %mul3A_2212 = arith.muli %scan3A_2206, %mul3A_2211 : i32
          %add3A_2213 = arith.addi %mul3A_1789, %mul3A_2212 : i32
          %get3A_2214 = arith.index_cast %add3A_2213 : i32 to index
          %get3A_2215 = tpu.vector_load %arg7[%get3A_2214] {strides = array<i32>} : memref<32000xf32, #tpu.memory_space<vmem>>, vector<16xf32>,
          %get3A_2216 = vector.shape_cast %get3A_2215 : vector<16xf32> to vector<16xf32>
          %eq3A_2217 = arith.cmpi eq, %sub3A_1799, %scan3A_2210 : vector<16xi32>
          %add3A_2218 = arith.addf %scan3A_2207, %get3A_2216 : vector<16xf32>
          %exp3A_2219 = math.exp %get3A_2216 : vector<16xf32>
          %add3A_2220 = arith.addf %scan3A_2208, %exp3A_2219 : vector<16xf32>
          %jit3A_2221 = arith.constant 0.000000e+00 : f32
          %broadcast_in_dim3A_2222 = vector.broadcast %jit3A_2221 : f32 to vector<16xf32>
          %select_n3A_2223 = arith.select %eq3A_2217, %get3A_2216, %broadcast_in_dim3A_2222 : vector<16xi1>, vector<16xf32>
          %add3A_2224 = arith.addf %scan3A_2209, %select_n3A_2223 : vector<16xf32>
          %add3A_2225 = arith.constant 16 : i32
          %add3A_2226 = vector.broadcast %add3A_2225 : i32 to vector<16xi32>
          %add3A_2227 = arith.addi %scan3A_2210, %add3A_2226 : vector<16xi32>
          scf.yield %add3A_2218, %add3A_2220, %add3A_2224, %add3A_2227 : vector<16xf32>, vector<16xf32>, vector<16xf32>, vector<16xi32>
        }
        %scan3A_1805 = arith.constant 62 : i32
        %add3A_1806 = arith.constant 984 : i32
        %add3A_1807 = arith.addi %mul3A_1789, %add3A_1806 : i32
        %get3A_1808 = arith.index_cast %add3A_1807 : i32 to index
        %get3A_1809 = tpu.vector_load %arg7[%get3A_1808] {strides = array<i32>} : memref<32000xf32, #tpu.memory_space<vmem>>, vector<16xf32>,
        %get3A_1810 = vector.shape_cast %get3A_1809 : vector<16xf32> to vector<16xf32>
        %jit3A_1811 = arith.constant 0.000000e+00 : f32
        %broadcast_in_dim3A_1812 = vector.broadcast %jit3A_1811 : f32 to vector<16xf32>
        %select_n3A_1813 = arith.select %ge3A_7, %get3A_1810, %broadcast_in_dim3A_1812 : vector<16xi1>, vector<16xf32>
        %add3A_1814 = arith.addf %scan3A_1804#0, %select_n3A_1813 : vector<16xf32>
        %exp3A_1815 = math.exp %get3A_1810 : vector<16xf32>
        %jit3A_1816 = arith.constant 0.000000e+00 : f32
        %broadcast_in_dim3A_1817 = vector.broadcast %jit3A_1816 : f32 to vector<16xf32>
        %select_n3A_1818 = arith.select %ge3A_7, %exp3A_1815, %broadcast_in_dim3A_1817 : vector<16xi1>, vector<16xf32>
        %add3A_1819 = arith.addf %scan3A_1804#1, %select_n3A_1818 : vector<16xf32>
        %add3A_1820 = arith.constant 984 : i32
        %add3A_1821 = vector.broadcast %add3A_1820 : i32 to vector<16xi32>
        %add3A_1822 = arith.addi %iota3A, %add3A_1821 : vector<16xi32>
        %eq3A_1823 = arith.cmpi eq, %gather3A_1798, %add3A_1822 : vector<16xi32>
        %and3A_1824 = arith.andi %ge3A_7, %eq3A_1823 : vector<16xi1>
        %jit3A_1825 = arith.constant 0.000000e+00 : f32
        %broadcast_in_dim3A_1826 = vector.broadcast %jit3A_1825 : f32 to vector<16xf32>
        %select_n3A_1827 = arith.select %and3A_1824, %get3A_1810, %broadcast_in_dim3A_1826 : vector<16xi1>, vector<16xf32>
        %add3A_1828 = arith.addf %scan3A_1804#2, %select_n3A_1827 : vector<16xf32>
        %eq3A_1829 = arith.constant 13 : i32
        %eq3A_1830 = vector.broadcast %eq3A_1829 : i32 to vector<16xi32>
        %eq3A_1831 = arith.cmpi eq, %iota3A, %eq3A_1830 : vector<16xi32>
        %xor3A_1832 = arith.constant 8 : i32
        %xor3A_1833 = vector.broadcast %xor3A_1832 : i32 to vector<16xi32>
        %xor3A_1834 = arith.xori %iota3A, %xor3A_1833 : vector<16xi32>
        %broadcast_in_dim3A_1835 = vector.shape_cast %xor3A_1834 : vector<16xi32> to vector<16x1xi32>
        %gather3A_1836 = vector.shape_cast %broadcast_in_dim3A_1835 : vector<16x1xi32> to vector<16xi32>
        %gather3A_1837 = tpu.dynamic_gather %add3A_1814[%gather3A_1836] in [0] : vector<16xf32>, vector<16xi32> -> vector<16xf32>
        %add3A_1838 = arith.addf %add3A_1814, %gather3A_1837 : vector<16xf32>
        %xor3A_1839 = arith.constant 4 : i32
        %xor3A_1840 = vector.broadcast %xor3A_1839 : i32 to vector<16xi32>
        %xor3A_1841 = arith.xori %iota3A, %xor3A_1840 : vector<16xi32>
        %broadcast_in_dim3A_1842 = vector.shape_cast %xor3A_1841 : vector<16xi32> to vector<16x1xi32>
        %gather3A_1843 = vector.shape_cast %broadcast_in_dim3A_1842 : vector<16x1xi32> to vector<16xi32>
        %gather3A_1844 = tpu.dynamic_gather %add3A_1838[%gather3A_1843] in [0] : vector<16xf32>, vector<16xi32> -> vector<16xf32>
        %add3A_1845 = arith.addf %add3A_1838, %gather3A_1844 : vector<16xf32>
        %xor3A_1846 = arith.constant 2 : i32
        %xor3A_1847 = vector.broadcast %xor3A_1846 : i32 to vector<16xi32>
        %xor3A_1848 = arith.xori %iota3A, %xor3A_1847 : vector<16xi32>
        %broadcast_in_dim3A_1849 = vector.shape_cast %xor3A_1848 : vector<16xi32> to vector<16x1xi32>
        %gather3A_1850 = vector.shape_cast %broadcast_in_dim3A_1849 : vector<16x1xi32> to vector<16xi32>
        %gather3A_1851 = tpu.dynamic_gather %add3A_1845[%gather3A_1850] in [0] : vector<16xf32>, vector<16xi32> -> vector<16xf32>
        %add3A_1852 = arith.addf %add3A_1845, %gather3A_1851 : vector<16xf32>
        %xor3A_1853 = arith.constant 1 : i32
        %xor3A_1854 = vector.broadcast %xor3A_1853 : i32 to vector<16xi32>
        %xor3A_1855 = arith.xori %iota3A, %xor3A_1854 : vector<16xi32>
        %broadcast_in_dim3A_1856 = vector.shape_cast %xor3A_1855 : vector<16xi32> to vector<16x1xi32>
        %gather3A_1857 = vector.shape_cast %broadcast_in_dim3A_1856 : vector<16x1xi32> to vector<16xi32>
        %gather3A_1858 = tpu.dynamic_gather %add3A_1852[%gather3A_1857] in [0] : vector<16xf32>, vector<16xi32> -> vector<16xf32>
        %add3A_1859 = arith.addf %add3A_1852, %gather3A_1858 : vector<16xf32>
        %select_n3A_1860 = arith.select %eq3A_1831, %add3A_1859, %select_n3A_1725 : vector<16xi1>, vector<16xf32>
        %xor3A_1861 = arith.constant 8 : i32
        %xor3A_1862 = vector.broadcast %xor3A_1861 : i32 to vector<16xi32>
        %xor3A_1863 = arith.xori %iota3A, %xor3A_1862 : vector<16xi32>
        %broadcast_in_dim3A_1864 = vector.shape_cast %xor3A_1863 : vector<16xi32> to vector<16x1xi32>
        %gather3A_1865 = vector.shape_cast %broadcast_in_dim3A_1864 : vector<16x1xi32> to vector<16xi32>
        %gather3A_1866 = tpu.dynamic_gather %add3A_1819[%gather3A_1865] in [0] : vector<16xf32>, vector<16xi32> -> vector<16xf32>
        %add3A_1867 = arith.addf %add3A_1819, %gather3A_1866 : vector<16xf32>
        %xor3A_1868 = arith.constant 4 : i32
        %xor3A_1869 = vector.broadcast %xor3A_1868 : i32 to vector<16xi32>
        %xor3A_1870 = arith.xori %iota3A, %xor3A_1869 : vector<16xi32>
        %broadcast_in_dim3A_1871 = vector.shape_cast %xor3A_1870 : vector<16xi32> to vector<16x1xi32>
        %gather3A_1872 = vector.shape_cast %broadcast_in_dim3A_1871 : vector<16x1xi32> to vector<16xi32>
        %gather3A_1873 = tpu.dynamic_gather %add3A_1867[%gather3A_1872] in [0] : vector<16xf32>, vector<16xi32> -> vector<16xf32>
        %add3A_1874 = arith.addf %add3A_1867, %gather3A_1873 : vector<16xf32>
        %xor3A_1875 = arith.constant 2 : i32
        %xor3A_1876 = vector.broadcast %xor3A_1875 : i32 to vector<16xi32>
        %xor3A_1877 = arith.xori %iota3A, %xor3A_1876 : vector<16xi32>
        %broadcast_in_dim3A_1878 = vector.shape_cast %xor3A_1877 : vector<16xi32> to vector<16x1xi32>
        %gather3A_1879 = vector.shape_cast %broadcast_in_dim3A_1878 : vector<16x1xi32> to vector<16xi32>
        %gather3A_1880 = tpu.dynamic_gather %add3A_1874[%gather3A_1879] in [0] : vector<16xf32>, vector<16xi32> -> vector<16xf32>
        %add3A_1881 = arith.addf %add3A_1874, %gather3A_1880 : vector<16xf32>
        %xor3A_1882 = arith.constant 1 : i32
        %xor3A_1883 = vector.broadcast %xor3A_1882 : i32 to vector<16xi32>
        %xor3A_1884 = arith.xori %iota3A, %xor3A_1883 : vector<16xi32>
        %broadcast_in_dim3A_1885 = vector.shape_cast %xor3A_1884 : vector<16xi32> to vector<16x1xi32>
        %gather3A_1886 = vector.shape_cast %broadcast_in_dim3A_1885 : vector<16x1xi32> to vector<16xi32>
        %gather3A_1887 = tpu.dynamic_gather %add3A_1881[%gather3A_1886] in [0] : vector<16xf32>, vector<16xi32> -> vector<16xf32>
        %add3A_1888 = arith.addf %add3A_1881, %gather3A_1887 : vector<16xf32>
        %select_n3A_1889 = arith.select %eq3A_1831, %add3A_1888, %select_n3A_1754 : vector<16xi1>, vector<16xf32>
        %xor3A_1890 = arith.constant 8 : i32
        %xor3A_1891 = vector.broadcast %xor3A_1890 : i32 to vector<16xi32>
        %xor3A_1892 = arith.xori %iota3A, %xor3A_1891 : vector<16xi32>
        %broadcast_in_dim3A_1893 = vector.shape_cast %xor3A_1892 : vector<16xi32> to vector<16x1xi32>
        %gather3A_1894 = vector.shape_cast %broadcast_in_dim3A_1893 : vector<16x1xi32> to vector<16xi32>
        %gather3A_1895 = tpu.dynamic_gather %add3A_1828[%gather3A_1894] in [0] : vector<16xf32>, vector<16xi32> -> vector<16xf32>
        %add3A_1896 = arith.addf %add3A_1828, %gather3A_1895 : vector<16xf32>
        %xor3A_1897 = arith.constant 4 : i32
        %xor3A_1898 = vector.broadcast %xor3A_1897 : i32 to vector<16xi32>
        %xor3A_1899 = arith.xori %iota3A, %xor3A_1898 : vector<16xi32>
        %broadcast_in_dim3A_1900 = vector.shape_cast %xor3A_1899 : vector<16xi32> to vector<16x1xi32>
        %gather3A_1901 = vector.shape_cast %broadcast_in_dim3A_1900 : vector<16x1xi32> to vector<16xi32>
        %gather3A_1902 = tpu.dynamic_gather %add3A_1896[%gather3A_1901] in [0] : vector<16xf32>, vector<16xi32> -> vector<16xf32>
        %add3A_1903 = arith.addf %add3A_1896, %gather3A_1902 : vector<16xf32>
        %xor3A_1904 = arith.constant 2 : i32
        %xor3A_1905 = vector.broadcast %xor3A_1904 : i32 to vector<16xi32>
        %xor3A_1906 = arith.xori %iota3A, %xor3A_1905 : vector<16xi32>
        %broadcast_in_dim3A_1907 = vector.shape_cast %xor3A_1906 : vector<16xi32> to vector<16x1xi32>
        %gather3A_1908 = vector.shape_cast %broadcast_in_dim3A_1907 : vector<16x1xi32> to vector<16xi32>
        %gather3A_1909 = tpu.dynamic_gather %add3A_1903[%gather3A_1908] in [0] : vector<16xf32>, vector<16xi32> -> vector<16xf32>
        %add3A_1910 = arith.addf %add3A_1903, %gather3A_1909 : vector<16xf32>
        %xor3A_1911 = arith.constant 1 : i32
        %xor3A_1912 = vector.broadcast %xor3A_1911 : i32 to vector<16xi32>
        %xor3A_1913 = arith.xori %iota3A, %xor3A_1912 : vector<16xi32>
        %broadcast_in_dim3A_1914 = vector.shape_cast %xor3A_1913 : vector<16xi32> to vector<16x1xi32>
        %gather3A_1915 = vector.shape_cast %broadcast_in_dim3A_1914 : vector<16x1xi32> to vector<16xi32>
        %gather3A_1916 = tpu.dynamic_gather %add3A_1910[%gather3A_1915] in [0] : vector<16xf32>, vector<16xi32> -> vector<16xf32>
        %add3A_1917 = arith.addf %add3A_1910, %gather3A_1916 : vector<16xf32>
        %select_n3A_1918 = arith.select %eq3A_1831, %add3A_1917, %select_n3A_1783 : vector<16xi1>, vector<16xf32>
        %mul3A_1919 = arith.constant 16 : i32
        %mul3A_1920 = arith.muli %scan3A_31, %mul3A_1919 : i32
        %add3A_1921 = arith.constant 14 : i32
        %add3A_1922 = arith.addi %mul3A_1920, %add3A_1921 : i32
        %mul3A_1923 = arith.constant 1000 : i32
        %mul3A_1924 = arith.muli %add3A_1922, %mul3A_1923 : i32
        %mul3A_1925 = arith.constant 0 : i32
        %mul3A_1926 = vector.broadcast %mul3A_1925 : i32 to vector<16xi32>
        %mul3A_1927 = arith.muli %iota3A, %mul3A_1926 : vector<16xi32>
        %add3A_1928 = arith.constant 14 : i32
        %add3A_1929 = vector.broadcast %add3A_1928 : i32 to vector<16xi32>
        %add3A_1930 = arith.addi %mul3A_1927, %add3A_1929 : vector<16xi32>
        %broadcast_in_dim3A_1931 = vector.shape_cast %add3A_1930 : vector<16xi32> to vector<16x1xi32>
        %gather3A_1932 = vector.shape_cast %broadcast_in_dim3A_1931 : vector<16x1xi32> to vector<16xi32>
        %gather3A_1933 = tpu.dynamic_gather %get3A_36[%gather3A_1932] in [0] : vector<16xi32>, vector<16xi32> -> vector<16xi32>
        %sub3A_1934 = arith.subi %gather3A_1933, %iota3A : vector<16xi32>
        %scan3A_1935 = arith.constant 0 : i32
        %scan3A_1936 = arith.constant 62 : i32
        %scan3A_1937 = arith.addi %scan3A_1935, %scan3A_1936 : i32
        %scan3A_1938 = arith.constant 1 : i32
        %scan3A_1939:4 = scf.for %scan3A_2206 = %scan3A_1935 to %scan3A_1937 step %scan3A_1938 iter_args(%scan3A_2207 = %broadcast_in_dim3A_3, %scan3A_2208 = %broadcast_in_dim3A_3, %scan3A_2209 = %broadcast_in_dim3A_3, %scan3A_2210 = %broadcast_in_dim3A_5) -> (vector<16xf32>, vector<16xf32>, vector<16xf32>, vector<16xi32>)  : i32 {
          %mul3A_2211 = arith.constant 16 : i32
          %mul3A_2212 = arith.muli %scan3A_2206, %mul3A_2211 : i32
          %add3A_2213 = arith.addi %mul3A_1924, %mul3A_2212 : i32
          %get3A_2214 = arith.index_cast %add3A_2213 : i32 to index
          %get3A_2215 = tpu.vector_load %arg7[%get3A_2214] {strides = array<i32>} : memref<32000xf32, #tpu.memory_space<vmem>>, vector<16xf32>,
          %get3A_2216 = vector.shape_cast %get3A_2215 : vector<16xf32> to vector<16xf32>
          %eq3A_2217 = arith.cmpi eq, %sub3A_1934, %scan3A_2210 : vector<16xi32>
          %add3A_2218 = arith.addf %scan3A_2207, %get3A_2216 : vector<16xf32>
          %exp3A_2219 = math.exp %get3A_2216 : vector<16xf32>
          %add3A_2220 = arith.addf %scan3A_2208, %exp3A_2219 : vector<16xf32>
          %jit3A_2221 = arith.constant 0.000000e+00 : f32
          %broadcast_in_dim3A_2222 = vector.broadcast %jit3A_2221 : f32 to vector<16xf32>
          %select_n3A_2223 = arith.select %eq3A_2217, %get3A_2216, %broadcast_in_dim3A_2222 : vector<16xi1>, vector<16xf32>
          %add3A_2224 = arith.addf %scan3A_2209, %select_n3A_2223 : vector<16xf32>
          %add3A_2225 = arith.constant 16 : i32
          %add3A_2226 = vector.broadcast %add3A_2225 : i32 to vector<16xi32>
          %add3A_2227 = arith.addi %scan3A_2210, %add3A_2226 : vector<16xi32>
          scf.yield %add3A_2218, %add3A_2220, %add3A_2224, %add3A_2227 : vector<16xf32>, vector<16xf32>, vector<16xf32>, vector<16xi32>
        }
        %scan3A_1940 = arith.constant 62 : i32
        %add3A_1941 = arith.constant 984 : i32
        %add3A_1942 = arith.addi %mul3A_1924, %add3A_1941 : i32
        %get3A_1943 = arith.index_cast %add3A_1942 : i32 to index
        %get3A_1944 = tpu.vector_load %arg7[%get3A_1943] {strides = array<i32>} : memref<32000xf32, #tpu.memory_space<vmem>>, vector<16xf32>,
        %get3A_1945 = vector.shape_cast %get3A_1944 : vector<16xf32> to vector<16xf32>
        %jit3A_1946 = arith.constant 0.000000e+00 : f32
        %broadcast_in_dim3A_1947 = vector.broadcast %jit3A_1946 : f32 to vector<16xf32>
        %select_n3A_1948 = arith.select %ge3A_7, %get3A_1945, %broadcast_in_dim3A_1947 : vector<16xi1>, vector<16xf32>
        %add3A_1949 = arith.addf %scan3A_1939#0, %select_n3A_1948 : vector<16xf32>
        %exp3A_1950 = math.exp %get3A_1945 : vector<16xf32>
        %jit3A_1951 = arith.constant 0.000000e+00 : f32
        %broadcast_in_dim3A_1952 = vector.broadcast %jit3A_1951 : f32 to vector<16xf32>
        %select_n3A_1953 = arith.select %ge3A_7, %exp3A_1950, %broadcast_in_dim3A_1952 : vector<16xi1>, vector<16xf32>
        %add3A_1954 = arith.addf %scan3A_1939#1, %select_n3A_1953 : vector<16xf32>
        %add3A_1955 = arith.constant 984 : i32
        %add3A_1956 = vector.broadcast %add3A_1955 : i32 to vector<16xi32>
        %add3A_1957 = arith.addi %iota3A, %add3A_1956 : vector<16xi32>
        %eq3A_1958 = arith.cmpi eq, %gather3A_1933, %add3A_1957 : vector<16xi32>
        %and3A_1959 = arith.andi %ge3A_7, %eq3A_1958 : vector<16xi1>
        %jit3A_1960 = arith.constant 0.000000e+00 : f32
        %broadcast_in_dim3A_1961 = vector.broadcast %jit3A_1960 : f32 to vector<16xf32>
        %select_n3A_1962 = arith.select %and3A_1959, %get3A_1945, %broadcast_in_dim3A_1961 : vector<16xi1>, vector<16xf32>
        %add3A_1963 = arith.addf %scan3A_1939#2, %select_n3A_1962 : vector<16xf32>
        %eq3A_1964 = arith.constant 14 : i32
        %eq3A_1965 = vector.broadcast %eq3A_1964 : i32 to vector<16xi32>
        %eq3A_1966 = arith.cmpi eq, %iota3A, %eq3A_1965 : vector<16xi32>
        %xor3A_1967 = arith.constant 8 : i32
        %xor3A_1968 = vector.broadcast %xor3A_1967 : i32 to vector<16xi32>
        %xor3A_1969 = arith.xori %iota3A, %xor3A_1968 : vector<16xi32>
        %broadcast_in_dim3A_1970 = vector.shape_cast %xor3A_1969 : vector<16xi32> to vector<16x1xi32>
        %gather3A_1971 = vector.shape_cast %broadcast_in_dim3A_1970 : vector<16x1xi32> to vector<16xi32>
        %gather3A_1972 = tpu.dynamic_gather %add3A_1949[%gather3A_1971] in [0] : vector<16xf32>, vector<16xi32> -> vector<16xf32>
        %add3A_1973 = arith.addf %add3A_1949, %gather3A_1972 : vector<16xf32>
        %xor3A_1974 = arith.constant 4 : i32
        %xor3A_1975 = vector.broadcast %xor3A_1974 : i32 to vector<16xi32>
        %xor3A_1976 = arith.xori %iota3A, %xor3A_1975 : vector<16xi32>
        %broadcast_in_dim3A_1977 = vector.shape_cast %xor3A_1976 : vector<16xi32> to vector<16x1xi32>
        %gather3A_1978 = vector.shape_cast %broadcast_in_dim3A_1977 : vector<16x1xi32> to vector<16xi32>
        %gather3A_1979 = tpu.dynamic_gather %add3A_1973[%gather3A_1978] in [0] : vector<16xf32>, vector<16xi32> -> vector<16xf32>
        %add3A_1980 = arith.addf %add3A_1973, %gather3A_1979 : vector<16xf32>
        %xor3A_1981 = arith.constant 2 : i32
        %xor3A_1982 = vector.broadcast %xor3A_1981 : i32 to vector<16xi32>
        %xor3A_1983 = arith.xori %iota3A, %xor3A_1982 : vector<16xi32>
        %broadcast_in_dim3A_1984 = vector.shape_cast %xor3A_1983 : vector<16xi32> to vector<16x1xi32>
        %gather3A_1985 = vector.shape_cast %broadcast_in_dim3A_1984 : vector<16x1xi32> to vector<16xi32>
        %gather3A_1986 = tpu.dynamic_gather %add3A_1980[%gather3A_1985] in [0] : vector<16xf32>, vector<16xi32> -> vector<16xf32>
        %add3A_1987 = arith.addf %add3A_1980, %gather3A_1986 : vector<16xf32>
        %xor3A_1988 = arith.constant 1 : i32
        %xor3A_1989 = vector.broadcast %xor3A_1988 : i32 to vector<16xi32>
        %xor3A_1990 = arith.xori %iota3A, %xor3A_1989 : vector<16xi32>
        %broadcast_in_dim3A_1991 = vector.shape_cast %xor3A_1990 : vector<16xi32> to vector<16x1xi32>
        %gather3A_1992 = vector.shape_cast %broadcast_in_dim3A_1991 : vector<16x1xi32> to vector<16xi32>
        %gather3A_1993 = tpu.dynamic_gather %add3A_1987[%gather3A_1992] in [0] : vector<16xf32>, vector<16xi32> -> vector<16xf32>
        %add3A_1994 = arith.addf %add3A_1987, %gather3A_1993 : vector<16xf32>
        %select_n3A_1995 = arith.select %eq3A_1966, %add3A_1994, %select_n3A_1860 : vector<16xi1>, vector<16xf32>
        %xor3A_1996 = arith.constant 8 : i32
        %xor3A_1997 = vector.broadcast %xor3A_1996 : i32 to vector<16xi32>
        %xor3A_1998 = arith.xori %iota3A, %xor3A_1997 : vector<16xi32>
        %broadcast_in_dim3A_1999 = vector.shape_cast %xor3A_1998 : vector<16xi32> to vector<16x1xi32>
        %gather3A_2000 = vector.shape_cast %broadcast_in_dim3A_1999 : vector<16x1xi32> to vector<16xi32>
        %gather3A_2001 = tpu.dynamic_gather %add3A_1954[%gather3A_2000] in [0] : vector<16xf32>, vector<16xi32> -> vector<16xf32>
        %add3A_2002 = arith.addf %add3A_1954, %gather3A_2001 : vector<16xf32>
        %xor3A_2003 = arith.constant 4 : i32
        %xor3A_2004 = vector.broadcast %xor3A_2003 : i32 to vector<16xi32>
        %xor3A_2005 = arith.xori %iota3A, %xor3A_2004 : vector<16xi32>
        %broadcast_in_dim3A_2006 = vector.shape_cast %xor3A_2005 : vector<16xi32> to vector<16x1xi32>
        %gather3A_2007 = vector.shape_cast %broadcast_in_dim3A_2006 : vector<16x1xi32> to vector<16xi32>
        %gather3A_2008 = tpu.dynamic_gather %add3A_2002[%gather3A_2007] in [0] : vector<16xf32>, vector<16xi32> -> vector<16xf32>
        %add3A_2009 = arith.addf %add3A_2002, %gather3A_2008 : vector<16xf32>
        %xor3A_2010 = arith.constant 2 : i32
        %xor3A_2011 = vector.broadcast %xor3A_2010 : i32 to vector<16xi32>
        %xor3A_2012 = arith.xori %iota3A, %xor3A_2011 : vector<16xi32>
        %broadcast_in_dim3A_2013 = vector.shape_cast %xor3A_2012 : vector<16xi32> to vector<16x1xi32>
        %gather3A_2014 = vector.shape_cast %broadcast_in_dim3A_2013 : vector<16x1xi32> to vector<16xi32>
        %gather3A_2015 = tpu.dynamic_gather %add3A_2009[%gather3A_2014] in [0] : vector<16xf32>, vector<16xi32> -> vector<16xf32>
        %add3A_2016 = arith.addf %add3A_2009, %gather3A_2015 : vector<16xf32>
        %xor3A_2017 = arith.constant 1 : i32
        %xor3A_2018 = vector.broadcast %xor3A_2017 : i32 to vector<16xi32>
        %xor3A_2019 = arith.xori %iota3A, %xor3A_2018 : vector<16xi32>
        %broadcast_in_dim3A_2020 = vector.shape_cast %xor3A_2019 : vector<16xi32> to vector<16x1xi32>
        %gather3A_2021 = vector.shape_cast %broadcast_in_dim3A_2020 : vector<16x1xi32> to vector<16xi32>
        %gather3A_2022 = tpu.dynamic_gather %add3A_2016[%gather3A_2021] in [0] : vector<16xf32>, vector<16xi32> -> vector<16xf32>
        %add3A_2023 = arith.addf %add3A_2016, %gather3A_2022 : vector<16xf32>
        %select_n3A_2024 = arith.select %eq3A_1966, %add3A_2023, %select_n3A_1889 : vector<16xi1>, vector<16xf32>
        %xor3A_2025 = arith.constant 8 : i32
        %xor3A_2026 = vector.broadcast %xor3A_2025 : i32 to vector<16xi32>
        %xor3A_2027 = arith.xori %iota3A, %xor3A_2026 : vector<16xi32>
        %broadcast_in_dim3A_2028 = vector.shape_cast %xor3A_2027 : vector<16xi32> to vector<16x1xi32>
        %gather3A_2029 = vector.shape_cast %broadcast_in_dim3A_2028 : vector<16x1xi32> to vector<16xi32>
        %gather3A_2030 = tpu.dynamic_gather %add3A_1963[%gather3A_2029] in [0] : vector<16xf32>, vector<16xi32> -> vector<16xf32>
        %add3A_2031 = arith.addf %add3A_1963, %gather3A_2030 : vector<16xf32>
        %xor3A_2032 = arith.constant 4 : i32
        %xor3A_2033 = vector.broadcast %xor3A_2032 : i32 to vector<16xi32>
        %xor3A_2034 = arith.xori %iota3A, %xor3A_2033 : vector<16xi32>
        %broadcast_in_dim3A_2035 = vector.shape_cast %xor3A_2034 : vector<16xi32> to vector<16x1xi32>
        %gather3A_2036 = vector.shape_cast %broadcast_in_dim3A_2035 : vector<16x1xi32> to vector<16xi32>
        %gather3A_2037 = tpu.dynamic_gather %add3A_2031[%gather3A_2036] in [0] : vector<16xf32>, vector<16xi32> -> vector<16xf32>
        %add3A_2038 = arith.addf %add3A_2031, %gather3A_2037 : vector<16xf32>
        %xor3A_2039 = arith.constant 2 : i32
        %xor3A_2040 = vector.broadcast %xor3A_2039 : i32 to vector<16xi32>
        %xor3A_2041 = arith.xori %iota3A, %xor3A_2040 : vector<16xi32>
        %broadcast_in_dim3A_2042 = vector.shape_cast %xor3A_2041 : vector<16xi32> to vector<16x1xi32>
        %gather3A_2043 = vector.shape_cast %broadcast_in_dim3A_2042 : vector<16x1xi32> to vector<16xi32>
        %gather3A_2044 = tpu.dynamic_gather %add3A_2038[%gather3A_2043] in [0] : vector<16xf32>, vector<16xi32> -> vector<16xf32>
        %add3A_2045 = arith.addf %add3A_2038, %gather3A_2044 : vector<16xf32>
        %xor3A_2046 = arith.constant 1 : i32
        %xor3A_2047 = vector.broadcast %xor3A_2046 : i32 to vector<16xi32>
        %xor3A_2048 = arith.xori %iota3A, %xor3A_2047 : vector<16xi32>
        %broadcast_in_dim3A_2049 = vector.shape_cast %xor3A_2048 : vector<16xi32> to vector<16x1xi32>
        %gather3A_2050 = vector.shape_cast %broadcast_in_dim3A_2049 : vector<16x1xi32> to vector<16xi32>
        %gather3A_2051 = tpu.dynamic_gather %add3A_2045[%gather3A_2050] in [0] : vector<16xf32>, vector<16xi32> -> vector<16xf32>
        %add3A_2052 = arith.addf %add3A_2045, %gather3A_2051 : vector<16xf32>
        %select_n3A_2053 = arith.select %eq3A_1966, %add3A_2052, %select_n3A_1918 : vector<16xi1>, vector<16xf32>
        %mul3A_2054 = arith.constant 16 : i32
        %mul3A_2055 = arith.muli %scan3A_31, %mul3A_2054 : i32
        %add3A_2056 = arith.constant 15 : i32
        %add3A_2057 = arith.addi %mul3A_2055, %add3A_2056 : i32
        %mul3A_2058 = arith.constant 1000 : i32
        %mul3A_2059 = arith.muli %add3A_2057, %mul3A_2058 : i32
        %mul3A_2060 = arith.constant 0 : i32
        %mul3A_2061 = vector.broadcast %mul3A_2060 : i32 to vector<16xi32>
        %mul3A_2062 = arith.muli %iota3A, %mul3A_2061 : vector<16xi32>
        %add3A_2063 = arith.constant 15 : i32
        %add3A_2064 = vector.broadcast %add3A_2063 : i32 to vector<16xi32>
        %add3A_2065 = arith.addi %mul3A_2062, %add3A_2064 : vector<16xi32>
        %broadcast_in_dim3A_2066 = vector.shape_cast %add3A_2065 : vector<16xi32> to vector<16x1xi32>
        %gather3A_2067 = vector.shape_cast %broadcast_in_dim3A_2066 : vector<16x1xi32> to vector<16xi32>
        %gather3A_2068 = tpu.dynamic_gather %get3A_36[%gather3A_2067] in [0] : vector<16xi32>, vector<16xi32> -> vector<16xi32>
        %sub3A_2069 = arith.subi %gather3A_2068, %iota3A : vector<16xi32>
        %scan3A_2070 = arith.constant 0 : i32
        %scan3A_2071 = arith.constant 62 : i32
        %scan3A_2072 = arith.addi %scan3A_2070, %scan3A_2071 : i32
        %scan3A_2073 = arith.constant 1 : i32
        %scan3A_2074:4 = scf.for %scan3A_2206 = %scan3A_2070 to %scan3A_2072 step %scan3A_2073 iter_args(%scan3A_2207 = %broadcast_in_dim3A_3, %scan3A_2208 = %broadcast_in_dim3A_3, %scan3A_2209 = %broadcast_in_dim3A_3, %scan3A_2210 = %broadcast_in_dim3A_5) -> (vector<16xf32>, vector<16xf32>, vector<16xf32>, vector<16xi32>)  : i32 {
          %mul3A_2211 = arith.constant 16 : i32
          %mul3A_2212 = arith.muli %scan3A_2206, %mul3A_2211 : i32
          %add3A_2213 = arith.addi %mul3A_2059, %mul3A_2212 : i32
          %get3A_2214 = arith.index_cast %add3A_2213 : i32 to index
          %get3A_2215 = tpu.vector_load %arg7[%get3A_2214] {strides = array<i32>} : memref<32000xf32, #tpu.memory_space<vmem>>, vector<16xf32>,
          %get3A_2216 = vector.shape_cast %get3A_2215 : vector<16xf32> to vector<16xf32>
          %eq3A_2217 = arith.cmpi eq, %sub3A_2069, %scan3A_2210 : vector<16xi32>
          %add3A_2218 = arith.addf %scan3A_2207, %get3A_2216 : vector<16xf32>
          %exp3A_2219 = math.exp %get3A_2216 : vector<16xf32>
          %add3A_2220 = arith.addf %scan3A_2208, %exp3A_2219 : vector<16xf32>
          %jit3A_2221 = arith.constant 0.000000e+00 : f32
          %broadcast_in_dim3A_2222 = vector.broadcast %jit3A_2221 : f32 to vector<16xf32>
          %select_n3A_2223 = arith.select %eq3A_2217, %get3A_2216, %broadcast_in_dim3A_2222 : vector<16xi1>, vector<16xf32>
          %add3A_2224 = arith.addf %scan3A_2209, %select_n3A_2223 : vector<16xf32>
          %add3A_2225 = arith.constant 16 : i32
          %add3A_2226 = vector.broadcast %add3A_2225 : i32 to vector<16xi32>
          %add3A_2227 = arith.addi %scan3A_2210, %add3A_2226 : vector<16xi32>
          scf.yield %add3A_2218, %add3A_2220, %add3A_2224, %add3A_2227 : vector<16xf32>, vector<16xf32>, vector<16xf32>, vector<16xi32>
        }
        %scan3A_2075 = arith.constant 62 : i32
        %add3A_2076 = arith.constant 984 : i32
        %add3A_2077 = arith.addi %mul3A_2059, %add3A_2076 : i32
        %get3A_2078 = arith.index_cast %add3A_2077 : i32 to index
        %get3A_2079 = tpu.vector_load %arg7[%get3A_2078] {strides = array<i32>} : memref<32000xf32, #tpu.memory_space<vmem>>, vector<16xf32>,
        %get3A_2080 = vector.shape_cast %get3A_2079 : vector<16xf32> to vector<16xf32>
        %jit3A_2081 = arith.constant 0.000000e+00 : f32
        %broadcast_in_dim3A_2082 = vector.broadcast %jit3A_2081 : f32 to vector<16xf32>
        %select_n3A_2083 = arith.select %ge3A_7, %get3A_2080, %broadcast_in_dim3A_2082 : vector<16xi1>, vector<16xf32>
        %add3A_2084 = arith.addf %scan3A_2074#0, %select_n3A_2083 : vector<16xf32>
        %exp3A_2085 = math.exp %get3A_2080 : vector<16xf32>
        %jit3A_2086 = arith.constant 0.000000e+00 : f32
        %broadcast_in_dim3A_2087 = vector.broadcast %jit3A_2086 : f32 to vector<16xf32>
        %select_n3A_2088 = arith.select %ge3A_7, %exp3A_2085, %broadcast_in_dim3A_2087 : vector<16xi1>, vector<16xf32>
        %add3A_2089 = arith.addf %scan3A_2074#1, %select_n3A_2088 : vector<16xf32>
        %add3A_2090 = arith.constant 984 : i32
        %add3A_2091 = vector.broadcast %add3A_2090 : i32 to vector<16xi32>
        %add3A_2092 = arith.addi %iota3A, %add3A_2091 : vector<16xi32>
        %eq3A_2093 = arith.cmpi eq, %gather3A_2068, %add3A_2092 : vector<16xi32>
        %and3A_2094 = arith.andi %ge3A_7, %eq3A_2093 : vector<16xi1>
        %jit3A_2095 = arith.constant 0.000000e+00 : f32
        %broadcast_in_dim3A_2096 = vector.broadcast %jit3A_2095 : f32 to vector<16xf32>
        %select_n3A_2097 = arith.select %and3A_2094, %get3A_2080, %broadcast_in_dim3A_2096 : vector<16xi1>, vector<16xf32>
        %add3A_2098 = arith.addf %scan3A_2074#2, %select_n3A_2097 : vector<16xf32>
        %eq3A_2099 = arith.constant 15 : i32
        %eq3A_2100 = vector.broadcast %eq3A_2099 : i32 to vector<16xi32>
        %eq3A_2101 = arith.cmpi eq, %iota3A, %eq3A_2100 : vector<16xi32>
        %xor3A_2102 = arith.constant 8 : i32
        %xor3A_2103 = vector.broadcast %xor3A_2102 : i32 to vector<16xi32>
        %xor3A_2104 = arith.xori %iota3A, %xor3A_2103 : vector<16xi32>
        %broadcast_in_dim3A_2105 = vector.shape_cast %xor3A_2104 : vector<16xi32> to vector<16x1xi32>
        %gather3A_2106 = vector.shape_cast %broadcast_in_dim3A_2105 : vector<16x1xi32> to vector<16xi32>
        %gather3A_2107 = tpu.dynamic_gather %add3A_2084[%gather3A_2106] in [0] : vector<16xf32>, vector<16xi32> -> vector<16xf32>
        %add3A_2108 = arith.addf %add3A_2084, %gather3A_2107 : vector<16xf32>
        %xor3A_2109 = arith.constant 4 : i32
        %xor3A_2110 = vector.broadcast %xor3A_2109 : i32 to vector<16xi32>
        %xor3A_2111 = arith.xori %iota3A, %xor3A_2110 : vector<16xi32>
        %broadcast_in_dim3A_2112 = vector.shape_cast %xor3A_2111 : vector<16xi32> to vector<16x1xi32>
        %gather3A_2113 = vector.shape_cast %broadcast_in_dim3A_2112 : vector<16x1xi32> to vector<16xi32>
        %gather3A_2114 = tpu.dynamic_gather %add3A_2108[%gather3A_2113] in [0] : vector<16xf32>, vector<16xi32> -> vector<16xf32>
        %add3A_2115 = arith.addf %add3A_2108, %gather3A_2114 : vector<16xf32>
        %xor3A_2116 = arith.constant 2 : i32
        %xor3A_2117 = vector.broadcast %xor3A_2116 : i32 to vector<16xi32>
        %xor3A_2118 = arith.xori %iota3A, %xor3A_2117 : vector<16xi32>
        %broadcast_in_dim3A_2119 = vector.shape_cast %xor3A_2118 : vector<16xi32> to vector<16x1xi32>
        %gather3A_2120 = vector.shape_cast %broadcast_in_dim3A_2119 : vector<16x1xi32> to vector<16xi32>
        %gather3A_2121 = tpu.dynamic_gather %add3A_2115[%gather3A_2120] in [0] : vector<16xf32>, vector<16xi32> -> vector<16xf32>
        %add3A_2122 = arith.addf %add3A_2115, %gather3A_2121 : vector<16xf32>
        %xor3A_2123 = arith.constant 1 : i32
        %xor3A_2124 = vector.broadcast %xor3A_2123 : i32 to vector<16xi32>
        %xor3A_2125 = arith.xori %iota3A, %xor3A_2124 : vector<16xi32>
        %broadcast_in_dim3A_2126 = vector.shape_cast %xor3A_2125 : vector<16xi32> to vector<16x1xi32>
        %gather3A_2127 = vector.shape_cast %broadcast_in_dim3A_2126 : vector<16x1xi32> to vector<16xi32>
        %gather3A_2128 = tpu.dynamic_gather %add3A_2122[%gather3A_2127] in [0] : vector<16xf32>, vector<16xi32> -> vector<16xf32>
        %add3A_2129 = arith.addf %add3A_2122, %gather3A_2128 : vector<16xf32>
        %select_n3A_2130 = arith.select %eq3A_2101, %add3A_2129, %select_n3A_1995 : vector<16xi1>, vector<16xf32>
        %xor3A_2131 = arith.constant 8 : i32
        %xor3A_2132 = vector.broadcast %xor3A_2131 : i32 to vector<16xi32>
        %xor3A_2133 = arith.xori %iota3A, %xor3A_2132 : vector<16xi32>
        %broadcast_in_dim3A_2134 = vector.shape_cast %xor3A_2133 : vector<16xi32> to vector<16x1xi32>
        %gather3A_2135 = vector.shape_cast %broadcast_in_dim3A_2134 : vector<16x1xi32> to vector<16xi32>
        %gather3A_2136 = tpu.dynamic_gather %add3A_2089[%gather3A_2135] in [0] : vector<16xf32>, vector<16xi32> -> vector<16xf32>
        %add3A_2137 = arith.addf %add3A_2089, %gather3A_2136 : vector<16xf32>
        %xor3A_2138 = arith.constant 4 : i32
        %xor3A_2139 = vector.broadcast %xor3A_2138 : i32 to vector<16xi32>
        %xor3A_2140 = arith.xori %iota3A, %xor3A_2139 : vector<16xi32>
        %broadcast_in_dim3A_2141 = vector.shape_cast %xor3A_2140 : vector<16xi32> to vector<16x1xi32>
        %gather3A_2142 = vector.shape_cast %broadcast_in_dim3A_2141 : vector<16x1xi32> to vector<16xi32>
        %gather3A_2143 = tpu.dynamic_gather %add3A_2137[%gather3A_2142] in [0] : vector<16xf32>, vector<16xi32> -> vector<16xf32>
        %add3A_2144 = arith.addf %add3A_2137, %gather3A_2143 : vector<16xf32>
        %xor3A_2145 = arith.constant 2 : i32
        %xor3A_2146 = vector.broadcast %xor3A_2145 : i32 to vector<16xi32>
        %xor3A_2147 = arith.xori %iota3A, %xor3A_2146 : vector<16xi32>
        %broadcast_in_dim3A_2148 = vector.shape_cast %xor3A_2147 : vector<16xi32> to vector<16x1xi32>
        %gather3A_2149 = vector.shape_cast %broadcast_in_dim3A_2148 : vector<16x1xi32> to vector<16xi32>
        %gather3A_2150 = tpu.dynamic_gather %add3A_2144[%gather3A_2149] in [0] : vector<16xf32>, vector<16xi32> -> vector<16xf32>
        %add3A_2151 = arith.addf %add3A_2144, %gather3A_2150 : vector<16xf32>
        %xor3A_2152 = arith.constant 1 : i32
        %xor3A_2153 = vector.broadcast %xor3A_2152 : i32 to vector<16xi32>
        %xor3A_2154 = arith.xori %iota3A, %xor3A_2153 : vector<16xi32>
        %broadcast_in_dim3A_2155 = vector.shape_cast %xor3A_2154 : vector<16xi32> to vector<16x1xi32>
        %gather3A_2156 = vector.shape_cast %broadcast_in_dim3A_2155 : vector<16x1xi32> to vector<16xi32>
        %gather3A_2157 = tpu.dynamic_gather %add3A_2151[%gather3A_2156] in [0] : vector<16xf32>, vector<16xi32> -> vector<16xf32>
        %add3A_2158 = arith.addf %add3A_2151, %gather3A_2157 : vector<16xf32>
        %select_n3A_2159 = arith.select %eq3A_2101, %add3A_2158, %select_n3A_2024 : vector<16xi1>, vector<16xf32>
        %xor3A_2160 = arith.constant 8 : i32
        %xor3A_2161 = vector.broadcast %xor3A_2160 : i32 to vector<16xi32>
        %xor3A_2162 = arith.xori %iota3A, %xor3A_2161 : vector<16xi32>
        %broadcast_in_dim3A_2163 = vector.shape_cast %xor3A_2162 : vector<16xi32> to vector<16x1xi32>
        %gather3A_2164 = vector.shape_cast %broadcast_in_dim3A_2163 : vector<16x1xi32> to vector<16xi32>
        %gather3A_2165 = tpu.dynamic_gather %add3A_2098[%gather3A_2164] in [0] : vector<16xf32>, vector<16xi32> -> vector<16xf32>
        %add3A_2166 = arith.addf %add3A_2098, %gather3A_2165 : vector<16xf32>
        %xor3A_2167 = arith.constant 4 : i32
        %xor3A_2168 = vector.broadcast %xor3A_2167 : i32 to vector<16xi32>
        %xor3A_2169 = arith.xori %iota3A, %xor3A_2168 : vector<16xi32>
        %broadcast_in_dim3A_2170 = vector.shape_cast %xor3A_2169 : vector<16xi32> to vector<16x1xi32>
        %gather3A_2171 = vector.shape_cast %broadcast_in_dim3A_2170 : vector<16x1xi32> to vector<16xi32>
        %gather3A_2172 = tpu.dynamic_gather %add3A_2166[%gather3A_2171] in [0] : vector<16xf32>, vector<16xi32> -> vector<16xf32>
        %add3A_2173 = arith.addf %add3A_2166, %gather3A_2172 : vector<16xf32>
        %xor3A_2174 = arith.constant 2 : i32
        %xor3A_2175 = vector.broadcast %xor3A_2174 : i32 to vector<16xi32>
        %xor3A_2176 = arith.xori %iota3A, %xor3A_2175 : vector<16xi32>
        %broadcast_in_dim3A_2177 = vector.shape_cast %xor3A_2176 : vector<16xi32> to vector<16x1xi32>
        %gather3A_2178 = vector.shape_cast %broadcast_in_dim3A_2177 : vector<16x1xi32> to vector<16xi32>
        %gather3A_2179 = tpu.dynamic_gather %add3A_2173[%gather3A_2178] in [0] : vector<16xf32>, vector<16xi32> -> vector<16xf32>
        %add3A_2180 = arith.addf %add3A_2173, %gather3A_2179 : vector<16xf32>
        %xor3A_2181 = arith.constant 1 : i32
        %xor3A_2182 = vector.broadcast %xor3A_2181 : i32 to vector<16xi32>
        %xor3A_2183 = arith.xori %iota3A, %xor3A_2182 : vector<16xi32>
        %broadcast_in_dim3A_2184 = vector.shape_cast %xor3A_2183 : vector<16xi32> to vector<16x1xi32>
        %gather3A_2185 = vector.shape_cast %broadcast_in_dim3A_2184 : vector<16x1xi32> to vector<16xi32>
        %gather3A_2186 = tpu.dynamic_gather %add3A_2180[%gather3A_2185] in [0] : vector<16xf32>, vector<16xi32> -> vector<16xf32>
        %add3A_2187 = arith.addf %add3A_2180, %gather3A_2186 : vector<16xf32>
        %select_n3A_2188 = arith.select %eq3A_2101, %add3A_2187, %select_n3A_2053 : vector<16xi1>, vector<16xf32>
        %mul3A_2189 = arith.constant 32 : i32
        %mul3A_2190 = arith.muli %scan3A_14, %mul3A_2189 : i32
        %mul3A_2191 = arith.constant 16 : i32
        %mul3A_2192 = arith.muli %scan3A_31, %mul3A_2191 : i32
        %add3A_2193 = arith.addi %mul3A_2190, %mul3A_2192 : i32
        %swap3A = arith.index_cast %add3A_2193 : i32 to index
        %swap3A_2194 = tpu.vector_load %arg9[%swap3A] {strides = array<i32>} : memref<128xf32, #tpu.memory_space<vmem>>, vector<16xf32>,
        %swap3A_2195 = vector.shape_cast %swap3A_2194 : vector<16xf32> to vector<16xf32>
        %swap3A_2196 = vector.shape_cast %select_n3A_2130 : vector<16xf32> to vector<16xf32>
        tpu.vector_store %arg9[%swap3A], %swap3A_2196 {strides = array<i32>} : memref<128xf32, #tpu.memory_space<vmem>>, vector<16xf32>,
        %swap3A_2197 = arith.index_cast %add3A_2193 : i32 to index
        %swap3A_2198 = tpu.vector_load %arg10[%swap3A_2197] {strides = array<i32>} : memref<128xf32, #tpu.memory_space<vmem>>, vector<16xf32>,
        %swap3A_2199 = vector.shape_cast %swap3A_2198 : vector<16xf32> to vector<16xf32>
        %swap3A_2200 = vector.shape_cast %select_n3A_2159 : vector<16xf32> to vector<16xf32>
        tpu.vector_store %arg10[%swap3A_2197], %swap3A_2200 {strides = array<i32>} : memref<128xf32, #tpu.memory_space<vmem>>, vector<16xf32>,
        %swap3A_2201 = arith.index_cast %add3A_2193 : i32 to index
        %swap3A_2202 = tpu.vector_load %arg11[%swap3A_2201] {strides = array<i32>} : memref<128xf32, #tpu.memory_space<vmem>>, vector<16xf32>,
        %swap3A_2203 = vector.shape_cast %swap3A_2202 : vector<16xf32> to vector<16xf32>
        %swap3A_2204 = vector.shape_cast %select_n3A_2188 : vector<16xf32> to vector<16xf32>
        tpu.vector_store %arg11[%swap3A_2201], %swap3A_2204 {strides = array<i32>} : memref<128xf32, #tpu.memory_space<vmem>>, vector<16xf32>,
        %scan3A_2205 = arith.constant 0 : i32
        scf.yield %scan3A_2205 : i32
      }
      %scan3A_29 = arith.constant 2 : i32
      %scan3A_30 = arith.constant 0 : i32
      scf.yield %scan3A_30 : i32
    }
    %scan3A_13 = arith.constant 4 : i32
    "tpu.region"() ({
      %run_scoped3A = tpu.sem_alloc : memref<!tpu.dma_semaphore, #tpu.memory_space<semaphore_mem>>
      %dma_start3A = tpu.memref_slice %arg4[%mul3A_2] : memref<4096xf32, #tpu.memory_space<hbm>> -> memref<128xf32, #tpu.memory_space<hbm>>
      %dma_start3A_14 = tpu.memref_slice %arg4[%mul3A_2] : memref<4096xf32, #tpu.memory_space<hbm>> -> memref<128xf32, #tpu.memory_space<hbm>>
      tpu.enqueue_dma source(%arg9 : memref<128xf32, #tpu.memory_space<vmem>>) target(%dma_start3A_14 : memref<128xf32, #tpu.memory_space<hbm>>) target_semaphore(%run_scoped3A : memref<!tpu.dma_semaphore, #tpu.memory_space<semaphore_mem>>)
      %dma_wait3A = tpu.memref_slice %arg4[%mul3A_2] : memref<4096xf32, #tpu.memory_space<hbm>> -> memref<128xf32, #tpu.memory_space<hbm>>
      %dma_wait3A_15 = tpu.memref_slice %arg4[%mul3A_2] : memref<4096xf32, #tpu.memory_space<hbm>> -> memref<128xf32, #tpu.memory_space<hbm>>
      tpu.wait_dma2 semaphore(%run_scoped3A : memref<!tpu.dma_semaphore, #tpu.memory_space<semaphore_mem>>) src(%arg9 : memref<128xf32, #tpu.memory_space<vmem>>) dst(%dma_wait3A_15 : memref<128xf32, #tpu.memory_space<hbm>>)
      tpu.yield
    }) : () -> ()
    "tpu.region"() ({
      %run_scoped3A = tpu.sem_alloc : memref<!tpu.dma_semaphore, #tpu.memory_space<semaphore_mem>>
      %dma_start3A = tpu.memref_slice %arg5[%mul3A_2] : memref<4096xf32, #tpu.memory_space<hbm>> -> memref<128xf32, #tpu.memory_space<hbm>>
      %dma_start3A_14 = tpu.memref_slice %arg5[%mul3A_2] : memref<4096xf32, #tpu.memory_space<hbm>> -> memref<128xf32, #tpu.memory_space<hbm>>
      tpu.enqueue_dma source(%arg10 : memref<128xf32, #tpu.memory_space<vmem>>) target(%dma_start3A_14 : memref<128xf32, #tpu.memory_space<hbm>>) target_semaphore(%run_scoped3A : memref<!tpu.dma_semaphore, #tpu.memory_space<semaphore_mem>>)
      %dma_wait3A = tpu.memref_slice %arg5[%mul3A_2] : memref<4096xf32, #tpu.memory_space<hbm>> -> memref<128xf32, #tpu.memory_space<hbm>>
      %dma_wait3A_15 = tpu.memref_slice %arg5[%mul3A_2] : memref<4096xf32, #tpu.memory_space<hbm>> -> memref<128xf32, #tpu.memory_space<hbm>>
      tpu.wait_dma2 semaphore(%run_scoped3A : memref<!tpu.dma_semaphore, #tpu.memory_space<semaphore_mem>>) src(%arg10 : memref<128xf32, #tpu.memory_space<vmem>>) dst(%dma_wait3A_15 : memref<128xf32, #tpu.memory_space<hbm>>)
      tpu.yield
    }) : () -> ()
    "tpu.region"() ({
      %run_scoped3A = tpu.sem_alloc : memref<!tpu.dma_semaphore, #tpu.memory_space<semaphore_mem>>
      %dma_start3A = tpu.memref_slice %arg6[%mul3A_2] : memref<4096xf32, #tpu.memory_space<hbm>> -> memref<128xf32, #tpu.memory_space<hbm>>
      %dma_start3A_14 = tpu.memref_slice %arg6[%mul3A_2] : memref<4096xf32, #tpu.memory_space<hbm>> -> memref<128xf32, #tpu.memory_space<hbm>>
      tpu.enqueue_dma source(%arg11 : memref<128xf32, #tpu.memory_space<vmem>>) target(%dma_start3A_14 : memref<128xf32, #tpu.memory_space<hbm>>) target_semaphore(%run_scoped3A : memref<!tpu.dma_semaphore, #tpu.memory_space<semaphore_mem>>)
      %dma_wait3A = tpu.memref_slice %arg6[%mul3A_2] : memref<4096xf32, #tpu.memory_space<hbm>> -> memref<128xf32, #tpu.memory_space<hbm>>
      %dma_wait3A_15 = tpu.memref_slice %arg6[%mul3A_2] : memref<4096xf32, #tpu.memory_space<hbm>> -> memref<128xf32, #tpu.memory_space<hbm>>
      tpu.wait_dma2 semaphore(%run_scoped3A : memref<!tpu.dma_semaphore, #tpu.memory_space<semaphore_mem>>) src(%arg11 : memref<128xf32, #tpu.memory_space<vmem>>) dst(%dma_wait3A_15 : memref<128xf32, #tpu.memory_space<hbm>>)
      tpu.yield
    }) : () -> ()
    return
  }
}

module attributes {stable_mosaic.version = 14 : i64} {
  func.func @_tc_rowstats_kernel(%arg0: i32, %arg1: memref<1024x1000xf32, #tpu.memory_space<vmem>>, %arg2: memref<1024x1000xf32, #tpu.memory_space<vmem>>, %arg3: memref<1024xi32, #tpu.memory_space<vmem>>, %arg4: memref<1024xi32, #tpu.memory_space<vmem>>, %arg5: memref<1024xf32, #tpu.memory_space<vmem>>, %arg6: memref<1024xf32, #tpu.memory_space<vmem>>, %arg7: memref<1024xf32, #tpu.memory_space<vmem>>, %arg8: memref<1024xf32, #tpu.memory_space<vmem>>) attributes {dimension_semantics = [#tpu.dimension_semantics<arbitrary>], iteration_bounds = array<i64: 6>, scalar_prefetch = 0 : i64, scratch_operands = 0 : i64, tpu.core_type = #tpu.core_type<tc>, window_params = [{transform_indices = @transform_0, window_bounds = array<i64: 1024, 1000>}, {transform_indices = @transform_1, window_bounds = array<i64: 1024, 1000>}, {transform_indices = @transform_2, window_bounds = array<i64: 1024>}, {transform_indices = @transform_3, window_bounds = array<i64: 1024>}, {transform_indices = @transform_4, window_bounds = array<i64: 1024>}, {transform_indices = @transform_5, window_bounds = array<i64: 1024>}, {transform_indices = @transform_6, window_bounds = array<i64: 1024>}, {transform_indices = @transform_7, window_bounds = array<i64: 1024>}]} {
    %get3A = arith.constant 0 : index
    %get3A_0 = arith.constant 0 : index
    %get3A_1 = vector.load %arg1[%get3A, %get3A_0] : memref<1024x1000xf32, #tpu.memory_space<vmem>>, vector<1024x1000xf32>
    %get3A_2 = arith.constant 0 : index
    %get3A_3 = vector.load %arg3[%get3A_2] : memref<1024xi32, #tpu.memory_space<vmem>>, vector<1024xi32>
    %get3A_4 = arith.constant 0 : index
    %get3A_5 = arith.constant 0 : index
    %get3A_6 = vector.load %arg2[%get3A_4, %get3A_5] : memref<1024x1000xf32, #tpu.memory_space<vmem>>, vector<1024x1000xf32>
    %get3A_7 = arith.constant 0 : index
    %get3A_8 = vector.load %arg4[%get3A_7] : memref<1024xi32, #tpu.memory_space<vmem>>, vector<1024xi32>
    %reduce_max3A = arith.constant dense<0xFF800000> : vector<1024xf32>
    %reduce_max3A_9 = vector.multi_reduction <maximumf>, %get3A_1, %reduce_max3A [1] : vector<1024x1000xf32> to vector<1024xf32>
    %broadcast_in_dim3A = vector.shape_cast %reduce_max3A_9 : vector<1024xf32> to vector<1024x1xf32>
    %sub3A = vector.broadcast %broadcast_in_dim3A : vector<1024x1xf32> to vector<1024x1000xf32>
    %sub3A_10 = arith.subf %get3A_1, %sub3A : vector<1024x1000xf32>
    %exp3A = math.exp %sub3A_10 : vector<1024x1000xf32>
    %reduce_sum3A = arith.constant dense<0.000000e+00> : vector<1024xf32>
    %reduce_sum3A_11 = vector.multi_reduction <add>, %exp3A, %reduce_sum3A [1] : vector<1024x1000xf32> to vector<1024xf32>
    %log3A = math.log %reduce_sum3A_11 : vector<1024xf32>
    %add3A = arith.addf %reduce_max3A_9, %log3A : vector<1024xf32>
    %reduce_sum3A_12 = arith.constant dense<0.000000e+00> : vector<1024xf32>
    %reduce_sum3A_13 = vector.multi_reduction <add>, %get3A_1, %reduce_sum3A_12 [1] : vector<1024x1000xf32> to vector<1024xf32>
    %iota3A = tpu.iota {dimensions = array<i32: 1>} : vector<1024x1000xi32>
    %broadcast_in_dim3A_14 = vector.shape_cast %get3A_3 : vector<1024xi32> to vector<1024x1xi32>
    %eq3A = vector.broadcast %broadcast_in_dim3A_14 : vector<1024x1xi32> to vector<1024x1000xi32>
    %eq3A_15 = arith.cmpi eq, %iota3A, %eq3A : vector<1024x1000xi32>
    %jit3A = arith.constant 0.000000e+00 : f32
    %broadcast_in_dim3A_16 = vector.broadcast %jit3A : f32 to vector<1024x1000xf32>
    %select_n3A = arith.select %eq3A_15, %get3A_1, %broadcast_in_dim3A_16 : vector<1024x1000xi1>, vector<1024x1000xf32>
    %reduce_sum3A_17 = arith.constant dense<0.000000e+00> : vector<1024xf32>
    %reduce_sum3A_18 = vector.multi_reduction <add>, %select_n3A, %reduce_sum3A_17 [1] : vector<1024x1000xf32> to vector<1024xf32>
    %sub3A_19 = arith.subf %add3A, %reduce_sum3A_18 : vector<1024xf32>
    %swap3A = arith.constant 0 : index
    %swap3A_20 = vector.load %arg5[%swap3A] : memref<1024xf32, #tpu.memory_space<vmem>>, vector<1024xf32>
    tpu.vector_store %arg5[%swap3A], %sub3A_19 {strides = array<i32>} : memref<1024xf32, #tpu.memory_space<vmem>>, vector<1024xf32>,
    %mul3A = arith.constant 1.000000e-03 : f32
    %mul3A_21 = vector.broadcast %mul3A : f32 to vector<1024xf32>
    %mul3A_22 = arith.mulf %reduce_sum3A_13, %mul3A_21 : vector<1024xf32>
    %sub3A_23 = arith.subf %add3A, %mul3A_22 : vector<1024xf32>
    %swap3A_24 = arith.constant 0 : index
    %swap3A_25 = vector.load %arg6[%swap3A_24] : memref<1024xf32, #tpu.memory_space<vmem>>, vector<1024xf32>
    tpu.vector_store %arg6[%swap3A_24], %sub3A_23 {strides = array<i32>} : memref<1024xf32, #tpu.memory_space<vmem>>, vector<1024xf32>,
    %reduce_max3A_26 = arith.constant dense<0xFF800000> : vector<1024xf32>
    %reduce_max3A_27 = vector.multi_reduction <maximumf>, %get3A_6, %reduce_max3A_26 [1] : vector<1024x1000xf32> to vector<1024xf32>
    %broadcast_in_dim3A_28 = vector.shape_cast %reduce_max3A_27 : vector<1024xf32> to vector<1024x1xf32>
    %sub3A_29 = vector.broadcast %broadcast_in_dim3A_28 : vector<1024x1xf32> to vector<1024x1000xf32>
    %sub3A_30 = arith.subf %get3A_6, %sub3A_29 : vector<1024x1000xf32>
    %exp3A_31 = math.exp %sub3A_30 : vector<1024x1000xf32>
    %reduce_sum3A_32 = arith.constant dense<0.000000e+00> : vector<1024xf32>
    %reduce_sum3A_33 = vector.multi_reduction <add>, %exp3A_31, %reduce_sum3A_32 [1] : vector<1024x1000xf32> to vector<1024xf32>
    %log3A_34 = math.log %reduce_sum3A_33 : vector<1024xf32>
    %add3A_35 = arith.addf %reduce_max3A_27, %log3A_34 : vector<1024xf32>
    %reduce_sum3A_36 = arith.constant dense<0.000000e+00> : vector<1024xf32>
    %reduce_sum3A_37 = vector.multi_reduction <add>, %get3A_6, %reduce_sum3A_36 [1] : vector<1024x1000xf32> to vector<1024xf32>
    %iota3A_38 = tpu.iota {dimensions = array<i32: 1>} : vector<1024x1000xi32>
    %broadcast_in_dim3A_39 = vector.shape_cast %get3A_8 : vector<1024xi32> to vector<1024x1xi32>
    %eq3A_40 = vector.broadcast %broadcast_in_dim3A_39 : vector<1024x1xi32> to vector<1024x1000xi32>
    %eq3A_41 = arith.cmpi eq, %iota3A_38, %eq3A_40 : vector<1024x1000xi32>
    %jit3A_42 = arith.constant 0.000000e+00 : f32
    %broadcast_in_dim3A_43 = vector.broadcast %jit3A_42 : f32 to vector<1024x1000xf32>
    %select_n3A_44 = arith.select %eq3A_41, %get3A_6, %broadcast_in_dim3A_43 : vector<1024x1000xi1>, vector<1024x1000xf32>
    %reduce_sum3A_45 = arith.constant dense<0.000000e+00> : vector<1024xf32>
    %reduce_sum3A_46 = vector.multi_reduction <add>, %select_n3A_44, %reduce_sum3A_45 [1] : vector<1024x1000xf32> to vector<1024xf32>
    %sub3A_47 = arith.subf %add3A_35, %reduce_sum3A_46 : vector<1024xf32>
    %swap3A_48 = arith.constant 0 : index
    %swap3A_49 = vector.load %arg7[%swap3A_48] : memref<1024xf32, #tpu.memory_space<vmem>>, vector<1024xf32>
    tpu.vector_store %arg7[%swap3A_48], %sub3A_47 {strides = array<i32>} : memref<1024xf32, #tpu.memory_space<vmem>>, vector<1024xf32>,
    %mul3A_50 = arith.constant 1.000000e-03 : f32
    %mul3A_51 = vector.broadcast %mul3A_50 : f32 to vector<1024xf32>
    %mul3A_52 = arith.mulf %reduce_sum3A_37, %mul3A_51 : vector<1024xf32>
    %sub3A_53 = arith.subf %add3A_35, %mul3A_52 : vector<1024xf32>
    %swap3A_54 = arith.constant 0 : index
    %swap3A_55 = vector.load %arg8[%swap3A_54] : memref<1024xf32, #tpu.memory_space<vmem>>, vector<1024xf32>
    tpu.vector_store %arg8[%swap3A_54], %sub3A_53 {strides = array<i32>} : memref<1024xf32, #tpu.memory_space<vmem>>, vector<1024xf32>,
    return
  }
  func.func @transform_0(%arg0: i32) -> (i32, i32) {
    %c0_i32 = arith.constant 0 : i32
    %c0_i32_0 = arith.constant 0 : i32
    return %arg0, %c0_i32 : i32, i32
  }
  func.func @transform_1(%arg0: i32) -> (i32, i32) {
    %add3A = arith.constant 6 : i32
    %add3A_0 = arith.addi %arg0, %add3A : i32
    %c0_i32 = arith.constant 0 : i32
    %c0_i32_1 = arith.constant 0 : i32
    return %add3A_0, %c0_i32 : i32, i32
  }
  func.func @transform_2(%arg0: i32) -> i32 {
    %c0_i32 = arith.constant 0 : i32
    return %arg0 : i32
  }
  func.func @transform_3(%arg0: i32) -> i32 {
    %add3A = arith.constant 6 : i32
    %add3A_0 = arith.addi %arg0, %add3A : i32
    %c0_i32 = arith.constant 0 : i32
    return %add3A_0 : i32
  }
  func.func @transform_4(%arg0: i32) -> i32 {
    %c0_i32 = arith.constant 0 : i32
    return %arg0 : i32
  }
  func.func @transform_5(%arg0: i32) -> i32 {
    %c0_i32 = arith.constant 0 : i32
    return %arg0 : i32
  }
  func.func @transform_6(%arg0: i32) -> i32 {
    %c0_i32 = arith.constant 0 : i32
    return %arg0 : i32
  }
  func.func @transform_7(%arg0: i32) -> i32 {
    %c0_i32 = arith.constant 0 : i32
    return %arg0 : i32
  }
}

module attributes {stable_mosaic.version = 14 : i64} {
  func.func @_select_kernel(%arg0: memref<6144xf32, #tpu.memory_space<vmem>>, %arg1: memref<6144xf32, #tpu.memory_space<vmem>>, %arg2: memref<6144xf32, #tpu.memory_space<vmem>>, %arg3: memref<6144xf32, #tpu.memory_space<vmem>>, %arg4: memref<4096xf32, #tpu.memory_space<vmem>>, %arg5: memref<4096xf32, #tpu.memory_space<vmem>>, %arg6: memref<4096xf32, #tpu.memory_space<vmem>>, %arg7: memref<1x1xf32, #tpu.memory_space<vmem>>) attributes {dimension_semantics = [], scalar_prefetch = 0 : i64, scratch_operands = 0 : i64, tpu.core_type = #tpu.core_type<tc>} {
    %get3A = arith.constant 0 : index
    %get3A_0 = vector.load %arg5[%get3A] : memref<4096xf32, #tpu.memory_space<vmem>>, vector<4096xf32>
    %log3A = math.log %get3A_0 : vector<4096xf32>
    %get3A_1 = arith.constant 0 : index
    %get3A_2 = vector.load %arg0[%get3A_1] : memref<6144xf32, #tpu.memory_space<vmem>>, vector<6144xf32>
    %get3A_3 = arith.constant 0 : index
    %get3A_4 = vector.load %arg2[%get3A_3] : memref<6144xf32, #tpu.memory_space<vmem>>, vector<6144xf32>
    %get3A_5 = arith.constant 0 : index
    %get3A_6 = vector.load %arg6[%get3A_5] : memref<4096xf32, #tpu.memory_space<vmem>>, vector<4096xf32>
    %sub3A = arith.subf %log3A, %get3A_6 : vector<4096xf32>
    %concatenate3A = tpu.concatenate %get3A_2, %get3A_4, %sub3A in 0 : vector<6144xf32>, vector<6144xf32>, vector<4096xf32> -> vector<16384xf32>
    %get3A_7 = arith.constant 0 : index
    %get3A_8 = vector.load %arg1[%get3A_7] : memref<6144xf32, #tpu.memory_space<vmem>>, vector<6144xf32>
    %get3A_9 = arith.constant 0 : index
    %get3A_10 = vector.load %arg3[%get3A_9] : memref<6144xf32, #tpu.memory_space<vmem>>, vector<6144xf32>
    %get3A_11 = arith.constant 0 : index
    %get3A_12 = vector.load %arg4[%get3A_11] : memref<4096xf32, #tpu.memory_space<vmem>>, vector<4096xf32>
    %mul3A = arith.constant 1.000000e-03 : f32
    %mul3A_13 = vector.broadcast %mul3A : f32 to vector<4096xf32>
    %mul3A_14 = arith.mulf %get3A_12, %mul3A_13 : vector<4096xf32>
    %sub3A_15 = arith.subf %log3A, %mul3A_14 : vector<4096xf32>
    %concatenate3A_16 = tpu.concatenate %get3A_8, %get3A_10, %sub3A_15 in 0 : vector<6144xf32>, vector<6144xf32>, vector<4096xf32> -> vector<16384xf32>
    %bitcast_convert_type3A = tpu.bitcast %concatenate3A : vector<16384xf32> -> vector<16384xi32>
    %scan3A = arith.constant 0 : i32
    %scan3A_17 = arith.constant 2147483646 : i32
    %scan3A_18 = arith.constant 0 : i32
    %scan3A_19 = arith.constant 31 : i32
    %scan3A_20 = arith.addi %scan3A_18, %scan3A_19 : i32
    %scan3A_21 = arith.constant 1 : i32
    %scan3A_22:2 = scf.for %scan3A_83 = %scan3A_18 to %scan3A_20 step %scan3A_21 iter_args(%scan3A_84 = %scan3A, %scan3A_85 = %scan3A_17) -> (i32, i32)  : i32 {
      %sub3A_86 = arith.subi %scan3A_85, %scan3A_84 : i32
      %add3A_87 = arith.constant 1 : i32
      %add3A_88 = arith.addi %sub3A_86, %add3A_87 : i32
      %jit3A_89 = arith.constant 2 : i32
      %div3A_90 = arith.divsi %add3A_88, %jit3A_89 : i32
      %sign3A = arith.constant 0 : i32
      %sign3A_91 = arith.cmpi sgt, %add3A_88, %sign3A : i32
      %sign3A_92 = arith.extui %sign3A_91 : i1 to i32
      %sign3A_93 = arith.constant 0 : i32
      %sign3A_94 = arith.cmpi slt, %add3A_88, %sign3A_93 : i32
      %sign3A_95 = arith.extui %sign3A_94 : i1 to i32
      %sign3A_96 = arith.subi %sign3A_92, %sign3A_95 : i32
      %sign3A_97 = arith.constant 0 : i32
      %sign3A_98 = arith.cmpi sgt, %jit3A_89, %sign3A_97 : i32
      %sign3A_99 = arith.extui %sign3A_98 : i1 to i32
      %sign3A_100 = arith.constant 0 : i32
      %sign3A_101 = arith.cmpi slt, %jit3A_89, %sign3A_100 : i32
      %sign3A_102 = arith.extui %sign3A_101 : i1 to i32
      %sign3A_103 = arith.subi %sign3A_99, %sign3A_102 : i32
      %ne3A = arith.cmpi ne, %sign3A_96, %sign3A_103 : i32
      %rem3A = arith.remsi %add3A_88, %jit3A_89 : i32
      %ne3A_104 = arith.constant 0 : i32
      %ne3A_105 = arith.cmpi ne, %rem3A, %ne3A_104 : i32
      %and3A = arith.andi %ne3A, %ne3A_105 : i1
      %sub3A_106 = arith.constant 1 : i32
      %sub3A_107 = arith.subi %div3A_90, %sub3A_106 : i32
      %select_n3A_108 = arith.select %and3A, %sub3A_107, %div3A_90 : i32
      %add3A_109 = arith.addi %scan3A_84, %select_n3A_108 : i32
      %ge3A = vector.broadcast %add3A_109 : i32 to vector<16384xi32>
      %ge3A_110 = arith.cmpi sge, %bitcast_convert_type3A, %ge3A : vector<16384xi32>
      %jit3A_111 = arith.constant 1 : i32
      %jit3A_112 = arith.constant 0 : i32
      %broadcast_in_dim3A_113 = vector.broadcast %jit3A_111 : i32 to vector<16384xi32>
      %broadcast_in_dim3A_114 = vector.broadcast %jit3A_112 : i32 to vector<16384xi32>
      %select_n3A_115 = arith.select %ge3A_110, %broadcast_in_dim3A_113, %broadcast_in_dim3A_114 : vector<16384xi1>, vector<16384xi32>
      %reduce_sum3A_116 = vector.shape_cast %select_n3A_115 : vector<16384xi32> to vector<1x16384xi32>
      %reduce_sum3A_117 = arith.constant dense<0> : vector<1xi32>
      %reduce_sum3A_118 = vector.multi_reduction <add>, %reduce_sum3A_116, %reduce_sum3A_117 [1] : vector<1x16384xi32> to vector<1xi32>
      %reduce_sum3A_119 = vector.shape_cast %reduce_sum3A_118 : vector<1xi32> to vector<1x1xi32>
      %reduce_sum3A_120 = vector.extract %reduce_sum3A_119[0, 0] : i32 from vector<1x1xi32>
      %ge3A_121 = arith.constant 14745 : i32
      %ge3A_122 = arith.cmpi sge, %reduce_sum3A_120, %ge3A_121 : i32
      %select_n3A_123 = arith.select %ge3A_122, %add3A_109, %scan3A_84 : i32
      %sub3A_124 = arith.constant 1 : i32
      %sub3A_125 = arith.subi %add3A_109, %sub3A_124 : i32
      %select_n3A_126 = arith.select %ge3A_122, %scan3A_85, %sub3A_125 : i32
      scf.yield %select_n3A_123, %select_n3A_126 : i32, i32
    }
    %bitcast_convert_type3A_23 = arith.bitcast %scan3A_22#0 : i32 to f32
    %gt3A = vector.broadcast %scan3A_22#0 : i32 to vector<16384xi32>
    %gt3A_24 = arith.cmpi sgt, %bitcast_convert_type3A, %gt3A : vector<16384xi32>
    %eq3A = vector.broadcast %scan3A_22#0 : i32 to vector<16384xi32>
    %eq3A_25 = arith.cmpi eq, %bitcast_convert_type3A, %eq3A : vector<16384xi32>
    %jit3A = arith.constant 1 : i32
    %jit3A_26 = arith.constant 0 : i32
    %broadcast_in_dim3A = vector.broadcast %jit3A : i32 to vector<16384xi32>
    %broadcast_in_dim3A_27 = vector.broadcast %jit3A_26 : i32 to vector<16384xi32>
    %select_n3A = arith.select %gt3A_24, %broadcast_in_dim3A, %broadcast_in_dim3A_27 : vector<16384xi1>, vector<16384xi32>
    %reduce_sum3A = vector.shape_cast %select_n3A : vector<16384xi32> to vector<1x16384xi32>
    %reduce_sum3A_28 = arith.constant dense<0> : vector<1xi32>
    %reduce_sum3A_29 = vector.multi_reduction <add>, %reduce_sum3A, %reduce_sum3A_28 [1] : vector<1x16384xi32> to vector<1xi32>
    %reduce_sum3A_30 = vector.shape_cast %reduce_sum3A_29 : vector<1xi32> to vector<1x1xi32>
    %reduce_sum3A_31 = vector.extract %reduce_sum3A_30[0, 0] : i32 from vector<1x1xi32>
    %jit3A_32 = arith.constant 1 : i32
    %jit3A_33 = arith.constant 0 : i32
    %broadcast_in_dim3A_34 = vector.broadcast %jit3A_32 : i32 to vector<16384xi32>
    %broadcast_in_dim3A_35 = vector.broadcast %jit3A_33 : i32 to vector<16384xi32>
    %select_n3A_36 = arith.select %eq3A_25, %broadcast_in_dim3A_34, %broadcast_in_dim3A_35 : vector<16384xi1>, vector<16384xi32>
    %reduce_sum3A_37 = vector.shape_cast %select_n3A_36 : vector<16384xi32> to vector<1x16384xi32>
    %reduce_sum3A_38 = arith.constant dense<0> : vector<1xi32>
    %reduce_sum3A_39 = vector.multi_reduction <add>, %reduce_sum3A_37, %reduce_sum3A_38 [1] : vector<1x16384xi32> to vector<1xi32>
    %reduce_sum3A_40 = vector.shape_cast %reduce_sum3A_39 : vector<1xi32> to vector<1x1xi32>
    %reduce_sum3A_41 = vector.extract %reduce_sum3A_40[0, 0] : i32 from vector<1x1xi32>
    %sub3A_42 = arith.constant 14745 : i32
    %sub3A_43 = arith.subi %sub3A_42, %reduce_sum3A_31 : i32
    %convert_element_type3A = arith.sitofp %sub3A_43 : i32 to f32
    %jit3A_44 = arith.constant 0.000000e+00 : f32
    %broadcast_in_dim3A_45 = vector.broadcast %jit3A_44 : f32 to vector<16384xf32>
    %select_n3A_46 = arith.select %gt3A_24, %concatenate3A, %broadcast_in_dim3A_45 : vector<16384xi1>, vector<16384xf32>
    %reduce_sum3A_47 = vector.shape_cast %select_n3A_46 : vector<16384xf32> to vector<1x16384xf32>
    %reduce_sum3A_48 = arith.constant dense<0.000000e+00> : vector<1xf32>
    %reduce_sum3A_49 = vector.multi_reduction <add>, %reduce_sum3A_47, %reduce_sum3A_48 [1] : vector<1x16384xf32> to vector<1xf32>
    %reduce_sum3A_50 = vector.shape_cast %reduce_sum3A_49 : vector<1xf32> to vector<1x1xf32>
    %reduce_sum3A_51 = vector.extract %reduce_sum3A_50[0, 0] : f32 from vector<1x1xf32>
    %mul3A_52 = arith.mulf %convert_element_type3A, %bitcast_convert_type3A_23 : f32
    %add3A = arith.addf %reduce_sum3A_51, %mul3A_52 : f32
    %jit3A_53 = arith.constant 0.000000e+00 : f32
    %broadcast_in_dim3A_54 = vector.broadcast %jit3A_53 : f32 to vector<16384xf32>
    %select_n3A_55 = arith.select %gt3A_24, %concatenate3A_16, %broadcast_in_dim3A_54 : vector<16384xi1>, vector<16384xf32>
    %reduce_sum3A_56 = vector.shape_cast %select_n3A_55 : vector<16384xf32> to vector<1x16384xf32>
    %reduce_sum3A_57 = arith.constant dense<0.000000e+00> : vector<1xf32>
    %reduce_sum3A_58 = vector.multi_reduction <add>, %reduce_sum3A_56, %reduce_sum3A_57 [1] : vector<1x16384xf32> to vector<1xf32>
    %reduce_sum3A_59 = vector.shape_cast %reduce_sum3A_58 : vector<1xf32> to vector<1x1xf32>
    %reduce_sum3A_60 = vector.extract %reduce_sum3A_59[0, 0] : f32 from vector<1x1xf32>
    %convert_element_type3A_61 = arith.sitofp %reduce_sum3A_41 : i32 to f32
    %div3A = arith.divf %convert_element_type3A, %convert_element_type3A_61 : f32
    %jit3A_62 = arith.constant 0.000000e+00 : f32
    %broadcast_in_dim3A_63 = vector.broadcast %jit3A_62 : f32 to vector<16384xf32>
    %select_n3A_64 = arith.select %eq3A_25, %concatenate3A_16, %broadcast_in_dim3A_63 : vector<16384xi1>, vector<16384xf32>
    %reduce_sum3A_65 = vector.shape_cast %select_n3A_64 : vector<16384xf32> to vector<1x16384xf32>
    %reduce_sum3A_66 = arith.constant dense<0.000000e+00> : vector<1xf32>
    %reduce_sum3A_67 = vector.multi_reduction <add>, %reduce_sum3A_65, %reduce_sum3A_66 [1] : vector<1x16384xf32> to vector<1xf32>
    %reduce_sum3A_68 = vector.shape_cast %reduce_sum3A_67 : vector<1xf32> to vector<1x1xf32>
    %reduce_sum3A_69 = vector.extract %reduce_sum3A_68[0, 0] : f32 from vector<1x1xf32>
    %mul3A_70 = arith.mulf %div3A, %reduce_sum3A_69 : f32
    %add3A_71 = arith.addf %reduce_sum3A_60, %mul3A_70 : f32
    %mul3A_72 = arith.constant 6.781960e-05 : f32
    %mul3A_73 = arith.mulf %add3A_71, %mul3A_72 : f32
    %mul3A_74 = arith.constant 1.000000e-01 : f32
    %mul3A_75 = arith.mulf %mul3A_74, %mul3A_73 : f32
    %mul3A_76 = arith.constant 6.781960e-05 : f32
    %mul3A_77 = arith.mulf %add3A, %mul3A_76 : f32
    %mul3A_78 = arith.constant 0.899999976 : f32
    %mul3A_79 = arith.mulf %mul3A_78, %mul3A_77 : f32
    %add3A_80 = arith.addf %mul3A_75, %mul3A_79 : f32
    %reshape3A = vector.broadcast %add3A_80 : f32 to vector<1x1xf32>
    %swap3A = arith.constant 0 : index
    %swap3A_81 = arith.constant 0 : index
    %swap3A_82 = vector.load %arg7[%swap3A, %swap3A_81] : memref<1x1xf32, #tpu.memory_space<vmem>>, vector<1x1xf32>
    tpu.vector_store %arg7[%swap3A, %swap3A_81], %reshape3A {strides = array<i32>} : memref<1x1xf32, #tpu.memory_space<vmem>>, vector<1x1xf32>,
    return
  }
}

</mosaic_0001>

<sc_bundles>
// kernel: kernel.5.cloned.1.call-start
scs
__scs_entry_jumppad:
0x0: {  	(pc) =	sbr.rel $0x88, $3  }
0x1: {  	(tag) =	ssettag $0x0;
	lr =	simm.s32 $0x1  }
0x2: {  	[smem:$0x3F9F] =	sst lr;
	_ =	strace $0xD0000000  }
0x3: {  	_ = 	snop  }
0x4: {  	_ = 	snop  }
0x5: {  	_ = 	snop  }
0x6: {  	_ = 	snop  }
0x7: {  	_ = 	snop  }
__scs_overlays_trampoline_lowered:
0x8: {  	[smem:$0x3FAE] =	sst s0  }
0x9: {  	[smem:$0x3FAF] =	sst s1  }
0xa: {  	[smem:$0x3FB0] =	sst s2  }
0xb: {  	[smem:$0x3FB1] =	sst s3  }
0xc: {  	[smem:$0x3FB2] =	sst s4  }
0xd: {  	[smem:$0x3FB3] =	sst s5  }
0xe: {  	[smem:$0x3FB4] =	sst s6  }
0xf: {  	[smem:$0x3FB5] =	sst s7  }
0x10: {  	[smem:$0x3FB6] =	sst s8  }
0x11: {  	[smem:$0x3FB7] =	sst s9;
	s0 =	simm.s32 @!p0 $0x0  }
0x12: {  	s1 =	sld [smem:$0x3F9D];
	s0 =	simm.s32 @p0 $0x1  }
0x13: {  	[smem:$0x3FB8] =	sst s0;
	s0 =	simm.s32 @!p1 $0x0  }
0x14: {  	s2 =	sld [smem:$0x3F9C];
	s0 =	simm.s32 @p1 $0x1  }
0x15: {  	[smem:$0x3FB9] =	sst s0;
	s0 =	simm.s32 @!p2 $0x0  }
0x16: {  	s3 =	sld [smem:$0x3FDB];
	s0 =	simm.s32 @p2 $0x1  }
0x17: {  	s4 =	simm.s32 $0x1BF5;
	[smem:$0x3FBB] =	sst s0  }
0x18: {  	s0 =	sld [smem:$0x3F9E];
	_ =	swait.ge [sflag:s4], $0x0  }
0x19: {  	s7 =	sld [smem:$0x3F9F]  }
0x1a: {  	s8 =	sadd.s32 $0xFFFFE003, lr  }
0x1b: {  	s9 =	sadd.s32 $0xFFFFFEF7, lr;
	s5 =	simm.s32 $0xFFFFFFFF;
	p2 =	slt.u32 s8, $0xFFFFF086  }
0x1c: {  	p1 =	slt.u32 s9, $0xF7A;
	s5 =	simm.s32 @!p2 $0x0  }
0x1d: {  	s5 =	simm.s32 @p1 $0x1;
	p0 =	seq.s32 s7, s2  }
0x1e: {  	s7 =	smul.u32 @!p0 $0xF7A, s2;
	p2 =	seq.s32 @!p0 s5, $0x0  }
0x1f: {  	s9 =	smul.u32 $0xF7A, s1;
	s8 =	simm.s32 @!p0 $0x1BF5;
	p2 =	por !p2, p0  }
0x20: {  	[sflag:s8] =	ssyncset.s32 @!p0 $0xFFFFF086;
	s6 =	sadd.s32 @!p0 s3, s7;
	s7 =	simm.s32 @!p0 $0x108  }
0x21: {  	s3 =	sadd.s32 s3, s9;
	s6 =	sadd.s32 @!p0 $0x88, s6;
	s7 =	simm.s32 @p2 $0x1082  }
0x22: {  	[simem:s7], [sflag:s8] =	dma.local @!p0 [hbm:s6], $0xF7A  }
0x23: {  	s9 =	sor.u32 $0xD0000000, s2;
	s6 =	simm.s32 $0x108;
	_ =	swait.ge @!p0 [sflag:s8], $0x0  }
0x24: {  	s3 =	sadd.s32 $0x88, s3;
	s6 =	simm.s32 @!p1 $0x1082;
	[sflag:s4] =	ssyncset.s32 $0xFFFFF086  }
0x25: {  	[simem:s6], [sflag:s4] =	dma.local [hbm:s3], $0xF7A  }
0x26: {  	[smem:$0x3F9F] =	sst s1;
	(tag) =	ssettag s2;
	_ =	strace s9  }
0x27: {  	s1 =	sld [smem:$0x3FAF]  }
0x28: {  	s2 =	sld [smem:$0x3FB0]  }
0x29: {  	s4 =	sld [smem:$0x3FB2]  }
0x2a: {  	p0 =	seq.s32 s5, $0x0;
	s5 =	sld [smem:$0x3FB3]  }
0x2b: {  	s6 =	sld [smem:$0x3FB4]  }
0x2c: {  	s7 =	sld [smem:$0x3FB5]  }
0x2d: {  	s3 =	simm.s32 $0x108;
	s8 =	sld [smem:$0x3FB6]  }
0x2e: {  	s3 =	simm.s32 @!p0 $0x1082;
	s9 =	sld [smem:$0x3FB7]  }
0x2f: {  	lr =	sadd.s32 s0, s3;
	s0 =	sld [smem:$0x3FAE]  }
0x30: {  	s3 =	sld [smem:$0x3FB1]  }
0x31: {  	[smem:$0x3FBA] =	sst s10  }
0x32: {  	s10 =	sld [smem:$0x3FB8];
	_ =	sdelay $0x3  }
0x33: {  	p0 =	seq.s32 s10, $0x1;
	s10 =	sld [smem:$0x3FBA];
	_ =	sdelay $0x3  }
0x34: {  	[smem:$0x3FBA] =	sst s10  }
0x35: {  	s10 =	sld [smem:$0x3FB9];
	_ =	sdelay $0x3  }
0x36: {  	p1 =	seq.s32 s10, $0x1;
	s10 =	sld [smem:$0x3FBA];
	_ =	sdelay $0x3  }
0x37: {  	[smem:$0x3FBA] =	sst s10  }
0x38: {  	s10 =	sld [smem:$0x3FBB]  }
0x39: {  	_ = 	snop;
	(pc) =	sbr.ind lr, $3  }
0x3a: {  	_ = 	snop  }
0x3b: {  	_ = 	snop  }
0x3c: {  	p2 =	seq.s32 s10, $0x1;
	s10 =	sld [smem:$0x3FBA]  }
0x3d: {  	_ =	shalt  }
0x3e: {  	_ =	shalt  }
0x3f: {  	_ =	shalt  }
0x40: {  	_ =	shalt  }
0x41: {  	_ =	shalt  }
0x42: {  	_ =	shalt  }
0x43: {  	_ =	shalt  }
0x44: {  	_ =	shalt  }
0x45: {  	_ =	shalt  }
0x46: {  	_ =	shalt  }
0x47: {  	_ =	shalt  }
0x48: {  	_ =	shalt  }
0x49: {  	_ =	shalt  }
0x4a: {  	_ =	shalt  }
0x4b: {  	_ =	shalt  }
0x4c: {  	_ =	shalt  }
0x4d: {  	_ =	shalt  }
0x4e: {  	_ =	shalt  }
0x4f: {  	_ =	shalt  }
0x50: {  	_ =	shalt  }
0x51: {  	_ =	shalt  }
0x52: {  	_ =	shalt  }
0x53: {  	_ =	shalt  }
0x54: {  	_ =	shalt  }
0x55: {  	_ =	shalt  }
0x56: {  	_ =	shalt  }
0x57: {  	_ =	shalt  }
0x58: {  	_ =	shalt  }
0x59: {  	_ =	shalt  }
0x5a: {  	_ =	shalt  }
0x5b: {  	_ =	shalt  }
0x5c: {  	_ =	shalt  }
0x5d: {  	_ =	shalt  }
0x5e: {  	_ =	shalt  }
0x5f: {  	_ =	shalt  }
0x60: {  	_ =	shalt  }
0x61: {  	_ =	shalt  }
0x62: {  	_ =	shalt  }
0x63: {  	_ =	shalt  }
0x64: {  	_ =	shalt  }
0x65: {  	_ =	shalt  }
0x66: {  	_ =	shalt  }
0x67: {  	_ =	shalt  }
0x68: {  	_ =	shalt  }
0x69: {  	_ =	shalt  }
0x6a: {  	_ =	shalt  }
0x6b: {  	_ =	shalt  }
0x6c: {  	_ =	shalt  }
0x6d: {  	_ =	shalt  }
0x6e: {  	_ =	shalt  }
0x6f: {  	_ =	shalt  }
0x70: {  	_ =	shalt  }
0x71: {  	_ =	shalt  }
0x72: {  	_ =	shalt  }
0x73: {  	_ =	shalt  }
0x74: {  	_ =	shalt  }
0x75: {  	_ =	shalt  }
0x76: {  	_ =	shalt  }
0x77: {  	_ =	shalt  }
0x78: {  	_ =	shalt  }
0x79: {  	_ =	shalt  }
0x7a: {  	_ =	shalt  }
0x7b: {  	_ =	shalt  }
0x7c: {  	_ =	shalt  }
0x7d: {  	_ =	shalt  }
0x7e: {  	_ =	shalt  }
0x7f: {  	_ =	shalt  }
0x80: {  	_ =	shalt  }
0x81: {  	_ =	shalt  }
0x82: {  	_ =	shalt  }
0x83: {  	_ =	shalt  }
0x84: {  	_ =	shalt  }
0x85: {  	_ =	shalt  }
0x86: {  	_ =	shalt  }
0x87: {  	_ =	shalt  }
.Lfunc_end0:
.L_simem_size_0:
called_computation_lowered:
.L_overlay_start_0:
0x88: {  	s2 =	sld [smem:$0x3FD9]  }
0x89: {  	s3 =	sld [smem:$0x3FFE];
	_ =	sdelay $0x1  }
0x8a: {  	s1 =	srdreg.scid  }
0x8b: {  	s0 =	sand.u32 $0x1, s1  }
0x8c: {  	s17 =	sshll.u32 s0, $0xA;
	s2 =	sadd.s32 s3, s2  }
0x8d: {  	s2 =	sadd.s32 s2, s17  }
0x8e: {  	[smem:$0x3FC6] =	sst s2  }
0x8f: {  	_ = 	snop  }
0x90: {  	s2 =	sld [smem:$0x3FC8];
	(tm) =	ssettm $0x1  }
0x91: {  	s18 =	sld [smem:$0x3FFB];
	_ =	sdelay $0x3  }
0x92: {  	_ =	strace s18  }
0x93: {  	s3 =	sld [smem:$0x3FFC];
	_ =	sdelay $0x3  }
0x94: {  	_ =	strace s3  }
0x95: {  	s3 =	sld [smem:$0x3FFD];
	_ =	sdelay $0x3  }
0x96: {  	_ =	strace s3  }
0x97: {  	_ =	strace $0x8FFFFFFF  }
0x98: {  	s19 =	sld [smem:$0x3FDB];
	_ =	sdelay $0x1  }
0x99: {  	s4 =	simm.s32 $_scs_section_size  }
0x9a: {  	s5 =	simm.s32 $_size__tile_overlayer_lowered;
	s6 =	simm.s32 $_tile_overlayer_lowered  }
0x9b: {  	s22 =	simm.s32 $0x1BFF;
	s21 =	sshll.u32 s6, $0x1;
	s3 =	sadd.s32 s4, s19  }
0x9c: {  	s7 =	simm.s32 $0x0;
	s20 =	sshll.u32 s5, $0x1;
	s5 =	sadd.s32 s21, s3  }
0x9d: {  	[timem:s7], [sflag:s22] =	dma.local [hbm:s5], s20  }
0x9e: {  	_ =	swait.ge [sflag:s22], s20  }
0x9f: {  	s4 =	ssub.s32 $0x0, s20;
	[sflag:s22] =	ssyncset.done $0x0  }
0xa0: {  	[sflag:s22] =	ssyncadd.s32 s4;
	_ =	sdelay $0x1  }
0xa1: {  	s23 =	simm.s32 $0x1B8B  }
0xa2: {  	_ =	swait.ge [sflag:s23], $0x1  }
0xa3: {  	[sflag:s23] =	ssyncset.done $0x0  }
0xa4: {  	s25 =	simm.s32 $0x1B8E;
	s24 =	sld [smem:$0x3FFE];
	[sflag:s23] =	ssyncadd.s32 $0xFFFFFFFF  }
0xa5: {  	s26 =	simm.s32 $execute0_lowered;
	[smem:$0x3FD2] =	sst s25  }
0xa6: {  	s5 =	sshll.u32 s26, $0x1;
	_ =	strace $0x80000046;
	[dreg:$0x1] =	wrdreg $0xFFFFFFFF  }
0xa7: {  	s28 =	simm.s32 $_size_execute0_lowered;
	s3 =	sadd.s32 s3, s5;
	[dreg:$0x0] =	wrdreg $0x0  }
0xa8: {  	s5 =	sshll.u32 s28, $0x1;
	[dreg:$0x2] =	wrdreg s3  }
0xa9: {  	[dreg:$0x3] =	wrdreg s5  }
0xaa: {  	[dreg:$0x4] =	wrdreg $0xC0  }
0xab: {  	_ =	task [dreg:s7], $0x5FFFF  }
0xac: {  	[dreg:$0x1] =	wrdreg $0xFFFFFFFF  }
0xad: {  	[dreg:$0x0] =	wrdreg $0x60  }
0xae: {  	[dreg:$0x2] =	wrdreg s24  }
0xaf: {  	[dreg:$0x3] =	wrdreg s2  }
0xb0: {  	[dreg:$0x4] =	wrdreg $0x9  }
0xb1: {  	_ =	task.clear_ibuf [dreg:s7], $0x5FFFF;
	_ =	strace $0x90000046  }
0xb2: {  	s29 =	simm.s32 $0x9;
	_ =	strace $0x80000048  }
0xb3: {  	_ =	swait.ge [sflag:s29], $0x1  }
0xb4: {  	[sflag:s29] =	ssyncadd.s32 $0xFFFFFFFF  }
0xb5: {  	_ =	strace $0x90000048  }
0xb6: {  	_ =	sfence  }
0xb7: {  	s30 =	sld [smem:$0x0];
	_ =	sdelay $0x2  }
0xb8: {  	s31 =	sshll.u32 s1, $0xD;
	s1 =	sshrl.u32 s1, $0x2  }
0xb9: {  	s3 =	sand.u32 $0x4000, s31;
	s1 =	sadd.s32 s1, s30  }
0xba: {  	s0 =	sor.u32 s3, s0;
	s1 =	sshll.u32 s1, $0x11  }
0xbb: {  	s0 =	sor.u32 s1, s0  }
0xbc: {  	s0 =	sadd.s32 $0x8F2B, s0  }
0xbd: {  	[sflag:s0] =	ssyncadd.remote.s32 $0x1  }
0xbe: {  	_ =	sfence.sel $0xFFFF  }
0xbf: {  	[dreg:$0x0] =	wrdreg $0xFFFFFFFF;
	(pc) =	sbr.abs _section_cstart, $3  }
0xc0: {  	[dreg:$0x1] =	wrdreg $0xFFFFFFFF  }
0xc1: {  	_ =	task.clear_ibuf [dreg:s7], $0x2FFFF;
	_ =	strace $0x9FFFFFFF  }
0xc2: {  	(tm) =	ssettm $0x7FFFFFFF  }
0xc3: {  	_ =	shalt  }
tec
execute0_lowered:
.L_overlay_start_1:
0x0: {  	(tag) =	ssettag $0x1  }
0x1: {  	v0 =	vimm.s32 $0xFEDCBA98  }
0x2: {  	v2 =	vlaneseq.u32;
	v3 =	vimm.s32 $0x76543210;
	v4 =	vimm.s32 $0xBA98FEDC  }
0x3: {  	v5 =	vimm.s32 $0x32107654;
	v6 =	vimm.s32 $0xDCFE98BA;
	v7 =	vimm.s32 $0x54761032;
	s5 =	rddreg [dreg:$0x0]  }
0x4: {  	v8 =	vimm.s32 $0xEFCDAB89;
	v9 =	vimm.s32 $0x67452301;
	s6 =	rddreg [dreg:$0x1];
	s2 =	srdreg.scid;
	vm0 =	vmmov $0xff  }
0x5: {  	s0 =	rddreg [dreg:$0x2];
	s1 =	stileid.u32;
	v1 =	vunpack.c.l.s4.s8 v0;
	v3 =	vunpack.c.l.s4.s8 v3;
	v4 =	vunpack.c.l.s4.s8 v4  }
0x6: {  	s11 =	simm.s32 $0x7D00;
	s12 =	simm.s32 $0x7D80;
	s13 =	simm.s32 $0x7E00;
	v5 =	vunpack.c.l.s4.s8 v5;
	v6 =	vunpack.c.l.s4.s8 v6;
	v7 =	vunpack.c.l.s4.s8 v7  }
0x7: {  	s14 =	simm.s32 $0x7E80;
	s15 =	simm.s32 $0x0;
	v8 =	vunpack.c.l.s4.s8 v8;
	v9 =	vunpack.c.l.s4.s8 v9;
	s4 =	sand.u32 $0x1, s2;
	v1 =	vunpack.c.0.s8.s32 v1  }
0x8: {  	s2 =	simm.s32 $0x0;
	s3 =	sshll.u32 s1, $0x8;
	s7 =	sshll.u32 s4, $0x7;
	v4 =	vunpack.c.0.s8.s32 v4;
	v5 =	vunpack.c.0.s8.s32 v5;
	v6 =	vunpack.c.0.s8.s32 v6  }
0x9: {  	[smem:$0x7FF] =	sst s2;
	s8 =	ssub.s32 $0x2, s4;
	v7 =	vunpack.c.0.s8.s32 v7;
	v8 =	vunpack.c.0.s8.s32 v8;
	v9 =	vunpack.c.0.s8.s32 v9;
	s3 =	sor.u32 s7, s3  }
0xa: {  	vm1 =	vcmask $0x3F20;
	s4 =	sadd.s32 $0x1600, s5;
	v3 =	vunpack.c.0.s8.s32 v3;
	s31 =	sshrl.u32 s8, $0x1;
	s7 =	sshrl.u32 s3, $0x3;
	v4 =	vcombine.low v5, v4  }
0xb: {  	_ =	strace $0x80000047;
	s10 =	ssub.s32 s8, s31;
	v5 =	vand.u32 $0xF, v1;
	v6 =	vcombine.low v7, v6;
	v7 =	vcombine.low v9, v8;
	s9 =	sadd.s32 s7, s5  }
0xc: {  	v0 =	vmul.u32 $0xFFFFFFFF, v2;
	v1 =	vadd.s32 $0x3D8, v2;
	s5 =	sadd.s32 $0x600, s6;
	v2 =	vcombine.low v5, v3;
	s6 =	sadd.s32 $0x7E600, s9;
	s7 =	sadd.s32 $0x7E800, s9  }
0xd: {  	s8 =	sadd.s32 $0x7EA00, s9;
	s9 =	smax.u32 s10, $0x1;
	s10 =	simm.s32 $0x1;
	v3 =	vand.u32 $0xF, v4;
	v4 =	vand.u32 $0xF, v6;
	v5 =	vand.u32 $0xF, v7  }
.LBB2_1:
0xe: {  	s16 =	simm.s32 $0x0  }
.LBB2_2:
0xf: {  	s17 =	sshll.u32 s16, $0x5  }
0x10: {  	s19 =	sor.u32 s3, s17  }
0x11: {  	s18 =	smul.u32 $0x7D, s19;
	_ =	sdelay $0x1  }
0x12: {  	s20 =	sadd.s32 s4, s18;
	s18 =	simm.s32 $0x0  }
0x13: {  	[tilespmem:s18], [sflag:$0x1] =	stream.linear.gather [hbm4b:s20+s18], $0x7D00, $0x38;
	[tilespmem:$0x7F00] =	vst v63  }
0x14: {  	_ =	swait.ge [sflag:s10], $0x7D00  }
0x15: {  	s19 =	sshrl.u32 s19, $0x3;
	[sflag:s10] =	ssyncset.done $0x0  }
0x16: {  	s19 =	sadd.s32 s19, s5;
	[sflag:s10] =	ssyncadd.s32 $0xFFFF8300  }
0x17: {  	[tilespmem:s11], [sflag:$0x1] =	stream.linear.gather [hbm4b:s19+s18], $0x20, $0x38;
	[tilespmem:$0x7F00] =	vst v63  }
0x18: {  	_ =	swait.ge [sflag:s10], $0x20  }
0x19: {  	[sflag:s10] =	ssyncset.done $0x0  }
0x1a: {  	p1 =	por $0x1, $0x1;
	s19 =	simm.s32 $0x0;
	[sflag:s10] =	ssyncadd.s32 $0xFFFFFFE0  }
.LBB2_3:
0x1b: {  	s20 =	smul.u32 $0x3E80, s19;
	_ =	sdelay $0x1  }
0x1c: {  	s21 =	sadd.s32 $0x0, s20  }
0x1d: {  	s19 =	sshll.u32 s19, $0x4;
	s22 =	sand.u32 $0x70, s18;
	s21 =	sand.u32 $0x7F80, s21  }
0x1e: {  	v21 =	vld [tilespmem:s19+$0x7D00];
	s21 =	sor.u32 s22, s21  }
0x1f: {  	s23 =	simm.s32 $0x10;
	s26 =	sadd.s32 $0x10, s20;
	v9 =	vld [tilespmem:s21+$0x0]  }
0x20: {  	s29 =	sand.u32 $0x70, s23;
	s28 =	sand.u32 $0x7F80, s26  }
0x21: {  	s21 =	sor.u32 s29, s28  }
0x22: {  	v11 =	vld [tilespmem:s21+$0x0]  }
0x23: {  	v10 =	vimm.s32 $0x0  }
0x24: {  	v6 =	vperm.xlane v21, v10;
	v12 =	vmul.f32 $1.442695020e+00, v9;
	_ =	sdelay $0x1  }
0x25: {  	v7 =	vadd.s32 v0, v6;
	(erf) = vpow2.f32 v12  }
0x26: {  	vm2 =	veq.s32 v7, v10;
	v15 =	vmul.f32 $1.442695020e+00, v11  }
0x27: {  	v8 =	vimm.f32 $0.0e+00;
	s30 =	simm.s32 $0x20;
	s31 =	sadd.s32 $0x20, s20;
	v13 =	vnsel vm2, $0x0, v9  }
0x28: {  	s22 =	sand.u32 $0x7F80, s31;
	s21 =	sand.u32 $0x70, s30;
	v14 =	vadd.f32 v9, v8;
	v9 =	vadd.s32 $0x10, v10;
	(erf) = vpow2.f32 v15  }
0x29: {  	s22 =	sor.u32 s21, s22;
	v13 =	vadd.f32 v13, v8;
	vm2 =	veq.s32 v7, v9  }
0x2a: {  	v10 =	vld [tilespmem:s22+$0x0];
	v12 =	vnsel vm2, $0x0, v11  }
0x2b: {  	p0 =	por p1, p1;
	s21 =	simm.s32 $0x30;
	v11 =	vadd.f32 v11, v14;
	v12 =	vadd.f32 v12, v13  }
.LBB2_4:
0x2c: {  	s22 =	sadd.s32 s21, s20;
	p1 =	sne.s32 s21, $0x3D0  }
.Ltmp0:
0x2d: {  	v9 =	vadd.s32 $0x10, v9;
	s23 =	smov.u32 s21;
	s21 =	sadd.s32 $0x10, s21;
	(pc) =	sbr.rel @p1 .LBB2_4-.Ltmp0, $4  }
0x2e: {  	s22 =	sand.u32 $0x7F80, s22;
	s23 =	sand.u32 $0x70, s23;
	vm2 =	veq.s32 v7, v9;
	v13 =	vpop (erf)  }
0x2f: {  	s22 =	sor.u32 s23, s22;
	v8 =	vadd.f32 v13, v8;
	v14 =	vmul.f32 $1.442695020e+00, v10;
	v15 =	vnsel vm2, $0x0, v10  }
0x30: {  	v11 =	vadd.f32 v10, v11;
	v10 =	vld [tilespmem:s22+$0x0];
	v12 =	vadd.f32 v15, v12  }
0x31: {  	(erf) = vpow2.f32 v14  }
0x32: {  	v13 =	vld [tilespmem:s20+$0x3D8];
	_ =	sdelay $0x3  }
0x33: {  	v14 =	vmul.f32 $1.442695020e+00, v10  }
0x34: {  	v15 =	vmul.f32 $1.442695020e+00, v13  }
0x35: {  	(erf) = vpow2.f32 v14  }
0x36: {  	(erf) = vpow2.f32 v15;
	_ =	sdelay $0x3  }
0x37: {  	v14 =	vpop (erf)  }
0x38: {  	v8 =	vadd.f32 v14, v8  }
0x39: {  	v9 =	vadd.s32 $0x10, v9;
	v14 =	vpop (erf)  }
0x3a: {  	vm2 =	veq.s32 v7, v9;
	v8 =	vadd.f32 v14, v8  }
0x3b: {  	v7 =	vnsel vm2, $0x0, v10;
	v9 =	vadd.f32 v10, v11;
	vm2 =	veq.s32 v6, v1;
	v10 =	vpop (erf)  }
0x3c: {  	v7 =	vadd.f32 v7, v12;
	v8 =	vadd.f32 v10, v8;
	v10 =	vsel vm0, $0x0, v13;
	v11 =	vpop (erf)  }
0x3d: {  	vm2 =	vmand vm2, vm1;
	v6 =	vadd.f32 v10, v9;
	v9 =	vsel vm0, $0x0, v11  }
0x3e: {  	v8 =	vadd.f32 v9, v8;
	v9 =	vnsel vm2, $0x0, v13  }
0x3f: {  	v7 =	vadd.f32 v9, v7;
	v9 =	vperm.xlane v6, v2;
	_ =	sdelay $0x1  }
0x40: {  	v10 =	vperm.xlane v8, v2;
	v6 =	vadd.f32 v6, v9;
	_ =	sdelay $0x1  }
0x41: {  	v9 =	vperm.xlane v7, v2;
	v8 =	vadd.f32 v10, v8;
	v10 =	vperm.xlane v6, v3;
	_ =	sdelay $0x1  }
0x42: {  	s21 =	sadd.s32 $0x3E8, s20;
	v9 =	vadd.f32 v9, v7;
	v11 =	vperm.xlane v8, v3;
	v6 =	vadd.f32 v6, v10  }
0x43: {  	v7 =	vmov s21  }
0x44: {  	v10 =	vperm.xlane v9, v3;
	v8 =	vadd.f32 v11, v8;
	v11 =	vperm.xlane v6, v4;
	_ =	sdelay $0x1  }
0x45: {  	v9 =	vadd.f32 v10, v9;
	v13 =	vadd.f32 v6, v11;
	_ =	sdelay $0x1  }
0x46: {  	s30 =	simm.s32 $0x0;
	v11 =	vperm.xlane v9, v4;
	[tilespmem:$0x1FFA0] =	vst v13;
	v13 =	vperm.xlane v13, v5  }
0x47: {  	v12 =	vld.idx.msk [tilespmem:v7+s30+$0x0 ss:$0x1], $0xffff  }
0x48: {  	v10 =	vperm.xlane v8, v4;
	[tilespmem:$0x1FFB0] =	vst v13;
	v13 =	vadd.f32 v11, v9;
	_ =	sdelay $0x1  }
0x49: {  	v6 =	vimm.s32 $0x1;
	v14 =	vadd.f32 v10, v8;
	[tilespmem:$0x1FFE0] =	vst v13;
	v13 =	vperm.xlane v13, v5  }
0x4a: {  	s31 =	simm.s32 $0x10;
	v6 =	vperm.xlane v21, v6  }
0x4b: {  	v10 =	vld.idx.msk [tilespmem:v7+s31+$0x0 ss:$0x1], $0xffff;
	v9 =	vperm.xlane v14, v5;
	[tilespmem:$0x1FFF0] =	vst v13;
	v13 =	vmul.f32 $1.442695020e+00, v12;
	_ =	sdelay $0x1  }
0x4c: {  	v11 =	vimm.s32 $0x0;
	[tilespmem:$0x1FFD0] =	vst v9;
	v9 =	vadd.s32 v0, v6;
	(erf) = vpow2.f32 v13  }
0x4d: {  	vm2 =	veq.s32 v9, v11  }
0x4e: {  	v8 =	vimm.f32 $0.0e+00;
	[tilespmem:$0x1FFC0] =	vst v14;
	v15 =	vadd.s32 $0x10, v11;
	v14 =	vnsel vm2, $0x0, v12  }
0x4f: {  	v12 =	vadd.f32 v12, v8;
	v11 =	vadd.f32 v14, v8;
	v14 =	vmul.f32 $1.442695020e+00, v10  }
0x50: {  	s22 =	simm.s32 $0x20;
	vm2 =	veq.s32 v9, v15  }
0x51: {  	v13 =	vnsel vm2, $0x0, v10;
	v10 =	vadd.f32 v10, v12;
	v12 =	vld.idx.msk [tilespmem:v7+s22+$0x0 ss:$0x1], $0xffff;
	(erf) = vpow2.f32 v14;
	_ =	sdelay $0x2  }
0x52: {  	s21 =	simm.s32 $0xC0;
	v11 =	vadd.f32 v13, v11;
	v13 =	vadd.s32 $0x10, v15  }
.LBB2_6:
0x53: {  	s22 =	sshra.s32 s21, $0x2;
	p1 =	sne.s32 s21, $0xF40;
	s21 =	sadd.s32 $0x40, s21;
	vm2 =	veq.s32 v9, v13;
	v14 =	vpop (erf)  }
.Ltmp1:
0x54: {  	v15 =	vmul.f32 $1.442695020e+00, v12;
	v16 =	vnsel vm2, $0x0, v12;
	v8 =	vadd.f32 v14, v8;
	v14 =	vmovc v12;
	v12 =	vld.idx.msk [tilespmem:v7+s22+$0x0 ss:$0x1], $0xffff;
	(pc) =	sbr.rel @p1 .LBB2_6-.Ltmp1, $3  }
0x55: {  	v10 =	vadd.f32 v14, v10;
	v11 =	vadd.f32 v16, v11  }
0x56: {  	(erf) = vpow2.f32 v15;
	_ =	sdelay $0x1  }
0x57: {  	v13 =	vadd.s32 $0x10, v13  }
0x58: {  	v7 =	vld [tilespmem:s20+$0x7C0];
	_ =	sdelay $0x2  }
0x59: {  	v14 =	vmul.f32 $1.442695020e+00, v12;
	_ =	sdelay $0x1  }
0x5a: {  	(erf) = vpow2.f32 v14;
	v15 =	vmul.f32 $1.442695020e+00, v7;
	_ =	sdelay $0x1  }
0x5b: {  	(erf) = vpow2.f32 v15;
	_ =	sdelay $0x2  }
0x5c: {  	v14 =	vpop (erf)  }
0x5d: {  	v8 =	vadd.f32 v14, v8  }
0x5e: {  	vm2 =	veq.s32 v9, v13;
	v14 =	vpop (erf)  }
0x5f: {  	v9 =	vnsel vm2, $0x0, v12;
	v8 =	vadd.f32 v14, v8  }
0x60: {  	v10 =	vadd.f32 v12, v10;
	v9 =	vadd.f32 v9, v11;
	v11 =	vpop (erf)  }
0x61: {  	vm2 =	veq.s32 v6, v1;
	v8 =	vadd.f32 v11, v8;
	v11 =	vsel vm0, $0x0, v7  }
0x62: {  	vm2 =	vmand vm2, vm1;
	v6 =	vadd.f32 v11, v10;
	v12 =	vpop (erf)  }
0x63: {  	v7 =	vnsel vm2, $0x0, v7;
	v10 =	vsel vm0, $0x0, v12  }
0x64: {  	v7 =	vadd.f32 v7, v9;
	v9 =	vperm.xlane v6, v2;
	v8 =	vadd.f32 v10, v8;
	_ =	sdelay $0x1  }
0x65: {  	v6 =	vadd.f32 v6, v9;
	v10 =	vperm.xlane v8, v2;
	_ =	sdelay $0x1  }
0x66: {  	v9 =	vperm.xlane v7, v2;
	v8 =	vadd.f32 v10, v8;
	v10 =	vperm.xlane v6, v3;
	_ =	sdelay $0x1  }
0x67: {  	s21 =	sadd.s32 $0x7D0, s20;
	v9 =	vadd.f32 v9, v7;
	v11 =	vperm.xlane v8, v3;
	v6 =	vadd.f32 v6, v10  }
0x68: {  	v7 =	vmov s21  }
0x69: {  	v10 =	vperm.xlane v9, v3;
	v8 =	vadd.f32 v11, v8;
	v11 =	vperm.xlane v6, v4;
	_ =	sdelay $0x1  }
0x6a: {  	v9 =	vadd.f32 v10, v9;
	v13 =	vadd.f32 v6, v11;
	_ =	sdelay $0x1  }
0x6b: {  	s30 =	simm.s32 $0x0;
	v11 =	vperm.xlane v9, v4;
	[tilespmem:$0x1FF40] =	vst v13;
	v13 =	vperm.xlane v13, v5  }
0x6c: {  	v12 =	vld.idx.msk [tilespmem:v7+s30+$0x0 ss:$0x1], $0xffff  }
0x6d: {  	v10 =	vperm.xlane v8, v4;
	[tilespmem:$0x1FF50] =	vst v13;
	v13 =	vadd.f32 v11, v9;
	_ =	sdelay $0x1  }
0x6e: {  	v6 =	vimm.s32 $0x2;
	v14 =	vadd.f32 v10, v8;
	[tilespmem:$0x1FF80] =	vst v13;
	v13 =	vperm.xlane v13, v5  }
0x6f: {  	s31 =	simm.s32 $0x10;
	v6 =	vperm.xlane v21, v6  }
0x70: {  	v10 =	vld.idx.msk [tilespmem:v7+s31+$0x0 ss:$0x1], $0xffff;
	v9 =	vperm.xlane v14, v5;
	[tilespmem:$0x1FF90] =	vst v13;
	v13 =	vmul.f32 $1.442695020e+00, v12;
	_ =	sdelay $0x1  }
0x71: {  	v11 =	vimm.s32 $0x0;
	[tilespmem:$0x1FF70] =	vst v9;
	v9 =	vadd.s32 v0, v6;
	(erf) = vpow2.f32 v13  }
0x72: {  	vm2 =	veq.s32 v9, v11  }
0x73: {  	v8 =	vimm.f32 $0.0e+00;
	[tilespmem:$0x1FF60] =	vst v14;
	v15 =	vadd.s32 $0x10, v11;
	v14 =	vnsel vm2, $0x0, v12  }
0x74: {  	v12 =	vadd.f32 v12, v8;
	v11 =	vadd.f32 v14, v8;
	v14 =	vmul.f32 $1.442695020e+00, v10  }
0x75: {  	s22 =	simm.s32 $0x20;
	vm2 =	veq.s32 v9, v15  }
0x76: {  	v13 =	vnsel vm2, $0x0, v10;
	v10 =	vadd.f32 v10, v12;
	v12 =	vld.idx.msk [tilespmem:v7+s22+$0x0 ss:$0x1], $0xffff;
	(erf) = vpow2.f32 v14;
	_ =	sdelay $0x2  }
0x77: {  	s21 =	simm.s32 $0xC0;
	v11 =	vadd.f32 v13, v11;
	v13 =	vadd.s32 $0x10, v15  }
.LBB2_8:
0x78: {  	s22 =	sshra.s32 s21, $0x2;
	p1 =	sne.s32 s21, $0xF40;
	s21 =	sadd.s32 $0x40, s21;
	vm2 =	veq.s32 v9, v13;
	v14 =	vpop (erf)  }
.Ltmp2:
0x79: {  	v15 =	vmul.f32 $1.442695020e+00, v12;
	v16 =	vnsel vm2, $0x0, v12;
	v8 =	vadd.f32 v14, v8;
	v14 =	vmovc v12;
	v12 =	vld.idx.msk [tilespmem:v7+s22+$0x0 ss:$0x1], $0xffff;
	(pc) =	sbr.rel @p1 .LBB2_8-.Ltmp2, $3  }
0x7a: {  	v10 =	vadd.f32 v14, v10;
	v11 =	vadd.f32 v16, v11  }
0x7b: {  	(erf) = vpow2.f32 v15;
	_ =	sdelay $0x1  }
0x7c: {  	v13 =	vadd.s32 $0x10, v13  }
0x7d: {  	v7 =	vld [tilespmem:s20+$0xBA8];
	_ =	sdelay $0x2  }
0x7e: {  	v14 =	vmul.f32 $1.442695020e+00, v12;
	_ =	sdelay $0x1  }
0x7f: {  	(erf) = vpow2.f32 v14;
	v15 =	vmul.f32 $1.442695020e+00, v7;
	_ =	sdelay $0x1  }
0x80: {  	(erf) = vpow2.f32 v15;
	_ =	sdelay $0x2  }
0x81: {  	v14 =	vpop (erf)  }
0x82: {  	v8 =	vadd.f32 v14, v8  }
0x83: {  	vm2 =	veq.s32 v9, v13;
	v14 =	vpop (erf)  }
0x84: {  	v9 =	vnsel vm2, $0x0, v12;
	v8 =	vadd.f32 v14, v8  }
0x85: {  	v10 =	vadd.f32 v12, v10;
	v9 =	vadd.f32 v9, v11;
	v11 =	vpop (erf)  }
0x86: {  	vm2 =	veq.s32 v6, v1;
	v8 =	vadd.f32 v11, v8;
	v11 =	vsel vm0, $0x0, v7  }
0x87: {  	vm2 =	vmand vm2, vm1;
	v6 =	vadd.f32 v11, v10;
	v12 =	vpop (erf)  }
0x88: {  	v7 =	vnsel vm2, $0x0, v7;
	v10 =	vsel vm0, $0x0, v12  }
0x89: {  	v7 =	vadd.f32 v7, v9;
	v9 =	vperm.xlane v6, v2;
	v8 =	vadd.f32 v10, v8;
	_ =	sdelay $0x1  }
0x8a: {  	v6 =	vadd.f32 v6, v9;
	v10 =	vperm.xlane v8, v2;
	_ =	sdelay $0x1  }
0x8b: {  	v9 =	vperm.xlane v7, v2;
	v8 =	vadd.f32 v10, v8;
	v10 =	vperm.xlane v6, v3;
	_ =	sdelay $0x1  }
0x8c: {  	s21 =	sadd.s32 $0xBB8, s20;
	v9 =	vadd.f32 v9, v7;
	v11 =	vperm.xlane v8, v3;
	v6 =	vadd.f32 v6, v10  }
0x8d: {  	v7 =	vmov s21  }
0x8e: {  	v10 =	vperm.xlane v9, v3;
	v8 =	vadd.f32 v11, v8;
	v11 =	vperm.xlane v6, v4;
	_ =	sdelay $0x1  }
0x8f: {  	v9 =	vadd.f32 v10, v9;
	v13 =	vadd.f32 v6, v11;
	_ =	sdelay $0x1  }
0x90: {  	s30 =	simm.s32 $0x0;
	v11 =	vperm.xlane v9, v4;
	[tilespmem:$0x1FEE0] =	vst v13;
	v13 =	vperm.xlane v13, v5  }
0x91: {  	v12 =	vld.idx.msk [tilespmem:v7+s30+$0x0 ss:$0x1], $0xffff  }
0x92: {  	v10 =	vperm.xlane v8, v4;
	[tilespmem:$0x1FEF0] =	vst v13;
	v13 =	vadd.f32 v11, v9;
	_ =	sdelay $0x1  }
0x93: {  	v6 =	vimm.s32 $0x3;
	v14 =	vadd.f32 v10, v8;
	[tilespmem:$0x1FF20] =	vst v13;
	v13 =	vperm.xlane v13, v5  }
0x94: {  	s31 =	simm.s32 $0x10;
	v6 =	vperm.xlane v21, v6  }
0x95: {  	v10 =	vld.idx.msk [tilespmem:v7+s31+$0x0 ss:$0x1], $0xffff;
	v9 =	vperm.xlane v14, v5;
	[tilespmem:$0x1FF30] =	vst v13;
	v13 =	vmul.f32 $1.442695020e+00, v12;
	_ =	sdelay $0x1  }
0x96: {  	v11 =	vimm.s32 $0x0;
	[tilespmem:$0x1FF10] =	vst v9;
	v9 =	vadd.s32 v0, v6;
	(erf) = vpow2.f32 v13  }
0x97: {  	vm2 =	veq.s32 v9, v11  }
0x98: {  	v8 =	vimm.f32 $0.0e+00;
	[tilespmem:$0x1FF00] =	vst v14;
	v15 =	vadd.s32 $0x10, v11;
	v14 =	vnsel vm2, $0x0, v12  }
0x99: {  	v12 =	vadd.f32 v12, v8;
	v11 =	vadd.f32 v14, v8;
	v14 =	vmul.f32 $1.442695020e+00, v10  }
0x9a: {  	s22 =	simm.s32 $0x20;
	vm2 =	veq.s32 v9, v15  }
0x9b: {  	v13 =	vnsel vm2, $0x0, v10;
	v10 =	vadd.f32 v10, v12;
	v12 =	vld.idx.msk [tilespmem:v7+s22+$0x0 ss:$0x1], $0xffff;
	(erf) = vpow2.f32 v14;
	_ =	sdelay $0x2  }
0x9c: {  	s21 =	simm.s32 $0xC0;
	v11 =	vadd.f32 v13, v11;
	v13 =	vadd.s32 $0x10, v15  }
.LBB2_10:
0x9d: {  	s22 =	sshra.s32 s21, $0x2;
	p1 =	sne.s32 s21, $0xF40;
	s21 =	sadd.s32 $0x40, s21;
	vm2 =	veq.s32 v9, v13;
	v14 =	vpop (erf)  }
.Ltmp3:
0x9e: {  	v15 =	vmul.f32 $1.442695020e+00, v12;
	v16 =	vnsel vm2, $0x0, v12;
	v8 =	vadd.f32 v14, v8;
	v14 =	vmovc v12;
	v12 =	vld.idx.msk [tilespmem:v7+s22+$0x0 ss:$0x1], $0xffff;
	(pc) =	sbr.rel @p1 .LBB2_10-.Ltmp3, $3  }
0x9f: {  	v10 =	vadd.f32 v14, v10;
	v11 =	vadd.f32 v16, v11  }
0xa0: {  	(erf) = vpow2.f32 v15;
	_ =	sdelay $0x1  }
0xa1: {  	v13 =	vadd.s32 $0x10, v13  }
0xa2: {  	v7 =	vld [tilespmem:s20+$0xF90];
	_ =	sdelay $0x2  }
0xa3: {  	v14 =	vmul.f32 $1.442695020e+00, v12;
	_ =	sdelay $0x1  }
0xa4: {  	(erf) = vpow2.f32 v14;
	v15 =	vmul.f32 $1.442695020e+00, v7;
	_ =	sdelay $0x1  }
0xa5: {  	(erf) = vpow2.f32 v15;
	_ =	sdelay $0x2  }
0xa6: {  	v14 =	vpop (erf)  }
0xa7: {  	v8 =	vadd.f32 v14, v8  }
0xa8: {  	vm2 =	veq.s32 v9, v13;
	v14 =	vpop (erf)  }
0xa9: {  	v9 =	vnsel vm2, $0x0, v12;
	v8 =	vadd.f32 v14, v8  }
0xaa: {  	v10 =	vadd.f32 v12, v10;
	v9 =	vadd.f32 v9, v11;
	v11 =	vpop (erf)  }
0xab: {  	vm2 =	veq.s32 v6, v1;
	v8 =	vadd.f32 v11, v8;
	v11 =	vsel vm0, $0x0, v7  }
0xac: {  	vm2 =	vmand vm2, vm1;
	v6 =	vadd.f32 v11, v10;
	v12 =	vpop (erf)  }
0xad: {  	v7 =	vnsel vm2, $0x0, v7;
	v10 =	vsel vm0, $0x0, v12  }
0xae: {  	v7 =	vadd.f32 v7, v9;
	v9 =	vperm.xlane v6, v2;
	v8 =	vadd.f32 v10, v8;
	_ =	sdelay $0x1  }
0xaf: {  	v6 =	vadd.f32 v6, v9;
	v10 =	vperm.xlane v8, v2;
	_ =	sdelay $0x1  }
0xb0: {  	v9 =	vperm.xlane v7, v2;
	v8 =	vadd.f32 v10, v8;
	v10 =	vperm.xlane v6, v3;
	_ =	sdelay $0x1  }
0xb1: {  	s21 =	sadd.s32 $0xFA0, s20;
	v9 =	vadd.f32 v9, v7;
	v11 =	vperm.xlane v8, v3;
	v6 =	vadd.f32 v6, v10  }
0xb2: {  	v7 =	vmov s21  }
0xb3: {  	v10 =	vperm.xlane v9, v3;
	v8 =	vadd.f32 v11, v8;
	v11 =	vperm.xlane v6, v4;
	_ =	sdelay $0x1  }
0xb4: {  	v9 =	vadd.f32 v10, v9;
	v13 =	vadd.f32 v6, v11;
	_ =	sdelay $0x1  }
0xb5: {  	s30 =	simm.s32 $0x0;
	v11 =	vperm.xlane v9, v4;
	[tilespmem:$0x1FE80] =	vst v13;
	v13 =	vperm.xlane v13, v5  }
0xb6: {  	v12 =	vld.idx.msk [tilespmem:v7+s30+$0x0 ss:$0x1], $0xffff  }
0xb7: {  	v10 =	vperm.xlane v8, v4;
	[tilespmem:$0x1FE90] =	vst v13;
	v13 =	vadd.f32 v11, v9;
	_ =	sdelay $0x1  }
0xb8: {  	v6 =	vimm.s32 $0x4;
	v14 =	vadd.f32 v10, v8;
	[tilespmem:$0x1FEC0] =	vst v13;
	v13 =	vperm.xlane v13, v5  }
0xb9: {  	s31 =	simm.s32 $0x10;
	v6 =	vperm.xlane v21, v6  }
0xba: {  	v10 =	vld.idx.msk [tilespmem:v7+s31+$0x0 ss:$0x1], $0xffff;
	v9 =	vperm.xlane v14, v5;
	[tilespmem:$0x1FED0] =	vst v13;
	v13 =	vmul.f32 $1.442695020e+00, v12;
	_ =	sdelay $0x1  }
0xbb: {  	v11 =	vimm.s32 $0x0;
	[tilespmem:$0x1FEB0] =	vst v9;
	v9 =	vadd.s32 v0, v6;
	(erf) = vpow2.f32 v13  }
0xbc: {  	vm2 =	veq.s32 v9, v11  }
0xbd: {  	v8 =	vimm.f32 $0.0e+00;
	[tilespmem:$0x1FEA0] =	vst v14;
	v15 =	vadd.s32 $0x10, v11;
	v14 =	vnsel vm2, $0x0, v12  }
0xbe: {  	v12 =	vadd.f32 v12, v8;
	v11 =	vadd.f32 v14, v8;
	v14 =	vmul.f32 $1.442695020e+00, v10  }
0xbf: {  	s22 =	simm.s32 $0x20;
	vm2 =	veq.s32 v9, v15  }
0xc0: {  	v13 =	vnsel vm2, $0x0, v10;
	v10 =	vadd.f32 v10, v12;
	v12 =	vld.idx.msk [tilespmem:v7+s22+$0x0 ss:$0x1], $0xffff;
	(erf) = vpow2.f32 v14;
	_ =	sdelay $0x2  }
0xc1: {  	s21 =	simm.s32 $0xC0;
	v11 =	vadd.f32 v13, v11;
	v13 =	vadd.s32 $0x10, v15  }
.LBB2_12:
0xc2: {  	s22 =	sshra.s32 s21, $0x2;
	p1 =	sne.s32 s21, $0xF40;
	s21 =	sadd.s32 $0x40, s21;
	vm2 =	veq.s32 v9, v13;
	v14 =	vpop (erf)  }
.Ltmp4:
0xc3: {  	v15 =	vmul.f32 $1.442695020e+00, v12;
	v16 =	vnsel vm2, $0x0, v12;
	v8 =	vadd.f32 v14, v8;
	v14 =	vmovc v12;
	v12 =	vld.idx.msk [tilespmem:v7+s22+$0x0 ss:$0x1], $0xffff;
	(pc) =	sbr.rel @p1 .LBB2_12-.Ltmp4, $3  }
0xc4: {  	v10 =	vadd.f32 v14, v10;
	v11 =	vadd.f32 v16, v11  }
0xc5: {  	(erf) = vpow2.f32 v15;
	_ =	sdelay $0x1  }
0xc6: {  	v13 =	vadd.s32 $0x10, v13  }
0xc7: {  	v7 =	vld [tilespmem:s20+$0x1378];
	_ =	sdelay $0x2  }
0xc8: {  	v14 =	vmul.f32 $1.442695020e+00, v12;
	_ =	sdelay $0x1  }
0xc9: {  	(erf) = vpow2.f32 v14;
	v15 =	vmul.f32 $1.442695020e+00, v7;
	_ =	sdelay $0x1  }
0xca: {  	(erf) = vpow2.f32 v15;
	_ =	sdelay $0x2  }
0xcb: {  	v14 =	vpop (erf)  }
0xcc: {  	v8 =	vadd.f32 v14, v8  }
0xcd: {  	vm2 =	veq.s32 v9, v13;
	v14 =	vpop (erf)  }
0xce: {  	v9 =	vnsel vm2, $0x0, v12;
	v8 =	vadd.f32 v14, v8  }
0xcf: {  	v10 =	vadd.f32 v12, v10;
	v9 =	vadd.f32 v9, v11;
	v11 =	vpop (erf)  }
0xd0: {  	vm2 =	veq.s32 v6, v1;
	v8 =	vadd.f32 v11, v8;
	v11 =	vsel vm0, $0x0, v7  }
0xd1: {  	vm2 =	vmand vm2, vm1;
	v6 =	vadd.f32 v11, v10;
	v12 =	vpop (erf)  }
0xd2: {  	v7 =	vnsel vm2, $0x0, v7;
	v10 =	vsel vm0, $0x0, v12  }
0xd3: {  	v7 =	vadd.f32 v7, v9;
	v9 =	vperm.xlane v6, v2;
	v8 =	vadd.f32 v10, v8;
	_ =	sdelay $0x1  }
0xd4: {  	v6 =	vadd.f32 v6, v9;
	v10 =	vperm.xlane v8, v2;
	_ =	sdelay $0x1  }
0xd5: {  	v9 =	vperm.xlane v7, v2;
	v8 =	vadd.f32 v10, v8;
	v10 =	vperm.xlane v6, v3;
	_ =	sdelay $0x1  }
0xd6: {  	s21 =	sadd.s32 $0x1388, s20;
	v9 =	vadd.f32 v9, v7;
	v11 =	vperm.xlane v8, v3;
	v6 =	vadd.f32 v6, v10  }
0xd7: {  	v7 =	vmov s21  }
0xd8: {  	v10 =	vperm.xlane v9, v3;
	v8 =	vadd.f32 v11, v8;
	v11 =	vperm.xlane v6, v4;
	_ =	sdelay $0x1  }
0xd9: {  	v9 =	vadd.f32 v10, v9;
	v13 =	vadd.f32 v6, v11;
	_ =	sdelay $0x1  }
0xda: {  	s30 =	simm.s32 $0x0;
	v11 =	vperm.xlane v9, v4;
	[tilespmem:$0x1FE20] =	vst v13;
	v13 =	vperm.xlane v13, v5  }
0xdb: {  	v12 =	vld.idx.msk [tilespmem:v7+s30+$0x0 ss:$0x1], $0xffff  }
0xdc: {  	v10 =	vperm.xlane v8, v4;
	[tilespmem:$0x1FE30] =	vst v13;
	v13 =	vadd.f32 v11, v9;
	_ =	sdelay $0x1  }
0xdd: {  	v6 =	vimm.s32 $0x5;
	v14 =	vadd.f32 v10, v8;
	[tilespmem:$0x1FE60] =	vst v13;
	v13 =	vperm.xlane v13, v5  }
0xde: {  	s31 =	simm.s32 $0x10;
	v6 =	vperm.xlane v21, v6  }
0xdf: {  	v10 =	vld.idx.msk [tilespmem:v7+s31+$0x0 ss:$0x1], $0xffff;
	v9 =	vperm.xlane v14, v5;
	[tilespmem:$0x1FE70] =	vst v13;
	v13 =	vmul.f32 $1.442695020e+00, v12;
	_ =	sdelay $0x1  }
0xe0: {  	v11 =	vimm.s32 $0x0;
	[tilespmem:$0x1FE50] =	vst v9;
	v9 =	vadd.s32 v0, v6;
	(erf) = vpow2.f32 v13  }
0xe1: {  	vm2 =	veq.s32 v9, v11  }
0xe2: {  	v8 =	vimm.f32 $0.0e+00;
	[tilespmem:$0x1FE40] =	vst v14;
	v15 =	vadd.s32 $0x10, v11;
	v14 =	vnsel vm2, $0x0, v12  }
0xe3: {  	v12 =	vadd.f32 v12, v8;
	v11 =	vadd.f32 v14, v8;
	v14 =	vmul.f32 $1.442695020e+00, v10  }
0xe4: {  	s22 =	simm.s32 $0x20;
	vm2 =	veq.s32 v9, v15  }
0xe5: {  	v13 =	vnsel vm2, $0x0, v10;
	v10 =	vadd.f32 v10, v12;
	v12 =	vld.idx.msk [tilespmem:v7+s22+$0x0 ss:$0x1], $0xffff;
	(erf) = vpow2.f32 v14;
	_ =	sdelay $0x2  }
0xe6: {  	s21 =	simm.s32 $0xC0;
	v11 =	vadd.f32 v13, v11;
	v13 =	vadd.s32 $0x10, v15  }
.LBB2_14:
0xe7: {  	s22 =	sshra.s32 s21, $0x2;
	p1 =	sne.s32 s21, $0xF40;
	s21 =	sadd.s32 $0x40, s21;
	vm2 =	veq.s32 v9, v13;
	v14 =	vpop (erf)  }
.Ltmp5:
0xe8: {  	v15 =	vmul.f32 $1.442695020e+00, v12;
	v16 =	vnsel vm2, $0x0, v12;
	v8 =	vadd.f32 v14, v8;
	v14 =	vmovc v12;
	v12 =	vld.idx.msk [tilespmem:v7+s22+$0x0 ss:$0x1], $0xffff;
	(pc) =	sbr.rel @p1 .LBB2_14-.Ltmp5, $3  }
0xe9: {  	v10 =	vadd.f32 v14, v10;
	v11 =	vadd.f32 v16, v11  }
0xea: {  	(erf) = vpow2.f32 v15;
	_ =	sdelay $0x1  }
0xeb: {  	v13 =	vadd.s32 $0x10, v13  }
0xec: {  	v7 =	vld [tilespmem:s20+$0x1760];
	_ =	sdelay $0x2  }
0xed: {  	v14 =	vmul.f32 $1.442695020e+00, v12;
	_ =	sdelay $0x1  }
0xee: {  	(erf) = vpow2.f32 v14;
	v15 =	vmul.f32 $1.442695020e+00, v7;
	_ =	sdelay $0x1  }
0xef: {  	(erf) = vpow2.f32 v15;
	_ =	sdelay $0x2  }
0xf0: {  	v14 =	vpop (erf)  }
0xf1: {  	v8 =	vadd.f32 v14, v8  }
0xf2: {  	vm2 =	veq.s32 v9, v13;
	v14 =	vpop (erf)  }
0xf3: {  	v9 =	vnsel vm2, $0x0, v12;
	v8 =	vadd.f32 v14, v8  }
0xf4: {  	v10 =	vadd.f32 v12, v10;
	v9 =	vadd.f32 v9, v11;
	v11 =	vpop (erf)  }
0xf5: {  	vm2 =	veq.s32 v6, v1;
	v8 =	vadd.f32 v11, v8;
	v11 =	vsel vm0, $0x0, v7  }
0xf6: {  	vm2 =	vmand vm2, vm1;
	v6 =	vadd.f32 v11, v10;
	v12 =	vpop (erf)  }
0xf7: {  	v7 =	vnsel vm2, $0x0, v7;
	v10 =	vsel vm0, $0x0, v12  }
0xf8: {  	v7 =	vadd.f32 v7, v9;
	v9 =	vperm.xlane v6, v2;
	v8 =	vadd.f32 v10, v8;
	_ =	sdelay $0x1  }
0xf9: {  	v6 =	vadd.f32 v6, v9;
	v9 =	vperm.xlane v7, v2;
	v10 =	vperm.xlane v8, v2;
	_ =	sdelay $0x1  }
0xfa: {  	s21 =	sadd.s32 $0x1770, s20;
	v9 =	vadd.f32 v9, v7;
	v8 =	vadd.f32 v10, v8;
	v10 =	vperm.xlane v6, v3  }
0xfb: {  	v7 =	vmov s21  }
0xfc: {  	v11 =	vperm.xlane v8, v3;
	v6 =	vadd.f32 v6, v10;
	v10 =	vperm.xlane v9, v3;
	_ =	sdelay $0x1  }
0xfd: {  	v8 =	vadd.f32 v11, v8;
	v11 =	vperm.xlane v6, v4;
	v9 =	vadd.f32 v10, v9;
	_ =	sdelay $0x1  }
0xfe: {  	s30 =	simm.s32 $0x0;
	v13 =	vadd.f32 v6, v11;
	v11 =	vperm.xlane v9, v4  }
0xff: {  	v12 =	vld.idx.msk [tilespmem:v7+s30+$0x0 ss:$0x1], $0xffff  }
0x100: {  	v10 =	vperm.xlane v8, v4;
	[tilespmem:$0x1FDE0] =	vst v13;
	v13 =	vperm.xlane v13, v5;
	v54 =	vadd.f32 v11, v9;
	_ =	sdelay $0x1  }
0x101: {  	v6 =	vimm.s32 $0x6;
	v53 =	vadd.f32 v10, v8;
	[tilespmem:$0x1FDF0] =	vst v13;
	v13 =	vperm.xlane v54, v5  }
0x102: {  	s31 =	simm.s32 $0x10;
	v6 =	vperm.xlane v21, v6  }
0x103: {  	v10 =	vld.idx.msk [tilespmem:v7+s31+$0x0 ss:$0x1], $0xffff;
	v9 =	vperm.xlane v53, v5;
	[tilespmem:$0x1FE10] =	vst v13;
	v13 =	vmul.f32 $1.442695020e+00, v12;
	_ =	sdelay $0x1  }
0x104: {  	v11 =	vimm.s32 $0x0;
	[tilespmem:$0x1FE00] =	vst v9;
	v9 =	vadd.s32 v0, v6;
	(erf) = vpow2.f32 v13  }
0x105: {  	vm2 =	veq.s32 v9, v11  }
0x106: {  	v8 =	vimm.f32 $0.0e+00;
	v15 =	vadd.s32 $0x10, v11;
	v14 =	vnsel vm2, $0x0, v12  }
0x107: {  	v12 =	vadd.f32 v12, v8;
	v11 =	vadd.f32 v14, v8;
	v14 =	vmul.f32 $1.442695020e+00, v10  }
0x108: {  	s22 =	simm.s32 $0x20;
	vm2 =	veq.s32 v9, v15  }
0x109: {  	v13 =	vnsel vm2, $0x0, v10;
	v10 =	vadd.f32 v10, v12;
	v12 =	vld.idx.msk [tilespmem:v7+s22+$0x0 ss:$0x1], $0xffff;
	(erf) = vpow2.f32 v14;
	_ =	sdelay $0x2  }
0x10a: {  	s21 =	simm.s32 $0xC0;
	v11 =	vadd.f32 v13, v11;
	v13 =	vadd.s32 $0x10, v15  }
.LBB2_16:
0x10b: {  	s22 =	sshra.s32 s21, $0x2;
	p1 =	sne.s32 s21, $0xF40;
	s21 =	sadd.s32 $0x40, s21;
	vm2 =	veq.s32 v9, v13;
	v14 =	vpop (erf)  }
.Ltmp6:
0x10c: {  	v15 =	vmul.f32 $1.442695020e+00, v12;
	v16 =	vnsel vm2, $0x0, v12;
	v8 =	vadd.f32 v14, v8;
	v14 =	vmovc v12;
	v12 =	vld.idx.msk [tilespmem:v7+s22+$0x0 ss:$0x1], $0xffff;
	(pc) =	sbr.rel @p1 .LBB2_16-.Ltmp6, $3  }
0x10d: {  	v10 =	vadd.f32 v14, v10;
	v11 =	vadd.f32 v16, v11  }
0x10e: {  	(erf) = vpow2.f32 v15;
	_ =	sdelay $0x1  }
0x10f: {  	v13 =	vadd.s32 $0x10, v13  }
0x110: {  	v7 =	vld [tilespmem:s20+$0x1B48];
	_ =	sdelay $0x2  }
0x111: {  	v14 =	vmul.f32 $1.442695020e+00, v12;
	_ =	sdelay $0x1  }
0x112: {  	(erf) = vpow2.f32 v14;
	v15 =	vmul.f32 $1.442695020e+00, v7;
	_ =	sdelay $0x1  }
0x113: {  	(erf) = vpow2.f32 v15;
	_ =	sdelay $0x2  }
0x114: {  	v14 =	vpop (erf)  }
0x115: {  	v8 =	vadd.f32 v14, v8  }
0x116: {  	vm2 =	veq.s32 v9, v13;
	v14 =	vpop (erf)  }
0x117: {  	v9 =	vnsel vm2, $0x0, v12;
	v8 =	vadd.f32 v14, v8  }
0x118: {  	v10 =	vadd.f32 v12, v10;
	v9 =	vadd.f32 v9, v11;
	v11 =	vpop (erf)  }
0x119: {  	vm2 =	veq.s32 v6, v1;
	v8 =	vadd.f32 v11, v8;
	v11 =	vsel vm0, $0x0, v7  }
0x11a: {  	vm2 =	vmand vm2, vm1;
	v6 =	vadd.f32 v11, v10;
	v12 =	vpop (erf)  }
0x11b: {  	v7 =	vnsel vm2, $0x0, v7;
	v10 =	vsel vm0, $0x0, v12  }
0x11c: {  	v7 =	vadd.f32 v7, v9;
	v9 =	vperm.xlane v6, v2;
	v8 =	vadd.f32 v10, v8;
	_ =	sdelay $0x1  }
0x11d: {  	v6 =	vadd.f32 v6, v9;
	v9 =	vperm.xlane v7, v2;
	v10 =	vperm.xlane v8, v2;
	_ =	sdelay $0x1  }
0x11e: {  	s21 =	sadd.s32 $0x1B58, s20;
	v9 =	vadd.f32 v9, v7;
	v8 =	vadd.f32 v10, v8;
	v10 =	vperm.xlane v6, v3  }
0x11f: {  	v7 =	vmov s21  }
0x120: {  	v11 =	vperm.xlane v8, v3;
	v6 =	vadd.f32 v6, v10;
	v10 =	vperm.xlane v9, v3;
	_ =	sdelay $0x1  }
0x121: {  	v8 =	vadd.f32 v11, v8;
	v11 =	vperm.xlane v6, v4;
	v9 =	vadd.f32 v10, v9;
	_ =	sdelay $0x1  }
0x122: {  	s30 =	simm.s32 $0x0;
	v58 =	vadd.f32 v6, v11;
	v11 =	vperm.xlane v9, v4  }
0x123: {  	v12 =	vld.idx.msk [tilespmem:v7+s30+$0x0 ss:$0x1], $0xffff  }
0x124: {  	v10 =	vperm.xlane v8, v4;
	v13 =	vperm.xlane v58, v5;
	v60 =	vadd.f32 v11, v9;
	_ =	sdelay $0x1  }
0x125: {  	v6 =	vimm.s32 $0x7;
	v59 =	vadd.f32 v10, v8;
	[tilespmem:$0x1FDB0] =	vst v13;
	v13 =	vperm.xlane v60, v5  }
0x126: {  	s31 =	simm.s32 $0x10;
	v6 =	vperm.xlane v21, v6  }
0x127: {  	v10 =	vld.idx.msk [tilespmem:v7+s31+$0x0 ss:$0x1], $0xffff;
	v9 =	vperm.xlane v59, v5;
	[tilespmem:$0x1FDD0] =	vst v13;
	v13 =	vmul.f32 $1.442695020e+00, v12;
	_ =	sdelay $0x1  }
0x128: {  	v11 =	vimm.s32 $0x0;
	[tilespmem:$0x1FDC0] =	vst v9;
	v9 =	vadd.s32 v0, v6;
	(erf) = vpow2.f32 v13  }
0x129: {  	vm2 =	veq.s32 v9, v11  }
0x12a: {  	v8 =	vimm.f32 $0.0e+00;
	v15 =	vadd.s32 $0x10, v11;
	v14 =	vnsel vm2, $0x0, v12  }
0x12b: {  	v12 =	vadd.f32 v12, v8;
	v11 =	vadd.f32 v14, v8;
	v14 =	vmul.f32 $1.442695020e+00, v10  }
0x12c: {  	s22 =	simm.s32 $0x20;
	vm2 =	veq.s32 v9, v15  }
0x12d: {  	v13 =	vnsel vm2, $0x0, v10;
	v10 =	vadd.f32 v10, v12;
	v12 =	vld.idx.msk [tilespmem:v7+s22+$0x0 ss:$0x1], $0xffff;
	(erf) = vpow2.f32 v14;
	_ =	sdelay $0x2  }
0x12e: {  	s21 =	simm.s32 $0xC0;
	v11 =	vadd.f32 v13, v11;
	v13 =	vadd.s32 $0x10, v15  }
.LBB2_18:
0x12f: {  	s22 =	sshra.s32 s21, $0x2;
	p1 =	sne.s32 s21, $0xF40;
	s21 =	sadd.s32 $0x40, s21;
	vm2 =	veq.s32 v9, v13;
	v14 =	vpop (erf)  }
.Ltmp7:
0x130: {  	v15 =	vmul.f32 $1.442695020e+00, v12;
	v16 =	vnsel vm2, $0x0, v12;
	v8 =	vadd.f32 v14, v8;
	v14 =	vmovc v12;
	v12 =	vld.idx.msk [tilespmem:v7+s22+$0x0 ss:$0x1], $0xffff;
	(pc) =	sbr.rel @p1 .LBB2_18-.Ltmp7, $3  }
0x131: {  	v10 =	vadd.f32 v14, v10;
	v11 =	vadd.f32 v16, v11  }
0x132: {  	(erf) = vpow2.f32 v15;
	_ =	sdelay $0x1  }
0x133: {  	v13 =	vadd.s32 $0x10, v13  }
0x134: {  	v7 =	vld [tilespmem:s20+$0x1F30];
	_ =	sdelay $0x3  }
0x135: {  	v14 =	vmul.f32 $1.442695020e+00, v12  }
0x136: {  	v15 =	vmul.f32 $1.442695020e+00, v7  }
0x137: {  	(erf) = vpow2.f32 v14  }
0x138: {  	(erf) = vpow2.f32 v15;
	_ =	sdelay $0x3  }
0x139: {  	v14 =	vpop (erf)  }
0x13a: {  	v8 =	vadd.f32 v14, v8  }
0x13b: {  	vm2 =	veq.s32 v9, v13;
	v14 =	vpop (erf)  }
0x13c: {  	v9 =	vnsel vm2, $0x0, v12;
	v8 =	vadd.f32 v14, v8  }
0x13d: {  	v10 =	vadd.f32 v12, v10;
	v9 =	vadd.f32 v9, v11;
	v11 =	vpop (erf)  }
0x13e: {  	vm2 =	veq.s32 v6, v1;
	v8 =	vadd.f32 v11, v8;
	v11 =	vsel vm0, $0x0, v7;
	v12 =	vpop (erf)  }
0x13f: {  	vm2 =	vmand vm2, vm1;
	v6 =	vadd.f32 v11, v10;
	v10 =	vsel vm0, $0x0, v12  }
0x140: {  	v7 =	vnsel vm2, $0x0, v7;
	v8 =	vadd.f32 v10, v8  }
0x141: {  	v7 =	vadd.f32 v7, v9;
	v9 =	vperm.xlane v6, v2  }
0x142: {  	v10 =	vperm.xlane v8, v2  }
0x143: {  	v6 =	vadd.f32 v6, v9  }
0x144: {  	v9 =	vperm.xlane v7, v2;
	v8 =	vadd.f32 v10, v8  }
0x145: {  	v11 =	vperm.xlane v6, v3  }
0x146: {  	v7 =	vadd.f32 v9, v7;
	v9 =	vperm.xlane v8, v3  }
0x147: {  	v6 =	vadd.f32 v6, v11  }
0x148: {  	s21 =	sadd.s32 $0x1F40, s20;
	v11 =	vperm.xlane v7, v3;
	v8 =	vadd.f32 v9, v8  }
0x149: {  	v10 =	vmov s21;
	v9 =	vperm.xlane v6, v4  }
0x14a: {  	v12 =	vadd.f32 v11, v7;
	v7 =	vperm.xlane v8, v4  }
0x14b: {  	v6 =	vadd.f32 v6, v9  }
0x14c: {  	v14 =	vperm.xlane v12, v4;
	v7 =	vadd.f32 v7, v8;
	v8 =	vimm.s32 $0x8  }
0x14d: {  	s30 =	simm.s32 $0x0;
	v9 =	vperm.xlane v21, v8;
	v8 =	vperm.xlane v6, v5  }
0x14e: {  	v13 =	vld.idx.msk [tilespmem:v10+s30+$0x0 ss:$0x1], $0xffff  }
0x14f: {  	[tilespmem:$0x1FD80] =	vst v8;
	v8 =	vadd.f32 v14, v12;
	_ =	sdelay $0x1  }
0x150: {  	v16 =	vperm.xlane v8, v5  }
0x151: {  	s31 =	simm.s32 $0x10  }
0x152: {  	v15 =	vld.idx.msk [tilespmem:v10+s31+$0x0 ss:$0x1], $0xffff;
	v12 =	vperm.xlane v7, v5;
	[tilespmem:$0x1FDA0] =	vst v16;
	v16 =	vmul.f32 $1.442695020e+00, v13;
	_ =	sdelay $0x1  }
0x153: {  	v14 =	vimm.s32 $0x0;
	[tilespmem:$0x1FD90] =	vst v12;
	v12 =	vadd.s32 v0, v9;
	(erf) = vpow2.f32 v16  }
0x154: {  	vm2 =	veq.s32 v12, v14  }
0x155: {  	v11 =	vimm.f32 $0.0e+00;
	v18 =	vadd.s32 $0x10, v14;
	v17 =	vnsel vm2, $0x0, v13  }
0x156: {  	v13 =	vadd.f32 v13, v11;
	v14 =	vadd.f32 v17, v11;
	v17 =	vmul.f32 $1.442695020e+00, v15  }
0x157: {  	s22 =	simm.s32 $0x20;
	vm2 =	veq.s32 v12, v18  }
0x158: {  	v16 =	vnsel vm2, $0x0, v15;
	v13 =	vadd.f32 v15, v13;
	v15 =	vld.idx.msk [tilespmem:v10+s22+$0x0 ss:$0x1], $0xffff;
	(erf) = vpow2.f32 v17;
	_ =	sdelay $0x2  }
0x159: {  	s21 =	simm.s32 $0xC0;
	v14 =	vadd.f32 v16, v14;
	v16 =	vadd.s32 $0x10, v18  }
.LBB2_20:
0x15a: {  	s22 =	sshra.s32 s21, $0x2;
	p1 =	sne.s32 s21, $0xF40;
	s21 =	sadd.s32 $0x40, s21;
	vm2 =	veq.s32 v12, v16;
	v17 =	vpop (erf)  }
.Ltmp8:
0x15b: {  	v18 =	vmul.f32 $1.442695020e+00, v15;
	v19 =	vnsel vm2, $0x0, v15;
	v11 =	vadd.f32 v17, v11;
	v17 =	vmovc v15;
	v15 =	vld.idx.msk [tilespmem:v10+s22+$0x0 ss:$0x1], $0xffff;
	(pc) =	sbr.rel @p1 .LBB2_20-.Ltmp8, $3  }
0x15c: {  	v13 =	vadd.f32 v17, v13;
	v14 =	vadd.f32 v19, v14  }
0x15d: {  	(erf) = vpow2.f32 v18;
	_ =	sdelay $0x1  }
0x15e: {  	v16 =	vadd.s32 $0x10, v16  }
0x15f: {  	v10 =	vld [tilespmem:s20+$0x2318];
	v17 =	vmul.f32 $1.442695020e+00, v15;
	_ =	sdelay $0x1  }
0x160: {  	(erf) = vpow2.f32 v17;
	_ =	sdelay $0x2  }
0x161: {  	v18 =	vmul.f32 $1.442695020e+00, v10;
	_ =	sdelay $0x1  }
0x162: {  	v17 =	vpop (erf);
	(erf) = vpow2.f32 v18  }
0x163: {  	v11 =	vadd.f32 v17, v11  }
0x164: {  	vm2 =	veq.s32 v12, v16;
	v17 =	vpop (erf)  }
0x165: {  	v12 =	vnsel vm2, $0x0, v15;
	v11 =	vadd.f32 v17, v11  }
0x166: {  	v13 =	vadd.f32 v15, v13;
	v12 =	vadd.f32 v12, v14;
	v14 =	vpop (erf)  }
0x167: {  	vm2 =	veq.s32 v9, v1;
	v11 =	vadd.f32 v14, v11;
	v14 =	vsel vm0, $0x0, v10  }
0x168: {  	vm2 =	vmand vm2, vm1;
	v9 =	vadd.f32 v14, v13  }
0x169: {  	v10 =	vnsel vm2, $0x0, v10  }
0x16a: {  	v10 =	vadd.f32 v10, v12;
	v12 =	vperm.xlane v9, v2  }
0x16b: {  	v15 =	vpop (erf)  }
0x16c: {  	v13 =	vsel vm0, $0x0, v15;
	v9 =	vadd.f32 v9, v12;
	v12 =	vperm.xlane v10, v2  }
0x16d: {  	s21 =	sadd.s32 $0x2328, s20;
	v11 =	vadd.f32 v13, v11  }
0x16e: {  	v12 =	vadd.f32 v12, v10;
	v10 =	vmov s21  }
0x16f: {  	v13 =	vperm.xlane v11, v2;
	_ =	sdelay $0x1  }
0x170: {  	v11 =	vadd.f32 v13, v11  }
0x171: {  	s30 =	simm.s32 $0x0  }
0x172: {  	v13 =	vperm.xlane v9, v3;
	v14 =	vperm.xlane v11, v3;
	v19 =	vld.idx.msk [tilespmem:v10+s30+$0x0 ss:$0x1], $0xffff;
	_ =	sdelay $0x1  }
0x173: {  	v9 =	vadd.f32 v9, v13;
	v13 =	vperm.xlane v12, v3;
	v11 =	vadd.f32 v14, v11;
	_ =	sdelay $0x1  }
0x174: {  	s31 =	simm.s32 $0x10;
	v14 =	vperm.xlane v9, v4;
	v15 =	vadd.f32 v13, v12;
	v13 =	vperm.xlane v11, v4  }
0x175: {  	v20 =	vld.idx.msk [tilespmem:v10+s31+$0x0 ss:$0x1], $0xffff;
	v22 =	vmul.f32 $1.442695020e+00, v19  }
0x176: {  	v12 =	vadd.f32 v9, v14;
	v14 =	vperm.xlane v15, v4;
	v13 =	vadd.f32 v13, v11  }
0x177: {  	v9 =	vimm.s32 $0x9;
	(erf) = vpow2.f32 v22  }
0x178: {  	v9 =	vperm.xlane v21, v9;
	v14 =	vadd.f32 v14, v15;
	v15 =	vperm.xlane v13, v5  }
0x179: {  	v16 =	vperm.xlane v12, v5  }
0x17a: {  	v24 =	vmul.f32 $1.442695020e+00, v20;
	v18 =	vadd.s32 v0, v9;
	[tilespmem:$0x1FD60] =	vst v15;
	v15 =	vimm.s32 $0x0  }
0x17b: {  	s22 =	simm.s32 $0x20;
	v11 =	vimm.f32 $0.0e+00;
	[tilespmem:$0x1FD50] =	vst v16;
	v16 =	vperm.xlane v14, v5;
	vm2 =	veq.s32 v18, v15  }
0x17c: {  	v22 =	vld.idx.msk [tilespmem:v10+s22+$0x0 ss:$0x1], $0xffff;
	(erf) = vpow2.f32 v24;
	v15 =	vadd.s32 $0x10, v15;
	v23 =	vnsel vm2, $0x0, v19  }
0x17d: {  	v19 =	vadd.f32 v19, v11;
	vm2 =	veq.s32 v18, v15;
	v23 =	vadd.f32 v23, v11  }
0x17e: {  	v25 =	vnsel vm2, $0x0, v20  }
0x17f: {  	s21 =	simm.s32 $0xC0;
	[tilespmem:$0x1FD70] =	vst v16;
	v19 =	vadd.f32 v20, v19;
	v20 =	vadd.f32 v25, v23;
	v23 =	vadd.s32 $0x10, v15  }
.LBB2_22:
0x180: {  	s22 =	sshra.s32 s21, $0x2;
	p1 =	sne.s32 s21, $0xF40;
	s21 =	sadd.s32 $0x40, s21;
	vm2 =	veq.s32 v18, v23;
	v15 =	vpop (erf)  }
.Ltmp9:
0x181: {  	v24 =	vmul.f32 $1.442695020e+00, v22;
	v25 =	vnsel vm2, $0x0, v22;
	v11 =	vadd.f32 v15, v11;
	v15 =	vmovc v22;
	v22 =	vld.idx.msk [tilespmem:v10+s22+$0x0 ss:$0x1], $0xffff;
	(pc) =	sbr.rel @p1 .LBB2_22-.Ltmp9, $3  }
0x182: {  	v19 =	vadd.f32 v15, v19;
	v20 =	vadd.f32 v25, v20  }
0x183: {  	(erf) = vpow2.f32 v24;
	_ =	sdelay $0x1  }
0x184: {  	v23 =	vadd.s32 $0x10, v23  }
0x185: {  	v10 =	vld [tilespmem:s20+$0x2700];
	_ =	sdelay $0x2  }
0x186: {  	v15 =	vmul.f32 $1.442695020e+00, v22;
	_ =	sdelay $0x1  }
0x187: {  	(erf) = vpow2.f32 v15;
	v24 =	vmul.f32 $1.442695020e+00, v10;
	_ =	sdelay $0x1  }
0x188: {  	(erf) = vpow2.f32 v24;
	_ =	sdelay $0x2  }
0x189: {  	v15 =	vpop (erf)  }
0x18a: {  	v11 =	vadd.f32 v15, v11  }
0x18b: {  	v15 =	vpop (erf)  }
0x18c: {  	vm2 =	veq.s32 v18, v23;
	v11 =	vadd.f32 v15, v11  }
0x18d: {  	v18 =	vnsel vm2, $0x0, v22;
	v15 =	vadd.f32 v22, v19;
	v19 =	vpop (erf)  }
0x18e: {  	vm2 =	veq.s32 v9, v1;
	v11 =	vadd.f32 v19, v11;
	v19 =	vsel vm0, $0x0, v10  }
0x18f: {  	v18 =	vadd.f32 v18, v20;
	vm2 =	vmand vm2, vm1;
	v9 =	vadd.f32 v19, v15;
	v20 =	vpop (erf)  }
0x190: {  	v10 =	vnsel vm2, $0x0, v10;
	v15 =	vsel vm0, $0x0, v20  }
0x191: {  	v10 =	vadd.f32 v10, v18;
	v11 =	vadd.f32 v15, v11;
	v15 =	vperm.xlane v9, v2;
	_ =	sdelay $0x1  }
0x192: {  	v9 =	vadd.f32 v9, v15;
	v15 =	vperm.xlane v10, v2  }
0x193: {  	s21 =	sadd.s32 $0x2710, s20  }
0x194: {  	v15 =	vadd.f32 v15, v10;
	v10 =	vmov s21;
	_ =	sdelay $0x2  }
0x195: {  	v18 =	vperm.xlane v11, v2  }
0x196: {  	s30 =	simm.s32 $0x0  }
0x197: {  	v11 =	vadd.f32 v18, v11;
	v18 =	vperm.xlane v9, v3;
	v23 =	vld.idx.msk [tilespmem:v10+s30+$0x0 ss:$0x1], $0xffff;
	_ =	sdelay $0x1  }
0x198: {  	v19 =	vperm.xlane v11, v3;
	v9 =	vadd.f32 v9, v18  }
0x199: {  	v18 =	vperm.xlane v15, v3  }
0x19a: {  	s31 =	simm.s32 $0x10;
	v11 =	vadd.f32 v19, v11;
	v19 =	vperm.xlane v9, v4  }
0x19b: {  	v15 =	vadd.f32 v18, v15;
	v24 =	vld.idx.msk [tilespmem:v10+s31+$0x0 ss:$0x1], $0xffff;
	v28 =	vmul.f32 $1.442695020e+00, v23  }
0x19c: {  	v20 =	vperm.xlane v11, v4;
	v18 =	vadd.f32 v9, v19  }
0x19d: {  	v22 =	vperm.xlane v15, v4;
	v9 =	vimm.s32 $0xA;
	(erf) = vpow2.f32 v28  }
0x19e: {  	v9 =	vperm.xlane v21, v9  }
0x19f: {  	v19 =	vadd.f32 v20, v11;
	v20 =	vadd.f32 v22, v15  }
0x1a0: {  	v15 =	vimm.s32 $0x0;
	v22 =	vadd.s32 v0, v9;
	v30 =	vmul.f32 $1.442695020e+00, v24  }
0x1a1: {  	s22 =	simm.s32 $0x20;
	v11 =	vimm.f32 $0.0e+00;
	v25 =	vperm.xlane v18, v5;
	vm2 =	veq.s32 v22, v15  }
0x1a2: {  	v15 =	vadd.s32 $0x10, v15;
	v29 =	vnsel vm2, $0x0, v23;
	v28 =	vld.idx.msk [tilespmem:v10+s22+$0x0 ss:$0x1], $0xffff;
	(erf) = vpow2.f32 v30  }
0x1a3: {  	v23 =	vadd.f32 v23, v11;
	vm2 =	veq.s32 v22, v15;
	v29 =	vadd.f32 v29, v11  }
0x1a4: {  	v26 =	vperm.xlane v19, v5;
	v27 =	vperm.xlane v20, v5;
	v31 =	vnsel vm2, $0x0, v24  }
0x1a5: {  	s21 =	simm.s32 $0xC0;
	v23 =	vadd.f32 v24, v23;
	v24 =	vadd.f32 v31, v29;
	v29 =	vadd.s32 $0x10, v15  }
.LBB2_24:
0x1a6: {  	s22 =	sshra.s32 s21, $0x2;
	p1 =	sne.s32 s21, $0xF40;
	s21 =	sadd.s32 $0x40, s21;
	vm2 =	veq.s32 v22, v29;
	v15 =	vpop (erf)  }
.Ltmp10:
0x1a7: {  	v30 =	vmul.f32 $1.442695020e+00, v28;
	v31 =	vnsel vm2, $0x0, v28;
	v11 =	vadd.f32 v15, v11;
	v15 =	vmovc v28;
	v28 =	vld.idx.msk [tilespmem:v10+s22+$0x0 ss:$0x1], $0xffff;
	(pc) =	sbr.rel @p1 .LBB2_24-.Ltmp10, $3  }
0x1a8: {  	v23 =	vadd.f32 v15, v23;
	v24 =	vadd.f32 v31, v24  }
0x1a9: {  	(erf) = vpow2.f32 v30;
	_ =	sdelay $0x1  }
0x1aa: {  	v29 =	vadd.s32 $0x10, v29  }
0x1ab: {  	v10 =	vld [tilespmem:s20+$0x2AE8];
	_ =	sdelay $0x2  }
0x1ac: {  	v15 =	vmul.f32 $1.442695020e+00, v28;
	_ =	sdelay $0x1  }
0x1ad: {  	(erf) = vpow2.f32 v15;
	v30 =	vmul.f32 $1.442695020e+00, v10;
	_ =	sdelay $0x1  }
0x1ae: {  	(erf) = vpow2.f32 v30;
	_ =	sdelay $0x2  }
0x1af: {  	v15 =	vpop (erf)  }
0x1b0: {  	v11 =	vadd.f32 v15, v11  }
0x1b1: {  	v15 =	vpop (erf)  }
0x1b2: {  	vm2 =	veq.s32 v22, v29;
	v11 =	vadd.f32 v15, v11  }
0x1b3: {  	v22 =	vnsel vm2, $0x0, v28;
	v15 =	vadd.f32 v28, v23;
	v23 =	vpop (erf)  }
0x1b4: {  	vm2 =	veq.s32 v9, v1;
	v11 =	vadd.f32 v23, v11;
	v23 =	vsel vm0, $0x0, v10  }
0x1b5: {  	v22 =	vadd.f32 v22, v24;
	vm2 =	vmand vm2, vm1;
	v9 =	vadd.f32 v23, v15;
	v24 =	vpop (erf)  }
0x1b6: {  	v10 =	vnsel vm2, $0x0, v10;
	v15 =	vsel vm0, $0x0, v24  }
0x1b7: {  	v10 =	vadd.f32 v10, v22;
	v11 =	vadd.f32 v15, v11;
	v15 =	vperm.xlane v9, v2;
	_ =	sdelay $0x1  }
0x1b8: {  	v9 =	vadd.f32 v9, v15;
	v15 =	vperm.xlane v10, v2  }
0x1b9: {  	s21 =	sadd.s32 $0x2AF8, s20  }
0x1ba: {  	v22 =	vperm.xlane v11, v2;
	v15 =	vadd.f32 v15, v10;
	v10 =	vmov s21;
	_ =	sdelay $0x1  }
0x1bb: {  	v11 =	vadd.f32 v22, v11;
	v22 =	vperm.xlane v9, v3;
	_ =	sdelay $0x1  }
0x1bc: {  	s30 =	simm.s32 $0x0;
	v23 =	vperm.xlane v11, v3;
	v9 =	vadd.f32 v9, v22;
	v22 =	vperm.xlane v15, v3  }
0x1bd: {  	v24 =	vld.idx.msk [tilespmem:v10+s30+$0x0 ss:$0x1], $0xffff  }
0x1be: {  	v11 =	vadd.f32 v23, v11;
	v23 =	vperm.xlane v9, v4;
	v15 =	vadd.f32 v22, v15;
	_ =	sdelay $0x1  }
0x1bf: {  	v31 =	vadd.f32 v9, v23;
	v23 =	vperm.xlane v15, v4  }
0x1c0: {  	s31 =	simm.s32 $0x10  }
0x1c1: {  	v28 =	vld.idx.msk [tilespmem:v10+s31+$0x0 ss:$0x1], $0xffff;
	v9 =	vimm.s32 $0xB;
	v33 =	vadd.f32 v23, v15;
	v23 =	vmul.f32 $1.442695020e+00, v24  }
0x1c2: {  	v22 =	vperm.xlane v11, v4;
	v9 =	vperm.xlane v21, v9  }
0x1c3: {  	(erf) = vpow2.f32 v23  }
0x1c4: {  	v32 =	vadd.f32 v22, v11;
	v15 =	vimm.s32 $0x0;
	v22 =	vadd.s32 v0, v9  }
0x1c5: {  	v11 =	vimm.f32 $0.0e+00;
	vm2 =	veq.s32 v22, v15;
	v15 =	vadd.s32 $0x10, v15  }
0x1c6: {  	v30 =	vmul.f32 $1.442695020e+00, v28;
	v29 =	vnsel vm2, $0x0, v24;
	v24 =	vadd.f32 v24, v11  }
0x1c7: {  	s22 =	simm.s32 $0x20;
	vm2 =	veq.s32 v22, v15  }
0x1c8: {  	v34 =	vnsel vm2, $0x0, v28;
	v23 =	vadd.f32 v28, v24;
	v28 =	vld.idx.msk [tilespmem:v10+s22+$0x0 ss:$0x1], $0xffff;
	(erf) = vpow2.f32 v30  }
0x1c9: {  	v29 =	vadd.f32 v29, v11  }
0x1ca: {  	v37 =	vperm.xlane v31, v5;
	v38 =	vperm.xlane v32, v5  }
0x1cb: {  	s21 =	simm.s32 $0xC0;
	v39 =	vperm.xlane v33, v5;
	v24 =	vadd.f32 v34, v29;
	v29 =	vadd.s32 $0x10, v15  }
.LBB2_26:
0x1cc: {  	s22 =	sshra.s32 s21, $0x2;
	p1 =	sne.s32 s21, $0xF40;
	s21 =	sadd.s32 $0x40, s21;
	vm2 =	veq.s32 v22, v29;
	v15 =	vpop (erf)  }
.Ltmp11:
0x1cd: {  	v30 =	vmul.f32 $1.442695020e+00, v28;
	v34 =	vnsel vm2, $0x0, v28;
	v11 =	vadd.f32 v15, v11;
	v15 =	vmovc v28;
	v28 =	vld.idx.msk [tilespmem:v10+s22+$0x0 ss:$0x1], $0xffff;
	(pc) =	sbr.rel @p1 .LBB2_26-.Ltmp11, $3  }
0x1ce: {  	v23 =	vadd.f32 v15, v23;
	v24 =	vadd.f32 v34, v24  }
0x1cf: {  	(erf) = vpow2.f32 v30;
	_ =	sdelay $0x1  }
0x1d0: {  	v29 =	vadd.s32 $0x10, v29  }
0x1d1: {  	v10 =	vld [tilespmem:s20+$0x2ED0];
	_ =	sdelay $0x2  }
0x1d2: {  	v15 =	vmul.f32 $1.442695020e+00, v28;
	_ =	sdelay $0x1  }
0x1d3: {  	(erf) = vpow2.f32 v15;
	v30 =	vmul.f32 $1.442695020e+00, v10;
	_ =	sdelay $0x1  }
0x1d4: {  	(erf) = vpow2.f32 v30;
	_ =	sdelay $0x2  }
0x1d5: {  	v15 =	vpop (erf)  }
0x1d6: {  	v11 =	vadd.f32 v15, v11  }
0x1d7: {  	v15 =	vpop (erf)  }
0x1d8: {  	vm2 =	veq.s32 v22, v29;
	v11 =	vadd.f32 v15, v11  }
0x1d9: {  	v22 =	vnsel vm2, $0x0, v28;
	v15 =	vadd.f32 v28, v23;
	v23 =	vpop (erf)  }
0x1da: {  	vm2 =	veq.s32 v9, v1;
	v11 =	vadd.f32 v23, v11;
	v23 =	vsel vm0, $0x0, v10  }
0x1db: {  	v22 =	vadd.f32 v22, v24;
	vm2 =	vmand vm2, vm1;
	v9 =	vadd.f32 v23, v15;
	v24 =	vpop (erf)  }
0x1dc: {  	v10 =	vnsel vm2, $0x0, v10;
	v15 =	vsel vm0, $0x0, v24  }
0x1dd: {  	v10 =	vadd.f32 v10, v22;
	v11 =	vadd.f32 v15, v11;
	v15 =	vperm.xlane v9, v2;
	_ =	sdelay $0x1  }
0x1de: {  	v9 =	vadd.f32 v9, v15;
	v15 =	vperm.xlane v10, v2  }
0x1df: {  	s21 =	sadd.s32 $0x2EE0, s20  }
0x1e0: {  	v22 =	vperm.xlane v11, v2;
	v15 =	vadd.f32 v15, v10;
	v10 =	vmov s21;
	_ =	sdelay $0x1  }
0x1e1: {  	v11 =	vadd.f32 v22, v11;
	v22 =	vperm.xlane v9, v3;
	_ =	sdelay $0x1  }
0x1e2: {  	s30 =	simm.s32 $0x0;
	v23 =	vperm.xlane v11, v3;
	v9 =	vadd.f32 v9, v22;
	v22 =	vperm.xlane v15, v3  }
0x1e3: {  	v24 =	vld.idx.msk [tilespmem:v10+s30+$0x0 ss:$0x1], $0xffff  }
0x1e4: {  	v11 =	vadd.f32 v23, v11;
	v23 =	vperm.xlane v9, v4;
	v15 =	vadd.f32 v22, v15;
	_ =	sdelay $0x1  }
0x1e5: {  	v45 =	vadd.f32 v9, v23;
	v23 =	vperm.xlane v15, v4  }
0x1e6: {  	s31 =	simm.s32 $0x10  }
0x1e7: {  	v28 =	vld.idx.msk [tilespmem:v10+s31+$0x0 ss:$0x1], $0xffff;
	v9 =	vimm.s32 $0xC;
	v43 =	vadd.f32 v23, v15;
	v23 =	vmul.f32 $1.442695020e+00, v24  }
0x1e8: {  	v22 =	vperm.xlane v11, v4;
	v9 =	vperm.xlane v21, v9  }
0x1e9: {  	(erf) = vpow2.f32 v23  }
0x1ea: {  	v49 =	vadd.f32 v22, v11;
	v15 =	vimm.s32 $0x0;
	v22 =	vadd.s32 v0, v9  }
0x1eb: {  	v11 =	vimm.f32 $0.0e+00;
	vm2 =	veq.s32 v22, v15;
	v15 =	vadd.s32 $0x10, v15  }
0x1ec: {  	v30 =	vmul.f32 $1.442695020e+00, v28;
	v29 =	vnsel vm2, $0x0, v24;
	v24 =	vadd.f32 v24, v11  }
0x1ed: {  	s22 =	simm.s32 $0x20;
	vm2 =	veq.s32 v22, v15  }
0x1ee: {  	v34 =	vnsel vm2, $0x0, v28;
	v23 =	vadd.f32 v28, v24;
	v28 =	vld.idx.msk [tilespmem:v10+s22+$0x0 ss:$0x1], $0xffff;
	(erf) = vpow2.f32 v30  }
0x1ef: {  	v29 =	vadd.f32 v29, v11  }
0x1f0: {  	v50 =	vperm.xlane v45, v5;
	v51 =	vperm.xlane v49, v5  }
0x1f1: {  	s21 =	simm.s32 $0xC0;
	v44 =	vperm.xlane v43, v5;
	v24 =	vadd.f32 v34, v29;
	v29 =	vadd.s32 $0x10, v15  }
.LBB2_28:
0x1f2: {  	s22 =	sshra.s32 s21, $0x2;
	p1 =	sne.s32 s21, $0xF40;
	s21 =	sadd.s32 $0x40, s21;
	vm2 =	veq.s32 v22, v29;
	v15 =	vpop (erf)  }
.Ltmp12:
0x1f3: {  	v30 =	vmul.f32 $1.442695020e+00, v28;
	v34 =	vnsel vm2, $0x0, v28;
	v11 =	vadd.f32 v15, v11;
	v15 =	vmovc v28;
	v28 =	vld.idx.msk [tilespmem:v10+s22+$0x0 ss:$0x1], $0xffff;
	(pc) =	sbr.rel @p1 .LBB2_28-.Ltmp12, $3  }
0x1f4: {  	v23 =	vadd.f32 v15, v23;
	v24 =	vadd.f32 v34, v24  }
0x1f5: {  	(erf) = vpow2.f32 v30;
	_ =	sdelay $0x1  }
0x1f6: {  	v29 =	vadd.s32 $0x10, v29  }
0x1f7: {  	v10 =	vld [tilespmem:s20+$0x32B8];
	_ =	sdelay $0x2  }
0x1f8: {  	v15 =	vmul.f32 $1.442695020e+00, v28;
	_ =	sdelay $0x1  }
0x1f9: {  	(erf) = vpow2.f32 v15;
	v30 =	vmul.f32 $1.442695020e+00, v10;
	_ =	sdelay $0x1  }
0x1fa: {  	(erf) = vpow2.f32 v30;
	_ =	sdelay $0x2  }
0x1fb: {  	v15 =	vpop (erf)  }
0x1fc: {  	v11 =	vadd.f32 v15, v11  }
0x1fd: {  	v15 =	vpop (erf)  }
0x1fe: {  	vm2 =	veq.s32 v22, v29;
	v11 =	vadd.f32 v15, v11  }
0x1ff: {  	v22 =	vnsel vm2, $0x0, v28;
	v15 =	vadd.f32 v28, v23;
	v23 =	vpop (erf)  }
0x200: {  	vm2 =	veq.s32 v9, v1;
	v11 =	vadd.f32 v23, v11;
	v23 =	vsel vm0, $0x0, v10  }
0x201: {  	v22 =	vadd.f32 v22, v24;
	vm2 =	vmand vm2, vm1;
	v9 =	vadd.f32 v23, v15;
	v24 =	vpop (erf)  }
0x202: {  	v10 =	vnsel vm2, $0x0, v10;
	v15 =	vsel vm0, $0x0, v24  }
0x203: {  	v10 =	vadd.f32 v10, v22;
	v11 =	vadd.f32 v15, v11;
	v15 =	vperm.xlane v9, v2;
	_ =	sdelay $0x1  }
0x204: {  	v9 =	vadd.f32 v9, v15;
	v15 =	vperm.xlane v10, v2  }
0x205: {  	s21 =	sadd.s32 $0x32C8, s20  }
0x206: {  	v15 =	vadd.f32 v15, v10;
	v10 =	vmov s21;
	_ =	sdelay $0x2  }
0x207: {  	v22 =	vperm.xlane v11, v2  }
0x208: {  	s30 =	simm.s32 $0x0  }
0x209: {  	v11 =	vadd.f32 v22, v11;
	v22 =	vperm.xlane v9, v3;
	v29 =	vld.idx.msk [tilespmem:v10+s30+$0x0 ss:$0x1], $0xffff;
	_ =	sdelay $0x1  }
0x20a: {  	v23 =	vperm.xlane v11, v3;
	v9 =	vadd.f32 v9, v22  }
0x20b: {  	v22 =	vperm.xlane v15, v3  }
0x20c: {  	s31 =	simm.s32 $0x10;
	v11 =	vadd.f32 v23, v11;
	v23 =	vperm.xlane v9, v4  }
0x20d: {  	v15 =	vadd.f32 v22, v15;
	v30 =	vld.idx.msk [tilespmem:v10+s31+$0x0 ss:$0x1], $0xffff;
	v34 =	vmul.f32 $1.442695020e+00, v29  }
0x20e: {  	v22 =	vperm.xlane v11, v4;
	v57 =	vadd.f32 v9, v23  }
0x20f: {  	v23 =	vperm.xlane v15, v4;
	v9 =	vimm.s32 $0xD;
	(erf) = vpow2.f32 v34  }
0x210: {  	v9 =	vperm.xlane v21, v9  }
0x211: {  	v56 =	vadd.f32 v22, v11;
	v55 =	vadd.f32 v23, v15  }
0x212: {  	v15 =	vimm.s32 $0x0;
	v28 =	vadd.s32 v0, v9;
	v36 =	vmul.f32 $1.442695020e+00, v30  }
0x213: {  	s22 =	simm.s32 $0x20;
	v11 =	vimm.f32 $0.0e+00;
	v24 =	vperm.xlane v57, v5;
	vm2 =	veq.s32 v28, v15  }
0x214: {  	v15 =	vadd.s32 $0x10, v15;
	v35 =	vnsel vm2, $0x0, v29;
	v34 =	vld.idx.msk [tilespmem:v10+s22+$0x0 ss:$0x1], $0xffff;
	(erf) = vpow2.f32 v36  }
0x215: {  	v29 =	vadd.f32 v29, v11;
	vm2 =	veq.s32 v28, v15;
	v35 =	vadd.f32 v35, v11  }
0x216: {  	v23 =	vperm.xlane v56, v5;
	v22 =	vperm.xlane v55, v5;
	v40 =	vnsel vm2, $0x0, v30  }
0x217: {  	s21 =	simm.s32 $0xC0;
	v29 =	vadd.f32 v30, v29;
	v30 =	vadd.f32 v40, v35;
	v35 =	vadd.s32 $0x10, v15  }
.LBB2_30:
0x218: {  	s22 =	sshra.s32 s21, $0x2;
	p1 =	sne.s32 s21, $0xF40;
	s21 =	sadd.s32 $0x40, s21;
	vm2 =	veq.s32 v28, v35;
	v15 =	vpop (erf)  }
.Ltmp13:
0x219: {  	v36 =	vmul.f32 $1.442695020e+00, v34;
	v40 =	vnsel vm2, $0x0, v34;
	v11 =	vadd.f32 v15, v11;
	v15 =	vmovc v34;
	v34 =	vld.idx.msk [tilespmem:v10+s22+$0x0 ss:$0x1], $0xffff;
	(pc) =	sbr.rel @p1 .LBB2_30-.Ltmp13, $3  }
0x21a: {  	v29 =	vadd.f32 v15, v29;
	v30 =	vadd.f32 v40, v30  }
0x21b: {  	(erf) = vpow2.f32 v36;
	_ =	sdelay $0x1  }
0x21c: {  	v35 =	vadd.s32 $0x10, v35  }
0x21d: {  	v10 =	vld [tilespmem:s20+$0x36A0];
	_ =	sdelay $0x2  }
0x21e: {  	v15 =	vmul.f32 $1.442695020e+00, v34;
	_ =	sdelay $0x1  }
0x21f: {  	(erf) = vpow2.f32 v15;
	v36 =	vmul.f32 $1.442695020e+00, v10;
	_ =	sdelay $0x1  }
0x220: {  	(erf) = vpow2.f32 v36;
	_ =	sdelay $0x2  }
0x221: {  	v15 =	vpop (erf)  }
0x222: {  	v11 =	vadd.f32 v15, v11  }
0x223: {  	v15 =	vpop (erf)  }
0x224: {  	vm2 =	veq.s32 v28, v35;
	v11 =	vadd.f32 v15, v11  }
0x225: {  	v28 =	vnsel vm2, $0x0, v34;
	v15 =	vadd.f32 v34, v29;
	v29 =	vpop (erf)  }
0x226: {  	vm2 =	veq.s32 v9, v1;
	v11 =	vadd.f32 v29, v11;
	v29 =	vsel vm0, $0x0, v10  }
0x227: {  	v28 =	vadd.f32 v28, v30;
	vm2 =	vmand vm2, vm1;
	v9 =	vadd.f32 v29, v15;
	v30 =	vpop (erf)  }
0x228: {  	v10 =	vnsel vm2, $0x0, v10;
	v15 =	vsel vm0, $0x0, v30  }
0x229: {  	v10 =	vadd.f32 v10, v28;
	v11 =	vadd.f32 v15, v11;
	v15 =	vperm.xlane v9, v2;
	_ =	sdelay $0x1  }
0x22a: {  	v9 =	vadd.f32 v9, v15;
	v15 =	vperm.xlane v10, v2  }
0x22b: {  	s21 =	sadd.s32 $0x36B0, s20  }
0x22c: {  	v15 =	vadd.f32 v15, v10;
	v10 =	vmov s21;
	_ =	sdelay $0x2  }
0x22d: {  	v28 =	vperm.xlane v11, v2  }
0x22e: {  	s30 =	simm.s32 $0x0  }
0x22f: {  	v11 =	vadd.f32 v28, v11;
	v28 =	vperm.xlane v9, v3;
	v48 =	vld.idx.msk [tilespmem:v10+s30+$0x0 ss:$0x1], $0xffff;
	_ =	sdelay $0x1  }
0x230: {  	v29 =	vperm.xlane v11, v3;
	v9 =	vadd.f32 v9, v28  }
0x231: {  	v28 =	vperm.xlane v15, v3  }
0x232: {  	s31 =	simm.s32 $0x10;
	v11 =	vadd.f32 v29, v11;
	v29 =	vperm.xlane v9, v4  }
0x233: {  	v15 =	vadd.f32 v28, v15;
	v52 =	vld.idx.msk [tilespmem:v10+s31+$0x0 ss:$0x1], $0xffff;
	v40 =	vmul.f32 $1.442695020e+00, v48  }
0x234: {  	v28 =	vperm.xlane v11, v4;
	v29 =	vadd.f32 v9, v29  }
0x235: {  	v30 =	vperm.xlane v15, v4;
	v9 =	vimm.s32 $0xE;
	(erf) = vpow2.f32 v40  }
0x236: {  	v9 =	vperm.xlane v21, v9  }
0x237: {  	v28 =	vadd.f32 v28, v11;
	v30 =	vadd.f32 v30, v15  }
0x238: {  	v15 =	vimm.s32 $0x0;
	v34 =	vadd.s32 v0, v9;
	v42 =	vmul.f32 $1.442695020e+00, v52  }
0x239: {  	s22 =	simm.s32 $0x20;
	v11 =	vimm.f32 $0.0e+00;
	v63 =	vperm.xlane v29, v5;
	vm2 =	veq.s32 v34, v15  }
0x23a: {  	v15 =	vadd.s32 $0x10, v15;
	v41 =	vnsel vm2, $0x0, v48;
	v40 =	vld.idx.msk [tilespmem:v10+s22+$0x0 ss:$0x1], $0xffff;
	(erf) = vpow2.f32 v42  }
0x23b: {  	v35 =	vadd.f32 v48, v11;
	vm2 =	veq.s32 v34, v15;
	v41 =	vadd.f32 v41, v11  }
0x23c: {  	v61 =	vperm.xlane v28, v5;
	v62 =	vperm.xlane v30, v5;
	v46 =	vnsel vm2, $0x0, v52  }
0x23d: {  	s21 =	simm.s32 $0xC0;
	v35 =	vadd.f32 v52, v35;
	v36 =	vadd.f32 v46, v41;
	v41 =	vadd.s32 $0x10, v15  }
.LBB2_32:
0x23e: {  	s22 =	sshra.s32 s21, $0x2;
	p1 =	sne.s32 s21, $0xF40;
	s21 =	sadd.s32 $0x40, s21;
	vm2 =	veq.s32 v34, v41;
	v15 =	vpop (erf)  }
.Ltmp14:
0x23f: {  	v42 =	vmul.f32 $1.442695020e+00, v40;
	v46 =	vnsel vm2, $0x0, v40;
	v11 =	vadd.f32 v15, v11;
	v15 =	vmovc v40;
	v40 =	vld.idx.msk [tilespmem:v10+s22+$0x0 ss:$0x1], $0xffff;
	(pc) =	sbr.rel @p1 .LBB2_32-.Ltmp14, $3  }
0x240: {  	v35 =	vadd.f32 v15, v35;
	v36 =	vadd.f32 v46, v36  }
0x241: {  	(erf) = vpow2.f32 v42;
	_ =	sdelay $0x1  }
0x242: {  	v41 =	vadd.s32 $0x10, v41  }
0x243: {  	v10 =	vld [tilespmem:s20+$0x3A88];
	_ =	sdelay $0x3  }
0x244: {  	v15 =	vmul.f32 $1.442695020e+00, v40  }
0x245: {  	v42 =	vmul.f32 $1.442695020e+00, v10  }
0x246: {  	(erf) = vpow2.f32 v15  }
0x247: {  	(erf) = vpow2.f32 v42;
	_ =	sdelay $0x3  }
0x248: {  	v15 =	vpop (erf)  }
0x249: {  	v11 =	vadd.f32 v15, v11  }
0x24a: {  	v15 =	vpop (erf)  }
0x24b: {  	vm2 =	veq.s32 v34, v41;
	v11 =	vadd.f32 v15, v11;
	v15 =	vadd.f32 v40, v35  }
0x24c: {  	v34 =	vnsel vm2, $0x0, v40;
	vm2 =	veq.s32 v9, v1;
	v41 =	vsel vm0, $0x0, v10;
	v40 =	vpop (erf)  }
0x24d: {  	vm2 =	vmand vm2, vm1;
	v9 =	vadd.f32 v41, v15;
	v11 =	vadd.f32 v40, v11;
	v42 =	vpop (erf)  }
0x24e: {  	s21 =	sadd.s32 $0x3A98, s20;
	v34 =	vadd.f32 v34, v36;
	v10 =	vnsel vm2, $0x0, v10;
	v15 =	vsel vm0, $0x0, v42  }
0x24f: {  	v40 =	vmov s21;
	v11 =	vadd.f32 v15, v11;
	v15 =	vperm.xlane v9, v2  }
0x250: {  	v10 =	vadd.f32 v10, v34  }
0x251: {  	v46 =	vperm.xlane v11, v2;
	v9 =	vadd.f32 v9, v15  }
0x252: {  	v15 =	vperm.xlane v10, v2  }
0x253: {  	s30 =	simm.s32 $0x0;
	v11 =	vadd.f32 v46, v11;
	v47 =	vperm.xlane v9, v3  }
0x254: {  	v10 =	vadd.f32 v15, v10;
	v46 =	vld.idx.msk [tilespmem:v40+s30+$0x0 ss:$0x1], $0xffff  }
0x255: {  	v15 =	vperm.xlane v11, v3;
	v9 =	vadd.f32 v9, v47  }
0x256: {  	v48 =	vperm.xlane v10, v3  }
0x257: {  	v11 =	vadd.f32 v15, v11;
	v15 =	vperm.xlane v9, v4  }
0x258: {  	s31 =	simm.s32 $0x10;
	v52 =	vadd.f32 v48, v10  }
0x259: {  	v48 =	vmul.f32 $1.442695020e+00, v46;
	v10 =	vperm.xlane v11, v4;
	v35 =	vadd.f32 v9, v15;
	v15 =	vld.idx.msk [tilespmem:v40+s31+$0x0 ss:$0x1], $0xffff;
	_ =	sdelay $0x1  }
0x25a: {  	(erf) = vpow2.f32 v48;
	v34 =	vadd.f32 v10, v11;
	v10 =	vimm.s32 $0xF  }
0x25b: {  	v9 =	vperm.xlane v52, v4;
	v11 =	vperm.xlane v21, v10  }
0x25c: {  	v47 =	vimm.s32 $0x0  }
0x25d: {  	v21 =	vadd.f32 v9, v52;
	v42 =	vadd.s32 v0, v11;
	v52 =	vmul.f32 $1.442695020e+00, v15  }
0x25e: {  	s22 =	simm.s32 $0x20;
	v41 =	vimm.f32 $0.0e+00;
	v17 =	vadd.s32 $0x10, v47;
	vm2 =	veq.s32 v42, v47  }
0x25f: {  	v48 =	vld.idx.msk [tilespmem:v40+s22+$0x0 ss:$0x1], $0xffff;
	v10 =	vperm.xlane v35, v5;
	v16 =	vnsel vm2, $0x0, v46;
	(erf) = vpow2.f32 v52  }
0x260: {  	v46 =	vadd.f32 v46, v41;
	vm2 =	veq.s32 v42, v17;
	v16 =	vadd.f32 v16, v41  }
0x261: {  	v36 =	vperm.xlane v34, v5;
	v9 =	vperm.xlane v21, v5;
	v47 =	vnsel vm2, $0x0, v15  }
0x262: {  	s21 =	simm.s32 $0xC0;
	v46 =	vadd.f32 v15, v46;
	v15 =	vadd.s32 $0x10, v17;
	v47 =	vadd.f32 v47, v16  }
.LBB2_34:
0x263: {  	s22 =	sshra.s32 s21, $0x2;
	p1 =	sne.s32 s21, $0xF40;
	s21 =	sadd.s32 $0x40, s21;
	vm2 =	veq.s32 v42, v15;
	v16 =	vpop (erf)  }
.Ltmp15:
0x264: {  	v17 =	vmul.f32 $1.442695020e+00, v48;
	v52 =	vnsel vm2, $0x0, v48;
	v41 =	vadd.f32 v16, v41;
	v16 =	vmovc v48;
	v48 =	vld.idx.msk [tilespmem:v40+s22+$0x0 ss:$0x1], $0xffff;
	(pc) =	sbr.rel @p1 .LBB2_34-.Ltmp15, $3  }
0x265: {  	v46 =	vadd.f32 v16, v46;
	v47 =	vadd.f32 v52, v47  }
0x266: {  	(erf) = vpow2.f32 v17;
	_ =	sdelay $0x1  }
0x267: {  	v15 =	vadd.s32 $0x10, v15  }
0x268: {  	v16 =	vmul.f32 $1.442695020e+00, v48;
	_ =	sdelay $0x1  }
0x269: {  	(erf) = vpow2.f32 v16;
	_ =	sdelay $0x2  }
0x26a: {  	v40 =	vpop (erf);
	v52 =	vld [tilespmem:$0x1FFA0]  }
0x26b: {  	vm2 =	veq.s32 v42, v15;
	v17 =	vadd.f32 v48, v46;
	v46 =	vld [tilespmem:$0x1FFB0];
	v16 =	vadd.f32 v40, v41  }
0x26c: {  	v42 =	vnsel vm2, $0x0, v48;
	v48 =	vld [tilespmem:$0x1FFD0];
	v41 =	vpop (erf)  }
0x26d: {  	v15 =	vadd.f32 v41, v16;
	v16 =	vadd.f32 v42, v47;
	v47 =	vld [tilespmem:$0x1FFC0];
	_ =	sdelay $0x2  }
0x26e: {  	v40 =	vpop (erf)  }
0x26f: {  	v15 =	vadd.f32 v40, v15;
	v40 =	vadd.f32 v52, v46;
	v52 =	vld [tilespmem:$0x1FF40]  }
0x270: {  	v41 =	vadd.f32 v48, v47;
	v48 =	vld [tilespmem:$0x1FF50];
	_ =	sdelay $0x4  }
0x271: {  	v42 =	vadd.f32 v52, v48;
	v52 =	vld [tilespmem:$0x1FFE0]  }
0x272: {  	v48 =	vld [tilespmem:$0x1FFF0];
	_ =	sdelay $0x3  }
0x273: {  	v47 =	vld [tilespmem:$0x1FF60]  }
0x274: {  	v46 =	vadd.f32 v48, v52;
	v52 =	vld [tilespmem:$0x1FF70];
	_ =	sdelay $0x2  }
0x275: {  	vm2 =	vmmov $0x1  }
0x276: {  	v40 =	vsel vm2, v40, v42;
	v42 =	vld [tilespmem:$0x1FF80]  }
0x277: {  	v47 =	vadd.f32 v52, v47;
	v52 =	vld [tilespmem:$0x1FF90];
	_ =	sdelay $0x3  }
0x278: {  	v48 =	vld [tilespmem:$0x1FEE0]  }
0x279: {  	v42 =	vadd.f32 v52, v42;
	v52 =	vld [tilespmem:$0x1FEF0];
	_ =	sdelay $0x3  }
0x27a: {  	v41 =	vsel vm2, v41, v47;
	v47 =	vld [tilespmem:$0x1FF00]  }
0x27b: {  	v48 =	vadd.f32 v48, v52;
	v52 =	vld [tilespmem:$0x1FF10];
	_ =	sdelay $0x3  }
0x27c: {  	v42 =	vsel vm2, v46, v42;
	v46 =	vld [tilespmem:$0x1FF20]  }
0x27d: {  	v47 =	vadd.f32 v52, v47;
	v52 =	vld [tilespmem:$0x1FF30];
	_ =	sdelay $0x2  }
0x27e: {  	vm3 =	vmmov $0x3  }
0x27f: {  	v41 =	vsel vm3, v41, v47;
	v47 =	vld [tilespmem:$0x1FE80]  }
0x280: {  	v46 =	vadd.f32 v52, v46;
	v52 =	vld [tilespmem:$0x1FE90];
	_ =	sdelay $0x3  }
0x281: {  	v40 =	vsel vm3, v40, v48;
	v48 =	vld [tilespmem:$0x1FEA0]  }
0x282: {  	v47 =	vadd.f32 v47, v52;
	v52 =	vld [tilespmem:$0x1FEB0];
	_ =	sdelay $0x3  }
0x283: {  	v42 =	vsel vm3, v42, v46;
	v46 =	vld [tilespmem:$0x1FEC0]  }
0x284: {  	v48 =	vadd.f32 v52, v48;
	v52 =	vld [tilespmem:$0x1FED0];
	_ =	sdelay $0x2  }
0x285: {  	vm2 =	vmmov $0x7  }
0x286: {  	v40 =	vsel vm2, v40, v47;
	v47 =	vld [tilespmem:$0x1FE20]  }
0x287: {  	v46 =	vadd.f32 v52, v46;
	v52 =	vld [tilespmem:$0x1FE30];
	_ =	sdelay $0x3  }
0x288: {  	v42 =	vsel vm2, v42, v46;
	v46 =	vld [tilespmem:$0x1FE40]  }
0x289: {  	v47 =	vadd.f32 v47, v52;
	v52 =	vld [tilespmem:$0x1FE50];
	_ =	sdelay $0x4  }
0x28a: {  	v46 =	vadd.f32 v52, v46  }
0x28b: {  	v41 =	vsel vm2, v41, v48;
	vm2 =	vmmov $0xf  }
0x28c: {  	v41 =	vsel vm2, v41, v46;
	v46 =	vld [tilespmem:$0x1FE00];
	_ =	sdelay $0x1  }
0x28d: {  	v40 =	vsel vm2, v40, v47;
	v47 =	vld [tilespmem:$0x1FE60]  }
0x28e: {  	v52 =	vld [tilespmem:$0x1FE70];
	_ =	sdelay $0x1  }
0x28f: {  	v46 =	vadd.f32 v46, v53;
	v53 =	vld [tilespmem:$0x1FE10];
	_ =	sdelay $0x2  }
0x290: {  	v47 =	vadd.f32 v52, v47;
	_ =	sdelay $0x1  }
0x291: {  	v42 =	vsel vm2, v42, v47;
	v47 =	vadd.f32 v53, v54;
	v54 =	vld [tilespmem:$0x1FDB0];
	_ =	sdelay $0x1  }
0x292: {  	v48 =	vld [tilespmem:$0x1FDE0]  }
0x293: {  	v52 =	vld [tilespmem:$0x1FDF0]  }
0x294: {  	vm3 =	vmmov $0x1f  }
0x295: {  	v41 =	vsel vm3, v41, v46;
	v46 =	vadd.f32 v58, v54;
	v58 =	vld [tilespmem:$0x1FDC0];
	_ =	sdelay $0x2  }
0x296: {  	v48 =	vadd.f32 v48, v52  }
0x297: {  	v52 =	vld [tilespmem:s20+$0x3E70]  }
0x298: {  	v40 =	vsel vm3, v40, v48;
	v48 =	vadd.f32 v58, v59;
	v59 =	vld [tilespmem:$0x1FDD0];
	_ =	sdelay $0x2  }
0x299: {  	v18 =	vadd.f32 v18, v25;
	v25 =	vadd.f32 v26, v19;
	v53 =	vld [tilespmem:$0x1FD90]  }
0x29a: {  	v26 =	vadd.f32 v27, v20;
	v27 =	vadd.f32 v31, v37;
	vm2 =	vmmov $0x3f;
	v54 =	vld [tilespmem:$0x1FDA0]  }
0x29b: {  	v42 =	vsel vm3, v42, v47;
	v58 =	vld [tilespmem:$0x1FD50];
	v47 =	vadd.f32 v59, v60;
	v60 =	vmul.f32 $1.442695020e+00, v52  }
0x29c: {  	v31 =	vadd.f32 v38, v32;
	v32 =	vadd.f32 v39, v33;
	v41 =	vsel vm2, v41, v48;
	v48 =	vld [tilespmem:$0x1FD80]  }
0x29d: {  	v33 =	vadd.f32 v45, v50;
	v37 =	vadd.f32 v51, v49;
	v59 =	vld [tilespmem:$0x1FD60];
	(erf) = vpow2.f32 v60  }
0x29e: {  	v43 =	vadd.f32 v44, v43;
	v45 =	vadd.f32 v57, v24;
	v60 =	vld [tilespmem:$0x1FD70]  }
0x29f: {  	v49 =	vadd.f32 v22, v55;
	v55 =	vadd.f32 v61, v28  }
0x2a0: {  	v38 =	vsel vm0, $0x0, v52;
	v7 =	vadd.f32 v53, v7;
	v40 =	vsel vm2, v40, v46  }
0x2a1: {  	v42 =	vsel vm2, v42, v47;
	v6 =	vadd.f32 v6, v48;
	vm2 =	vmmov $0x7f  }
0x2a2: {  	v8 =	vadd.f32 v54, v8;
	v12 =	vadd.f32 v12, v58;
	v7 =	vsel vm2, v41, v7  }
0x2a3: {  	v6 =	vsel vm2, v40, v6;
	v13 =	vadd.f32 v59, v13;
	v14 =	vadd.f32 v60, v14  }
0x2a4: {  	v8 =	vsel vm2, v42, v8;
	vm2 =	vmmov $0x1ff;
	v6 =	vsel vm0, v6, v12  }
0x2a5: {  	v6 =	vsel vm2, v6, v18;
	v7 =	vsel vm0, v7, v13;
	v8 =	vsel vm0, v8, v14  }
0x2a6: {  	v7 =	vsel vm2, v7, v25;
	v8 =	vsel vm2, v8, v26;
	vm2 =	veq.s32 v11, v1;
	v39 =	vpop (erf)  }
0x2a7: {  	v14 =	vadd.f32 v38, v17;
	vm2 =	vmand vm2, vm1;
	v11 =	vsel vm0, $0x0, v39  }
0x2a8: {  	v57 =	vadd.f32 v62, v30;
	v40 =	vnsel vm2, $0x0, v52;
	v11 =	vadd.f32 v11, v15  }
0x2a9: {  	v10 =	vadd.f32 v35, v10;
	v42 =	vperm.xlane v14, v2;
	v41 =	vadd.f32 v40, v16  }
0x2aa: {  	v61 =	vadd.f32 v36, v34;
	v9 =	vadd.f32 v9, v21;
	v44 =	vperm.xlane v11, v2  }
0x2ab: {  	v53 =	vadd.f32 v29, v63;
	v14 =	vadd.f32 v14, v42;
	v46 =	vperm.xlane v41, v2  }
0x2ac: {  	vm3 =	vmmov $0x3ff;
	v47 =	vadd.f32 v23, v56;
	v11 =	vadd.f32 v44, v11  }
0x2ad: {  	v6 =	vsel vm3, v6, v27;
	v48 =	vperm.xlane v14, v3;
	v12 =	vadd.f32 v46, v41  }
0x2ae: {  	v7 =	vsel vm3, v7, v31;
	v8 =	vsel vm3, v8, v32;
	v50 =	vperm.xlane v11, v3  }
0x2af: {  	vm2 =	vmmov $0x7ff;
	v51 =	vadd.f32 v14, v48;
	v52 =	vperm.xlane v12, v3  }
0x2b0: {  	vm3 =	vmmov $0x3fff;
	v6 =	vsel vm2, v6, v33;
	v11 =	vadd.f32 v50, v11  }
0x2b1: {  	v7 =	vsel vm2, v7, v37;
	v54 =	vperm.xlane v51, v4;
	v12 =	vadd.f32 v52, v12  }
0x2b2: {  	v8 =	vsel vm2, v8, v43;
	vm2 =	vmmov $0xfff;
	v56 =	vperm.xlane v11, v4  }
0x2b3: {  	v6 =	vsel vm2, v6, v45;
	v13 =	vadd.f32 v51, v54;
	v58 =	vperm.xlane v12, v4  }
0x2b4: {  	v7 =	vsel vm2, v7, v47;
	v8 =	vsel vm2, v8, v49;
	v11 =	vadd.f32 v56, v11  }
0x2b5: {  	vm2 =	vmmov $0x1fff;
	v59 =	vperm.xlane v13, v5;
	v12 =	vadd.f32 v58, v12  }
0x2b6: {  	v6 =	vsel vm2, v6, v53;
	v7 =	vsel vm2, v7, v55;
	v60 =	vperm.xlane v11, v5  }
0x2b7: {  	v8 =	vsel vm2, v8, v57;
	v13 =	vadd.f32 v13, v59;
	v62 =	vperm.xlane v12, v5  }
.Ltmp16:
0x2b8: {  	vm2 =	vmmov $0x7fff;
	v6 =	vsel vm3, v6, v10;
	v10 =	vadd.f32 v60, v11;
	(pc) =	sbr.rel @p0 .LBB2_3-.Ltmp16, $4  }
0x2b9: {  	s19 =	sor.u32 s17, s19;
	v7 =	vsel vm3, v7, v61;
	v6 =	vsel vm2, v6, v13;
	v63 =	vadd.f32 v62, v12  }
0x2ba: {  	v8 =	vsel vm3, v8, v9;
	[tilespmem:s19+$0x7D80] =	vst v6;
	v7 =	vsel vm2, v7, v10  }
0x2bb: {  	v6 =	vsel vm2, v8, v63;
	[tilespmem:s19+$0x7E00] =	vst v7  }
0x2bc: {  	p1 =	por $0x0, $0x0;
	[tilespmem:s19+$0x7E80] =	vst v6;
	s19 =	simm.s32 $0x1  }
0x2bd: {  	s16 =	sadd.s32 $0x1, s16  }
0x2be: {  	p0 =	sne.s32 s16, $0x4  }
.Ltmp17:
0x2bf: {  	_ = 	snop;
	(pc) =	sbr.rel @p0 .LBB2_2-.Ltmp17, $1  }
0x2c0: {  	_ =	sdelay $0x3  }
0x2c1: {  	[hbm4b:s6+s2] =	stream.linear.scatter [tilespmem:s12], [sflag:$0x1], $0x80, $0x38;
	[tilespmem:$0x7F00] =	vst v63  }
0x2c2: {  	_ =	swait.ge [sflag:s10], $0x80  }
0x2c3: {  	[sflag:s10] =	ssyncset.done $0x0  }
0x2c4: {  	[sflag:s10] =	ssyncadd.s32 $0xFFFFFF80  }
0x2c5: {  	[hbm4b:s7+s2] =	stream.linear.scatter [tilespmem:s13], [sflag:$0x1], $0x80, $0x38;
	[tilespmem:$0x7F00] =	vst v63  }
0x2c6: {  	s15 =	sadd.s32 $0x1, s15;
	_ =	swait.ge [sflag:s10], $0x80  }
0x2c7: {  	p0 =	sne.s32 s15, s9;
	[sflag:s10] =	ssyncset.done $0x0  }
.Ltmp18:
0x2c8: {  	[sflag:s10] =	ssyncadd.s32 $0xFFFFFF80;
	(pc) =	sbr.rel @p0 .LBB2_1-.Ltmp18, $4  }
0x2c9: {  	[hbm4b:s8+s2] =	stream.linear.scatter [tilespmem:s14], [sflag:$0x1], $0x80, $0x38;
	[tilespmem:$0x7F00] =	vst v63  }
0x2ca: {  	_ =	swait.ge [sflag:s10], $0x80  }
0x2cb: {  	[sflag:s10] =	ssyncset.done $0x0  }
0x2cc: {  	[sflag:s10] =	ssyncadd.s32 $0xFFFFFF80  }
0x2cd: {  	_ =	sfence.sel $0x180000  }
0x2ce: {  	[bflag:$0x0] =	sbarrier.arrive $0xFFFF  }
0x2cf: {  	p0 =	sne.s32 s1, $0x0;
	_ =	strace $0x90000047  }
0x2d0: {  	s0 =	sadd.s32 @!p0 $0x100000, s0;
	[bflag:$0x2] =	sbarrier.arrive $0xFFFF  }
0x2d1: {  	[sflag:s0] =	ssyncadd.tile.s32 @!p0 $0x1;
	_ =	shalt  }
.Lfunc_end2:
_tile_overlayer_lowered:
.L_overlay_start_2:
0x2d2: {  	(tag) =	ssettag $0x2  }
0x2d3: {  	s0 =	rddreg [dreg:$0x0];
	s2 =	stileid.u32  }
0x2d4: {  	s1 =	rddreg [dreg:$0x1];
	p0 =	sne.s32 s2, $0x0  }
0x2d5: {  	s3 =	rddreg [dreg:$0x2];
	[bflag:$0x3] =	sbarrier.arrive $0xFFFF;
	s2 =	simm.s32 @!p0 $0x1C01  }
0x2d6: {  	[timem:s3], [sflag:s2] =	dma.local @!p0 [hbm:s0], s1  }
0x2d7: {  	s0 =	simm.s32 @!p0 $0x1  }
0x2d8: {  	_ =	swait.ge @!p0 [sflag:s0], s1  }
0x2d9: {  	s1 =	ssub.s32 @!p0 $0x0, s1;
	[sflag:s0] =	ssyncset.done @!p0 $0x0  }
0x2da: {  	[sflag:s0] =	ssyncadd.s32 @!p0 s1  }
0x2db: {  	[bflag:$0x3] =	sbarrier.arrive $0xFFFF  }
0x2dc: {  	_ =	shalt  }

</sc_bundles>
